<compile_context>
chip_gen: v7x
topology: tpu7x:2x2x1
jax: 0.10.2.dev20260603
libtpu: 0.0.44.dev20260713+nightly
codegen_flags: <defaults>
</compile_context>

<pallas_src>
import functools

import jax
import jax.numpy as jnp
from jax import lax
from jax.experimental import pallas as pl
from jax.experimental.pallas import tpu as pltpu
from jax.experimental.pallas import tpu_sc as plsc

T = 16384
K = 7
NE = 64
V = 100000
INV_ROUTED_SCALING = 1.0 / 1.5
TPW = 512

_P = (0.9998879, -0.49636775, 0.30467087, -0.15602694, 0.041064072)

try:
    _INFO = plsc.get_sparse_core_info()
    _NC = _INFO.num_cores
    _NS = _INFO.num_subcores
except Exception:
    _NC, _NS = 2, 16


def _sqrt_softplus(x):
    e = jnp.exp(-jnp.abs(x))
    acc = jnp.full((16,), _P[4], jnp.float32)
    for k in range(3, -1, -1):
        acc = acc * e + _P[k]
    sp = jnp.maximum(x, 0.0) + acc * e
    b = plsc.bitcast(sp, jnp.int32)
    q = plsc.bitcast(0x5F3759DF - lax.shift_right_logical(b, 1), jnp.float32)
    for _ in range(2):
        q = q * (1.5 - 0.5 * sp * q * q)
    return sp * q


@functools.cache
def _build_route():
    @functools.partial(
        pl.kernel,
        mesh=plsc.VectorSubcoreMesh(core_axis_name="c", subcore_axis_name="s"),
        out_type=[
            jax.ShapeDtypeStruct((T // 128, K + 1, 128), jnp.float32),
            jax.ShapeDtypeStruct((T // 128, K + 1, 128), jnp.int32),
        ],
        scratch_types=[
            pltpu.VMEM((TPW,), jnp.int32),
            pltpu.VMEM((K, 4, 128), jnp.int32),
            pltpu.VMEM((K, 4, 128), jnp.int32),
            pltpu.VMEM((NE, TPW), jnp.float32),
            pltpu.VMEM((4, K + 1, 128), jnp.float32),
            pltpu.VMEM((4, K + 1, 128), jnp.int32),
            pltpu.SemaphoreType.DMA,
            pltpu.SemaphoreType.DMA,
        ],
        compiler_params=pltpu.CompilerParams(
            use_tc_tiling_on_sc=False, needs_layout_passes=False),
    )
    def _route(ids_hbm, tab_hbm, lg_hbm, w_hbm, i_hbm,
               idx_v, widx_v, eid_v, lg_v, ow_v, oi_v, sem, sem2):
        wid = lax.axis_index("s") * _NC + lax.axis_index("c")
        base = wid * TPW
        lg_cp = pltpu.async_copy(
            lg_hbm.at[:, pl.ds(base, TPW)], lg_v, sem2)
        pltpu.sync_copy(ids_hbm.at[pl.ds(base, TPW)], idx_v)

        for c in range(4):
            def wbody(g8, carry, c=c):
                tok = idx_v[pl.ds(c * 128 + g8 * 16, 16)]
                for j in range(K):
                    widx_v[j, c, pl.ds(g8 * 16, 16)] = tok + j * V
                return carry
            lax.fori_loop(0, 8, wbody, 0)

        cps = [[pltpu.async_copy(tab_hbm.at[widx_v.at[j, c]],
                                 eid_v.at[j, c], sem)
                for j in range(K)] for c in range(4)]
        lg_cp.wait()

        for c in range(4):
            for cp in cps[c]:
                cp.wait()

            def ebody(g8, carry, c=c):
                t16 = jnp.arange(16, dtype=jnp.int32) + c * 128 + g8 * 16
                eids, ws = [], []
                for j in range(K):
                    eid = eid_v[j, c, pl.ds(g8 * 16, 16)]
                    x = plsc.load_gather(lg_v, [eid, t16])
                    eids.append(eid)
                    ws.append(_sqrt_softplus(x))
                wsum = ws[0]
                for w in ws[1:]:
                    wsum = wsum + w
                inv = 1.0 / wsum
                sn = jnp.zeros((16,), jnp.float32)
                for j in range(K):
                    wn = ws[j] * inv
                    sn = sn + wn
                    ow_v[c, j, pl.ds(g8 * 16, 16)] = wn
                    oi_v[c, j, pl.ds(g8 * 16, 16)] = eids[j]
                ow_v[c, K, pl.ds(g8 * 16, 16)] = sn * INV_ROUTED_SCALING
                oi_v[c, K, pl.ds(g8 * 16, 16)] = jnp.full((16,), NE,
                                                          jnp.int32)
                return carry
            lax.fori_loop(0, 8, ebody, 0)

        pltpu.sync_copy(ow_v, w_hbm.at[pl.ds(base // 128, 4)])
        pltpu.sync_copy(oi_v, i_hbm.at[pl.ds(base // 128, 4)])

    return _route


def kernel(hidden_states, router_logits, input_ids, tid2eid):
    del hidden_states
    tab_flat = tid2eid.T.reshape(V * K)
    lg_t = router_logits.T
    wbuf, ibuf = _build_route()(input_ids, tab_flat, lg_t)
    topk_weights = wbuf.transpose(0, 2, 1).reshape(T, K + 1)
    topk_ids = ibuf.transpose(0, 2, 1).reshape(T, K + 1)
    return topk_weights, topk_ids, router_logits

# --- scband reference (transcript-rebuilt; emitter-appended) ---
"""Pipeline reference for scband-hash-top-k-2791728742936 (READ-ONLY COPY).

The authoritative reference and input builder live on the scoring server;
editing this copy changes nothing except your own understanding.
"""

import jax, jax.numpy as jnp
import numpy as np

TOPK = 8
NUM_EXPERTS = 64
NUM_FUSED_SHARED = 1
VOCAB = 100000
ROUTED_SCALING = 1.5

def setup_inputs(seed: int = 0) -> dict:
    key = jax.random.key(seed)
    k1, k2, k3, k4 = jax.random.split(key, 4)
    T = 16384
    hidden_states = jax.random.normal(k1, (T, 4096), dtype=jnp.float32)
    router_logits = jax.random.normal(k2, (T, NUM_EXPERTS), dtype=jnp.float32)
    input_ids = jax.random.randint(k3, (T,), 0, VOCAB, dtype=jnp.int32)
    # learned (non-trainable) hash table: token id -> expert ids
    tid2eid = jax.random.randint(k4, (VOCAB, TOPK - NUM_FUSED_SHARED), 0, NUM_EXPERTS, dtype=jnp.int32)
    return {"hidden_states": hidden_states, "router_logits": router_logits, "input_ids": input_ids, "tid2eid": tid2eid}

def reference(hidden_states, router_logits, input_ids, tid2eid):
    # score_func == 'sqrtsoftplus'
    scores = jnp.sqrt(jax.nn.softplus(router_logits))
    # num_fused_shared_experts == 1 branch
    ids_main = tid2eid[input_ids]  # [T, topk-1] int32 gather
    w_main = jnp.take_along_axis(scores, ids_main, axis=1)  # [T, topk-1]
    w_main = w_main / jnp.sum(w_main, axis=-1, keepdims=True)
    T = scores.shape[0]
    # torch.randint(low=64, high=65) is deterministically 64 (the shared expert)
    shared_id = jnp.full((T, 1), NUM_EXPERTS, dtype=jnp.int32)
    shared_w = jnp.sum(w_main, axis=-1, keepdims=True) / ROUTED_SCALING
    topk_ids = jnp.concatenate([ids_main, shared_id], axis=1)
    topk_weights = jnp.concatenate([w_main, shared_w], axis=1)
    return topk_weights, topk_ids, router_logits

if __name__ == "__main__":
    import jax
    _d = setup_inputs()
    print(jax.jit(kernel)(*tuple(_d.values())))

</pallas_src>

<mosaic_0001>
#map = affine_map<(d0, d1) -> (0)>
#map1 = affine_map<(d0, d1) -> (0, 0)>
#map2 = affine_map<(d0, d1) -> (0, 0, 0)>
module attributes {stable_mosaic.version = 14 : i64} {
  func.func @_route(%arg0: i32, %arg1: i32, %arg2: memref<16384xi32, #tpu.memory_space<hbm>>, %arg3: memref<700000xi32, #tpu.memory_space<hbm>>, %arg4: memref<64x16384xf32, #tpu.memory_space<hbm>>, %arg5: memref<128x8x128xf32, #tpu.memory_space<hbm>>, %arg6: memref<128x8x128xi32, #tpu.memory_space<hbm>>, %arg7: memref<512xi32, #tpu.memory_space<vmem>>, %arg8: memref<7x4x128xi32, #tpu.memory_space<vmem>>, %arg9: memref<7x4x128xi32, #tpu.memory_space<vmem>>, %arg10: memref<64x512xf32, #tpu.memory_space<vmem>>, %arg11: memref<4x8x128xf32, #tpu.memory_space<vmem>>, %arg12: memref<4x8x128xi32, #tpu.memory_space<vmem>>, %arg13: memref<!tpu.dma_semaphore, #tpu.memory_space<semaphore_mem>>, %arg14: memref<!tpu.dma_semaphore, #tpu.memory_space<semaphore_mem>>) attributes {dimension_semantics = [#tpu.dimension_semantics<core_parallel>, #tpu.dimension_semantics<subcore_parallel>], iteration_bounds = array<i64: 2, 16>, scalar_prefetch = 0 : i64, scratch_operands = 8 : i64, tpu.core_type = #tpu.core_type<sc_vector_subcore>, window_params = [{transform_indices = #map}, {transform_indices = #map}, {transform_indices = #map1}, {transform_indices = #map2}, {transform_indices = #map2}]} {
    %mul3A = arith.constant 2 : i32
    %mul3A_0 = arith.muli %arg1, %mul3A : i32
    %add3A = arith.addi %mul3A_0, %arg0 : i32
    %mul3A_1 = arith.constant 512 : i32
    %mul3A_2 = arith.muli %add3A, %mul3A_1 : i32
    %dma_start3A = arith.constant 0 : i32
    %dma_start3A_3 = tpu.memref_slice %arg4[%dma_start3A, %mul3A_2] : memref<64x16384xf32, #tpu.memory_space<hbm>> -> memref<64x512xf32, #tpu.memory_space<hbm>>
    %dma_start3A_4 = arith.constant 0 : i32
    %dma_start3A_5 = tpu.memref_slice %arg4[%dma_start3A_4, %mul3A_2] : memref<64x16384xf32, #tpu.memory_space<hbm>> -> memref<64x512xf32, #tpu.memory_space<hbm>>
    tpu.enqueue_dma source(%dma_start3A_5 : memref<64x512xf32, #tpu.memory_space<hbm>>) target(%arg10 : memref<64x512xf32, #tpu.memory_space<vmem>>) target_semaphore(%arg14 : memref<!tpu.dma_semaphore, #tpu.memory_space<semaphore_mem>>)
    "tpu.region"() ({
      %run_scoped3A = tpu.sem_alloc : memref<!tpu.dma_semaphore, #tpu.memory_space<semaphore_mem>>
      %dma_start3A_768 = tpu.memref_slice %arg2[%mul3A_2] : memref<16384xi32, #tpu.memory_space<hbm>> -> memref<512xi32, #tpu.memory_space<hbm>>
      %dma_start3A_769 = tpu.memref_slice %arg2[%mul3A_2] : memref<16384xi32, #tpu.memory_space<hbm>> -> memref<512xi32, #tpu.memory_space<hbm>>
      tpu.enqueue_dma source(%dma_start3A_769 : memref<512xi32, #tpu.memory_space<hbm>>) target(%arg7 : memref<512xi32, #tpu.memory_space<vmem>>) target_semaphore(%run_scoped3A : memref<!tpu.dma_semaphore, #tpu.memory_space<semaphore_mem>>)
      %dma_wait3A_770 = tpu.memref_slice %arg2[%mul3A_2] : memref<16384xi32, #tpu.memory_space<hbm>> -> memref<512xi32, #tpu.memory_space<hbm>>
      %dma_wait3A_771 = tpu.memref_slice %arg2[%mul3A_2] : memref<16384xi32, #tpu.memory_space<hbm>> -> memref<512xi32, #tpu.memory_space<hbm>>
      tpu.wait_dma2 semaphore(%run_scoped3A : memref<!tpu.dma_semaphore, #tpu.memory_space<semaphore_mem>>) src(%dma_wait3A_771 : memref<512xi32, #tpu.memory_space<hbm>>) dst(%arg7 : memref<512xi32, #tpu.memory_space<vmem>>)
      tpu.yield
    }) : () -> ()
    %scan3A = arith.constant 0 : i32
    %scan3A_6 = arith.constant 0 : i32
    %scan3A_7 = arith.constant 8 : i32
    %scan3A_8 = arith.addi %scan3A_6, %scan3A_7 : i32
    %scan3A_9 = arith.constant 1 : i32
    scf.for %scan3A_768 = %scan3A_6 to %scan3A_8 step %scan3A_9  : i32 {
      %mul3A_769 = arith.constant 16 : i32
      %mul3A_770 = arith.muli %scan3A_768, %mul3A_769 : i32
      %add3A_771 = arith.constant 0 : i32
      %add3A_772 = arith.addi %add3A_771, %mul3A_770 : i32
      %get3A = arith.index_cast %add3A_772 : i32 to index
      %get3A_773 = tpu.vector_load %arg7[%get3A] {strides = array<i32>} : memref<512xi32, #tpu.memory_space<vmem>>, vector<16xi32>,
      %add3A_774 = arith.constant 0 : i32
      %add3A_775 = vector.broadcast %add3A_774 : i32 to vector<16xi32>
      %add3A_776 = arith.addi %get3A_773, %add3A_775 : vector<16xi32>
      %mul3A_777 = arith.constant 16 : i32
      %mul3A_778 = arith.muli %scan3A_768, %mul3A_777 : i32
      %swap3A = arith.constant 0 : i32
      %swap3A_779 = arith.constant 0 : i32
      %swap3A_780 = arith.index_cast %swap3A : i32 to index
      %swap3A_781 = arith.index_cast %swap3A_779 : i32 to index
      %swap3A_782 = arith.index_cast %mul3A_778 : i32 to index
      %swap3A_783 = tpu.vector_load %arg8[%swap3A_780, %swap3A_781, %swap3A_782] {strides = array<i32>} : memref<7x4x128xi32, #tpu.memory_space<vmem>>, vector<16xi32>,
      tpu.vector_store %arg8[%swap3A_780, %swap3A_781, %swap3A_782], %add3A_776 {strides = array<i32>} : memref<7x4x128xi32, #tpu.memory_space<vmem>>, vector<16xi32>,
      %add3A_784 = arith.constant 100000 : i32
      %add3A_785 = vector.broadcast %add3A_784 : i32 to vector<16xi32>
      %add3A_786 = arith.addi %get3A_773, %add3A_785 : vector<16xi32>
      %mul3A_787 = arith.constant 16 : i32
      %mul3A_788 = arith.muli %scan3A_768, %mul3A_787 : i32
      %swap3A_789 = arith.constant 1 : i32
      %swap3A_790 = arith.constant 0 : i32
      %swap3A_791 = arith.index_cast %swap3A_789 : i32 to index
      %swap3A_792 = arith.index_cast %swap3A_790 : i32 to index
      %swap3A_793 = arith.index_cast %mul3A_788 : i32 to index
      %swap3A_794 = tpu.vector_load %arg8[%swap3A_791, %swap3A_792, %swap3A_793] {strides = array<i32>} : memref<7x4x128xi32, #tpu.memory_space<vmem>>, vector<16xi32>,
      tpu.vector_store %arg8[%swap3A_791, %swap3A_792, %swap3A_793], %add3A_786 {strides = array<i32>} : memref<7x4x128xi32, #tpu.memory_space<vmem>>, vector<16xi32>,
      %add3A_795 = arith.constant 200000 : i32
      %add3A_796 = vector.broadcast %add3A_795 : i32 to vector<16xi32>
      %add3A_797 = arith.addi %get3A_773, %add3A_796 : vector<16xi32>
      %mul3A_798 = arith.constant 16 : i32
      %mul3A_799 = arith.muli %scan3A_768, %mul3A_798 : i32
      %swap3A_800 = arith.constant 2 : i32
      %swap3A_801 = arith.constant 0 : i32
      %swap3A_802 = arith.index_cast %swap3A_800 : i32 to index
      %swap3A_803 = arith.index_cast %swap3A_801 : i32 to index
      %swap3A_804 = arith.index_cast %mul3A_799 : i32 to index
      %swap3A_805 = tpu.vector_load %arg8[%swap3A_802, %swap3A_803, %swap3A_804] {strides = array<i32>} : memref<7x4x128xi32, #tpu.memory_space<vmem>>, vector<16xi32>,
      tpu.vector_store %arg8[%swap3A_802, %swap3A_803, %swap3A_804], %add3A_797 {strides = array<i32>} : memref<7x4x128xi32, #tpu.memory_space<vmem>>, vector<16xi32>,
      %add3A_806 = arith.constant 300000 : i32
      %add3A_807 = vector.broadcast %add3A_806 : i32 to vector<16xi32>
      %add3A_808 = arith.addi %get3A_773, %add3A_807 : vector<16xi32>
      %mul3A_809 = arith.constant 16 : i32
      %mul3A_810 = arith.muli %scan3A_768, %mul3A_809 : i32
      %swap3A_811 = arith.constant 3 : i32
      %swap3A_812 = arith.constant 0 : i32
      %swap3A_813 = arith.index_cast %swap3A_811 : i32 to index
      %swap3A_814 = arith.index_cast %swap3A_812 : i32 to index
      %swap3A_815 = arith.index_cast %mul3A_810 : i32 to index
      %swap3A_816 = tpu.vector_load %arg8[%swap3A_813, %swap3A_814, %swap3A_815] {strides = array<i32>} : memref<7x4x128xi32, #tpu.memory_space<vmem>>, vector<16xi32>,
      tpu.vector_store %arg8[%swap3A_813, %swap3A_814, %swap3A_815], %add3A_808 {strides = array<i32>} : memref<7x4x128xi32, #tpu.memory_space<vmem>>, vector<16xi32>,
      %add3A_817 = arith.constant 400000 : i32
      %add3A_818 = vector.broadcast %add3A_817 : i32 to vector<16xi32>
      %add3A_819 = arith.addi %get3A_773, %add3A_818 : vector<16xi32>
      %mul3A_820 = arith.constant 16 : i32
      %mul3A_821 = arith.muli %scan3A_768, %mul3A_820 : i32
      %swap3A_822 = arith.constant 4 : i32
      %swap3A_823 = arith.constant 0 : i32
      %swap3A_824 = arith.index_cast %swap3A_822 : i32 to index
      %swap3A_825 = arith.index_cast %swap3A_823 : i32 to index
      %swap3A_826 = arith.index_cast %mul3A_821 : i32 to index
      %swap3A_827 = tpu.vector_load %arg8[%swap3A_824, %swap3A_825, %swap3A_826] {strides = array<i32>} : memref<7x4x128xi32, #tpu.memory_space<vmem>>, vector<16xi32>,
      tpu.vector_store %arg8[%swap3A_824, %swap3A_825, %swap3A_826], %add3A_819 {strides = array<i32>} : memref<7x4x128xi32, #tpu.memory_space<vmem>>, vector<16xi32>,
      %add3A_828 = arith.constant 500000 : i32
      %add3A_829 = vector.broadcast %add3A_828 : i32 to vector<16xi32>
      %add3A_830 = arith.addi %get3A_773, %add3A_829 : vector<16xi32>
      %mul3A_831 = arith.constant 16 : i32
      %mul3A_832 = arith.muli %scan3A_768, %mul3A_831 : i32
      %swap3A_833 = arith.constant 5 : i32
      %swap3A_834 = arith.constant 0 : i32
      %swap3A_835 = arith.index_cast %swap3A_833 : i32 to index
      %swap3A_836 = arith.index_cast %swap3A_834 : i32 to index
      %swap3A_837 = arith.index_cast %mul3A_832 : i32 to index
      %swap3A_838 = tpu.vector_load %arg8[%swap3A_835, %swap3A_836, %swap3A_837] {strides = array<i32>} : memref<7x4x128xi32, #tpu.memory_space<vmem>>, vector<16xi32>,
      tpu.vector_store %arg8[%swap3A_835, %swap3A_836, %swap3A_837], %add3A_830 {strides = array<i32>} : memref<7x4x128xi32, #tpu.memory_space<vmem>>, vector<16xi32>,
      %add3A_839 = arith.constant 600000 : i32
      %add3A_840 = vector.broadcast %add3A_839 : i32 to vector<16xi32>
      %add3A_841 = arith.addi %get3A_773, %add3A_840 : vector<16xi32>
      %mul3A_842 = arith.constant 16 : i32
      %mul3A_843 = arith.muli %scan3A_768, %mul3A_842 : i32
      %swap3A_844 = arith.constant 6 : i32
      %swap3A_845 = arith.constant 0 : i32
      %swap3A_846 = arith.index_cast %swap3A_844 : i32 to index
      %swap3A_847 = arith.index_cast %swap3A_845 : i32 to index
      %swap3A_848 = arith.index_cast %mul3A_843 : i32 to index
      %swap3A_849 = tpu.vector_load %arg8[%swap3A_846, %swap3A_847, %swap3A_848] {strides = array<i32>} : memref<7x4x128xi32, #tpu.memory_space<vmem>>, vector<16xi32>,
      tpu.vector_store %arg8[%swap3A_846, %swap3A_847, %swap3A_848], %add3A_841 {strides = array<i32>} : memref<7x4x128xi32, #tpu.memory_space<vmem>>, vector<16xi32>,
    }
    %scan3A_10 = arith.constant 8 : i32
    %scan3A_11 = arith.constant 0 : i32
    %scan3A_12 = arith.constant 0 : i32
    %scan3A_13 = arith.constant 8 : i32
    %scan3A_14 = arith.addi %scan3A_12, %scan3A_13 : i32
    %scan3A_15 = arith.constant 1 : i32
    scf.for %scan3A_768 = %scan3A_12 to %scan3A_14 step %scan3A_15  : i32 {
      %mul3A_769 = arith.constant 16 : i32
      %mul3A_770 = arith.muli %scan3A_768, %mul3A_769 : i32
      %add3A_771 = arith.constant 128 : i32
      %add3A_772 = arith.addi %add3A_771, %mul3A_770 : i32
      %get3A = arith.index_cast %add3A_772 : i32 to index
      %get3A_773 = tpu.vector_load %arg7[%get3A] {strides = array<i32>} : memref<512xi32, #tpu.memory_space<vmem>>, vector<16xi32>,
      %add3A_774 = arith.constant 0 : i32
      %add3A_775 = vector.broadcast %add3A_774 : i32 to vector<16xi32>
      %add3A_776 = arith.addi %get3A_773, %add3A_775 : vector<16xi32>
      %mul3A_777 = arith.constant 16 : i32
      %mul3A_778 = arith.muli %scan3A_768, %mul3A_777 : i32
      %swap3A = arith.constant 0 : i32
      %swap3A_779 = arith.constant 1 : i32
      %swap3A_780 = arith.index_cast %swap3A : i32 to index
      %swap3A_781 = arith.index_cast %swap3A_779 : i32 to index
      %swap3A_782 = arith.index_cast %mul3A_778 : i32 to index
      %swap3A_783 = tpu.vector_load %arg8[%swap3A_780, %swap3A_781, %swap3A_782] {strides = array<i32>} : memref<7x4x128xi32, #tpu.memory_space<vmem>>, vector<16xi32>,
      tpu.vector_store %arg8[%swap3A_780, %swap3A_781, %swap3A_782], %add3A_776 {strides = array<i32>} : memref<7x4x128xi32, #tpu.memory_space<vmem>>, vector<16xi32>,
      %add3A_784 = arith.constant 100000 : i32
      %add3A_785 = vector.broadcast %add3A_784 : i32 to vector<16xi32>
      %add3A_786 = arith.addi %get3A_773, %add3A_785 : vector<16xi32>
      %mul3A_787 = arith.constant 16 : i32
      %mul3A_788 = arith.muli %scan3A_768, %mul3A_787 : i32
      %swap3A_789 = arith.constant 1 : i32
      %swap3A_790 = arith.constant 1 : i32
      %swap3A_791 = arith.index_cast %swap3A_789 : i32 to index
      %swap3A_792 = arith.index_cast %swap3A_790 : i32 to index
      %swap3A_793 = arith.index_cast %mul3A_788 : i32 to index
      %swap3A_794 = tpu.vector_load %arg8[%swap3A_791, %swap3A_792, %swap3A_793] {strides = array<i32>} : memref<7x4x128xi32, #tpu.memory_space<vmem>>, vector<16xi32>,
      tpu.vector_store %arg8[%swap3A_791, %swap3A_792, %swap3A_793], %add3A_786 {strides = array<i32>} : memref<7x4x128xi32, #tpu.memory_space<vmem>>, vector<16xi32>,
      %add3A_795 = arith.constant 200000 : i32
      %add3A_796 = vector.broadcast %add3A_795 : i32 to vector<16xi32>
      %add3A_797 = arith.addi %get3A_773, %add3A_796 : vector<16xi32>
      %mul3A_798 = arith.constant 16 : i32
      %mul3A_799 = arith.muli %scan3A_768, %mul3A_798 : i32
      %swap3A_800 = arith.constant 2 : i32
      %swap3A_801 = arith.constant 1 : i32
      %swap3A_802 = arith.index_cast %swap3A_800 : i32 to index
      %swap3A_803 = arith.index_cast %swap3A_801 : i32 to index
      %swap3A_804 = arith.index_cast %mul3A_799 : i32 to index
      %swap3A_805 = tpu.vector_load %arg8[%swap3A_802, %swap3A_803, %swap3A_804] {strides = array<i32>} : memref<7x4x128xi32, #tpu.memory_space<vmem>>, vector<16xi32>,
      tpu.vector_store %arg8[%swap3A_802, %swap3A_803, %swap3A_804], %add3A_797 {strides = array<i32>} : memref<7x4x128xi32, #tpu.memory_space<vmem>>, vector<16xi32>,
      %add3A_806 = arith.constant 300000 : i32
      %add3A_807 = vector.broadcast %add3A_806 : i32 to vector<16xi32>
      %add3A_808 = arith.addi %get3A_773, %add3A_807 : vector<16xi32>
      %mul3A_809 = arith.constant 16 : i32
      %mul3A_810 = arith.muli %scan3A_768, %mul3A_809 : i32
      %swap3A_811 = arith.constant 3 : i32
      %swap3A_812 = arith.constant 1 : i32
      %swap3A_813 = arith.index_cast %swap3A_811 : i32 to index
      %swap3A_814 = arith.index_cast %swap3A_812 : i32 to index
      %swap3A_815 = arith.index_cast %mul3A_810 : i32 to index
      %swap3A_816 = tpu.vector_load %arg8[%swap3A_813, %swap3A_814, %swap3A_815] {strides = array<i32>} : memref<7x4x128xi32, #tpu.memory_space<vmem>>, vector<16xi32>,
      tpu.vector_store %arg8[%swap3A_813, %swap3A_814, %swap3A_815], %add3A_808 {strides = array<i32>} : memref<7x4x128xi32, #tpu.memory_space<vmem>>, vector<16xi32>,
      %add3A_817 = arith.constant 400000 : i32
      %add3A_818 = vector.broadcast %add3A_817 : i32 to vector<16xi32>
      %add3A_819 = arith.addi %get3A_773, %add3A_818 : vector<16xi32>
      %mul3A_820 = arith.constant 16 : i32
      %mul3A_821 = arith.muli %scan3A_768, %mul3A_820 : i32
      %swap3A_822 = arith.constant 4 : i32
      %swap3A_823 = arith.constant 1 : i32
      %swap3A_824 = arith.index_cast %swap3A_822 : i32 to index
      %swap3A_825 = arith.index_cast %swap3A_823 : i32 to index
      %swap3A_826 = arith.index_cast %mul3A_821 : i32 to index
      %swap3A_827 = tpu.vector_load %arg8[%swap3A_824, %swap3A_825, %swap3A_826] {strides = array<i32>} : memref<7x4x128xi32, #tpu.memory_space<vmem>>, vector<16xi32>,
      tpu.vector_store %arg8[%swap3A_824, %swap3A_825, %swap3A_826], %add3A_819 {strides = array<i32>} : memref<7x4x128xi32, #tpu.memory_space<vmem>>, vector<16xi32>,
      %add3A_828 = arith.constant 500000 : i32
      %add3A_829 = vector.broadcast %add3A_828 : i32 to vector<16xi32>
      %add3A_830 = arith.addi %get3A_773, %add3A_829 : vector<16xi32>
      %mul3A_831 = arith.constant 16 : i32
      %mul3A_832 = arith.muli %scan3A_768, %mul3A_831 : i32
      %swap3A_833 = arith.constant 5 : i32
      %swap3A_834 = arith.constant 1 : i32
      %swap3A_835 = arith.index_cast %swap3A_833 : i32 to index
      %swap3A_836 = arith.index_cast %swap3A_834 : i32 to index
      %swap3A_837 = arith.index_cast %mul3A_832 : i32 to index
      %swap3A_838 = tpu.vector_load %arg8[%swap3A_835, %swap3A_836, %swap3A_837] {strides = array<i32>} : memref<7x4x128xi32, #tpu.memory_space<vmem>>, vector<16xi32>,
      tpu.vector_store %arg8[%swap3A_835, %swap3A_836, %swap3A_837], %add3A_830 {strides = array<i32>} : memref<7x4x128xi32, #tpu.memory_space<vmem>>, vector<16xi32>,
      %add3A_839 = arith.constant 600000 : i32
      %add3A_840 = vector.broadcast %add3A_839 : i32 to vector<16xi32>
      %add3A_841 = arith.addi %get3A_773, %add3A_840 : vector<16xi32>
      %mul3A_842 = arith.constant 16 : i32
      %mul3A_843 = arith.muli %scan3A_768, %mul3A_842 : i32
      %swap3A_844 = arith.constant 6 : i32
      %swap3A_845 = arith.constant 1 : i32
      %swap3A_846 = arith.index_cast %swap3A_844 : i32 to index
      %swap3A_847 = arith.index_cast %swap3A_845 : i32 to index
      %swap3A_848 = arith.index_cast %mul3A_843 : i32 to index
      %swap3A_849 = tpu.vector_load %arg8[%swap3A_846, %swap3A_847, %swap3A_848] {strides = array<i32>} : memref<7x4x128xi32, #tpu.memory_space<vmem>>, vector<16xi32>,
      tpu.vector_store %arg8[%swap3A_846, %swap3A_847, %swap3A_848], %add3A_841 {strides = array<i32>} : memref<7x4x128xi32, #tpu.memory_space<vmem>>, vector<16xi32>,
    }
    %scan3A_16 = arith.constant 8 : i32
    %scan3A_17 = arith.constant 0 : i32
    %scan3A_18 = arith.constant 0 : i32
    %scan3A_19 = arith.constant 8 : i32
    %scan3A_20 = arith.addi %scan3A_18, %scan3A_19 : i32
    %scan3A_21 = arith.constant 1 : i32
    scf.for %scan3A_768 = %scan3A_18 to %scan3A_20 step %scan3A_21  : i32 {
      %mul3A_769 = arith.constant 16 : i32
      %mul3A_770 = arith.muli %scan3A_768, %mul3A_769 : i32
      %add3A_771 = arith.constant 256 : i32
      %add3A_772 = arith.addi %add3A_771, %mul3A_770 : i32
      %get3A = arith.index_cast %add3A_772 : i32 to index
      %get3A_773 = tpu.vector_load %arg7[%get3A] {strides = array<i32>} : memref<512xi32, #tpu.memory_space<vmem>>, vector<16xi32>,
      %add3A_774 = arith.constant 0 : i32
      %add3A_775 = vector.broadcast %add3A_774 : i32 to vector<16xi32>
      %add3A_776 = arith.addi %get3A_773, %add3A_775 : vector<16xi32>
      %mul3A_777 = arith.constant 16 : i32
      %mul3A_778 = arith.muli %scan3A_768, %mul3A_777 : i32
      %swap3A = arith.constant 0 : i32
      %swap3A_779 = arith.constant 2 : i32
      %swap3A_780 = arith.index_cast %swap3A : i32 to index
      %swap3A_781 = arith.index_cast %swap3A_779 : i32 to index
      %swap3A_782 = arith.index_cast %mul3A_778 : i32 to index
      %swap3A_783 = tpu.vector_load %arg8[%swap3A_780, %swap3A_781, %swap3A_782] {strides = array<i32>} : memref<7x4x128xi32, #tpu.memory_space<vmem>>, vector<16xi32>,
      tpu.vector_store %arg8[%swap3A_780, %swap3A_781, %swap3A_782], %add3A_776 {strides = array<i32>} : memref<7x4x128xi32, #tpu.memory_space<vmem>>, vector<16xi32>,
      %add3A_784 = arith.constant 100000 : i32
      %add3A_785 = vector.broadcast %add3A_784 : i32 to vector<16xi32>
      %add3A_786 = arith.addi %get3A_773, %add3A_785 : vector<16xi32>
      %mul3A_787 = arith.constant 16 : i32
      %mul3A_788 = arith.muli %scan3A_768, %mul3A_787 : i32
      %swap3A_789 = arith.constant 1 : i32
      %swap3A_790 = arith.constant 2 : i32
      %swap3A_791 = arith.index_cast %swap3A_789 : i32 to index
      %swap3A_792 = arith.index_cast %swap3A_790 : i32 to index
      %swap3A_793 = arith.index_cast %mul3A_788 : i32 to index
      %swap3A_794 = tpu.vector_load %arg8[%swap3A_791, %swap3A_792, %swap3A_793] {strides = array<i32>} : memref<7x4x128xi32, #tpu.memory_space<vmem>>, vector<16xi32>,
      tpu.vector_store %arg8[%swap3A_791, %swap3A_792, %swap3A_793], %add3A_786 {strides = array<i32>} : memref<7x4x128xi32, #tpu.memory_space<vmem>>, vector<16xi32>,
      %add3A_795 = arith.constant 200000 : i32
      %add3A_796 = vector.broadcast %add3A_795 : i32 to vector<16xi32>
      %add3A_797 = arith.addi %get3A_773, %add3A_796 : vector<16xi32>
      %mul3A_798 = arith.constant 16 : i32
      %mul3A_799 = arith.muli %scan3A_768, %mul3A_798 : i32
      %swap3A_800 = arith.constant 2 : i32
      %swap3A_801 = arith.constant 2 : i32
      %swap3A_802 = arith.index_cast %swap3A_800 : i32 to index
      %swap3A_803 = arith.index_cast %swap3A_801 : i32 to index
      %swap3A_804 = arith.index_cast %mul3A_799 : i32 to index
      %swap3A_805 = tpu.vector_load %arg8[%swap3A_802, %swap3A_803, %swap3A_804] {strides = array<i32>} : memref<7x4x128xi32, #tpu.memory_space<vmem>>, vector<16xi32>,
      tpu.vector_store %arg8[%swap3A_802, %swap3A_803, %swap3A_804], %add3A_797 {strides = array<i32>} : memref<7x4x128xi32, #tpu.memory_space<vmem>>, vector<16xi32>,
      %add3A_806 = arith.constant 300000 : i32
      %add3A_807 = vector.broadcast %add3A_806 : i32 to vector<16xi32>
      %add3A_808 = arith.addi %get3A_773, %add3A_807 : vector<16xi32>
      %mul3A_809 = arith.constant 16 : i32
      %mul3A_810 = arith.muli %scan3A_768, %mul3A_809 : i32
      %swap3A_811 = arith.constant 3 : i32
      %swap3A_812 = arith.constant 2 : i32
      %swap3A_813 = arith.index_cast %swap3A_811 : i32 to index
      %swap3A_814 = arith.index_cast %swap3A_812 : i32 to index
      %swap3A_815 = arith.index_cast %mul3A_810 : i32 to index
      %swap3A_816 = tpu.vector_load %arg8[%swap3A_813, %swap3A_814, %swap3A_815] {strides = array<i32>} : memref<7x4x128xi32, #tpu.memory_space<vmem>>, vector<16xi32>,
      tpu.vector_store %arg8[%swap3A_813, %swap3A_814, %swap3A_815], %add3A_808 {strides = array<i32>} : memref<7x4x128xi32, #tpu.memory_space<vmem>>, vector<16xi32>,
      %add3A_817 = arith.constant 400000 : i32
      %add3A_818 = vector.broadcast %add3A_817 : i32 to vector<16xi32>
      %add3A_819 = arith.addi %get3A_773, %add3A_818 : vector<16xi32>
      %mul3A_820 = arith.constant 16 : i32
      %mul3A_821 = arith.muli %scan3A_768, %mul3A_820 : i32
      %swap3A_822 = arith.constant 4 : i32
      %swap3A_823 = arith.constant 2 : i32
      %swap3A_824 = arith.index_cast %swap3A_822 : i32 to index
      %swap3A_825 = arith.index_cast %swap3A_823 : i32 to index
      %swap3A_826 = arith.index_cast %mul3A_821 : i32 to index
      %swap3A_827 = tpu.vector_load %arg8[%swap3A_824, %swap3A_825, %swap3A_826] {strides = array<i32>} : memref<7x4x128xi32, #tpu.memory_space<vmem>>, vector<16xi32>,
      tpu.vector_store %arg8[%swap3A_824, %swap3A_825, %swap3A_826], %add3A_819 {strides = array<i32>} : memref<7x4x128xi32, #tpu.memory_space<vmem>>, vector<16xi32>,
      %add3A_828 = arith.constant 500000 : i32
      %add3A_829 = vector.broadcast %add3A_828 : i32 to vector<16xi32>
      %add3A_830 = arith.addi %get3A_773, %add3A_829 : vector<16xi32>
      %mul3A_831 = arith.constant 16 : i32
      %mul3A_832 = arith.muli %scan3A_768, %mul3A_831 : i32
      %swap3A_833 = arith.constant 5 : i32
      %swap3A_834 = arith.constant 2 : i32
      %swap3A_835 = arith.index_cast %swap3A_833 : i32 to index
      %swap3A_836 = arith.index_cast %swap3A_834 : i32 to index
      %swap3A_837 = arith.index_cast %mul3A_832 : i32 to index
      %swap3A_838 = tpu.vector_load %arg8[%swap3A_835, %swap3A_836, %swap3A_837] {strides = array<i32>} : memref<7x4x128xi32, #tpu.memory_space<vmem>>, vector<16xi32>,
      tpu.vector_store %arg8[%swap3A_835, %swap3A_836, %swap3A_837], %add3A_830 {strides = array<i32>} : memref<7x4x128xi32, #tpu.memory_space<vmem>>, vector<16xi32>,
      %add3A_839 = arith.constant 600000 : i32
      %add3A_840 = vector.broadcast %add3A_839 : i32 to vector<16xi32>
      %add3A_841 = arith.addi %get3A_773, %add3A_840 : vector<16xi32>
      %mul3A_842 = arith.constant 16 : i32
      %mul3A_843 = arith.muli %scan3A_768, %mul3A_842 : i32
      %swap3A_844 = arith.constant 6 : i32
      %swap3A_845 = arith.constant 2 : i32
      %swap3A_846 = arith.index_cast %swap3A_844 : i32 to index
      %swap3A_847 = arith.index_cast %swap3A_845 : i32 to index
      %swap3A_848 = arith.index_cast %mul3A_843 : i32 to index
      %swap3A_849 = tpu.vector_load %arg8[%swap3A_846, %swap3A_847, %swap3A_848] {strides = array<i32>} : memref<7x4x128xi32, #tpu.memory_space<vmem>>, vector<16xi32>,
      tpu.vector_store %arg8[%swap3A_846, %swap3A_847, %swap3A_848], %add3A_841 {strides = array<i32>} : memref<7x4x128xi32, #tpu.memory_space<vmem>>, vector<16xi32>,
    }
    %scan3A_22 = arith.constant 8 : i32
    %scan3A_23 = arith.constant 0 : i32
    %scan3A_24 = arith.constant 0 : i32
    %scan3A_25 = arith.constant 8 : i32
    %scan3A_26 = arith.addi %scan3A_24, %scan3A_25 : i32
    %scan3A_27 = arith.constant 1 : i32
    scf.for %scan3A_768 = %scan3A_24 to %scan3A_26 step %scan3A_27  : i32 {
      %mul3A_769 = arith.constant 16 : i32
      %mul3A_770 = arith.muli %scan3A_768, %mul3A_769 : i32
      %add3A_771 = arith.constant 384 : i32
      %add3A_772 = arith.addi %add3A_771, %mul3A_770 : i32
      %get3A = arith.index_cast %add3A_772 : i32 to index
      %get3A_773 = tpu.vector_load %arg7[%get3A] {strides = array<i32>} : memref<512xi32, #tpu.memory_space<vmem>>, vector<16xi32>,
      %add3A_774 = arith.constant 0 : i32
      %add3A_775 = vector.broadcast %add3A_774 : i32 to vector<16xi32>
      %add3A_776 = arith.addi %get3A_773, %add3A_775 : vector<16xi32>
      %mul3A_777 = arith.constant 16 : i32
      %mul3A_778 = arith.muli %scan3A_768, %mul3A_777 : i32
      %swap3A = arith.constant 0 : i32
      %swap3A_779 = arith.constant 3 : i32
      %swap3A_780 = arith.index_cast %swap3A : i32 to index
      %swap3A_781 = arith.index_cast %swap3A_779 : i32 to index
      %swap3A_782 = arith.index_cast %mul3A_778 : i32 to index
      %swap3A_783 = tpu.vector_load %arg8[%swap3A_780, %swap3A_781, %swap3A_782] {strides = array<i32>} : memref<7x4x128xi32, #tpu.memory_space<vmem>>, vector<16xi32>,
      tpu.vector_store %arg8[%swap3A_780, %swap3A_781, %swap3A_782], %add3A_776 {strides = array<i32>} : memref<7x4x128xi32, #tpu.memory_space<vmem>>, vector<16xi32>,
      %add3A_784 = arith.constant 100000 : i32
      %add3A_785 = vector.broadcast %add3A_784 : i32 to vector<16xi32>
      %add3A_786 = arith.addi %get3A_773, %add3A_785 : vector<16xi32>
      %mul3A_787 = arith.constant 16 : i32
      %mul3A_788 = arith.muli %scan3A_768, %mul3A_787 : i32
      %swap3A_789 = arith.constant 1 : i32
      %swap3A_790 = arith.constant 3 : i32
      %swap3A_791 = arith.index_cast %swap3A_789 : i32 to index
      %swap3A_792 = arith.index_cast %swap3A_790 : i32 to index
      %swap3A_793 = arith.index_cast %mul3A_788 : i32 to index
      %swap3A_794 = tpu.vector_load %arg8[%swap3A_791, %swap3A_792, %swap3A_793] {strides = array<i32>} : memref<7x4x128xi32, #tpu.memory_space<vmem>>, vector<16xi32>,
      tpu.vector_store %arg8[%swap3A_791, %swap3A_792, %swap3A_793], %add3A_786 {strides = array<i32>} : memref<7x4x128xi32, #tpu.memory_space<vmem>>, vector<16xi32>,
      %add3A_795 = arith.constant 200000 : i32
      %add3A_796 = vector.broadcast %add3A_795 : i32 to vector<16xi32>
      %add3A_797 = arith.addi %get3A_773, %add3A_796 : vector<16xi32>
      %mul3A_798 = arith.constant 16 : i32
      %mul3A_799 = arith.muli %scan3A_768, %mul3A_798 : i32
      %swap3A_800 = arith.constant 2 : i32
      %swap3A_801 = arith.constant 3 : i32
      %swap3A_802 = arith.index_cast %swap3A_800 : i32 to index
      %swap3A_803 = arith.index_cast %swap3A_801 : i32 to index
      %swap3A_804 = arith.index_cast %mul3A_799 : i32 to index
      %swap3A_805 = tpu.vector_load %arg8[%swap3A_802, %swap3A_803, %swap3A_804] {strides = array<i32>} : memref<7x4x128xi32, #tpu.memory_space<vmem>>, vector<16xi32>,
      tpu.vector_store %arg8[%swap3A_802, %swap3A_803, %swap3A_804], %add3A_797 {strides = array<i32>} : memref<7x4x128xi32, #tpu.memory_space<vmem>>, vector<16xi32>,
      %add3A_806 = arith.constant 300000 : i32
      %add3A_807 = vector.broadcast %add3A_806 : i32 to vector<16xi32>
      %add3A_808 = arith.addi %get3A_773, %add3A_807 : vector<16xi32>
      %mul3A_809 = arith.constant 16 : i32
      %mul3A_810 = arith.muli %scan3A_768, %mul3A_809 : i32
      %swap3A_811 = arith.constant 3 : i32
      %swap3A_812 = arith.constant 3 : i32
      %swap3A_813 = arith.index_cast %swap3A_811 : i32 to index
      %swap3A_814 = arith.index_cast %swap3A_812 : i32 to index
      %swap3A_815 = arith.index_cast %mul3A_810 : i32 to index
      %swap3A_816 = tpu.vector_load %arg8[%swap3A_813, %swap3A_814, %swap3A_815] {strides = array<i32>} : memref<7x4x128xi32, #tpu.memory_space<vmem>>, vector<16xi32>,
      tpu.vector_store %arg8[%swap3A_813, %swap3A_814, %swap3A_815], %add3A_808 {strides = array<i32>} : memref<7x4x128xi32, #tpu.memory_space<vmem>>, vector<16xi32>,
      %add3A_817 = arith.constant 400000 : i32
      %add3A_818 = vector.broadcast %add3A_817 : i32 to vector<16xi32>
      %add3A_819 = arith.addi %get3A_773, %add3A_818 : vector<16xi32>
      %mul3A_820 = arith.constant 16 : i32
      %mul3A_821 = arith.muli %scan3A_768, %mul3A_820 : i32
      %swap3A_822 = arith.constant 4 : i32
      %swap3A_823 = arith.constant 3 : i32
      %swap3A_824 = arith.index_cast %swap3A_822 : i32 to index
      %swap3A_825 = arith.index_cast %swap3A_823 : i32 to index
      %swap3A_826 = arith.index_cast %mul3A_821 : i32 to index
      %swap3A_827 = tpu.vector_load %arg8[%swap3A_824, %swap3A_825, %swap3A_826] {strides = array<i32>} : memref<7x4x128xi32, #tpu.memory_space<vmem>>, vector<16xi32>,
      tpu.vector_store %arg8[%swap3A_824, %swap3A_825, %swap3A_826], %add3A_819 {strides = array<i32>} : memref<7x4x128xi32, #tpu.memory_space<vmem>>, vector<16xi32>,
      %add3A_828 = arith.constant 500000 : i32
      %add3A_829 = vector.broadcast %add3A_828 : i32 to vector<16xi32>
      %add3A_830 = arith.addi %get3A_773, %add3A_829 : vector<16xi32>
      %mul3A_831 = arith.constant 16 : i32
      %mul3A_832 = arith.muli %scan3A_768, %mul3A_831 : i32
      %swap3A_833 = arith.constant 5 : i32
      %swap3A_834 = arith.constant 3 : i32
      %swap3A_835 = arith.index_cast %swap3A_833 : i32 to index
      %swap3A_836 = arith.index_cast %swap3A_834 : i32 to index
      %swap3A_837 = arith.index_cast %mul3A_832 : i32 to index
      %swap3A_838 = tpu.vector_load %arg8[%swap3A_835, %swap3A_836, %swap3A_837] {strides = array<i32>} : memref<7x4x128xi32, #tpu.memory_space<vmem>>, vector<16xi32>,
      tpu.vector_store %arg8[%swap3A_835, %swap3A_836, %swap3A_837], %add3A_830 {strides = array<i32>} : memref<7x4x128xi32, #tpu.memory_space<vmem>>, vector<16xi32>,
      %add3A_839 = arith.constant 600000 : i32
      %add3A_840 = vector.broadcast %add3A_839 : i32 to vector<16xi32>
      %add3A_841 = arith.addi %get3A_773, %add3A_840 : vector<16xi32>
      %mul3A_842 = arith.constant 16 : i32
      %mul3A_843 = arith.muli %scan3A_768, %mul3A_842 : i32
      %swap3A_844 = arith.constant 6 : i32
      %swap3A_845 = arith.constant 3 : i32
      %swap3A_846 = arith.index_cast %swap3A_844 : i32 to index
      %swap3A_847 = arith.index_cast %swap3A_845 : i32 to index
      %swap3A_848 = arith.index_cast %mul3A_843 : i32 to index
      %swap3A_849 = tpu.vector_load %arg8[%swap3A_846, %swap3A_847, %swap3A_848] {strides = array<i32>} : memref<7x4x128xi32, #tpu.memory_space<vmem>>, vector<16xi32>,
      tpu.vector_store %arg8[%swap3A_846, %swap3A_847, %swap3A_848], %add3A_841 {strides = array<i32>} : memref<7x4x128xi32, #tpu.memory_space<vmem>>, vector<16xi32>,
    }
    %scan3A_28 = arith.constant 8 : i32
    %dma_start3A_29 = arith.constant 0 : i32
    %dma_start3A_30 = arith.constant 0 : i32
    %dma_start3A_31 = arith.constant 0 : i32
    %dma_start3A_32 = arith.constant 0 : i32
    %dma_start3A_33 = arith.constant 0 : i32
    %dma_start3A_34 = tpu.memref_slice %arg9[%dma_start3A_31, %dma_start3A_32, %dma_start3A_33] : memref<7x4x128xi32, #tpu.memory_space<vmem>> -> memref<1x1x128xi32, #tpu.memory_space<vmem>>
    %dma_start3A_35 = tpu.memref_squeeze %dma_start3A_34 : memref<1x1x128xi32, #tpu.memory_space<vmem>> -> memref<128xi32, #tpu.memory_space<vmem>>
    %dma_start3A_36 = arith.constant 0 : i32
    %dma_start3A_37 = tpu.memref_slice %arg8[%dma_start3A_29, %dma_start3A_30, %dma_start3A_36] : memref<7x4x128xi32, #tpu.memory_space<vmem>> -> memref<1x1x128xi32, #tpu.memory_space<vmem>>
    %dma_start3A_38 = tpu.memref_squeeze %dma_start3A_37 : memref<1x1x128xi32, #tpu.memory_space<vmem>> -> memref<128xi32, #tpu.memory_space<vmem>>
    %dma_start3A_39 = arith.constant 0 : i32
    %dma_start3A_40 = tpu.memref_slice %arg3[%dma_start3A_39] : memref<700000xi32, #tpu.memory_space<hbm>> -> memref<700000xi32, #tpu.memory_space<hbm>>
    tpu.enqueue_indirect_dma source(%dma_start3A_40 : memref<700000xi32, #tpu.memory_space<hbm>>) target(%dma_start3A_35 : memref<128xi32, #tpu.memory_space<vmem>>) offsets(%dma_start3A_38 : memref<128xi32, #tpu.memory_space<vmem>>) semaphore(%arg13 : memref<!tpu.dma_semaphore, #tpu.memory_space<semaphore_mem>>)
    %dma_start3A_41 = arith.constant 1 : i32
    %dma_start3A_42 = arith.constant 0 : i32
    %dma_start3A_43 = arith.constant 1 : i32
    %dma_start3A_44 = arith.constant 0 : i32
    %dma_start3A_45 = arith.constant 0 : i32
    %dma_start3A_46 = tpu.memref_slice %arg9[%dma_start3A_43, %dma_start3A_44, %dma_start3A_45] : memref<7x4x128xi32, #tpu.memory_space<vmem>> -> memref<1x1x128xi32, #tpu.memory_space<vmem>>
    %dma_start3A_47 = tpu.memref_squeeze %dma_start3A_46 : memref<1x1x128xi32, #tpu.memory_space<vmem>> -> memref<128xi32, #tpu.memory_space<vmem>>
    %dma_start3A_48 = arith.constant 0 : i32
    %dma_start3A_49 = tpu.memref_slice %arg8[%dma_start3A_41, %dma_start3A_42, %dma_start3A_48] : memref<7x4x128xi32, #tpu.memory_space<vmem>> -> memref<1x1x128xi32, #tpu.memory_space<vmem>>
    %dma_start3A_50 = tpu.memref_squeeze %dma_start3A_49 : memref<1x1x128xi32, #tpu.memory_space<vmem>> -> memref<128xi32, #tpu.memory_space<vmem>>
    %dma_start3A_51 = arith.constant 0 : i32
    %dma_start3A_52 = tpu.memref_slice %arg3[%dma_start3A_51] : memref<700000xi32, #tpu.memory_space<hbm>> -> memref<700000xi32, #tpu.memory_space<hbm>>
    tpu.enqueue_indirect_dma source(%dma_start3A_52 : memref<700000xi32, #tpu.memory_space<hbm>>) target(%dma_start3A_47 : memref<128xi32, #tpu.memory_space<vmem>>) offsets(%dma_start3A_50 : memref<128xi32, #tpu.memory_space<vmem>>) semaphore(%arg13 : memref<!tpu.dma_semaphore, #tpu.memory_space<semaphore_mem>>)
    %dma_start3A_53 = arith.constant 2 : i32
    %dma_start3A_54 = arith.constant 0 : i32
    %dma_start3A_55 = arith.constant 2 : i32
    %dma_start3A_56 = arith.constant 0 : i32
    %dma_start3A_57 = arith.constant 0 : i32
    %dma_start3A_58 = tpu.memref_slice %arg9[%dma_start3A_55, %dma_start3A_56, %dma_start3A_57] : memref<7x4x128xi32, #tpu.memory_space<vmem>> -> memref<1x1x128xi32, #tpu.memory_space<vmem>>
    %dma_start3A_59 = tpu.memref_squeeze %dma_start3A_58 : memref<1x1x128xi32, #tpu.memory_space<vmem>> -> memref<128xi32, #tpu.memory_space<vmem>>
    %dma_start3A_60 = arith.constant 0 : i32
    %dma_start3A_61 = tpu.memref_slice %arg8[%dma_start3A_53, %dma_start3A_54, %dma_start3A_60] : memref<7x4x128xi32, #tpu.memory_space<vmem>> -> memref<1x1x128xi32, #tpu.memory_space<vmem>>
    %dma_start3A_62 = tpu.memref_squeeze %dma_start3A_61 : memref<1x1x128xi32, #tpu.memory_space<vmem>> -> memref<128xi32, #tpu.memory_space<vmem>>
    %dma_start3A_63 = arith.constant 0 : i32
    %dma_start3A_64 = tpu.memref_slice %arg3[%dma_start3A_63] : memref<700000xi32, #tpu.memory_space<hbm>> -> memref<700000xi32, #tpu.memory_space<hbm>>
    tpu.enqueue_indirect_dma source(%dma_start3A_64 : memref<700000xi32, #tpu.memory_space<hbm>>) target(%dma_start3A_59 : memref<128xi32, #tpu.memory_space<vmem>>) offsets(%dma_start3A_62 : memref<128xi32, #tpu.memory_space<vmem>>) semaphore(%arg13 : memref<!tpu.dma_semaphore, #tpu.memory_space<semaphore_mem>>)
    %dma_start3A_65 = arith.constant 3 : i32
    %dma_start3A_66 = arith.constant 0 : i32
    %dma_start3A_67 = arith.constant 3 : i32
    %dma_start3A_68 = arith.constant 0 : i32
    %dma_start3A_69 = arith.constant 0 : i32
    %dma_start3A_70 = tpu.memref_slice %arg9[%dma_start3A_67, %dma_start3A_68, %dma_start3A_69] : memref<7x4x128xi32, #tpu.memory_space<vmem>> -> memref<1x1x128xi32, #tpu.memory_space<vmem>>
    %dma_start3A_71 = tpu.memref_squeeze %dma_start3A_70 : memref<1x1x128xi32, #tpu.memory_space<vmem>> -> memref<128xi32, #tpu.memory_space<vmem>>
    %dma_start3A_72 = arith.constant 0 : i32
    %dma_start3A_73 = tpu.memref_slice %arg8[%dma_start3A_65, %dma_start3A_66, %dma_start3A_72] : memref<7x4x128xi32, #tpu.memory_space<vmem>> -> memref<1x1x128xi32, #tpu.memory_space<vmem>>
    %dma_start3A_74 = tpu.memref_squeeze %dma_start3A_73 : memref<1x1x128xi32, #tpu.memory_space<vmem>> -> memref<128xi32, #tpu.memory_space<vmem>>
    %dma_start3A_75 = arith.constant 0 : i32
    %dma_start3A_76 = tpu.memref_slice %arg3[%dma_start3A_75] : memref<700000xi32, #tpu.memory_space<hbm>> -> memref<700000xi32, #tpu.memory_space<hbm>>
    tpu.enqueue_indirect_dma source(%dma_start3A_76 : memref<700000xi32, #tpu.memory_space<hbm>>) target(%dma_start3A_71 : memref<128xi32, #tpu.memory_space<vmem>>) offsets(%dma_start3A_74 : memref<128xi32, #tpu.memory_space<vmem>>) semaphore(%arg13 : memref<!tpu.dma_semaphore, #tpu.memory_space<semaphore_mem>>)
    %dma_start3A_77 = arith.constant 4 : i32
    %dma_start3A_78 = arith.constant 0 : i32
    %dma_start3A_79 = arith.constant 4 : i32
    %dma_start3A_80 = arith.constant 0 : i32
    %dma_start3A_81 = arith.constant 0 : i32
    %dma_start3A_82 = tpu.memref_slice %arg9[%dma_start3A_79, %dma_start3A_80, %dma_start3A_81] : memref<7x4x128xi32, #tpu.memory_space<vmem>> -> memref<1x1x128xi32, #tpu.memory_space<vmem>>
    %dma_start3A_83 = tpu.memref_squeeze %dma_start3A_82 : memref<1x1x128xi32, #tpu.memory_space<vmem>> -> memref<128xi32, #tpu.memory_space<vmem>>
    %dma_start3A_84 = arith.constant 0 : i32
    %dma_start3A_85 = tpu.memref_slice %arg8[%dma_start3A_77, %dma_start3A_78, %dma_start3A_84] : memref<7x4x128xi32, #tpu.memory_space<vmem>> -> memref<1x1x128xi32, #tpu.memory_space<vmem>>
    %dma_start3A_86 = tpu.memref_squeeze %dma_start3A_85 : memref<1x1x128xi32, #tpu.memory_space<vmem>> -> memref<128xi32, #tpu.memory_space<vmem>>
    %dma_start3A_87 = arith.constant 0 : i32
    %dma_start3A_88 = tpu.memref_slice %arg3[%dma_start3A_87] : memref<700000xi32, #tpu.memory_space<hbm>> -> memref<700000xi32, #tpu.memory_space<hbm>>
    tpu.enqueue_indirect_dma source(%dma_start3A_88 : memref<700000xi32, #tpu.memory_space<hbm>>) target(%dma_start3A_83 : memref<128xi32, #tpu.memory_space<vmem>>) offsets(%dma_start3A_86 : memref<128xi32, #tpu.memory_space<vmem>>) semaphore(%arg13 : memref<!tpu.dma_semaphore, #tpu.memory_space<semaphore_mem>>)
    %dma_start3A_89 = arith.constant 5 : i32
    %dma_start3A_90 = arith.constant 0 : i32
    %dma_start3A_91 = arith.constant 5 : i32
    %dma_start3A_92 = arith.constant 0 : i32
    %dma_start3A_93 = arith.constant 0 : i32
    %dma_start3A_94 = tpu.memref_slice %arg9[%dma_start3A_91, %dma_start3A_92, %dma_start3A_93] : memref<7x4x128xi32, #tpu.memory_space<vmem>> -> memref<1x1x128xi32, #tpu.memory_space<vmem>>
    %dma_start3A_95 = tpu.memref_squeeze %dma_start3A_94 : memref<1x1x128xi32, #tpu.memory_space<vmem>> -> memref<128xi32, #tpu.memory_space<vmem>>
    %dma_start3A_96 = arith.constant 0 : i32
    %dma_start3A_97 = tpu.memref_slice %arg8[%dma_start3A_89, %dma_start3A_90, %dma_start3A_96] : memref<7x4x128xi32, #tpu.memory_space<vmem>> -> memref<1x1x128xi32, #tpu.memory_space<vmem>>
    %dma_start3A_98 = tpu.memref_squeeze %dma_start3A_97 : memref<1x1x128xi32, #tpu.memory_space<vmem>> -> memref<128xi32, #tpu.memory_space<vmem>>
    %dma_start3A_99 = arith.constant 0 : i32
    %dma_start3A_100 = tpu.memref_slice %arg3[%dma_start3A_99] : memref<700000xi32, #tpu.memory_space<hbm>> -> memref<700000xi32, #tpu.memory_space<hbm>>
    tpu.enqueue_indirect_dma source(%dma_start3A_100 : memref<700000xi32, #tpu.memory_space<hbm>>) target(%dma_start3A_95 : memref<128xi32, #tpu.memory_space<vmem>>) offsets(%dma_start3A_98 : memref<128xi32, #tpu.memory_space<vmem>>) semaphore(%arg13 : memref<!tpu.dma_semaphore, #tpu.memory_space<semaphore_mem>>)
    %dma_start3A_101 = arith.constant 6 : i32
    %dma_start3A_102 = arith.constant 0 : i32
    %dma_start3A_103 = arith.constant 6 : i32
    %dma_start3A_104 = arith.constant 0 : i32
    %dma_start3A_105 = arith.constant 0 : i32
    %dma_start3A_106 = tpu.memref_slice %arg9[%dma_start3A_103, %dma_start3A_104, %dma_start3A_105] : memref<7x4x128xi32, #tpu.memory_space<vmem>> -> memref<1x1x128xi32, #tpu.memory_space<vmem>>
    %dma_start3A_107 = tpu.memref_squeeze %dma_start3A_106 : memref<1x1x128xi32, #tpu.memory_space<vmem>> -> memref<128xi32, #tpu.memory_space<vmem>>
    %dma_start3A_108 = arith.constant 0 : i32
    %dma_start3A_109 = tpu.memref_slice %arg8[%dma_start3A_101, %dma_start3A_102, %dma_start3A_108] : memref<7x4x128xi32, #tpu.memory_space<vmem>> -> memref<1x1x128xi32, #tpu.memory_space<vmem>>
    %dma_start3A_110 = tpu.memref_squeeze %dma_start3A_109 : memref<1x1x128xi32, #tpu.memory_space<vmem>> -> memref<128xi32, #tpu.memory_space<vmem>>
    %dma_start3A_111 = arith.constant 0 : i32
    %dma_start3A_112 = tpu.memref_slice %arg3[%dma_start3A_111] : memref<700000xi32, #tpu.memory_space<hbm>> -> memref<700000xi32, #tpu.memory_space<hbm>>
    tpu.enqueue_indirect_dma source(%dma_start3A_112 : memref<700000xi32, #tpu.memory_space<hbm>>) target(%dma_start3A_107 : memref<128xi32, #tpu.memory_space<vmem>>) offsets(%dma_start3A_110 : memref<128xi32, #tpu.memory_space<vmem>>) semaphore(%arg13 : memref<!tpu.dma_semaphore, #tpu.memory_space<semaphore_mem>>)
    %dma_start3A_113 = arith.constant 0 : i32
    %dma_start3A_114 = arith.constant 1 : i32
    %dma_start3A_115 = arith.constant 0 : i32
    %dma_start3A_116 = arith.constant 1 : i32
    %dma_start3A_117 = arith.constant 0 : i32
    %dma_start3A_118 = tpu.memref_slice %arg9[%dma_start3A_115, %dma_start3A_116, %dma_start3A_117] : memref<7x4x128xi32, #tpu.memory_space<vmem>> -> memref<1x1x128xi32, #tpu.memory_space<vmem>>
    %dma_start3A_119 = tpu.memref_squeeze %dma_start3A_118 : memref<1x1x128xi32, #tpu.memory_space<vmem>> -> memref<128xi32, #tpu.memory_space<vmem>>
    %dma_start3A_120 = arith.constant 0 : i32
    %dma_start3A_121 = tpu.memref_slice %arg8[%dma_start3A_113, %dma_start3A_114, %dma_start3A_120] : memref<7x4x128xi32, #tpu.memory_space<vmem>> -> memref<1x1x128xi32, #tpu.memory_space<vmem>>
    %dma_start3A_122 = tpu.memref_squeeze %dma_start3A_121 : memref<1x1x128xi32, #tpu.memory_space<vmem>> -> memref<128xi32, #tpu.memory_space<vmem>>
    %dma_start3A_123 = arith.constant 0 : i32
    %dma_start3A_124 = tpu.memref_slice %arg3[%dma_start3A_123] : memref<700000xi32, #tpu.memory_space<hbm>> -> memref<700000xi32, #tpu.memory_space<hbm>>
    tpu.enqueue_indirect_dma source(%dma_start3A_124 : memref<700000xi32, #tpu.memory_space<hbm>>) target(%dma_start3A_119 : memref<128xi32, #tpu.memory_space<vmem>>) offsets(%dma_start3A_122 : memref<128xi32, #tpu.memory_space<vmem>>) semaphore(%arg13 : memref<!tpu.dma_semaphore, #tpu.memory_space<semaphore_mem>>)
    %dma_start3A_125 = arith.constant 1 : i32
    %dma_start3A_126 = arith.constant 1 : i32
    %dma_start3A_127 = arith.constant 1 : i32
    %dma_start3A_128 = arith.constant 1 : i32
    %dma_start3A_129 = arith.constant 0 : i32
    %dma_start3A_130 = tpu.memref_slice %arg9[%dma_start3A_127, %dma_start3A_128, %dma_start3A_129] : memref<7x4x128xi32, #tpu.memory_space<vmem>> -> memref<1x1x128xi32, #tpu.memory_space<vmem>>
    %dma_start3A_131 = tpu.memref_squeeze %dma_start3A_130 : memref<1x1x128xi32, #tpu.memory_space<vmem>> -> memref<128xi32, #tpu.memory_space<vmem>>
    %dma_start3A_132 = arith.constant 0 : i32
    %dma_start3A_133 = tpu.memref_slice %arg8[%dma_start3A_125, %dma_start3A_126, %dma_start3A_132] : memref<7x4x128xi32, #tpu.memory_space<vmem>> -> memref<1x1x128xi32, #tpu.memory_space<vmem>>
    %dma_start3A_134 = tpu.memref_squeeze %dma_start3A_133 : memref<1x1x128xi32, #tpu.memory_space<vmem>> -> memref<128xi32, #tpu.memory_space<vmem>>
    %dma_start3A_135 = arith.constant 0 : i32
    %dma_start3A_136 = tpu.memref_slice %arg3[%dma_start3A_135] : memref<700000xi32, #tpu.memory_space<hbm>> -> memref<700000xi32, #tpu.memory_space<hbm>>
    tpu.enqueue_indirect_dma source(%dma_start3A_136 : memref<700000xi32, #tpu.memory_space<hbm>>) target(%dma_start3A_131 : memref<128xi32, #tpu.memory_space<vmem>>) offsets(%dma_start3A_134 : memref<128xi32, #tpu.memory_space<vmem>>) semaphore(%arg13 : memref<!tpu.dma_semaphore, #tpu.memory_space<semaphore_mem>>)
    %dma_start3A_137 = arith.constant 2 : i32
    %dma_start3A_138 = arith.constant 1 : i32
    %dma_start3A_139 = arith.constant 2 : i32
    %dma_start3A_140 = arith.constant 1 : i32
    %dma_start3A_141 = arith.constant 0 : i32
    %dma_start3A_142 = tpu.memref_slice %arg9[%dma_start3A_139, %dma_start3A_140, %dma_start3A_141] : memref<7x4x128xi32, #tpu.memory_space<vmem>> -> memref<1x1x128xi32, #tpu.memory_space<vmem>>
    %dma_start3A_143 = tpu.memref_squeeze %dma_start3A_142 : memref<1x1x128xi32, #tpu.memory_space<vmem>> -> memref<128xi32, #tpu.memory_space<vmem>>
    %dma_start3A_144 = arith.constant 0 : i32
    %dma_start3A_145 = tpu.memref_slice %arg8[%dma_start3A_137, %dma_start3A_138, %dma_start3A_144] : memref<7x4x128xi32, #tpu.memory_space<vmem>> -> memref<1x1x128xi32, #tpu.memory_space<vmem>>
    %dma_start3A_146 = tpu.memref_squeeze %dma_start3A_145 : memref<1x1x128xi32, #tpu.memory_space<vmem>> -> memref<128xi32, #tpu.memory_space<vmem>>
    %dma_start3A_147 = arith.constant 0 : i32
    %dma_start3A_148 = tpu.memref_slice %arg3[%dma_start3A_147] : memref<700000xi32, #tpu.memory_space<hbm>> -> memref<700000xi32, #tpu.memory_space<hbm>>
    tpu.enqueue_indirect_dma source(%dma_start3A_148 : memref<700000xi32, #tpu.memory_space<hbm>>) target(%dma_start3A_143 : memref<128xi32, #tpu.memory_space<vmem>>) offsets(%dma_start3A_146 : memref<128xi32, #tpu.memory_space<vmem>>) semaphore(%arg13 : memref<!tpu.dma_semaphore, #tpu.memory_space<semaphore_mem>>)
    %dma_start3A_149 = arith.constant 3 : i32
    %dma_start3A_150 = arith.constant 1 : i32
    %dma_start3A_151 = arith.constant 3 : i32
    %dma_start3A_152 = arith.constant 1 : i32
    %dma_start3A_153 = arith.constant 0 : i32
    %dma_start3A_154 = tpu.memref_slice %arg9[%dma_start3A_151, %dma_start3A_152, %dma_start3A_153] : memref<7x4x128xi32, #tpu.memory_space<vmem>> -> memref<1x1x128xi32, #tpu.memory_space<vmem>>
    %dma_start3A_155 = tpu.memref_squeeze %dma_start3A_154 : memref<1x1x128xi32, #tpu.memory_space<vmem>> -> memref<128xi32, #tpu.memory_space<vmem>>
    %dma_start3A_156 = arith.constant 0 : i32
    %dma_start3A_157 = tpu.memref_slice %arg8[%dma_start3A_149, %dma_start3A_150, %dma_start3A_156] : memref<7x4x128xi32, #tpu.memory_space<vmem>> -> memref<1x1x128xi32, #tpu.memory_space<vmem>>
    %dma_start3A_158 = tpu.memref_squeeze %dma_start3A_157 : memref<1x1x128xi32, #tpu.memory_space<vmem>> -> memref<128xi32, #tpu.memory_space<vmem>>
    %dma_start3A_159 = arith.constant 0 : i32
    %dma_start3A_160 = tpu.memref_slice %arg3[%dma_start3A_159] : memref<700000xi32, #tpu.memory_space<hbm>> -> memref<700000xi32, #tpu.memory_space<hbm>>
    tpu.enqueue_indirect_dma source(%dma_start3A_160 : memref<700000xi32, #tpu.memory_space<hbm>>) target(%dma_start3A_155 : memref<128xi32, #tpu.memory_space<vmem>>) offsets(%dma_start3A_158 : memref<128xi32, #tpu.memory_space<vmem>>) semaphore(%arg13 : memref<!tpu.dma_semaphore, #tpu.memory_space<semaphore_mem>>)
    %dma_start3A_161 = arith.constant 4 : i32
    %dma_start3A_162 = arith.constant 1 : i32
    %dma_start3A_163 = arith.constant 4 : i32
    %dma_start3A_164 = arith.constant 1 : i32
    %dma_start3A_165 = arith.constant 0 : i32
    %dma_start3A_166 = tpu.memref_slice %arg9[%dma_start3A_163, %dma_start3A_164, %dma_start3A_165] : memref<7x4x128xi32, #tpu.memory_space<vmem>> -> memref<1x1x128xi32, #tpu.memory_space<vmem>>
    %dma_start3A_167 = tpu.memref_squeeze %dma_start3A_166 : memref<1x1x128xi32, #tpu.memory_space<vmem>> -> memref<128xi32, #tpu.memory_space<vmem>>
    %dma_start3A_168 = arith.constant 0 : i32
    %dma_start3A_169 = tpu.memref_slice %arg8[%dma_start3A_161, %dma_start3A_162, %dma_start3A_168] : memref<7x4x128xi32, #tpu.memory_space<vmem>> -> memref<1x1x128xi32, #tpu.memory_space<vmem>>
    %dma_start3A_170 = tpu.memref_squeeze %dma_start3A_169 : memref<1x1x128xi32, #tpu.memory_space<vmem>> -> memref<128xi32, #tpu.memory_space<vmem>>
    %dma_start3A_171 = arith.constant 0 : i32
    %dma_start3A_172 = tpu.memref_slice %arg3[%dma_start3A_171] : memref<700000xi32, #tpu.memory_space<hbm>> -> memref<700000xi32, #tpu.memory_space<hbm>>
    tpu.enqueue_indirect_dma source(%dma_start3A_172 : memref<700000xi32, #tpu.memory_space<hbm>>) target(%dma_start3A_167 : memref<128xi32, #tpu.memory_space<vmem>>) offsets(%dma_start3A_170 : memref<128xi32, #tpu.memory_space<vmem>>) semaphore(%arg13 : memref<!tpu.dma_semaphore, #tpu.memory_space<semaphore_mem>>)
    %dma_start3A_173 = arith.constant 5 : i32
    %dma_start3A_174 = arith.constant 1 : i32
    %dma_start3A_175 = arith.constant 5 : i32
    %dma_start3A_176 = arith.constant 1 : i32
    %dma_start3A_177 = arith.constant 0 : i32
    %dma_start3A_178 = tpu.memref_slice %arg9[%dma_start3A_175, %dma_start3A_176, %dma_start3A_177] : memref<7x4x128xi32, #tpu.memory_space<vmem>> -> memref<1x1x128xi32, #tpu.memory_space<vmem>>
    %dma_start3A_179 = tpu.memref_squeeze %dma_start3A_178 : memref<1x1x128xi32, #tpu.memory_space<vmem>> -> memref<128xi32, #tpu.memory_space<vmem>>
    %dma_start3A_180 = arith.constant 0 : i32
    %dma_start3A_181 = tpu.memref_slice %arg8[%dma_start3A_173, %dma_start3A_174, %dma_start3A_180] : memref<7x4x128xi32, #tpu.memory_space<vmem>> -> memref<1x1x128xi32, #tpu.memory_space<vmem>>
    %dma_start3A_182 = tpu.memref_squeeze %dma_start3A_181 : memref<1x1x128xi32, #tpu.memory_space<vmem>> -> memref<128xi32, #tpu.memory_space<vmem>>
    %dma_start3A_183 = arith.constant 0 : i32
    %dma_start3A_184 = tpu.memref_slice %arg3[%dma_start3A_183] : memref<700000xi32, #tpu.memory_space<hbm>> -> memref<700000xi32, #tpu.memory_space<hbm>>
    tpu.enqueue_indirect_dma source(%dma_start3A_184 : memref<700000xi32, #tpu.memory_space<hbm>>) target(%dma_start3A_179 : memref<128xi32, #tpu.memory_space<vmem>>) offsets(%dma_start3A_182 : memref<128xi32, #tpu.memory_space<vmem>>) semaphore(%arg13 : memref<!tpu.dma_semaphore, #tpu.memory_space<semaphore_mem>>)
    %dma_start3A_185 = arith.constant 6 : i32
    %dma_start3A_186 = arith.constant 1 : i32
    %dma_start3A_187 = arith.constant 6 : i32
    %dma_start3A_188 = arith.constant 1 : i32
    %dma_start3A_189 = arith.constant 0 : i32
    %dma_start3A_190 = tpu.memref_slice %arg9[%dma_start3A_187, %dma_start3A_188, %dma_start3A_189] : memref<7x4x128xi32, #tpu.memory_space<vmem>> -> memref<1x1x128xi32, #tpu.memory_space<vmem>>
    %dma_start3A_191 = tpu.memref_squeeze %dma_start3A_190 : memref<1x1x128xi32, #tpu.memory_space<vmem>> -> memref<128xi32, #tpu.memory_space<vmem>>
    %dma_start3A_192 = arith.constant 0 : i32
    %dma_start3A_193 = tpu.memref_slice %arg8[%dma_start3A_185, %dma_start3A_186, %dma_start3A_192] : memref<7x4x128xi32, #tpu.memory_space<vmem>> -> memref<1x1x128xi32, #tpu.memory_space<vmem>>
    %dma_start3A_194 = tpu.memref_squeeze %dma_start3A_193 : memref<1x1x128xi32, #tpu.memory_space<vmem>> -> memref<128xi32, #tpu.memory_space<vmem>>
    %dma_start3A_195 = arith.constant 0 : i32
    %dma_start3A_196 = tpu.memref_slice %arg3[%dma_start3A_195] : memref<700000xi32, #tpu.memory_space<hbm>> -> memref<700000xi32, #tpu.memory_space<hbm>>
    tpu.enqueue_indirect_dma source(%dma_start3A_196 : memref<700000xi32, #tpu.memory_space<hbm>>) target(%dma_start3A_191 : memref<128xi32, #tpu.memory_space<vmem>>) offsets(%dma_start3A_194 : memref<128xi32, #tpu.memory_space<vmem>>) semaphore(%arg13 : memref<!tpu.dma_semaphore, #tpu.memory_space<semaphore_mem>>)
    %dma_start3A_197 = arith.constant 0 : i32
    %dma_start3A_198 = arith.constant 2 : i32
    %dma_start3A_199 = arith.constant 0 : i32
    %dma_start3A_200 = arith.constant 2 : i32
    %dma_start3A_201 = arith.constant 0 : i32
    %dma_start3A_202 = tpu.memref_slice %arg9[%dma_start3A_199, %dma_start3A_200, %dma_start3A_201] : memref<7x4x128xi32, #tpu.memory_space<vmem>> -> memref<1x1x128xi32, #tpu.memory_space<vmem>>
    %dma_start3A_203 = tpu.memref_squeeze %dma_start3A_202 : memref<1x1x128xi32, #tpu.memory_space<vmem>> -> memref<128xi32, #tpu.memory_space<vmem>>
    %dma_start3A_204 = arith.constant 0 : i32
    %dma_start3A_205 = tpu.memref_slice %arg8[%dma_start3A_197, %dma_start3A_198, %dma_start3A_204] : memref<7x4x128xi32, #tpu.memory_space<vmem>> -> memref<1x1x128xi32, #tpu.memory_space<vmem>>
    %dma_start3A_206 = tpu.memref_squeeze %dma_start3A_205 : memref<1x1x128xi32, #tpu.memory_space<vmem>> -> memref<128xi32, #tpu.memory_space<vmem>>
    %dma_start3A_207 = arith.constant 0 : i32
    %dma_start3A_208 = tpu.memref_slice %arg3[%dma_start3A_207] : memref<700000xi32, #tpu.memory_space<hbm>> -> memref<700000xi32, #tpu.memory_space<hbm>>
    tpu.enqueue_indirect_dma source(%dma_start3A_208 : memref<700000xi32, #tpu.memory_space<hbm>>) target(%dma_start3A_203 : memref<128xi32, #tpu.memory_space<vmem>>) offsets(%dma_start3A_206 : memref<128xi32, #tpu.memory_space<vmem>>) semaphore(%arg13 : memref<!tpu.dma_semaphore, #tpu.memory_space<semaphore_mem>>)
    %dma_start3A_209 = arith.constant 1 : i32
    %dma_start3A_210 = arith.constant 2 : i32
    %dma_start3A_211 = arith.constant 1 : i32
    %dma_start3A_212 = arith.constant 2 : i32
    %dma_start3A_213 = arith.constant 0 : i32
    %dma_start3A_214 = tpu.memref_slice %arg9[%dma_start3A_211, %dma_start3A_212, %dma_start3A_213] : memref<7x4x128xi32, #tpu.memory_space<vmem>> -> memref<1x1x128xi32, #tpu.memory_space<vmem>>
    %dma_start3A_215 = tpu.memref_squeeze %dma_start3A_214 : memref<1x1x128xi32, #tpu.memory_space<vmem>> -> memref<128xi32, #tpu.memory_space<vmem>>
    %dma_start3A_216 = arith.constant 0 : i32
    %dma_start3A_217 = tpu.memref_slice %arg8[%dma_start3A_209, %dma_start3A_210, %dma_start3A_216] : memref<7x4x128xi32, #tpu.memory_space<vmem>> -> memref<1x1x128xi32, #tpu.memory_space<vmem>>
    %dma_start3A_218 = tpu.memref_squeeze %dma_start3A_217 : memref<1x1x128xi32, #tpu.memory_space<vmem>> -> memref<128xi32, #tpu.memory_space<vmem>>
    %dma_start3A_219 = arith.constant 0 : i32
    %dma_start3A_220 = tpu.memref_slice %arg3[%dma_start3A_219] : memref<700000xi32, #tpu.memory_space<hbm>> -> memref<700000xi32, #tpu.memory_space<hbm>>
    tpu.enqueue_indirect_dma source(%dma_start3A_220 : memref<700000xi32, #tpu.memory_space<hbm>>) target(%dma_start3A_215 : memref<128xi32, #tpu.memory_space<vmem>>) offsets(%dma_start3A_218 : memref<128xi32, #tpu.memory_space<vmem>>) semaphore(%arg13 : memref<!tpu.dma_semaphore, #tpu.memory_space<semaphore_mem>>)
    %dma_start3A_221 = arith.constant 2 : i32
    %dma_start3A_222 = arith.constant 2 : i32
    %dma_start3A_223 = arith.constant 2 : i32
    %dma_start3A_224 = arith.constant 2 : i32
    %dma_start3A_225 = arith.constant 0 : i32
    %dma_start3A_226 = tpu.memref_slice %arg9[%dma_start3A_223, %dma_start3A_224, %dma_start3A_225] : memref<7x4x128xi32, #tpu.memory_space<vmem>> -> memref<1x1x128xi32, #tpu.memory_space<vmem>>
    %dma_start3A_227 = tpu.memref_squeeze %dma_start3A_226 : memref<1x1x128xi32, #tpu.memory_space<vmem>> -> memref<128xi32, #tpu.memory_space<vmem>>
    %dma_start3A_228 = arith.constant 0 : i32
    %dma_start3A_229 = tpu.memref_slice %arg8[%dma_start3A_221, %dma_start3A_222, %dma_start3A_228] : memref<7x4x128xi32, #tpu.memory_space<vmem>> -> memref<1x1x128xi32, #tpu.memory_space<vmem>>
    %dma_start3A_230 = tpu.memref_squeeze %dma_start3A_229 : memref<1x1x128xi32, #tpu.memory_space<vmem>> -> memref<128xi32, #tpu.memory_space<vmem>>
    %dma_start3A_231 = arith.constant 0 : i32
    %dma_start3A_232 = tpu.memref_slice %arg3[%dma_start3A_231] : memref<700000xi32, #tpu.memory_space<hbm>> -> memref<700000xi32, #tpu.memory_space<hbm>>
    tpu.enqueue_indirect_dma source(%dma_start3A_232 : memref<700000xi32, #tpu.memory_space<hbm>>) target(%dma_start3A_227 : memref<128xi32, #tpu.memory_space<vmem>>) offsets(%dma_start3A_230 : memref<128xi32, #tpu.memory_space<vmem>>) semaphore(%arg13 : memref<!tpu.dma_semaphore, #tpu.memory_space<semaphore_mem>>)
    %dma_start3A_233 = arith.constant 3 : i32
    %dma_start3A_234 = arith.constant 2 : i32
    %dma_start3A_235 = arith.constant 3 : i32
    %dma_start3A_236 = arith.constant 2 : i32
    %dma_start3A_237 = arith.constant 0 : i32
    %dma_start3A_238 = tpu.memref_slice %arg9[%dma_start3A_235, %dma_start3A_236, %dma_start3A_237] : memref<7x4x128xi32, #tpu.memory_space<vmem>> -> memref<1x1x128xi32, #tpu.memory_space<vmem>>
    %dma_start3A_239 = tpu.memref_squeeze %dma_start3A_238 : memref<1x1x128xi32, #tpu.memory_space<vmem>> -> memref<128xi32, #tpu.memory_space<vmem>>
    %dma_start3A_240 = arith.constant 0 : i32
    %dma_start3A_241 = tpu.memref_slice %arg8[%dma_start3A_233, %dma_start3A_234, %dma_start3A_240] : memref<7x4x128xi32, #tpu.memory_space<vmem>> -> memref<1x1x128xi32, #tpu.memory_space<vmem>>
    %dma_start3A_242 = tpu.memref_squeeze %dma_start3A_241 : memref<1x1x128xi32, #tpu.memory_space<vmem>> -> memref<128xi32, #tpu.memory_space<vmem>>
    %dma_start3A_243 = arith.constant 0 : i32
    %dma_start3A_244 = tpu.memref_slice %arg3[%dma_start3A_243] : memref<700000xi32, #tpu.memory_space<hbm>> -> memref<700000xi32, #tpu.memory_space<hbm>>
    tpu.enqueue_indirect_dma source(%dma_start3A_244 : memref<700000xi32, #tpu.memory_space<hbm>>) target(%dma_start3A_239 : memref<128xi32, #tpu.memory_space<vmem>>) offsets(%dma_start3A_242 : memref<128xi32, #tpu.memory_space<vmem>>) semaphore(%arg13 : memref<!tpu.dma_semaphore, #tpu.memory_space<semaphore_mem>>)
    %dma_start3A_245 = arith.constant 4 : i32
    %dma_start3A_246 = arith.constant 2 : i32
    %dma_start3A_247 = arith.constant 4 : i32
    %dma_start3A_248 = arith.constant 2 : i32
    %dma_start3A_249 = arith.constant 0 : i32
    %dma_start3A_250 = tpu.memref_slice %arg9[%dma_start3A_247, %dma_start3A_248, %dma_start3A_249] : memref<7x4x128xi32, #tpu.memory_space<vmem>> -> memref<1x1x128xi32, #tpu.memory_space<vmem>>
    %dma_start3A_251 = tpu.memref_squeeze %dma_start3A_250 : memref<1x1x128xi32, #tpu.memory_space<vmem>> -> memref<128xi32, #tpu.memory_space<vmem>>
    %dma_start3A_252 = arith.constant 0 : i32
    %dma_start3A_253 = tpu.memref_slice %arg8[%dma_start3A_245, %dma_start3A_246, %dma_start3A_252] : memref<7x4x128xi32, #tpu.memory_space<vmem>> -> memref<1x1x128xi32, #tpu.memory_space<vmem>>
    %dma_start3A_254 = tpu.memref_squeeze %dma_start3A_253 : memref<1x1x128xi32, #tpu.memory_space<vmem>> -> memref<128xi32, #tpu.memory_space<vmem>>
    %dma_start3A_255 = arith.constant 0 : i32
    %dma_start3A_256 = tpu.memref_slice %arg3[%dma_start3A_255] : memref<700000xi32, #tpu.memory_space<hbm>> -> memref<700000xi32, #tpu.memory_space<hbm>>
    tpu.enqueue_indirect_dma source(%dma_start3A_256 : memref<700000xi32, #tpu.memory_space<hbm>>) target(%dma_start3A_251 : memref<128xi32, #tpu.memory_space<vmem>>) offsets(%dma_start3A_254 : memref<128xi32, #tpu.memory_space<vmem>>) semaphore(%arg13 : memref<!tpu.dma_semaphore, #tpu.memory_space<semaphore_mem>>)
    %dma_start3A_257 = arith.constant 5 : i32
    %dma_start3A_258 = arith.constant 2 : i32
    %dma_start3A_259 = arith.constant 5 : i32
    %dma_start3A_260 = arith.constant 2 : i32
    %dma_start3A_261 = arith.constant 0 : i32
    %dma_start3A_262 = tpu.memref_slice %arg9[%dma_start3A_259, %dma_start3A_260, %dma_start3A_261] : memref<7x4x128xi32, #tpu.memory_space<vmem>> -> memref<1x1x128xi32, #tpu.memory_space<vmem>>
    %dma_start3A_263 = tpu.memref_squeeze %dma_start3A_262 : memref<1x1x128xi32, #tpu.memory_space<vmem>> -> memref<128xi32, #tpu.memory_space<vmem>>
    %dma_start3A_264 = arith.constant 0 : i32
    %dma_start3A_265 = tpu.memref_slice %arg8[%dma_start3A_257, %dma_start3A_258, %dma_start3A_264] : memref<7x4x128xi32, #tpu.memory_space<vmem>> -> memref<1x1x128xi32, #tpu.memory_space<vmem>>
    %dma_start3A_266 = tpu.memref_squeeze %dma_start3A_265 : memref<1x1x128xi32, #tpu.memory_space<vmem>> -> memref<128xi32, #tpu.memory_space<vmem>>
    %dma_start3A_267 = arith.constant 0 : i32
    %dma_start3A_268 = tpu.memref_slice %arg3[%dma_start3A_267] : memref<700000xi32, #tpu.memory_space<hbm>> -> memref<700000xi32, #tpu.memory_space<hbm>>
    tpu.enqueue_indirect_dma source(%dma_start3A_268 : memref<700000xi32, #tpu.memory_space<hbm>>) target(%dma_start3A_263 : memref<128xi32, #tpu.memory_space<vmem>>) offsets(%dma_start3A_266 : memref<128xi32, #tpu.memory_space<vmem>>) semaphore(%arg13 : memref<!tpu.dma_semaphore, #tpu.memory_space<semaphore_mem>>)
    %dma_start3A_269 = arith.constant 6 : i32
    %dma_start3A_270 = arith.constant 2 : i32
    %dma_start3A_271 = arith.constant 6 : i32
    %dma_start3A_272 = arith.constant 2 : i32
    %dma_start3A_273 = arith.constant 0 : i32
    %dma_start3A_274 = tpu.memref_slice %arg9[%dma_start3A_271, %dma_start3A_272, %dma_start3A_273] : memref<7x4x128xi32, #tpu.memory_space<vmem>> -> memref<1x1x128xi32, #tpu.memory_space<vmem>>
    %dma_start3A_275 = tpu.memref_squeeze %dma_start3A_274 : memref<1x1x128xi32, #tpu.memory_space<vmem>> -> memref<128xi32, #tpu.memory_space<vmem>>
    %dma_start3A_276 = arith.constant 0 : i32
    %dma_start3A_277 = tpu.memref_slice %arg8[%dma_start3A_269, %dma_start3A_270, %dma_start3A_276] : memref<7x4x128xi32, #tpu.memory_space<vmem>> -> memref<1x1x128xi32, #tpu.memory_space<vmem>>
    %dma_start3A_278 = tpu.memref_squeeze %dma_start3A_277 : memref<1x1x128xi32, #tpu.memory_space<vmem>> -> memref<128xi32, #tpu.memory_space<vmem>>
    %dma_start3A_279 = arith.constant 0 : i32
    %dma_start3A_280 = tpu.memref_slice %arg3[%dma_start3A_279] : memref<700000xi32, #tpu.memory_space<hbm>> -> memref<700000xi32, #tpu.memory_space<hbm>>
    tpu.enqueue_indirect_dma source(%dma_start3A_280 : memref<700000xi32, #tpu.memory_space<hbm>>) target(%dma_start3A_275 : memref<128xi32, #tpu.memory_space<vmem>>) offsets(%dma_start3A_278 : memref<128xi32, #tpu.memory_space<vmem>>) semaphore(%arg13 : memref<!tpu.dma_semaphore, #tpu.memory_space<semaphore_mem>>)
    %dma_start3A_281 = arith.constant 0 : i32
    %dma_start3A_282 = arith.constant 3 : i32
    %dma_start3A_283 = arith.constant 0 : i32
    %dma_start3A_284 = arith.constant 3 : i32
    %dma_start3A_285 = arith.constant 0 : i32
    %dma_start3A_286 = tpu.memref_slice %arg9[%dma_start3A_283, %dma_start3A_284, %dma_start3A_285] : memref<7x4x128xi32, #tpu.memory_space<vmem>> -> memref<1x1x128xi32, #tpu.memory_space<vmem>>
    %dma_start3A_287 = tpu.memref_squeeze %dma_start3A_286 : memref<1x1x128xi32, #tpu.memory_space<vmem>> -> memref<128xi32, #tpu.memory_space<vmem>>
    %dma_start3A_288 = arith.constant 0 : i32
    %dma_start3A_289 = tpu.memref_slice %arg8[%dma_start3A_281, %dma_start3A_282, %dma_start3A_288] : memref<7x4x128xi32, #tpu.memory_space<vmem>> -> memref<1x1x128xi32, #tpu.memory_space<vmem>>
    %dma_start3A_290 = tpu.memref_squeeze %dma_start3A_289 : memref<1x1x128xi32, #tpu.memory_space<vmem>> -> memref<128xi32, #tpu.memory_space<vmem>>
    %dma_start3A_291 = arith.constant 0 : i32
    %dma_start3A_292 = tpu.memref_slice %arg3[%dma_start3A_291] : memref<700000xi32, #tpu.memory_space<hbm>> -> memref<700000xi32, #tpu.memory_space<hbm>>
    tpu.enqueue_indirect_dma source(%dma_start3A_292 : memref<700000xi32, #tpu.memory_space<hbm>>) target(%dma_start3A_287 : memref<128xi32, #tpu.memory_space<vmem>>) offsets(%dma_start3A_290 : memref<128xi32, #tpu.memory_space<vmem>>) semaphore(%arg13 : memref<!tpu.dma_semaphore, #tpu.memory_space<semaphore_mem>>)
    %dma_start3A_293 = arith.constant 1 : i32
    %dma_start3A_294 = arith.constant 3 : i32
    %dma_start3A_295 = arith.constant 1 : i32
    %dma_start3A_296 = arith.constant 3 : i32
    %dma_start3A_297 = arith.constant 0 : i32
    %dma_start3A_298 = tpu.memref_slice %arg9[%dma_start3A_295, %dma_start3A_296, %dma_start3A_297] : memref<7x4x128xi32, #tpu.memory_space<vmem>> -> memref<1x1x128xi32, #tpu.memory_space<vmem>>
    %dma_start3A_299 = tpu.memref_squeeze %dma_start3A_298 : memref<1x1x128xi32, #tpu.memory_space<vmem>> -> memref<128xi32, #tpu.memory_space<vmem>>
    %dma_start3A_300 = arith.constant 0 : i32
    %dma_start3A_301 = tpu.memref_slice %arg8[%dma_start3A_293, %dma_start3A_294, %dma_start3A_300] : memref<7x4x128xi32, #tpu.memory_space<vmem>> -> memref<1x1x128xi32, #tpu.memory_space<vmem>>
    %dma_start3A_302 = tpu.memref_squeeze %dma_start3A_301 : memref<1x1x128xi32, #tpu.memory_space<vmem>> -> memref<128xi32, #tpu.memory_space<vmem>>
    %dma_start3A_303 = arith.constant 0 : i32
    %dma_start3A_304 = tpu.memref_slice %arg3[%dma_start3A_303] : memref<700000xi32, #tpu.memory_space<hbm>> -> memref<700000xi32, #tpu.memory_space<hbm>>
    tpu.enqueue_indirect_dma source(%dma_start3A_304 : memref<700000xi32, #tpu.memory_space<hbm>>) target(%dma_start3A_299 : memref<128xi32, #tpu.memory_space<vmem>>) offsets(%dma_start3A_302 : memref<128xi32, #tpu.memory_space<vmem>>) semaphore(%arg13 : memref<!tpu.dma_semaphore, #tpu.memory_space<semaphore_mem>>)
    %dma_start3A_305 = arith.constant 2 : i32
    %dma_start3A_306 = arith.constant 3 : i32
    %dma_start3A_307 = arith.constant 2 : i32
    %dma_start3A_308 = arith.constant 3 : i32
    %dma_start3A_309 = arith.constant 0 : i32
    %dma_start3A_310 = tpu.memref_slice %arg9[%dma_start3A_307, %dma_start3A_308, %dma_start3A_309] : memref<7x4x128xi32, #tpu.memory_space<vmem>> -> memref<1x1x128xi32, #tpu.memory_space<vmem>>
    %dma_start3A_311 = tpu.memref_squeeze %dma_start3A_310 : memref<1x1x128xi32, #tpu.memory_space<vmem>> -> memref<128xi32, #tpu.memory_space<vmem>>
    %dma_start3A_312 = arith.constant 0 : i32
    %dma_start3A_313 = tpu.memref_slice %arg8[%dma_start3A_305, %dma_start3A_306, %dma_start3A_312] : memref<7x4x128xi32, #tpu.memory_space<vmem>> -> memref<1x1x128xi32, #tpu.memory_space<vmem>>
    %dma_start3A_314 = tpu.memref_squeeze %dma_start3A_313 : memref<1x1x128xi32, #tpu.memory_space<vmem>> -> memref<128xi32, #tpu.memory_space<vmem>>
    %dma_start3A_315 = arith.constant 0 : i32
    %dma_start3A_316 = tpu.memref_slice %arg3[%dma_start3A_315] : memref<700000xi32, #tpu.memory_space<hbm>> -> memref<700000xi32, #tpu.memory_space<hbm>>
    tpu.enqueue_indirect_dma source(%dma_start3A_316 : memref<700000xi32, #tpu.memory_space<hbm>>) target(%dma_start3A_311 : memref<128xi32, #tpu.memory_space<vmem>>) offsets(%dma_start3A_314 : memref<128xi32, #tpu.memory_space<vmem>>) semaphore(%arg13 : memref<!tpu.dma_semaphore, #tpu.memory_space<semaphore_mem>>)
    %dma_start3A_317 = arith.constant 3 : i32
    %dma_start3A_318 = arith.constant 3 : i32
    %dma_start3A_319 = arith.constant 3 : i32
    %dma_start3A_320 = arith.constant 3 : i32
    %dma_start3A_321 = arith.constant 0 : i32
    %dma_start3A_322 = tpu.memref_slice %arg9[%dma_start3A_319, %dma_start3A_320, %dma_start3A_321] : memref<7x4x128xi32, #tpu.memory_space<vmem>> -> memref<1x1x128xi32, #tpu.memory_space<vmem>>
    %dma_start3A_323 = tpu.memref_squeeze %dma_start3A_322 : memref<1x1x128xi32, #tpu.memory_space<vmem>> -> memref<128xi32, #tpu.memory_space<vmem>>
    %dma_start3A_324 = arith.constant 0 : i32
    %dma_start3A_325 = tpu.memref_slice %arg8[%dma_start3A_317, %dma_start3A_318, %dma_start3A_324] : memref<7x4x128xi32, #tpu.memory_space<vmem>> -> memref<1x1x128xi32, #tpu.memory_space<vmem>>
    %dma_start3A_326 = tpu.memref_squeeze %dma_start3A_325 : memref<1x1x128xi32, #tpu.memory_space<vmem>> -> memref<128xi32, #tpu.memory_space<vmem>>
    %dma_start3A_327 = arith.constant 0 : i32
    %dma_start3A_328 = tpu.memref_slice %arg3[%dma_start3A_327] : memref<700000xi32, #tpu.memory_space<hbm>> -> memref<700000xi32, #tpu.memory_space<hbm>>
    tpu.enqueue_indirect_dma source(%dma_start3A_328 : memref<700000xi32, #tpu.memory_space<hbm>>) target(%dma_start3A_323 : memref<128xi32, #tpu.memory_space<vmem>>) offsets(%dma_start3A_326 : memref<128xi32, #tpu.memory_space<vmem>>) semaphore(%arg13 : memref<!tpu.dma_semaphore, #tpu.memory_space<semaphore_mem>>)
    %dma_start3A_329 = arith.constant 4 : i32
    %dma_start3A_330 = arith.constant 3 : i32
    %dma_start3A_331 = arith.constant 4 : i32
    %dma_start3A_332 = arith.constant 3 : i32
    %dma_start3A_333 = arith.constant 0 : i32
    %dma_start3A_334 = tpu.memref_slice %arg9[%dma_start3A_331, %dma_start3A_332, %dma_start3A_333] : memref<7x4x128xi32, #tpu.memory_space<vmem>> -> memref<1x1x128xi32, #tpu.memory_space<vmem>>
    %dma_start3A_335 = tpu.memref_squeeze %dma_start3A_334 : memref<1x1x128xi32, #tpu.memory_space<vmem>> -> memref<128xi32, #tpu.memory_space<vmem>>
    %dma_start3A_336 = arith.constant 0 : i32
    %dma_start3A_337 = tpu.memref_slice %arg8[%dma_start3A_329, %dma_start3A_330, %dma_start3A_336] : memref<7x4x128xi32, #tpu.memory_space<vmem>> -> memref<1x1x128xi32, #tpu.memory_space<vmem>>
    %dma_start3A_338 = tpu.memref_squeeze %dma_start3A_337 : memref<1x1x128xi32, #tpu.memory_space<vmem>> -> memref<128xi32, #tpu.memory_space<vmem>>
    %dma_start3A_339 = arith.constant 0 : i32
    %dma_start3A_340 = tpu.memref_slice %arg3[%dma_start3A_339] : memref<700000xi32, #tpu.memory_space<hbm>> -> memref<700000xi32, #tpu.memory_space<hbm>>
    tpu.enqueue_indirect_dma source(%dma_start3A_340 : memref<700000xi32, #tpu.memory_space<hbm>>) target(%dma_start3A_335 : memref<128xi32, #tpu.memory_space<vmem>>) offsets(%dma_start3A_338 : memref<128xi32, #tpu.memory_space<vmem>>) semaphore(%arg13 : memref<!tpu.dma_semaphore, #tpu.memory_space<semaphore_mem>>)
    %dma_start3A_341 = arith.constant 5 : i32
    %dma_start3A_342 = arith.constant 3 : i32
    %dma_start3A_343 = arith.constant 5 : i32
    %dma_start3A_344 = arith.constant 3 : i32
    %dma_start3A_345 = arith.constant 0 : i32
    %dma_start3A_346 = tpu.memref_slice %arg9[%dma_start3A_343, %dma_start3A_344, %dma_start3A_345] : memref<7x4x128xi32, #tpu.memory_space<vmem>> -> memref<1x1x128xi32, #tpu.memory_space<vmem>>
    %dma_start3A_347 = tpu.memref_squeeze %dma_start3A_346 : memref<1x1x128xi32, #tpu.memory_space<vmem>> -> memref<128xi32, #tpu.memory_space<vmem>>
    %dma_start3A_348 = arith.constant 0 : i32
    %dma_start3A_349 = tpu.memref_slice %arg8[%dma_start3A_341, %dma_start3A_342, %dma_start3A_348] : memref<7x4x128xi32, #tpu.memory_space<vmem>> -> memref<1x1x128xi32, #tpu.memory_space<vmem>>
    %dma_start3A_350 = tpu.memref_squeeze %dma_start3A_349 : memref<1x1x128xi32, #tpu.memory_space<vmem>> -> memref<128xi32, #tpu.memory_space<vmem>>
    %dma_start3A_351 = arith.constant 0 : i32
    %dma_start3A_352 = tpu.memref_slice %arg3[%dma_start3A_351] : memref<700000xi32, #tpu.memory_space<hbm>> -> memref<700000xi32, #tpu.memory_space<hbm>>
    tpu.enqueue_indirect_dma source(%dma_start3A_352 : memref<700000xi32, #tpu.memory_space<hbm>>) target(%dma_start3A_347 : memref<128xi32, #tpu.memory_space<vmem>>) offsets(%dma_start3A_350 : memref<128xi32, #tpu.memory_space<vmem>>) semaphore(%arg13 : memref<!tpu.dma_semaphore, #tpu.memory_space<semaphore_mem>>)
    %dma_start3A_353 = arith.constant 6 : i32
    %dma_start3A_354 = arith.constant 3 : i32
    %dma_start3A_355 = arith.constant 6 : i32
    %dma_start3A_356 = arith.constant 3 : i32
    %dma_start3A_357 = arith.constant 0 : i32
    %dma_start3A_358 = tpu.memref_slice %arg9[%dma_start3A_355, %dma_start3A_356, %dma_start3A_357] : memref<7x4x128xi32, #tpu.memory_space<vmem>> -> memref<1x1x128xi32, #tpu.memory_space<vmem>>
    %dma_start3A_359 = tpu.memref_squeeze %dma_start3A_358 : memref<1x1x128xi32, #tpu.memory_space<vmem>> -> memref<128xi32, #tpu.memory_space<vmem>>
    %dma_start3A_360 = arith.constant 0 : i32
    %dma_start3A_361 = tpu.memref_slice %arg8[%dma_start3A_353, %dma_start3A_354, %dma_start3A_360] : memref<7x4x128xi32, #tpu.memory_space<vmem>> -> memref<1x1x128xi32, #tpu.memory_space<vmem>>
    %dma_start3A_362 = tpu.memref_squeeze %dma_start3A_361 : memref<1x1x128xi32, #tpu.memory_space<vmem>> -> memref<128xi32, #tpu.memory_space<vmem>>
    %dma_start3A_363 = arith.constant 0 : i32
    %dma_start3A_364 = tpu.memref_slice %arg3[%dma_start3A_363] : memref<700000xi32, #tpu.memory_space<hbm>> -> memref<700000xi32, #tpu.memory_space<hbm>>
    tpu.enqueue_indirect_dma source(%dma_start3A_364 : memref<700000xi32, #tpu.memory_space<hbm>>) target(%dma_start3A_359 : memref<128xi32, #tpu.memory_space<vmem>>) offsets(%dma_start3A_362 : memref<128xi32, #tpu.memory_space<vmem>>) semaphore(%arg13 : memref<!tpu.dma_semaphore, #tpu.memory_space<semaphore_mem>>)
    %dma_wait3A = arith.constant 0 : i32
    %dma_wait3A_365 = tpu.memref_slice %arg4[%dma_wait3A, %mul3A_2] : memref<64x16384xf32, #tpu.memory_space<hbm>> -> memref<64x512xf32, #tpu.memory_space<hbm>>
    %dma_wait3A_366 = arith.constant 0 : i32
    %dma_wait3A_367 = tpu.memref_slice %arg4[%dma_wait3A_366, %mul3A_2] : memref<64x16384xf32, #tpu.memory_space<hbm>> -> memref<64x512xf32, #tpu.memory_space<hbm>>
    tpu.wait_dma2 semaphore(%arg14 : memref<!tpu.dma_semaphore, #tpu.memory_space<semaphore_mem>>) src(%dma_wait3A_367 : memref<64x512xf32, #tpu.memory_space<hbm>>) dst(%arg10 : memref<64x512xf32, #tpu.memory_space<vmem>>)
    %dma_wait3A_368 = arith.constant 0 : i32
    %dma_wait3A_369 = arith.constant 0 : i32
    %dma_wait3A_370 = arith.constant 0 : i32
    %dma_wait3A_371 = arith.constant 0 : i32
    %dma_wait3A_372 = arith.constant 0 : i32
    %dma_wait3A_373 = tpu.memref_slice %arg9[%dma_wait3A_370, %dma_wait3A_371, %dma_wait3A_372] : memref<7x4x128xi32, #tpu.memory_space<vmem>> -> memref<1x1x128xi32, #tpu.memory_space<vmem>>
    %dma_wait3A_374 = tpu.memref_squeeze %dma_wait3A_373 : memref<1x1x128xi32, #tpu.memory_space<vmem>> -> memref<128xi32, #tpu.memory_space<vmem>>
    %dma_wait3A_375 = arith.constant 0 : i32
    %dma_wait3A_376 = tpu.memref_slice %arg8[%dma_wait3A_368, %dma_wait3A_369, %dma_wait3A_375] : memref<7x4x128xi32, #tpu.memory_space<vmem>> -> memref<1x1x128xi32, #tpu.memory_space<vmem>>
    %dma_wait3A_377 = tpu.memref_squeeze %dma_wait3A_376 : memref<1x1x128xi32, #tpu.memory_space<vmem>> -> memref<128xi32, #tpu.memory_space<vmem>>
    %dma_wait3A_378 = arith.constant 0 : i32
    %dma_wait3A_379 = tpu.memref_slice %arg3[%dma_wait3A_378] : memref<700000xi32, #tpu.memory_space<hbm>> -> memref<700000xi32, #tpu.memory_space<hbm>>
    tpu.wait_indirect_dma semaphore(%arg13 : memref<!tpu.dma_semaphore, #tpu.memory_space<semaphore_mem>>) src(%dma_wait3A_379 : memref<700000xi32, #tpu.memory_space<hbm>>) dst(%dma_wait3A_374 : memref<128xi32, #tpu.memory_space<vmem>>)
    %dma_wait3A_380 = arith.constant 1 : i32
    %dma_wait3A_381 = arith.constant 0 : i32
    %dma_wait3A_382 = arith.constant 1 : i32
    %dma_wait3A_383 = arith.constant 0 : i32
    %dma_wait3A_384 = arith.constant 0 : i32
    %dma_wait3A_385 = tpu.memref_slice %arg9[%dma_wait3A_382, %dma_wait3A_383, %dma_wait3A_384] : memref<7x4x128xi32, #tpu.memory_space<vmem>> -> memref<1x1x128xi32, #tpu.memory_space<vmem>>
    %dma_wait3A_386 = tpu.memref_squeeze %dma_wait3A_385 : memref<1x1x128xi32, #tpu.memory_space<vmem>> -> memref<128xi32, #tpu.memory_space<vmem>>
    %dma_wait3A_387 = arith.constant 0 : i32
    %dma_wait3A_388 = tpu.memref_slice %arg8[%dma_wait3A_380, %dma_wait3A_381, %dma_wait3A_387] : memref<7x4x128xi32, #tpu.memory_space<vmem>> -> memref<1x1x128xi32, #tpu.memory_space<vmem>>
    %dma_wait3A_389 = tpu.memref_squeeze %dma_wait3A_388 : memref<1x1x128xi32, #tpu.memory_space<vmem>> -> memref<128xi32, #tpu.memory_space<vmem>>
    %dma_wait3A_390 = arith.constant 0 : i32
    %dma_wait3A_391 = tpu.memref_slice %arg3[%dma_wait3A_390] : memref<700000xi32, #tpu.memory_space<hbm>> -> memref<700000xi32, #tpu.memory_space<hbm>>
    tpu.wait_indirect_dma semaphore(%arg13 : memref<!tpu.dma_semaphore, #tpu.memory_space<semaphore_mem>>) src(%dma_wait3A_391 : memref<700000xi32, #tpu.memory_space<hbm>>) dst(%dma_wait3A_386 : memref<128xi32, #tpu.memory_space<vmem>>)
    %dma_wait3A_392 = arith.constant 2 : i32
    %dma_wait3A_393 = arith.constant 0 : i32
    %dma_wait3A_394 = arith.constant 2 : i32
    %dma_wait3A_395 = arith.constant 0 : i32
    %dma_wait3A_396 = arith.constant 0 : i32
    %dma_wait3A_397 = tpu.memref_slice %arg9[%dma_wait3A_394, %dma_wait3A_395, %dma_wait3A_396] : memref<7x4x128xi32, #tpu.memory_space<vmem>> -> memref<1x1x128xi32, #tpu.memory_space<vmem>>
    %dma_wait3A_398 = tpu.memref_squeeze %dma_wait3A_397 : memref<1x1x128xi32, #tpu.memory_space<vmem>> -> memref<128xi32, #tpu.memory_space<vmem>>
    %dma_wait3A_399 = arith.constant 0 : i32
    %dma_wait3A_400 = tpu.memref_slice %arg8[%dma_wait3A_392, %dma_wait3A_393, %dma_wait3A_399] : memref<7x4x128xi32, #tpu.memory_space<vmem>> -> memref<1x1x128xi32, #tpu.memory_space<vmem>>
    %dma_wait3A_401 = tpu.memref_squeeze %dma_wait3A_400 : memref<1x1x128xi32, #tpu.memory_space<vmem>> -> memref<128xi32, #tpu.memory_space<vmem>>
    %dma_wait3A_402 = arith.constant 0 : i32
    %dma_wait3A_403 = tpu.memref_slice %arg3[%dma_wait3A_402] : memref<700000xi32, #tpu.memory_space<hbm>> -> memref<700000xi32, #tpu.memory_space<hbm>>
    tpu.wait_indirect_dma semaphore(%arg13 : memref<!tpu.dma_semaphore, #tpu.memory_space<semaphore_mem>>) src(%dma_wait3A_403 : memref<700000xi32, #tpu.memory_space<hbm>>) dst(%dma_wait3A_398 : memref<128xi32, #tpu.memory_space<vmem>>)
    %dma_wait3A_404 = arith.constant 3 : i32
    %dma_wait3A_405 = arith.constant 0 : i32
    %dma_wait3A_406 = arith.constant 3 : i32
    %dma_wait3A_407 = arith.constant 0 : i32
    %dma_wait3A_408 = arith.constant 0 : i32
    %dma_wait3A_409 = tpu.memref_slice %arg9[%dma_wait3A_406, %dma_wait3A_407, %dma_wait3A_408] : memref<7x4x128xi32, #tpu.memory_space<vmem>> -> memref<1x1x128xi32, #tpu.memory_space<vmem>>
    %dma_wait3A_410 = tpu.memref_squeeze %dma_wait3A_409 : memref<1x1x128xi32, #tpu.memory_space<vmem>> -> memref<128xi32, #tpu.memory_space<vmem>>
    %dma_wait3A_411 = arith.constant 0 : i32
    %dma_wait3A_412 = tpu.memref_slice %arg8[%dma_wait3A_404, %dma_wait3A_405, %dma_wait3A_411] : memref<7x4x128xi32, #tpu.memory_space<vmem>> -> memref<1x1x128xi32, #tpu.memory_space<vmem>>
    %dma_wait3A_413 = tpu.memref_squeeze %dma_wait3A_412 : memref<1x1x128xi32, #tpu.memory_space<vmem>> -> memref<128xi32, #tpu.memory_space<vmem>>
    %dma_wait3A_414 = arith.constant 0 : i32
    %dma_wait3A_415 = tpu.memref_slice %arg3[%dma_wait3A_414] : memref<700000xi32, #tpu.memory_space<hbm>> -> memref<700000xi32, #tpu.memory_space<hbm>>
    tpu.wait_indirect_dma semaphore(%arg13 : memref<!tpu.dma_semaphore, #tpu.memory_space<semaphore_mem>>) src(%dma_wait3A_415 : memref<700000xi32, #tpu.memory_space<hbm>>) dst(%dma_wait3A_410 : memref<128xi32, #tpu.memory_space<vmem>>)
    %dma_wait3A_416 = arith.constant 4 : i32
    %dma_wait3A_417 = arith.constant 0 : i32
    %dma_wait3A_418 = arith.constant 4 : i32
    %dma_wait3A_419 = arith.constant 0 : i32
    %dma_wait3A_420 = arith.constant 0 : i32
    %dma_wait3A_421 = tpu.memref_slice %arg9[%dma_wait3A_418, %dma_wait3A_419, %dma_wait3A_420] : memref<7x4x128xi32, #tpu.memory_space<vmem>> -> memref<1x1x128xi32, #tpu.memory_space<vmem>>
    %dma_wait3A_422 = tpu.memref_squeeze %dma_wait3A_421 : memref<1x1x128xi32, #tpu.memory_space<vmem>> -> memref<128xi32, #tpu.memory_space<vmem>>
    %dma_wait3A_423 = arith.constant 0 : i32
    %dma_wait3A_424 = tpu.memref_slice %arg8[%dma_wait3A_416, %dma_wait3A_417, %dma_wait3A_423] : memref<7x4x128xi32, #tpu.memory_space<vmem>> -> memref<1x1x128xi32, #tpu.memory_space<vmem>>
    %dma_wait3A_425 = tpu.memref_squeeze %dma_wait3A_424 : memref<1x1x128xi32, #tpu.memory_space<vmem>> -> memref<128xi32, #tpu.memory_space<vmem>>
    %dma_wait3A_426 = arith.constant 0 : i32
    %dma_wait3A_427 = tpu.memref_slice %arg3[%dma_wait3A_426] : memref<700000xi32, #tpu.memory_space<hbm>> -> memref<700000xi32, #tpu.memory_space<hbm>>
    tpu.wait_indirect_dma semaphore(%arg13 : memref<!tpu.dma_semaphore, #tpu.memory_space<semaphore_mem>>) src(%dma_wait3A_427 : memref<700000xi32, #tpu.memory_space<hbm>>) dst(%dma_wait3A_422 : memref<128xi32, #tpu.memory_space<vmem>>)
    %dma_wait3A_428 = arith.constant 5 : i32
    %dma_wait3A_429 = arith.constant 0 : i32
    %dma_wait3A_430 = arith.constant 5 : i32
    %dma_wait3A_431 = arith.constant 0 : i32
    %dma_wait3A_432 = arith.constant 0 : i32
    %dma_wait3A_433 = tpu.memref_slice %arg9[%dma_wait3A_430, %dma_wait3A_431, %dma_wait3A_432] : memref<7x4x128xi32, #tpu.memory_space<vmem>> -> memref<1x1x128xi32, #tpu.memory_space<vmem>>
    %dma_wait3A_434 = tpu.memref_squeeze %dma_wait3A_433 : memref<1x1x128xi32, #tpu.memory_space<vmem>> -> memref<128xi32, #tpu.memory_space<vmem>>
    %dma_wait3A_435 = arith.constant 0 : i32
    %dma_wait3A_436 = tpu.memref_slice %arg8[%dma_wait3A_428, %dma_wait3A_429, %dma_wait3A_435] : memref<7x4x128xi32, #tpu.memory_space<vmem>> -> memref<1x1x128xi32, #tpu.memory_space<vmem>>
    %dma_wait3A_437 = tpu.memref_squeeze %dma_wait3A_436 : memref<1x1x128xi32, #tpu.memory_space<vmem>> -> memref<128xi32, #tpu.memory_space<vmem>>
    %dma_wait3A_438 = arith.constant 0 : i32
    %dma_wait3A_439 = tpu.memref_slice %arg3[%dma_wait3A_438] : memref<700000xi32, #tpu.memory_space<hbm>> -> memref<700000xi32, #tpu.memory_space<hbm>>
    tpu.wait_indirect_dma semaphore(%arg13 : memref<!tpu.dma_semaphore, #tpu.memory_space<semaphore_mem>>) src(%dma_wait3A_439 : memref<700000xi32, #tpu.memory_space<hbm>>) dst(%dma_wait3A_434 : memref<128xi32, #tpu.memory_space<vmem>>)
    %dma_wait3A_440 = arith.constant 6 : i32
    %dma_wait3A_441 = arith.constant 0 : i32
    %dma_wait3A_442 = arith.constant 6 : i32
    %dma_wait3A_443 = arith.constant 0 : i32
    %dma_wait3A_444 = arith.constant 0 : i32
    %dma_wait3A_445 = tpu.memref_slice %arg9[%dma_wait3A_442, %dma_wait3A_443, %dma_wait3A_444] : memref<7x4x128xi32, #tpu.memory_space<vmem>> -> memref<1x1x128xi32, #tpu.memory_space<vmem>>
    %dma_wait3A_446 = tpu.memref_squeeze %dma_wait3A_445 : memref<1x1x128xi32, #tpu.memory_space<vmem>> -> memref<128xi32, #tpu.memory_space<vmem>>
    %dma_wait3A_447 = arith.constant 0 : i32
    %dma_wait3A_448 = tpu.memref_slice %arg8[%dma_wait3A_440, %dma_wait3A_441, %dma_wait3A_447] : memref<7x4x128xi32, #tpu.memory_space<vmem>> -> memref<1x1x128xi32, #tpu.memory_space<vmem>>
    %dma_wait3A_449 = tpu.memref_squeeze %dma_wait3A_448 : memref<1x1x128xi32, #tpu.memory_space<vmem>> -> memref<128xi32, #tpu.memory_space<vmem>>
    %dma_wait3A_450 = arith.constant 0 : i32
    %dma_wait3A_451 = tpu.memref_slice %arg3[%dma_wait3A_450] : memref<700000xi32, #tpu.memory_space<hbm>> -> memref<700000xi32, #tpu.memory_space<hbm>>
    tpu.wait_indirect_dma semaphore(%arg13 : memref<!tpu.dma_semaphore, #tpu.memory_space<semaphore_mem>>) src(%dma_wait3A_451 : memref<700000xi32, #tpu.memory_space<hbm>>) dst(%dma_wait3A_446 : memref<128xi32, #tpu.memory_space<vmem>>)
    %scan3A_452 = arith.constant 0 : i32
    %scan3A_453 = arith.constant 0 : i32
    %scan3A_454 = arith.constant 8 : i32
    %scan3A_455 = arith.addi %scan3A_453, %scan3A_454 : i32
    %scan3A_456 = arith.constant 1 : i32
    scf.for %scan3A_768 = %scan3A_453 to %scan3A_455 step %scan3A_456  : i32 {
      %iota3A = tpu.iota {dimensions = array<i32: 0>} : vector<16xi32>
      %add3A_769 = arith.constant 0 : i32
      %add3A_770 = vector.broadcast %add3A_769 : i32 to vector<16xi32>
      %add3A_771 = arith.addi %iota3A, %add3A_770 : vector<16xi32>
      %mul3A_772 = arith.constant 16 : i32
      %mul3A_773 = arith.muli %scan3A_768, %mul3A_772 : i32
      %add3A_774 = vector.broadcast %mul3A_773 : i32 to vector<16xi32>
      %add3A_775 = arith.addi %add3A_771, %add3A_774 : vector<16xi32>
      %mul3A_776 = arith.constant 16 : i32
      %mul3A_777 = arith.muli %scan3A_768, %mul3A_776 : i32
      %get3A = arith.constant 0 : i32
      %get3A_778 = arith.constant 0 : i32
      %get3A_779 = arith.index_cast %get3A : i32 to index
      %get3A_780 = arith.index_cast %get3A_778 : i32 to index
      %get3A_781 = arith.index_cast %mul3A_777 : i32 to index
      %get3A_782 = tpu.vector_load %arg9[%get3A_779, %get3A_780, %get3A_781] {strides = array<i32>} : memref<7x4x128xi32, #tpu.memory_space<vmem>>, vector<16xi32>,
      %gather3A = tpu.vector_load_idx %arg10[%get3A_782, %add3A_775] : memref<64x512xf32, #tpu.memory_space<vmem>>[vector<16xi32>, vector<16xi32>], vector<16xf32>,
      %abs3A = math.absf %gather3A : vector<16xf32>
      %neg3A = arith.constant 0.000000e+00 : f32
      %neg3A_783 = vector.broadcast %neg3A : f32 to vector<16xf32>
      %neg3A_784 = arith.subf %neg3A_783, %abs3A : vector<16xf32>
      %exp3A = math.exp %neg3A_784 : vector<16xf32>
      %broadcast_in_dim3A = arith.constant 0.0410640724 : f32
      %broadcast_in_dim3A_785 = vector.broadcast %broadcast_in_dim3A : f32 to vector<16xf32>
      %mul3A_786 = arith.mulf %broadcast_in_dim3A_785, %exp3A : vector<16xf32>
      %add3A_787 = arith.constant -0.156026945 : f32
      %add3A_788 = vector.broadcast %add3A_787 : f32 to vector<16xf32>
      %add3A_789 = arith.addf %mul3A_786, %add3A_788 : vector<16xf32>
      %mul3A_790 = arith.mulf %add3A_789, %exp3A : vector<16xf32>
      %add3A_791 = arith.constant 0.30467087 : f32
      %add3A_792 = vector.broadcast %add3A_791 : f32 to vector<16xf32>
      %add3A_793 = arith.addf %mul3A_790, %add3A_792 : vector<16xf32>
      %mul3A_794 = arith.mulf %add3A_793, %exp3A : vector<16xf32>
      %add3A_795 = arith.constant -0.496367753 : f32
      %add3A_796 = vector.broadcast %add3A_795 : f32 to vector<16xf32>
      %add3A_797 = arith.addf %mul3A_794, %add3A_796 : vector<16xf32>
      %mul3A_798 = arith.mulf %add3A_797, %exp3A : vector<16xf32>
      %add3A_799 = arith.constant 0.999887883 : f32
      %add3A_800 = vector.broadcast %add3A_799 : f32 to vector<16xf32>
      %add3A_801 = arith.addf %mul3A_798, %add3A_800 : vector<16xf32>
      %max3A = arith.constant 0.000000e+00 : f32
      %max3A_802 = vector.broadcast %max3A : f32 to vector<16xf32>
      %max3A_803 = arith.maximumf %gather3A, %max3A_802 : vector<16xf32>
      %mul3A_804 = arith.mulf %add3A_801, %exp3A : vector<16xf32>
      %add3A_805 = arith.addf %max3A_803, %mul3A_804 : vector<16xf32>
      %bitcast3A = vector.bitcast %add3A_805 : vector<16xf32> to vector<16xi32>
      %shift_right_logical3A = arith.constant 1 : i32
      %shift_right_logical3A_806 = vector.broadcast %shift_right_logical3A : i32 to vector<16xi32>
      %shift_right_logical3A_807 = arith.shrui %bitcast3A, %shift_right_logical3A_806 : vector<16xi32>
      %sub3A_808 = arith.constant 1597463007 : i32
      %sub3A_809 = vector.broadcast %sub3A_808 : i32 to vector<16xi32>
      %sub3A_810 = arith.subi %sub3A_809, %shift_right_logical3A_807 : vector<16xi32>
      %bitcast3A_811 = vector.bitcast %sub3A_810 : vector<16xi32> to vector<16xf32>
      %mul3A_812 = arith.constant 5.000000e-01 : f32
      %mul3A_813 = vector.broadcast %mul3A_812 : f32 to vector<16xf32>
      %mul3A_814 = arith.mulf %mul3A_813, %add3A_805 : vector<16xf32>
      %mul3A_815 = arith.mulf %mul3A_814, %bitcast3A_811 : vector<16xf32>
      %mul3A_816 = arith.mulf %mul3A_815, %bitcast3A_811 : vector<16xf32>
      %sub3A_817 = arith.constant 1.500000e+00 : f32
      %sub3A_818 = vector.broadcast %sub3A_817 : f32 to vector<16xf32>
      %sub3A_819 = arith.subf %sub3A_818, %mul3A_816 : vector<16xf32>
      %mul3A_820 = arith.mulf %bitcast3A_811, %sub3A_819 : vector<16xf32>
      %mul3A_821 = arith.constant 5.000000e-01 : f32
      %mul3A_822 = vector.broadcast %mul3A_821 : f32 to vector<16xf32>
      %mul3A_823 = arith.mulf %mul3A_822, %add3A_805 : vector<16xf32>
      %mul3A_824 = arith.mulf %mul3A_823, %mul3A_820 : vector<16xf32>
      %mul3A_825 = arith.mulf %mul3A_824, %mul3A_820 : vector<16xf32>
      %sub3A_826 = arith.constant 1.500000e+00 : f32
      %sub3A_827 = vector.broadcast %sub3A_826 : f32 to vector<16xf32>
      %sub3A_828 = arith.subf %sub3A_827, %mul3A_825 : vector<16xf32>
      %mul3A_829 = arith.mulf %mul3A_820, %sub3A_828 : vector<16xf32>
      %mul3A_830 = arith.mulf %add3A_805, %mul3A_829 : vector<16xf32>
      %mul3A_831 = arith.constant 16 : i32
      %mul3A_832 = arith.muli %scan3A_768, %mul3A_831 : i32
      %get3A_833 = arith.constant 1 : i32
      %get3A_834 = arith.constant 0 : i32
      %get3A_835 = arith.index_cast %get3A_833 : i32 to index
      %get3A_836 = arith.index_cast %get3A_834 : i32 to index
      %get3A_837 = arith.index_cast %mul3A_832 : i32 to index
      %get3A_838 = tpu.vector_load %arg9[%get3A_835, %get3A_836, %get3A_837] {strides = array<i32>} : memref<7x4x128xi32, #tpu.memory_space<vmem>>, vector<16xi32>,
      %gather3A_839 = tpu.vector_load_idx %arg10[%get3A_838, %add3A_775] : memref<64x512xf32, #tpu.memory_space<vmem>>[vector<16xi32>, vector<16xi32>], vector<16xf32>,
      %abs3A_840 = math.absf %gather3A_839 : vector<16xf32>
      %neg3A_841 = arith.constant 0.000000e+00 : f32
      %neg3A_842 = vector.broadcast %neg3A_841 : f32 to vector<16xf32>
      %neg3A_843 = arith.subf %neg3A_842, %abs3A_840 : vector<16xf32>
      %exp3A_844 = math.exp %neg3A_843 : vector<16xf32>
      %broadcast_in_dim3A_845 = arith.constant 0.0410640724 : f32
      %broadcast_in_dim3A_846 = vector.broadcast %broadcast_in_dim3A_845 : f32 to vector<16xf32>
      %mul3A_847 = arith.mulf %broadcast_in_dim3A_846, %exp3A_844 : vector<16xf32>
      %add3A_848 = arith.constant -0.156026945 : f32
      %add3A_849 = vector.broadcast %add3A_848 : f32 to vector<16xf32>
      %add3A_850 = arith.addf %mul3A_847, %add3A_849 : vector<16xf32>
      %mul3A_851 = arith.mulf %add3A_850, %exp3A_844 : vector<16xf32>
      %add3A_852 = arith.constant 0.30467087 : f32
      %add3A_853 = vector.broadcast %add3A_852 : f32 to vector<16xf32>
      %add3A_854 = arith.addf %mul3A_851, %add3A_853 : vector<16xf32>
      %mul3A_855 = arith.mulf %add3A_854, %exp3A_844 : vector<16xf32>
      %add3A_856 = arith.constant -0.496367753 : f32
      %add3A_857 = vector.broadcast %add3A_856 : f32 to vector<16xf32>
      %add3A_858 = arith.addf %mul3A_855, %add3A_857 : vector<16xf32>
      %mul3A_859 = arith.mulf %add3A_858, %exp3A_844 : vector<16xf32>
      %add3A_860 = arith.constant 0.999887883 : f32
      %add3A_861 = vector.broadcast %add3A_860 : f32 to vector<16xf32>
      %add3A_862 = arith.addf %mul3A_859, %add3A_861 : vector<16xf32>
      %max3A_863 = arith.constant 0.000000e+00 : f32
      %max3A_864 = vector.broadcast %max3A_863 : f32 to vector<16xf32>
      %max3A_865 = arith.maximumf %gather3A_839, %max3A_864 : vector<16xf32>
      %mul3A_866 = arith.mulf %add3A_862, %exp3A_844 : vector<16xf32>
      %add3A_867 = arith.addf %max3A_865, %mul3A_866 : vector<16xf32>
      %bitcast3A_868 = vector.bitcast %add3A_867 : vector<16xf32> to vector<16xi32>
      %shift_right_logical3A_869 = arith.constant 1 : i32
      %shift_right_logical3A_870 = vector.broadcast %shift_right_logical3A_869 : i32 to vector<16xi32>
      %shift_right_logical3A_871 = arith.shrui %bitcast3A_868, %shift_right_logical3A_870 : vector<16xi32>
      %sub3A_872 = arith.constant 1597463007 : i32
      %sub3A_873 = vector.broadcast %sub3A_872 : i32 to vector<16xi32>
      %sub3A_874 = arith.subi %sub3A_873, %shift_right_logical3A_871 : vector<16xi32>
      %bitcast3A_875 = vector.bitcast %sub3A_874 : vector<16xi32> to vector<16xf32>
      %mul3A_876 = arith.constant 5.000000e-01 : f32
      %mul3A_877 = vector.broadcast %mul3A_876 : f32 to vector<16xf32>
      %mul3A_878 = arith.mulf %mul3A_877, %add3A_867 : vector<16xf32>
      %mul3A_879 = arith.mulf %mul3A_878, %bitcast3A_875 : vector<16xf32>
      %mul3A_880 = arith.mulf %mul3A_879, %bitcast3A_875 : vector<16xf32>
      %sub3A_881 = arith.constant 1.500000e+00 : f32
      %sub3A_882 = vector.broadcast %sub3A_881 : f32 to vector<16xf32>
      %sub3A_883 = arith.subf %sub3A_882, %mul3A_880 : vector<16xf32>
      %mul3A_884 = arith.mulf %bitcast3A_875, %sub3A_883 : vector<16xf32>
      %mul3A_885 = arith.constant 5.000000e-01 : f32
      %mul3A_886 = vector.broadcast %mul3A_885 : f32 to vector<16xf32>
      %mul3A_887 = arith.mulf %mul3A_886, %add3A_867 : vector<16xf32>
      %mul3A_888 = arith.mulf %mul3A_887, %mul3A_884 : vector<16xf32>
      %mul3A_889 = arith.mulf %mul3A_888, %mul3A_884 : vector<16xf32>
      %sub3A_890 = arith.constant 1.500000e+00 : f32
      %sub3A_891 = vector.broadcast %sub3A_890 : f32 to vector<16xf32>
      %sub3A_892 = arith.subf %sub3A_891, %mul3A_889 : vector<16xf32>
      %mul3A_893 = arith.mulf %mul3A_884, %sub3A_892 : vector<16xf32>
      %mul3A_894 = arith.mulf %add3A_867, %mul3A_893 : vector<16xf32>
      %mul3A_895 = arith.constant 16 : i32
      %mul3A_896 = arith.muli %scan3A_768, %mul3A_895 : i32
      %get3A_897 = arith.constant 2 : i32
      %get3A_898 = arith.constant 0 : i32
      %get3A_899 = arith.index_cast %get3A_897 : i32 to index
      %get3A_900 = arith.index_cast %get3A_898 : i32 to index
      %get3A_901 = arith.index_cast %mul3A_896 : i32 to index
      %get3A_902 = tpu.vector_load %arg9[%get3A_899, %get3A_900, %get3A_901] {strides = array<i32>} : memref<7x4x128xi32, #tpu.memory_space<vmem>>, vector<16xi32>,
      %gather3A_903 = tpu.vector_load_idx %arg10[%get3A_902, %add3A_775] : memref<64x512xf32, #tpu.memory_space<vmem>>[vector<16xi32>, vector<16xi32>], vector<16xf32>,
      %abs3A_904 = math.absf %gather3A_903 : vector<16xf32>
      %neg3A_905 = arith.constant 0.000000e+00 : f32
      %neg3A_906 = vector.broadcast %neg3A_905 : f32 to vector<16xf32>
      %neg3A_907 = arith.subf %neg3A_906, %abs3A_904 : vector<16xf32>
      %exp3A_908 = math.exp %neg3A_907 : vector<16xf32>
      %broadcast_in_dim3A_909 = arith.constant 0.0410640724 : f32
      %broadcast_in_dim3A_910 = vector.broadcast %broadcast_in_dim3A_909 : f32 to vector<16xf32>
      %mul3A_911 = arith.mulf %broadcast_in_dim3A_910, %exp3A_908 : vector<16xf32>
      %add3A_912 = arith.constant -0.156026945 : f32
      %add3A_913 = vector.broadcast %add3A_912 : f32 to vector<16xf32>
      %add3A_914 = arith.addf %mul3A_911, %add3A_913 : vector<16xf32>
      %mul3A_915 = arith.mulf %add3A_914, %exp3A_908 : vector<16xf32>
      %add3A_916 = arith.constant 0.30467087 : f32
      %add3A_917 = vector.broadcast %add3A_916 : f32 to vector<16xf32>
      %add3A_918 = arith.addf %mul3A_915, %add3A_917 : vector<16xf32>
      %mul3A_919 = arith.mulf %add3A_918, %exp3A_908 : vector<16xf32>
      %add3A_920 = arith.constant -0.496367753 : f32
      %add3A_921 = vector.broadcast %add3A_920 : f32 to vector<16xf32>
      %add3A_922 = arith.addf %mul3A_919, %add3A_921 : vector<16xf32>
      %mul3A_923 = arith.mulf %add3A_922, %exp3A_908 : vector<16xf32>
      %add3A_924 = arith.constant 0.999887883 : f32
      %add3A_925 = vector.broadcast %add3A_924 : f32 to vector<16xf32>
      %add3A_926 = arith.addf %mul3A_923, %add3A_925 : vector<16xf32>
      %max3A_927 = arith.constant 0.000000e+00 : f32
      %max3A_928 = vector.broadcast %max3A_927 : f32 to vector<16xf32>
      %max3A_929 = arith.maximumf %gather3A_903, %max3A_928 : vector<16xf32>
      %mul3A_930 = arith.mulf %add3A_926, %exp3A_908 : vector<16xf32>
      %add3A_931 = arith.addf %max3A_929, %mul3A_930 : vector<16xf32>
      %bitcast3A_932 = vector.bitcast %add3A_931 : vector<16xf32> to vector<16xi32>
      %shift_right_logical3A_933 = arith.constant 1 : i32
      %shift_right_logical3A_934 = vector.broadcast %shift_right_logical3A_933 : i32 to vector<16xi32>
      %shift_right_logical3A_935 = arith.shrui %bitcast3A_932, %shift_right_logical3A_934 : vector<16xi32>
      %sub3A_936 = arith.constant 1597463007 : i32
      %sub3A_937 = vector.broadcast %sub3A_936 : i32 to vector<16xi32>
      %sub3A_938 = arith.subi %sub3A_937, %shift_right_logical3A_935 : vector<16xi32>
      %bitcast3A_939 = vector.bitcast %sub3A_938 : vector<16xi32> to vector<16xf32>
      %mul3A_940 = arith.constant 5.000000e-01 : f32
      %mul3A_941 = vector.broadcast %mul3A_940 : f32 to vector<16xf32>
      %mul3A_942 = arith.mulf %mul3A_941, %add3A_931 : vector<16xf32>
      %mul3A_943 = arith.mulf %mul3A_942, %bitcast3A_939 : vector<16xf32>
      %mul3A_944 = arith.mulf %mul3A_943, %bitcast3A_939 : vector<16xf32>
      %sub3A_945 = arith.constant 1.500000e+00 : f32
      %sub3A_946 = vector.broadcast %sub3A_945 : f32 to vector<16xf32>
      %sub3A_947 = arith.subf %sub3A_946, %mul3A_944 : vector<16xf32>
      %mul3A_948 = arith.mulf %bitcast3A_939, %sub3A_947 : vector<16xf32>
      %mul3A_949 = arith.constant 5.000000e-01 : f32
      %mul3A_950 = vector.broadcast %mul3A_949 : f32 to vector<16xf32>
      %mul3A_951 = arith.mulf %mul3A_950, %add3A_931 : vector<16xf32>
      %mul3A_952 = arith.mulf %mul3A_951, %mul3A_948 : vector<16xf32>
      %mul3A_953 = arith.mulf %mul3A_952, %mul3A_948 : vector<16xf32>
      %sub3A_954 = arith.constant 1.500000e+00 : f32
      %sub3A_955 = vector.broadcast %sub3A_954 : f32 to vector<16xf32>
      %sub3A_956 = arith.subf %sub3A_955, %mul3A_953 : vector<16xf32>
      %mul3A_957 = arith.mulf %mul3A_948, %sub3A_956 : vector<16xf32>
      %mul3A_958 = arith.mulf %add3A_931, %mul3A_957 : vector<16xf32>
      %mul3A_959 = arith.constant 16 : i32
      %mul3A_960 = arith.muli %scan3A_768, %mul3A_959 : i32
      %get3A_961 = arith.constant 3 : i32
      %get3A_962 = arith.constant 0 : i32
      %get3A_963 = arith.index_cast %get3A_961 : i32 to index
      %get3A_964 = arith.index_cast %get3A_962 : i32 to index
      %get3A_965 = arith.index_cast %mul3A_960 : i32 to index
      %get3A_966 = tpu.vector_load %arg9[%get3A_963, %get3A_964, %get3A_965] {strides = array<i32>} : memref<7x4x128xi32, #tpu.memory_space<vmem>>, vector<16xi32>,
      %gather3A_967 = tpu.vector_load_idx %arg10[%get3A_966, %add3A_775] : memref<64x512xf32, #tpu.memory_space<vmem>>[vector<16xi32>, vector<16xi32>], vector<16xf32>,
      %abs3A_968 = math.absf %gather3A_967 : vector<16xf32>
      %neg3A_969 = arith.constant 0.000000e+00 : f32
      %neg3A_970 = vector.broadcast %neg3A_969 : f32 to vector<16xf32>
      %neg3A_971 = arith.subf %neg3A_970, %abs3A_968 : vector<16xf32>
      %exp3A_972 = math.exp %neg3A_971 : vector<16xf32>
      %broadcast_in_dim3A_973 = arith.constant 0.0410640724 : f32
      %broadcast_in_dim3A_974 = vector.broadcast %broadcast_in_dim3A_973 : f32 to vector<16xf32>
      %mul3A_975 = arith.mulf %broadcast_in_dim3A_974, %exp3A_972 : vector<16xf32>
      %add3A_976 = arith.constant -0.156026945 : f32
      %add3A_977 = vector.broadcast %add3A_976 : f32 to vector<16xf32>
      %add3A_978 = arith.addf %mul3A_975, %add3A_977 : vector<16xf32>
      %mul3A_979 = arith.mulf %add3A_978, %exp3A_972 : vector<16xf32>
      %add3A_980 = arith.constant 0.30467087 : f32
      %add3A_981 = vector.broadcast %add3A_980 : f32 to vector<16xf32>
      %add3A_982 = arith.addf %mul3A_979, %add3A_981 : vector<16xf32>
      %mul3A_983 = arith.mulf %add3A_982, %exp3A_972 : vector<16xf32>
      %add3A_984 = arith.constant -0.496367753 : f32
      %add3A_985 = vector.broadcast %add3A_984 : f32 to vector<16xf32>
      %add3A_986 = arith.addf %mul3A_983, %add3A_985 : vector<16xf32>
      %mul3A_987 = arith.mulf %add3A_986, %exp3A_972 : vector<16xf32>
      %add3A_988 = arith.constant 0.999887883 : f32
      %add3A_989 = vector.broadcast %add3A_988 : f32 to vector<16xf32>
      %add3A_990 = arith.addf %mul3A_987, %add3A_989 : vector<16xf32>
      %max3A_991 = arith.constant 0.000000e+00 : f32
      %max3A_992 = vector.broadcast %max3A_991 : f32 to vector<16xf32>
      %max3A_993 = arith.maximumf %gather3A_967, %max3A_992 : vector<16xf32>
      %mul3A_994 = arith.mulf %add3A_990, %exp3A_972 : vector<16xf32>
      %add3A_995 = arith.addf %max3A_993, %mul3A_994 : vector<16xf32>
      %bitcast3A_996 = vector.bitcast %add3A_995 : vector<16xf32> to vector<16xi32>
      %shift_right_logical3A_997 = arith.constant 1 : i32
      %shift_right_logical3A_998 = vector.broadcast %shift_right_logical3A_997 : i32 to vector<16xi32>
      %shift_right_logical3A_999 = arith.shrui %bitcast3A_996, %shift_right_logical3A_998 : vector<16xi32>
      %sub3A_1000 = arith.constant 1597463007 : i32
      %sub3A_1001 = vector.broadcast %sub3A_1000 : i32 to vector<16xi32>
      %sub3A_1002 = arith.subi %sub3A_1001, %shift_right_logical3A_999 : vector<16xi32>
      %bitcast3A_1003 = vector.bitcast %sub3A_1002 : vector<16xi32> to vector<16xf32>
      %mul3A_1004 = arith.constant 5.000000e-01 : f32
      %mul3A_1005 = vector.broadcast %mul3A_1004 : f32 to vector<16xf32>
      %mul3A_1006 = arith.mulf %mul3A_1005, %add3A_995 : vector<16xf32>
      %mul3A_1007 = arith.mulf %mul3A_1006, %bitcast3A_1003 : vector<16xf32>
      %mul3A_1008 = arith.mulf %mul3A_1007, %bitcast3A_1003 : vector<16xf32>
      %sub3A_1009 = arith.constant 1.500000e+00 : f32
      %sub3A_1010 = vector.broadcast %sub3A_1009 : f32 to vector<16xf32>
      %sub3A_1011 = arith.subf %sub3A_1010, %mul3A_1008 : vector<16xf32>
      %mul3A_1012 = arith.mulf %bitcast3A_1003, %sub3A_1011 : vector<16xf32>
      %mul3A_1013 = arith.constant 5.000000e-01 : f32
      %mul3A_1014 = vector.broadcast %mul3A_1013 : f32 to vector<16xf32>
      %mul3A_1015 = arith.mulf %mul3A_1014, %add3A_995 : vector<16xf32>
      %mul3A_1016 = arith.mulf %mul3A_1015, %mul3A_1012 : vector<16xf32>
      %mul3A_1017 = arith.mulf %mul3A_1016, %mul3A_1012 : vector<16xf32>
      %sub3A_1018 = arith.constant 1.500000e+00 : f32
      %sub3A_1019 = vector.broadcast %sub3A_1018 : f32 to vector<16xf32>
      %sub3A_1020 = arith.subf %sub3A_1019, %mul3A_1017 : vector<16xf32>
      %mul3A_1021 = arith.mulf %mul3A_1012, %sub3A_1020 : vector<16xf32>
      %mul3A_1022 = arith.mulf %add3A_995, %mul3A_1021 : vector<16xf32>
      %mul3A_1023 = arith.constant 16 : i32
      %mul3A_1024 = arith.muli %scan3A_768, %mul3A_1023 : i32
      %get3A_1025 = arith.constant 4 : i32
      %get3A_1026 = arith.constant 0 : i32
      %get3A_1027 = arith.index_cast %get3A_1025 : i32 to index
      %get3A_1028 = arith.index_cast %get3A_1026 : i32 to index
      %get3A_1029 = arith.index_cast %mul3A_1024 : i32 to index
      %get3A_1030 = tpu.vector_load %arg9[%get3A_1027, %get3A_1028, %get3A_1029] {strides = array<i32>} : memref<7x4x128xi32, #tpu.memory_space<vmem>>, vector<16xi32>,
      %gather3A_1031 = tpu.vector_load_idx %arg10[%get3A_1030, %add3A_775] : memref<64x512xf32, #tpu.memory_space<vmem>>[vector<16xi32>, vector<16xi32>], vector<16xf32>,
      %abs3A_1032 = math.absf %gather3A_1031 : vector<16xf32>
      %neg3A_1033 = arith.constant 0.000000e+00 : f32
      %neg3A_1034 = vector.broadcast %neg3A_1033 : f32 to vector<16xf32>
      %neg3A_1035 = arith.subf %neg3A_1034, %abs3A_1032 : vector<16xf32>
      %exp3A_1036 = math.exp %neg3A_1035 : vector<16xf32>
      %broadcast_in_dim3A_1037 = arith.constant 0.0410640724 : f32
      %broadcast_in_dim3A_1038 = vector.broadcast %broadcast_in_dim3A_1037 : f32 to vector<16xf32>
      %mul3A_1039 = arith.mulf %broadcast_in_dim3A_1038, %exp3A_1036 : vector<16xf32>
      %add3A_1040 = arith.constant -0.156026945 : f32
      %add3A_1041 = vector.broadcast %add3A_1040 : f32 to vector<16xf32>
      %add3A_1042 = arith.addf %mul3A_1039, %add3A_1041 : vector<16xf32>
      %mul3A_1043 = arith.mulf %add3A_1042, %exp3A_1036 : vector<16xf32>
      %add3A_1044 = arith.constant 0.30467087 : f32
      %add3A_1045 = vector.broadcast %add3A_1044 : f32 to vector<16xf32>
      %add3A_1046 = arith.addf %mul3A_1043, %add3A_1045 : vector<16xf32>
      %mul3A_1047 = arith.mulf %add3A_1046, %exp3A_1036 : vector<16xf32>
      %add3A_1048 = arith.constant -0.496367753 : f32
      %add3A_1049 = vector.broadcast %add3A_1048 : f32 to vector<16xf32>
      %add3A_1050 = arith.addf %mul3A_1047, %add3A_1049 : vector<16xf32>
      %mul3A_1051 = arith.mulf %add3A_1050, %exp3A_1036 : vector<16xf32>
      %add3A_1052 = arith.constant 0.999887883 : f32
      %add3A_1053 = vector.broadcast %add3A_1052 : f32 to vector<16xf32>
      %add3A_1054 = arith.addf %mul3A_1051, %add3A_1053 : vector<16xf32>
      %max3A_1055 = arith.constant 0.000000e+00 : f32
      %max3A_1056 = vector.broadcast %max3A_1055 : f32 to vector<16xf32>
      %max3A_1057 = arith.maximumf %gather3A_1031, %max3A_1056 : vector<16xf32>
      %mul3A_1058 = arith.mulf %add3A_1054, %exp3A_1036 : vector<16xf32>
      %add3A_1059 = arith.addf %max3A_1057, %mul3A_1058 : vector<16xf32>
      %bitcast3A_1060 = vector.bitcast %add3A_1059 : vector<16xf32> to vector<16xi32>
      %shift_right_logical3A_1061 = arith.constant 1 : i32
      %shift_right_logical3A_1062 = vector.broadcast %shift_right_logical3A_1061 : i32 to vector<16xi32>
      %shift_right_logical3A_1063 = arith.shrui %bitcast3A_1060, %shift_right_logical3A_1062 : vector<16xi32>
      %sub3A_1064 = arith.constant 1597463007 : i32
      %sub3A_1065 = vector.broadcast %sub3A_1064 : i32 to vector<16xi32>
      %sub3A_1066 = arith.subi %sub3A_1065, %shift_right_logical3A_1063 : vector<16xi32>
      %bitcast3A_1067 = vector.bitcast %sub3A_1066 : vector<16xi32> to vector<16xf32>
      %mul3A_1068 = arith.constant 5.000000e-01 : f32
      %mul3A_1069 = vector.broadcast %mul3A_1068 : f32 to vector<16xf32>
      %mul3A_1070 = arith.mulf %mul3A_1069, %add3A_1059 : vector<16xf32>
      %mul3A_1071 = arith.mulf %mul3A_1070, %bitcast3A_1067 : vector<16xf32>
      %mul3A_1072 = arith.mulf %mul3A_1071, %bitcast3A_1067 : vector<16xf32>
      %sub3A_1073 = arith.constant 1.500000e+00 : f32
      %sub3A_1074 = vector.broadcast %sub3A_1073 : f32 to vector<16xf32>
      %sub3A_1075 = arith.subf %sub3A_1074, %mul3A_1072 : vector<16xf32>
      %mul3A_1076 = arith.mulf %bitcast3A_1067, %sub3A_1075 : vector<16xf32>
      %mul3A_1077 = arith.constant 5.000000e-01 : f32
      %mul3A_1078 = vector.broadcast %mul3A_1077 : f32 to vector<16xf32>
      %mul3A_1079 = arith.mulf %mul3A_1078, %add3A_1059 : vector<16xf32>
      %mul3A_1080 = arith.mulf %mul3A_1079, %mul3A_1076 : vector<16xf32>
      %mul3A_1081 = arith.mulf %mul3A_1080, %mul3A_1076 : vector<16xf32>
      %sub3A_1082 = arith.constant 1.500000e+00 : f32
      %sub3A_1083 = vector.broadcast %sub3A_1082 : f32 to vector<16xf32>
      %sub3A_1084 = arith.subf %sub3A_1083, %mul3A_1081 : vector<16xf32>
      %mul3A_1085 = arith.mulf %mul3A_1076, %sub3A_1084 : vector<16xf32>
      %mul3A_1086 = arith.mulf %add3A_1059, %mul3A_1085 : vector<16xf32>
      %mul3A_1087 = arith.constant 16 : i32
      %mul3A_1088 = arith.muli %scan3A_768, %mul3A_1087 : i32
      %get3A_1089 = arith.constant 5 : i32
      %get3A_1090 = arith.constant 0 : i32
      %get3A_1091 = arith.index_cast %get3A_1089 : i32 to index
      %get3A_1092 = arith.index_cast %get3A_1090 : i32 to index
      %get3A_1093 = arith.index_cast %mul3A_1088 : i32 to index
      %get3A_1094 = tpu.vector_load %arg9[%get3A_1091, %get3A_1092, %get3A_1093] {strides = array<i32>} : memref<7x4x128xi32, #tpu.memory_space<vmem>>, vector<16xi32>,
      %gather3A_1095 = tpu.vector_load_idx %arg10[%get3A_1094, %add3A_775] : memref<64x512xf32, #tpu.memory_space<vmem>>[vector<16xi32>, vector<16xi32>], vector<16xf32>,
      %abs3A_1096 = math.absf %gather3A_1095 : vector<16xf32>
      %neg3A_1097 = arith.constant 0.000000e+00 : f32
      %neg3A_1098 = vector.broadcast %neg3A_1097 : f32 to vector<16xf32>
      %neg3A_1099 = arith.subf %neg3A_1098, %abs3A_1096 : vector<16xf32>
      %exp3A_1100 = math.exp %neg3A_1099 : vector<16xf32>
      %broadcast_in_dim3A_1101 = arith.constant 0.0410640724 : f32
      %broadcast_in_dim3A_1102 = vector.broadcast %broadcast_in_dim3A_1101 : f32 to vector<16xf32>
      %mul3A_1103 = arith.mulf %broadcast_in_dim3A_1102, %exp3A_1100 : vector<16xf32>
      %add3A_1104 = arith.constant -0.156026945 : f32
      %add3A_1105 = vector.broadcast %add3A_1104 : f32 to vector<16xf32>
      %add3A_1106 = arith.addf %mul3A_1103, %add3A_1105 : vector<16xf32>
      %mul3A_1107 = arith.mulf %add3A_1106, %exp3A_1100 : vector<16xf32>
      %add3A_1108 = arith.constant 0.30467087 : f32
      %add3A_1109 = vector.broadcast %add3A_1108 : f32 to vector<16xf32>
      %add3A_1110 = arith.addf %mul3A_1107, %add3A_1109 : vector<16xf32>
      %mul3A_1111 = arith.mulf %add3A_1110, %exp3A_1100 : vector<16xf32>
      %add3A_1112 = arith.constant -0.496367753 : f32
      %add3A_1113 = vector.broadcast %add3A_1112 : f32 to vector<16xf32>
      %add3A_1114 = arith.addf %mul3A_1111, %add3A_1113 : vector<16xf32>
      %mul3A_1115 = arith.mulf %add3A_1114, %exp3A_1100 : vector<16xf32>
      %add3A_1116 = arith.constant 0.999887883 : f32
      %add3A_1117 = vector.broadcast %add3A_1116 : f32 to vector<16xf32>
      %add3A_1118 = arith.addf %mul3A_1115, %add3A_1117 : vector<16xf32>
      %max3A_1119 = arith.constant 0.000000e+00 : f32
      %max3A_1120 = vector.broadcast %max3A_1119 : f32 to vector<16xf32>
      %max3A_1121 = arith.maximumf %gather3A_1095, %max3A_1120 : vector<16xf32>
      %mul3A_1122 = arith.mulf %add3A_1118, %exp3A_1100 : vector<16xf32>
      %add3A_1123 = arith.addf %max3A_1121, %mul3A_1122 : vector<16xf32>
      %bitcast3A_1124 = vector.bitcast %add3A_1123 : vector<16xf32> to vector<16xi32>
      %shift_right_logical3A_1125 = arith.constant 1 : i32
      %shift_right_logical3A_1126 = vector.broadcast %shift_right_logical3A_1125 : i32 to vector<16xi32>
      %shift_right_logical3A_1127 = arith.shrui %bitcast3A_1124, %shift_right_logical3A_1126 : vector<16xi32>
      %sub3A_1128 = arith.constant 1597463007 : i32
      %sub3A_1129 = vector.broadcast %sub3A_1128 : i32 to vector<16xi32>
      %sub3A_1130 = arith.subi %sub3A_1129, %shift_right_logical3A_1127 : vector<16xi32>
      %bitcast3A_1131 = vector.bitcast %sub3A_1130 : vector<16xi32> to vector<16xf32>
      %mul3A_1132 = arith.constant 5.000000e-01 : f32
      %mul3A_1133 = vector.broadcast %mul3A_1132 : f32 to vector<16xf32>
      %mul3A_1134 = arith.mulf %mul3A_1133, %add3A_1123 : vector<16xf32>
      %mul3A_1135 = arith.mulf %mul3A_1134, %bitcast3A_1131 : vector<16xf32>
      %mul3A_1136 = arith.mulf %mul3A_1135, %bitcast3A_1131 : vector<16xf32>
      %sub3A_1137 = arith.constant 1.500000e+00 : f32
      %sub3A_1138 = vector.broadcast %sub3A_1137 : f32 to vector<16xf32>
      %sub3A_1139 = arith.subf %sub3A_1138, %mul3A_1136 : vector<16xf32>
      %mul3A_1140 = arith.mulf %bitcast3A_1131, %sub3A_1139 : vector<16xf32>
      %mul3A_1141 = arith.constant 5.000000e-01 : f32
      %mul3A_1142 = vector.broadcast %mul3A_1141 : f32 to vector<16xf32>
      %mul3A_1143 = arith.mulf %mul3A_1142, %add3A_1123 : vector<16xf32>
      %mul3A_1144 = arith.mulf %mul3A_1143, %mul3A_1140 : vector<16xf32>
      %mul3A_1145 = arith.mulf %mul3A_1144, %mul3A_1140 : vector<16xf32>
      %sub3A_1146 = arith.constant 1.500000e+00 : f32
      %sub3A_1147 = vector.broadcast %sub3A_1146 : f32 to vector<16xf32>
      %sub3A_1148 = arith.subf %sub3A_1147, %mul3A_1145 : vector<16xf32>
      %mul3A_1149 = arith.mulf %mul3A_1140, %sub3A_1148 : vector<16xf32>
      %mul3A_1150 = arith.mulf %add3A_1123, %mul3A_1149 : vector<16xf32>
      %mul3A_1151 = arith.constant 16 : i32
      %mul3A_1152 = arith.muli %scan3A_768, %mul3A_1151 : i32
      %get3A_1153 = arith.constant 6 : i32
      %get3A_1154 = arith.constant 0 : i32
      %get3A_1155 = arith.index_cast %get3A_1153 : i32 to index
      %get3A_1156 = arith.index_cast %get3A_1154 : i32 to index
      %get3A_1157 = arith.index_cast %mul3A_1152 : i32 to index
      %get3A_1158 = tpu.vector_load %arg9[%get3A_1155, %get3A_1156, %get3A_1157] {strides = array<i32>} : memref<7x4x128xi32, #tpu.memory_space<vmem>>, vector<16xi32>,
      %gather3A_1159 = tpu.vector_load_idx %arg10[%get3A_1158, %add3A_775] : memref<64x512xf32, #tpu.memory_space<vmem>>[vector<16xi32>, vector<16xi32>], vector<16xf32>,
      %abs3A_1160 = math.absf %gather3A_1159 : vector<16xf32>
      %neg3A_1161 = arith.constant 0.000000e+00 : f32
      %neg3A_1162 = vector.broadcast %neg3A_1161 : f32 to vector<16xf32>
      %neg3A_1163 = arith.subf %neg3A_1162, %abs3A_1160 : vector<16xf32>
      %exp3A_1164 = math.exp %neg3A_1163 : vector<16xf32>
      %broadcast_in_dim3A_1165 = arith.constant 0.0410640724 : f32
      %broadcast_in_dim3A_1166 = vector.broadcast %broadcast_in_dim3A_1165 : f32 to vector<16xf32>
      %mul3A_1167 = arith.mulf %broadcast_in_dim3A_1166, %exp3A_1164 : vector<16xf32>
      %add3A_1168 = arith.constant -0.156026945 : f32
      %add3A_1169 = vector.broadcast %add3A_1168 : f32 to vector<16xf32>
      %add3A_1170 = arith.addf %mul3A_1167, %add3A_1169 : vector<16xf32>
      %mul3A_1171 = arith.mulf %add3A_1170, %exp3A_1164 : vector<16xf32>
      %add3A_1172 = arith.constant 0.30467087 : f32
      %add3A_1173 = vector.broadcast %add3A_1172 : f32 to vector<16xf32>
      %add3A_1174 = arith.addf %mul3A_1171, %add3A_1173 : vector<16xf32>
      %mul3A_1175 = arith.mulf %add3A_1174, %exp3A_1164 : vector<16xf32>
      %add3A_1176 = arith.constant -0.496367753 : f32
      %add3A_1177 = vector.broadcast %add3A_1176 : f32 to vector<16xf32>
      %add3A_1178 = arith.addf %mul3A_1175, %add3A_1177 : vector<16xf32>
      %mul3A_1179 = arith.mulf %add3A_1178, %exp3A_1164 : vector<16xf32>
      %add3A_1180 = arith.constant 0.999887883 : f32
      %add3A_1181 = vector.broadcast %add3A_1180 : f32 to vector<16xf32>
      %add3A_1182 = arith.addf %mul3A_1179, %add3A_1181 : vector<16xf32>
      %max3A_1183 = arith.constant 0.000000e+00 : f32
      %max3A_1184 = vector.broadcast %max3A_1183 : f32 to vector<16xf32>
      %max3A_1185 = arith.maximumf %gather3A_1159, %max3A_1184 : vector<16xf32>
      %mul3A_1186 = arith.mulf %add3A_1182, %exp3A_1164 : vector<16xf32>
      %add3A_1187 = arith.addf %max3A_1185, %mul3A_1186 : vector<16xf32>
      %bitcast3A_1188 = vector.bitcast %add3A_1187 : vector<16xf32> to vector<16xi32>
      %shift_right_logical3A_1189 = arith.constant 1 : i32
      %shift_right_logical3A_1190 = vector.broadcast %shift_right_logical3A_1189 : i32 to vector<16xi32>
      %shift_right_logical3A_1191 = arith.shrui %bitcast3A_1188, %shift_right_logical3A_1190 : vector<16xi32>
      %sub3A_1192 = arith.constant 1597463007 : i32
      %sub3A_1193 = vector.broadcast %sub3A_1192 : i32 to vector<16xi32>
      %sub3A_1194 = arith.subi %sub3A_1193, %shift_right_logical3A_1191 : vector<16xi32>
      %bitcast3A_1195 = vector.bitcast %sub3A_1194 : vector<16xi32> to vector<16xf32>
      %mul3A_1196 = arith.constant 5.000000e-01 : f32
      %mul3A_1197 = vector.broadcast %mul3A_1196 : f32 to vector<16xf32>
      %mul3A_1198 = arith.mulf %mul3A_1197, %add3A_1187 : vector<16xf32>
      %mul3A_1199 = arith.mulf %mul3A_1198, %bitcast3A_1195 : vector<16xf32>
      %mul3A_1200 = arith.mulf %mul3A_1199, %bitcast3A_1195 : vector<16xf32>
      %sub3A_1201 = arith.constant 1.500000e+00 : f32
      %sub3A_1202 = vector.broadcast %sub3A_1201 : f32 to vector<16xf32>
      %sub3A_1203 = arith.subf %sub3A_1202, %mul3A_1200 : vector<16xf32>
      %mul3A_1204 = arith.mulf %bitcast3A_1195, %sub3A_1203 : vector<16xf32>
      %mul3A_1205 = arith.constant 5.000000e-01 : f32
      %mul3A_1206 = vector.broadcast %mul3A_1205 : f32 to vector<16xf32>
      %mul3A_1207 = arith.mulf %mul3A_1206, %add3A_1187 : vector<16xf32>
      %mul3A_1208 = arith.mulf %mul3A_1207, %mul3A_1204 : vector<16xf32>
      %mul3A_1209 = arith.mulf %mul3A_1208, %mul3A_1204 : vector<16xf32>
      %sub3A_1210 = arith.constant 1.500000e+00 : f32
      %sub3A_1211 = vector.broadcast %sub3A_1210 : f32 to vector<16xf32>
      %sub3A_1212 = arith.subf %sub3A_1211, %mul3A_1209 : vector<16xf32>
      %mul3A_1213 = arith.mulf %mul3A_1204, %sub3A_1212 : vector<16xf32>
      %mul3A_1214 = arith.mulf %add3A_1187, %mul3A_1213 : vector<16xf32>
      %add3A_1215 = arith.addf %mul3A_830, %mul3A_894 : vector<16xf32>
      %add3A_1216 = arith.addf %add3A_1215, %mul3A_958 : vector<16xf32>
      %add3A_1217 = arith.addf %add3A_1216, %mul3A_1022 : vector<16xf32>
      %add3A_1218 = arith.addf %add3A_1217, %mul3A_1086 : vector<16xf32>
      %add3A_1219 = arith.addf %add3A_1218, %mul3A_1150 : vector<16xf32>
      %add3A_1220 = arith.addf %add3A_1219, %mul3A_1214 : vector<16xf32>
      %div3A_1221 = arith.constant 1.000000e+00 : f32
      %div3A_1222 = vector.broadcast %div3A_1221 : f32 to vector<16xf32>
      %div3A_1223 = arith.divf %div3A_1222, %add3A_1220 : vector<16xf32>
      %broadcast_in_dim3A_1224 = arith.constant 0.000000e+00 : f32
      %broadcast_in_dim3A_1225 = vector.broadcast %broadcast_in_dim3A_1224 : f32 to vector<16xf32>
      %mul3A_1226 = arith.mulf %mul3A_830, %div3A_1223 : vector<16xf32>
      %add3A_1227 = arith.addf %broadcast_in_dim3A_1225, %mul3A_1226 : vector<16xf32>
      %mul3A_1228 = arith.constant 16 : i32
      %mul3A_1229 = arith.muli %scan3A_768, %mul3A_1228 : i32
      %swap3A = arith.constant 0 : i32
      %swap3A_1230 = arith.constant 0 : i32
      %swap3A_1231 = arith.index_cast %swap3A : i32 to index
      %swap3A_1232 = arith.index_cast %swap3A_1230 : i32 to index
      %swap3A_1233 = arith.index_cast %mul3A_1229 : i32 to index
      %swap3A_1234 = tpu.vector_load %arg11[%swap3A_1231, %swap3A_1232, %swap3A_1233] {strides = array<i32>} : memref<4x8x128xf32, #tpu.memory_space<vmem>>, vector<16xf32>,
      tpu.vector_store %arg11[%swap3A_1231, %swap3A_1232, %swap3A_1233], %mul3A_1226 {strides = array<i32>} : memref<4x8x128xf32, #tpu.memory_space<vmem>>, vector<16xf32>,
      %mul3A_1235 = arith.constant 16 : i32
      %mul3A_1236 = arith.muli %scan3A_768, %mul3A_1235 : i32
      %swap3A_1237 = arith.constant 0 : i32
      %swap3A_1238 = arith.constant 0 : i32
      %swap3A_1239 = arith.index_cast %swap3A_1237 : i32 to index
      %swap3A_1240 = arith.index_cast %swap3A_1238 : i32 to index
      %swap3A_1241 = arith.index_cast %mul3A_1236 : i32 to index
      %swap3A_1242 = tpu.vector_load %arg12[%swap3A_1239, %swap3A_1240, %swap3A_1241] {strides = array<i32>} : memref<4x8x128xi32, #tpu.memory_space<vmem>>, vector<16xi32>,
      tpu.vector_store %arg12[%swap3A_1239, %swap3A_1240, %swap3A_1241], %get3A_782 {strides = array<i32>} : memref<4x8x128xi32, #tpu.memory_space<vmem>>, vector<16xi32>,
      %mul3A_1243 = arith.mulf %mul3A_894, %div3A_1223 : vector<16xf32>
      %add3A_1244 = arith.addf %add3A_1227, %mul3A_1243 : vector<16xf32>
      %mul3A_1245 = arith.constant 16 : i32
      %mul3A_1246 = arith.muli %scan3A_768, %mul3A_1245 : i32
      %swap3A_1247 = arith.constant 0 : i32
      %swap3A_1248 = arith.constant 1 : i32
      %swap3A_1249 = arith.index_cast %swap3A_1247 : i32 to index
      %swap3A_1250 = arith.index_cast %swap3A_1248 : i32 to index
      %swap3A_1251 = arith.index_cast %mul3A_1246 : i32 to index
      %swap3A_1252 = tpu.vector_load %arg11[%swap3A_1249, %swap3A_1250, %swap3A_1251] {strides = array<i32>} : memref<4x8x128xf32, #tpu.memory_space<vmem>>, vector<16xf32>,
      tpu.vector_store %arg11[%swap3A_1249, %swap3A_1250, %swap3A_1251], %mul3A_1243 {strides = array<i32>} : memref<4x8x128xf32, #tpu.memory_space<vmem>>, vector<16xf32>,
      %mul3A_1253 = arith.constant 16 : i32
      %mul3A_1254 = arith.muli %scan3A_768, %mul3A_1253 : i32
      %swap3A_1255 = arith.constant 0 : i32
      %swap3A_1256 = arith.constant 1 : i32
      %swap3A_1257 = arith.index_cast %swap3A_1255 : i32 to index
      %swap3A_1258 = arith.index_cast %swap3A_1256 : i32 to index
      %swap3A_1259 = arith.index_cast %mul3A_1254 : i32 to index
      %swap3A_1260 = tpu.vector_load %arg12[%swap3A_1257, %swap3A_1258, %swap3A_1259] {strides = array<i32>} : memref<4x8x128xi32, #tpu.memory_space<vmem>>, vector<16xi32>,
      tpu.vector_store %arg12[%swap3A_1257, %swap3A_1258, %swap3A_1259], %get3A_838 {strides = array<i32>} : memref<4x8x128xi32, #tpu.memory_space<vmem>>, vector<16xi32>,
      %mul3A_1261 = arith.mulf %mul3A_958, %div3A_1223 : vector<16xf32>
      %add3A_1262 = arith.addf %add3A_1244, %mul3A_1261 : vector<16xf32>
      %mul3A_1263 = arith.constant 16 : i32
      %mul3A_1264 = arith.muli %scan3A_768, %mul3A_1263 : i32
      %swap3A_1265 = arith.constant 0 : i32
      %swap3A_1266 = arith.constant 2 : i32
      %swap3A_1267 = arith.index_cast %swap3A_1265 : i32 to index
      %swap3A_1268 = arith.index_cast %swap3A_1266 : i32 to index
      %swap3A_1269 = arith.index_cast %mul3A_1264 : i32 to index
      %swap3A_1270 = tpu.vector_load %arg11[%swap3A_1267, %swap3A_1268, %swap3A_1269] {strides = array<i32>} : memref<4x8x128xf32, #tpu.memory_space<vmem>>, vector<16xf32>,
      tpu.vector_store %arg11[%swap3A_1267, %swap3A_1268, %swap3A_1269], %mul3A_1261 {strides = array<i32>} : memref<4x8x128xf32, #tpu.memory_space<vmem>>, vector<16xf32>,
      %mul3A_1271 = arith.constant 16 : i32
      %mul3A_1272 = arith.muli %scan3A_768, %mul3A_1271 : i32
      %swap3A_1273 = arith.constant 0 : i32
      %swap3A_1274 = arith.constant 2 : i32
      %swap3A_1275 = arith.index_cast %swap3A_1273 : i32 to index
      %swap3A_1276 = arith.index_cast %swap3A_1274 : i32 to index
      %swap3A_1277 = arith.index_cast %mul3A_1272 : i32 to index
      %swap3A_1278 = tpu.vector_load %arg12[%swap3A_1275, %swap3A_1276, %swap3A_1277] {strides = array<i32>} : memref<4x8x128xi32, #tpu.memory_space<vmem>>, vector<16xi32>,
      tpu.vector_store %arg12[%swap3A_1275, %swap3A_1276, %swap3A_1277], %get3A_902 {strides = array<i32>} : memref<4x8x128xi32, #tpu.memory_space<vmem>>, vector<16xi32>,
      %mul3A_1279 = arith.mulf %mul3A_1022, %div3A_1223 : vector<16xf32>
      %add3A_1280 = arith.addf %add3A_1262, %mul3A_1279 : vector<16xf32>
      %mul3A_1281 = arith.constant 16 : i32
      %mul3A_1282 = arith.muli %scan3A_768, %mul3A_1281 : i32
      %swap3A_1283 = arith.constant 0 : i32
      %swap3A_1284 = arith.constant 3 : i32
      %swap3A_1285 = arith.index_cast %swap3A_1283 : i32 to index
      %swap3A_1286 = arith.index_cast %swap3A_1284 : i32 to index
      %swap3A_1287 = arith.index_cast %mul3A_1282 : i32 to index
      %swap3A_1288 = tpu.vector_load %arg11[%swap3A_1285, %swap3A_1286, %swap3A_1287] {strides = array<i32>} : memref<4x8x128xf32, #tpu.memory_space<vmem>>, vector<16xf32>,
      tpu.vector_store %arg11[%swap3A_1285, %swap3A_1286, %swap3A_1287], %mul3A_1279 {strides = array<i32>} : memref<4x8x128xf32, #tpu.memory_space<vmem>>, vector<16xf32>,
      %mul3A_1289 = arith.constant 16 : i32
      %mul3A_1290 = arith.muli %scan3A_768, %mul3A_1289 : i32
      %swap3A_1291 = arith.constant 0 : i32
      %swap3A_1292 = arith.constant 3 : i32
      %swap3A_1293 = arith.index_cast %swap3A_1291 : i32 to index
      %swap3A_1294 = arith.index_cast %swap3A_1292 : i32 to index
      %swap3A_1295 = arith.index_cast %mul3A_1290 : i32 to index
      %swap3A_1296 = tpu.vector_load %arg12[%swap3A_1293, %swap3A_1294, %swap3A_1295] {strides = array<i32>} : memref<4x8x128xi32, #tpu.memory_space<vmem>>, vector<16xi32>,
      tpu.vector_store %arg12[%swap3A_1293, %swap3A_1294, %swap3A_1295], %get3A_966 {strides = array<i32>} : memref<4x8x128xi32, #tpu.memory_space<vmem>>, vector<16xi32>,
      %mul3A_1297 = arith.mulf %mul3A_1086, %div3A_1223 : vector<16xf32>
      %add3A_1298 = arith.addf %add3A_1280, %mul3A_1297 : vector<16xf32>
      %mul3A_1299 = arith.constant 16 : i32
      %mul3A_1300 = arith.muli %scan3A_768, %mul3A_1299 : i32
      %swap3A_1301 = arith.constant 0 : i32
      %swap3A_1302 = arith.constant 4 : i32
      %swap3A_1303 = arith.index_cast %swap3A_1301 : i32 to index
      %swap3A_1304 = arith.index_cast %swap3A_1302 : i32 to index
      %swap3A_1305 = arith.index_cast %mul3A_1300 : i32 to index
      %swap3A_1306 = tpu.vector_load %arg11[%swap3A_1303, %swap3A_1304, %swap3A_1305] {strides = array<i32>} : memref<4x8x128xf32, #tpu.memory_space<vmem>>, vector<16xf32>,
      tpu.vector_store %arg11[%swap3A_1303, %swap3A_1304, %swap3A_1305], %mul3A_1297 {strides = array<i32>} : memref<4x8x128xf32, #tpu.memory_space<vmem>>, vector<16xf32>,
      %mul3A_1307 = arith.constant 16 : i32
      %mul3A_1308 = arith.muli %scan3A_768, %mul3A_1307 : i32
      %swap3A_1309 = arith.constant 0 : i32
      %swap3A_1310 = arith.constant 4 : i32
      %swap3A_1311 = arith.index_cast %swap3A_1309 : i32 to index
      %swap3A_1312 = arith.index_cast %swap3A_1310 : i32 to index
      %swap3A_1313 = arith.index_cast %mul3A_1308 : i32 to index
      %swap3A_1314 = tpu.vector_load %arg12[%swap3A_1311, %swap3A_1312, %swap3A_1313] {strides = array<i32>} : memref<4x8x128xi32, #tpu.memory_space<vmem>>, vector<16xi32>,
      tpu.vector_store %arg12[%swap3A_1311, %swap3A_1312, %swap3A_1313], %get3A_1030 {strides = array<i32>} : memref<4x8x128xi32, #tpu.memory_space<vmem>>, vector<16xi32>,
      %mul3A_1315 = arith.mulf %mul3A_1150, %div3A_1223 : vector<16xf32>
      %add3A_1316 = arith.addf %add3A_1298, %mul3A_1315 : vector<16xf32>
      %mul3A_1317 = arith.constant 16 : i32
      %mul3A_1318 = arith.muli %scan3A_768, %mul3A_1317 : i32
      %swap3A_1319 = arith.constant 0 : i32
      %swap3A_1320 = arith.constant 5 : i32
      %swap3A_1321 = arith.index_cast %swap3A_1319 : i32 to index
      %swap3A_1322 = arith.index_cast %swap3A_1320 : i32 to index
      %swap3A_1323 = arith.index_cast %mul3A_1318 : i32 to index
      %swap3A_1324 = tpu.vector_load %arg11[%swap3A_1321, %swap3A_1322, %swap3A_1323] {strides = array<i32>} : memref<4x8x128xf32, #tpu.memory_space<vmem>>, vector<16xf32>,
      tpu.vector_store %arg11[%swap3A_1321, %swap3A_1322, %swap3A_1323], %mul3A_1315 {strides = array<i32>} : memref<4x8x128xf32, #tpu.memory_space<vmem>>, vector<16xf32>,
      %mul3A_1325 = arith.constant 16 : i32
      %mul3A_1326 = arith.muli %scan3A_768, %mul3A_1325 : i32
      %swap3A_1327 = arith.constant 0 : i32
      %swap3A_1328 = arith.constant 5 : i32
      %swap3A_1329 = arith.index_cast %swap3A_1327 : i32 to index
      %swap3A_1330 = arith.index_cast %swap3A_1328 : i32 to index
      %swap3A_1331 = arith.index_cast %mul3A_1326 : i32 to index
      %swap3A_1332 = tpu.vector_load %arg12[%swap3A_1329, %swap3A_1330, %swap3A_1331] {strides = array<i32>} : memref<4x8x128xi32, #tpu.memory_space<vmem>>, vector<16xi32>,
      tpu.vector_store %arg12[%swap3A_1329, %swap3A_1330, %swap3A_1331], %get3A_1094 {strides = array<i32>} : memref<4x8x128xi32, #tpu.memory_space<vmem>>, vector<16xi32>,
      %mul3A_1333 = arith.mulf %mul3A_1214, %div3A_1223 : vector<16xf32>
      %add3A_1334 = arith.addf %add3A_1316, %mul3A_1333 : vector<16xf32>
      %mul3A_1335 = arith.constant 16 : i32
      %mul3A_1336 = arith.muli %scan3A_768, %mul3A_1335 : i32
      %swap3A_1337 = arith.constant 0 : i32
      %swap3A_1338 = arith.constant 6 : i32
      %swap3A_1339 = arith.index_cast %swap3A_1337 : i32 to index
      %swap3A_1340 = arith.index_cast %swap3A_1338 : i32 to index
      %swap3A_1341 = arith.index_cast %mul3A_1336 : i32 to index
      %swap3A_1342 = tpu.vector_load %arg11[%swap3A_1339, %swap3A_1340, %swap3A_1341] {strides = array<i32>} : memref<4x8x128xf32, #tpu.memory_space<vmem>>, vector<16xf32>,
      tpu.vector_store %arg11[%swap3A_1339, %swap3A_1340, %swap3A_1341], %mul3A_1333 {strides = array<i32>} : memref<4x8x128xf32, #tpu.memory_space<vmem>>, vector<16xf32>,
      %mul3A_1343 = arith.constant 16 : i32
      %mul3A_1344 = arith.muli %scan3A_768, %mul3A_1343 : i32
      %swap3A_1345 = arith.constant 0 : i32
      %swap3A_1346 = arith.constant 6 : i32
      %swap3A_1347 = arith.index_cast %swap3A_1345 : i32 to index
      %swap3A_1348 = arith.index_cast %swap3A_1346 : i32 to index
      %swap3A_1349 = arith.index_cast %mul3A_1344 : i32 to index
      %swap3A_1350 = tpu.vector_load %arg12[%swap3A_1347, %swap3A_1348, %swap3A_1349] {strides = array<i32>} : memref<4x8x128xi32, #tpu.memory_space<vmem>>, vector<16xi32>,
      tpu.vector_store %arg12[%swap3A_1347, %swap3A_1348, %swap3A_1349], %get3A_1158 {strides = array<i32>} : memref<4x8x128xi32, #tpu.memory_space<vmem>>, vector<16xi32>,
      %mul3A_1351 = arith.constant 0.666666686 : f32
      %mul3A_1352 = vector.broadcast %mul3A_1351 : f32 to vector<16xf32>
      %mul3A_1353 = arith.mulf %add3A_1334, %mul3A_1352 : vector<16xf32>
      %mul3A_1354 = arith.constant 16 : i32
      %mul3A_1355 = arith.muli %scan3A_768, %mul3A_1354 : i32
      %swap3A_1356 = arith.constant 0 : i32
      %swap3A_1357 = arith.constant 7 : i32
      %swap3A_1358 = arith.index_cast %swap3A_1356 : i32 to index
      %swap3A_1359 = arith.index_cast %swap3A_1357 : i32 to index
      %swap3A_1360 = arith.index_cast %mul3A_1355 : i32 to index
      %swap3A_1361 = tpu.vector_load %arg11[%swap3A_1358, %swap3A_1359, %swap3A_1360] {strides = array<i32>} : memref<4x8x128xf32, #tpu.memory_space<vmem>>, vector<16xf32>,
      tpu.vector_store %arg11[%swap3A_1358, %swap3A_1359, %swap3A_1360], %mul3A_1353 {strides = array<i32>} : memref<4x8x128xf32, #tpu.memory_space<vmem>>, vector<16xf32>,
      %broadcast_in_dim3A_1362 = arith.constant 64 : i32
      %broadcast_in_dim3A_1363 = vector.broadcast %broadcast_in_dim3A_1362 : i32 to vector<16xi32>
      %mul3A_1364 = arith.constant 16 : i32
      %mul3A_1365 = arith.muli %scan3A_768, %mul3A_1364 : i32
      %swap3A_1366 = arith.constant 0 : i32
      %swap3A_1367 = arith.constant 7 : i32
      %swap3A_1368 = arith.index_cast %swap3A_1366 : i32 to index
      %swap3A_1369 = arith.index_cast %swap3A_1367 : i32 to index
      %swap3A_1370 = arith.index_cast %mul3A_1365 : i32 to index
      %swap3A_1371 = tpu.vector_load %arg12[%swap3A_1368, %swap3A_1369, %swap3A_1370] {strides = array<i32>} : memref<4x8x128xi32, #tpu.memory_space<vmem>>, vector<16xi32>,
      tpu.vector_store %arg12[%swap3A_1368, %swap3A_1369, %swap3A_1370], %broadcast_in_dim3A_1363 {strides = array<i32>} : memref<4x8x128xi32, #tpu.memory_space<vmem>>, vector<16xi32>,
    }
    %scan3A_457 = arith.constant 8 : i32
    %dma_wait3A_458 = arith.constant 0 : i32
    %dma_wait3A_459 = arith.constant 1 : i32
    %dma_wait3A_460 = arith.constant 0 : i32
    %dma_wait3A_461 = arith.constant 1 : i32
    %dma_wait3A_462 = arith.constant 0 : i32
    %dma_wait3A_463 = tpu.memref_slice %arg9[%dma_wait3A_460, %dma_wait3A_461, %dma_wait3A_462] : memref<7x4x128xi32, #tpu.memory_space<vmem>> -> memref<1x1x128xi32, #tpu.memory_space<vmem>>
    %dma_wait3A_464 = tpu.memref_squeeze %dma_wait3A_463 : memref<1x1x128xi32, #tpu.memory_space<vmem>> -> memref<128xi32, #tpu.memory_space<vmem>>
    %dma_wait3A_465 = arith.constant 0 : i32
    %dma_wait3A_466 = tpu.memref_slice %arg8[%dma_wait3A_458, %dma_wait3A_459, %dma_wait3A_465] : memref<7x4x128xi32, #tpu.memory_space<vmem>> -> memref<1x1x128xi32, #tpu.memory_space<vmem>>
    %dma_wait3A_467 = tpu.memref_squeeze %dma_wait3A_466 : memref<1x1x128xi32, #tpu.memory_space<vmem>> -> memref<128xi32, #tpu.memory_space<vmem>>
    %dma_wait3A_468 = arith.constant 0 : i32
    %dma_wait3A_469 = tpu.memref_slice %arg3[%dma_wait3A_468] : memref<700000xi32, #tpu.memory_space<hbm>> -> memref<700000xi32, #tpu.memory_space<hbm>>
    tpu.wait_indirect_dma semaphore(%arg13 : memref<!tpu.dma_semaphore, #tpu.memory_space<semaphore_mem>>) src(%dma_wait3A_469 : memref<700000xi32, #tpu.memory_space<hbm>>) dst(%dma_wait3A_464 : memref<128xi32, #tpu.memory_space<vmem>>)
    %dma_wait3A_470 = arith.constant 1 : i32
    %dma_wait3A_471 = arith.constant 1 : i32
    %dma_wait3A_472 = arith.constant 1 : i32
    %dma_wait3A_473 = arith.constant 1 : i32
    %dma_wait3A_474 = arith.constant 0 : i32
    %dma_wait3A_475 = tpu.memref_slice %arg9[%dma_wait3A_472, %dma_wait3A_473, %dma_wait3A_474] : memref<7x4x128xi32, #tpu.memory_space<vmem>> -> memref<1x1x128xi32, #tpu.memory_space<vmem>>
    %dma_wait3A_476 = tpu.memref_squeeze %dma_wait3A_475 : memref<1x1x128xi32, #tpu.memory_space<vmem>> -> memref<128xi32, #tpu.memory_space<vmem>>
    %dma_wait3A_477 = arith.constant 0 : i32
    %dma_wait3A_478 = tpu.memref_slice %arg8[%dma_wait3A_470, %dma_wait3A_471, %dma_wait3A_477] : memref<7x4x128xi32, #tpu.memory_space<vmem>> -> memref<1x1x128xi32, #tpu.memory_space<vmem>>
    %dma_wait3A_479 = tpu.memref_squeeze %dma_wait3A_478 : memref<1x1x128xi32, #tpu.memory_space<vmem>> -> memref<128xi32, #tpu.memory_space<vmem>>
    %dma_wait3A_480 = arith.constant 0 : i32
    %dma_wait3A_481 = tpu.memref_slice %arg3[%dma_wait3A_480] : memref<700000xi32, #tpu.memory_space<hbm>> -> memref<700000xi32, #tpu.memory_space<hbm>>
    tpu.wait_indirect_dma semaphore(%arg13 : memref<!tpu.dma_semaphore, #tpu.memory_space<semaphore_mem>>) src(%dma_wait3A_481 : memref<700000xi32, #tpu.memory_space<hbm>>) dst(%dma_wait3A_476 : memref<128xi32, #tpu.memory_space<vmem>>)
    %dma_wait3A_482 = arith.constant 2 : i32
    %dma_wait3A_483 = arith.constant 1 : i32
    %dma_wait3A_484 = arith.constant 2 : i32
    %dma_wait3A_485 = arith.constant 1 : i32
    %dma_wait3A_486 = arith.constant 0 : i32
    %dma_wait3A_487 = tpu.memref_slice %arg9[%dma_wait3A_484, %dma_wait3A_485, %dma_wait3A_486] : memref<7x4x128xi32, #tpu.memory_space<vmem>> -> memref<1x1x128xi32, #tpu.memory_space<vmem>>
    %dma_wait3A_488 = tpu.memref_squeeze %dma_wait3A_487 : memref<1x1x128xi32, #tpu.memory_space<vmem>> -> memref<128xi32, #tpu.memory_space<vmem>>
    %dma_wait3A_489 = arith.constant 0 : i32
    %dma_wait3A_490 = tpu.memref_slice %arg8[%dma_wait3A_482, %dma_wait3A_483, %dma_wait3A_489] : memref<7x4x128xi32, #tpu.memory_space<vmem>> -> memref<1x1x128xi32, #tpu.memory_space<vmem>>
    %dma_wait3A_491 = tpu.memref_squeeze %dma_wait3A_490 : memref<1x1x128xi32, #tpu.memory_space<vmem>> -> memref<128xi32, #tpu.memory_space<vmem>>
    %dma_wait3A_492 = arith.constant 0 : i32
    %dma_wait3A_493 = tpu.memref_slice %arg3[%dma_wait3A_492] : memref<700000xi32, #tpu.memory_space<hbm>> -> memref<700000xi32, #tpu.memory_space<hbm>>
    tpu.wait_indirect_dma semaphore(%arg13 : memref<!tpu.dma_semaphore, #tpu.memory_space<semaphore_mem>>) src(%dma_wait3A_493 : memref<700000xi32, #tpu.memory_space<hbm>>) dst(%dma_wait3A_488 : memref<128xi32, #tpu.memory_space<vmem>>)
    %dma_wait3A_494 = arith.constant 3 : i32
    %dma_wait3A_495 = arith.constant 1 : i32
    %dma_wait3A_496 = arith.constant 3 : i32
    %dma_wait3A_497 = arith.constant 1 : i32
    %dma_wait3A_498 = arith.constant 0 : i32
    %dma_wait3A_499 = tpu.memref_slice %arg9[%dma_wait3A_496, %dma_wait3A_497, %dma_wait3A_498] : memref<7x4x128xi32, #tpu.memory_space<vmem>> -> memref<1x1x128xi32, #tpu.memory_space<vmem>>
    %dma_wait3A_500 = tpu.memref_squeeze %dma_wait3A_499 : memref<1x1x128xi32, #tpu.memory_space<vmem>> -> memref<128xi32, #tpu.memory_space<vmem>>
    %dma_wait3A_501 = arith.constant 0 : i32
    %dma_wait3A_502 = tpu.memref_slice %arg8[%dma_wait3A_494, %dma_wait3A_495, %dma_wait3A_501] : memref<7x4x128xi32, #tpu.memory_space<vmem>> -> memref<1x1x128xi32, #tpu.memory_space<vmem>>
    %dma_wait3A_503 = tpu.memref_squeeze %dma_wait3A_502 : memref<1x1x128xi32, #tpu.memory_space<vmem>> -> memref<128xi32, #tpu.memory_space<vmem>>
    %dma_wait3A_504 = arith.constant 0 : i32
    %dma_wait3A_505 = tpu.memref_slice %arg3[%dma_wait3A_504] : memref<700000xi32, #tpu.memory_space<hbm>> -> memref<700000xi32, #tpu.memory_space<hbm>>
    tpu.wait_indirect_dma semaphore(%arg13 : memref<!tpu.dma_semaphore, #tpu.memory_space<semaphore_mem>>) src(%dma_wait3A_505 : memref<700000xi32, #tpu.memory_space<hbm>>) dst(%dma_wait3A_500 : memref<128xi32, #tpu.memory_space<vmem>>)
    %dma_wait3A_506 = arith.constant 4 : i32
    %dma_wait3A_507 = arith.constant 1 : i32
    %dma_wait3A_508 = arith.constant 4 : i32
    %dma_wait3A_509 = arith.constant 1 : i32
    %dma_wait3A_510 = arith.constant 0 : i32
    %dma_wait3A_511 = tpu.memref_slice %arg9[%dma_wait3A_508, %dma_wait3A_509, %dma_wait3A_510] : memref<7x4x128xi32, #tpu.memory_space<vmem>> -> memref<1x1x128xi32, #tpu.memory_space<vmem>>
    %dma_wait3A_512 = tpu.memref_squeeze %dma_wait3A_511 : memref<1x1x128xi32, #tpu.memory_space<vmem>> -> memref<128xi32, #tpu.memory_space<vmem>>
    %dma_wait3A_513 = arith.constant 0 : i32
    %dma_wait3A_514 = tpu.memref_slice %arg8[%dma_wait3A_506, %dma_wait3A_507, %dma_wait3A_513] : memref<7x4x128xi32, #tpu.memory_space<vmem>> -> memref<1x1x128xi32, #tpu.memory_space<vmem>>
    %dma_wait3A_515 = tpu.memref_squeeze %dma_wait3A_514 : memref<1x1x128xi32, #tpu.memory_space<vmem>> -> memref<128xi32, #tpu.memory_space<vmem>>
    %dma_wait3A_516 = arith.constant 0 : i32
    %dma_wait3A_517 = tpu.memref_slice %arg3[%dma_wait3A_516] : memref<700000xi32, #tpu.memory_space<hbm>> -> memref<700000xi32, #tpu.memory_space<hbm>>
    tpu.wait_indirect_dma semaphore(%arg13 : memref<!tpu.dma_semaphore, #tpu.memory_space<semaphore_mem>>) src(%dma_wait3A_517 : memref<700000xi32, #tpu.memory_space<hbm>>) dst(%dma_wait3A_512 : memref<128xi32, #tpu.memory_space<vmem>>)
    %dma_wait3A_518 = arith.constant 5 : i32
    %dma_wait3A_519 = arith.constant 1 : i32
    %dma_wait3A_520 = arith.constant 5 : i32
    %dma_wait3A_521 = arith.constant 1 : i32
    %dma_wait3A_522 = arith.constant 0 : i32
    %dma_wait3A_523 = tpu.memref_slice %arg9[%dma_wait3A_520, %dma_wait3A_521, %dma_wait3A_522] : memref<7x4x128xi32, #tpu.memory_space<vmem>> -> memref<1x1x128xi32, #tpu.memory_space<vmem>>
    %dma_wait3A_524 = tpu.memref_squeeze %dma_wait3A_523 : memref<1x1x128xi32, #tpu.memory_space<vmem>> -> memref<128xi32, #tpu.memory_space<vmem>>
    %dma_wait3A_525 = arith.constant 0 : i32
    %dma_wait3A_526 = tpu.memref_slice %arg8[%dma_wait3A_518, %dma_wait3A_519, %dma_wait3A_525] : memref<7x4x128xi32, #tpu.memory_space<vmem>> -> memref<1x1x128xi32, #tpu.memory_space<vmem>>
    %dma_wait3A_527 = tpu.memref_squeeze %dma_wait3A_526 : memref<1x1x128xi32, #tpu.memory_space<vmem>> -> memref<128xi32, #tpu.memory_space<vmem>>
    %dma_wait3A_528 = arith.constant 0 : i32
    %dma_wait3A_529 = tpu.memref_slice %arg3[%dma_wait3A_528] : memref<700000xi32, #tpu.memory_space<hbm>> -> memref<700000xi32, #tpu.memory_space<hbm>>
    tpu.wait_indirect_dma semaphore(%arg13 : memref<!tpu.dma_semaphore, #tpu.memory_space<semaphore_mem>>) src(%dma_wait3A_529 : memref<700000xi32, #tpu.memory_space<hbm>>) dst(%dma_wait3A_524 : memref<128xi32, #tpu.memory_space<vmem>>)
    %dma_wait3A_530 = arith.constant 6 : i32
    %dma_wait3A_531 = arith.constant 1 : i32
    %dma_wait3A_532 = arith.constant 6 : i32
    %dma_wait3A_533 = arith.constant 1 : i32
    %dma_wait3A_534 = arith.constant 0 : i32
    %dma_wait3A_535 = tpu.memref_slice %arg9[%dma_wait3A_532, %dma_wait3A_533, %dma_wait3A_534] : memref<7x4x128xi32, #tpu.memory_space<vmem>> -> memref<1x1x128xi32, #tpu.memory_space<vmem>>
    %dma_wait3A_536 = tpu.memref_squeeze %dma_wait3A_535 : memref<1x1x128xi32, #tpu.memory_space<vmem>> -> memref<128xi32, #tpu.memory_space<vmem>>
    %dma_wait3A_537 = arith.constant 0 : i32
    %dma_wait3A_538 = tpu.memref_slice %arg8[%dma_wait3A_530, %dma_wait3A_531, %dma_wait3A_537] : memref<7x4x128xi32, #tpu.memory_space<vmem>> -> memref<1x1x128xi32, #tpu.memory_space<vmem>>
    %dma_wait3A_539 = tpu.memref_squeeze %dma_wait3A_538 : memref<1x1x128xi32, #tpu.memory_space<vmem>> -> memref<128xi32, #tpu.memory_space<vmem>>
    %dma_wait3A_540 = arith.constant 0 : i32
    %dma_wait3A_541 = tpu.memref_slice %arg3[%dma_wait3A_540] : memref<700000xi32, #tpu.memory_space<hbm>> -> memref<700000xi32, #tpu.memory_space<hbm>>
    tpu.wait_indirect_dma semaphore(%arg13 : memref<!tpu.dma_semaphore, #tpu.memory_space<semaphore_mem>>) src(%dma_wait3A_541 : memref<700000xi32, #tpu.memory_space<hbm>>) dst(%dma_wait3A_536 : memref<128xi32, #tpu.memory_space<vmem>>)
    %scan3A_542 = arith.constant 0 : i32
    %scan3A_543 = arith.constant 0 : i32
    %scan3A_544 = arith.constant 8 : i32
    %scan3A_545 = arith.addi %scan3A_543, %scan3A_544 : i32
    %scan3A_546 = arith.constant 1 : i32
    scf.for %scan3A_768 = %scan3A_543 to %scan3A_545 step %scan3A_546  : i32 {
      %iota3A = tpu.iota {dimensions = array<i32: 0>} : vector<16xi32>
      %add3A_769 = arith.constant 128 : i32
      %add3A_770 = vector.broadcast %add3A_769 : i32 to vector<16xi32>
      %add3A_771 = arith.addi %iota3A, %add3A_770 : vector<16xi32>
      %mul3A_772 = arith.constant 16 : i32
      %mul3A_773 = arith.muli %scan3A_768, %mul3A_772 : i32
      %add3A_774 = vector.broadcast %mul3A_773 : i32 to vector<16xi32>
      %add3A_775 = arith.addi %add3A_771, %add3A_774 : vector<16xi32>
      %mul3A_776 = arith.constant 16 : i32
      %mul3A_777 = arith.muli %scan3A_768, %mul3A_776 : i32
      %get3A = arith.constant 0 : i32
      %get3A_778 = arith.constant 1 : i32
      %get3A_779 = arith.index_cast %get3A : i32 to index
      %get3A_780 = arith.index_cast %get3A_778 : i32 to index
      %get3A_781 = arith.index_cast %mul3A_777 : i32 to index
      %get3A_782 = tpu.vector_load %arg9[%get3A_779, %get3A_780, %get3A_781] {strides = array<i32>} : memref<7x4x128xi32, #tpu.memory_space<vmem>>, vector<16xi32>,
      %gather3A = tpu.vector_load_idx %arg10[%get3A_782, %add3A_775] : memref<64x512xf32, #tpu.memory_space<vmem>>[vector<16xi32>, vector<16xi32>], vector<16xf32>,
      %abs3A = math.absf %gather3A : vector<16xf32>
      %neg3A = arith.constant 0.000000e+00 : f32
      %neg3A_783 = vector.broadcast %neg3A : f32 to vector<16xf32>
      %neg3A_784 = arith.subf %neg3A_783, %abs3A : vector<16xf32>
      %exp3A = math.exp %neg3A_784 : vector<16xf32>
      %broadcast_in_dim3A = arith.constant 0.0410640724 : f32
      %broadcast_in_dim3A_785 = vector.broadcast %broadcast_in_dim3A : f32 to vector<16xf32>
      %mul3A_786 = arith.mulf %broadcast_in_dim3A_785, %exp3A : vector<16xf32>
      %add3A_787 = arith.constant -0.156026945 : f32
      %add3A_788 = vector.broadcast %add3A_787 : f32 to vector<16xf32>
      %add3A_789 = arith.addf %mul3A_786, %add3A_788 : vector<16xf32>
      %mul3A_790 = arith.mulf %add3A_789, %exp3A : vector<16xf32>
      %add3A_791 = arith.constant 0.30467087 : f32
      %add3A_792 = vector.broadcast %add3A_791 : f32 to vector<16xf32>
      %add3A_793 = arith.addf %mul3A_790, %add3A_792 : vector<16xf32>
      %mul3A_794 = arith.mulf %add3A_793, %exp3A : vector<16xf32>
      %add3A_795 = arith.constant -0.496367753 : f32
      %add3A_796 = vector.broadcast %add3A_795 : f32 to vector<16xf32>
      %add3A_797 = arith.addf %mul3A_794, %add3A_796 : vector<16xf32>
      %mul3A_798 = arith.mulf %add3A_797, %exp3A : vector<16xf32>
      %add3A_799 = arith.constant 0.999887883 : f32
      %add3A_800 = vector.broadcast %add3A_799 : f32 to vector<16xf32>
      %add3A_801 = arith.addf %mul3A_798, %add3A_800 : vector<16xf32>
      %max3A = arith.constant 0.000000e+00 : f32
      %max3A_802 = vector.broadcast %max3A : f32 to vector<16xf32>
      %max3A_803 = arith.maximumf %gather3A, %max3A_802 : vector<16xf32>
      %mul3A_804 = arith.mulf %add3A_801, %exp3A : vector<16xf32>
      %add3A_805 = arith.addf %max3A_803, %mul3A_804 : vector<16xf32>
      %bitcast3A = vector.bitcast %add3A_805 : vector<16xf32> to vector<16xi32>
      %shift_right_logical3A = arith.constant 1 : i32
      %shift_right_logical3A_806 = vector.broadcast %shift_right_logical3A : i32 to vector<16xi32>
      %shift_right_logical3A_807 = arith.shrui %bitcast3A, %shift_right_logical3A_806 : vector<16xi32>
      %sub3A_808 = arith.constant 1597463007 : i32
      %sub3A_809 = vector.broadcast %sub3A_808 : i32 to vector<16xi32>
      %sub3A_810 = arith.subi %sub3A_809, %shift_right_logical3A_807 : vector<16xi32>
      %bitcast3A_811 = vector.bitcast %sub3A_810 : vector<16xi32> to vector<16xf32>
      %mul3A_812 = arith.constant 5.000000e-01 : f32
      %mul3A_813 = vector.broadcast %mul3A_812 : f32 to vector<16xf32>
      %mul3A_814 = arith.mulf %mul3A_813, %add3A_805 : vector<16xf32>
      %mul3A_815 = arith.mulf %mul3A_814, %bitcast3A_811 : vector<16xf32>
      %mul3A_816 = arith.mulf %mul3A_815, %bitcast3A_811 : vector<16xf32>
      %sub3A_817 = arith.constant 1.500000e+00 : f32
      %sub3A_818 = vector.broadcast %sub3A_817 : f32 to vector<16xf32>
      %sub3A_819 = arith.subf %sub3A_818, %mul3A_816 : vector<16xf32>
      %mul3A_820 = arith.mulf %bitcast3A_811, %sub3A_819 : vector<16xf32>
      %mul3A_821 = arith.constant 5.000000e-01 : f32
      %mul3A_822 = vector.broadcast %mul3A_821 : f32 to vector<16xf32>
      %mul3A_823 = arith.mulf %mul3A_822, %add3A_805 : vector<16xf32>
      %mul3A_824 = arith.mulf %mul3A_823, %mul3A_820 : vector<16xf32>
      %mul3A_825 = arith.mulf %mul3A_824, %mul3A_820 : vector<16xf32>
      %sub3A_826 = arith.constant 1.500000e+00 : f32
      %sub3A_827 = vector.broadcast %sub3A_826 : f32 to vector<16xf32>
      %sub3A_828 = arith.subf %sub3A_827, %mul3A_825 : vector<16xf32>
      %mul3A_829 = arith.mulf %mul3A_820, %sub3A_828 : vector<16xf32>
      %mul3A_830 = arith.mulf %add3A_805, %mul3A_829 : vector<16xf32>
      %mul3A_831 = arith.constant 16 : i32
      %mul3A_832 = arith.muli %scan3A_768, %mul3A_831 : i32
      %get3A_833 = arith.constant 1 : i32
      %get3A_834 = arith.constant 1 : i32
      %get3A_835 = arith.index_cast %get3A_833 : i32 to index
      %get3A_836 = arith.index_cast %get3A_834 : i32 to index
      %get3A_837 = arith.index_cast %mul3A_832 : i32 to index
      %get3A_838 = tpu.vector_load %arg9[%get3A_835, %get3A_836, %get3A_837] {strides = array<i32>} : memref<7x4x128xi32, #tpu.memory_space<vmem>>, vector<16xi32>,
      %gather3A_839 = tpu.vector_load_idx %arg10[%get3A_838, %add3A_775] : memref<64x512xf32, #tpu.memory_space<vmem>>[vector<16xi32>, vector<16xi32>], vector<16xf32>,
      %abs3A_840 = math.absf %gather3A_839 : vector<16xf32>
      %neg3A_841 = arith.constant 0.000000e+00 : f32
      %neg3A_842 = vector.broadcast %neg3A_841 : f32 to vector<16xf32>
      %neg3A_843 = arith.subf %neg3A_842, %abs3A_840 : vector<16xf32>
      %exp3A_844 = math.exp %neg3A_843 : vector<16xf32>
      %broadcast_in_dim3A_845 = arith.constant 0.0410640724 : f32
      %broadcast_in_dim3A_846 = vector.broadcast %broadcast_in_dim3A_845 : f32 to vector<16xf32>
      %mul3A_847 = arith.mulf %broadcast_in_dim3A_846, %exp3A_844 : vector<16xf32>
      %add3A_848 = arith.constant -0.156026945 : f32
      %add3A_849 = vector.broadcast %add3A_848 : f32 to vector<16xf32>
      %add3A_850 = arith.addf %mul3A_847, %add3A_849 : vector<16xf32>
      %mul3A_851 = arith.mulf %add3A_850, %exp3A_844 : vector<16xf32>
      %add3A_852 = arith.constant 0.30467087 : f32
      %add3A_853 = vector.broadcast %add3A_852 : f32 to vector<16xf32>
      %add3A_854 = arith.addf %mul3A_851, %add3A_853 : vector<16xf32>
      %mul3A_855 = arith.mulf %add3A_854, %exp3A_844 : vector<16xf32>
      %add3A_856 = arith.constant -0.496367753 : f32
      %add3A_857 = vector.broadcast %add3A_856 : f32 to vector<16xf32>
      %add3A_858 = arith.addf %mul3A_855, %add3A_857 : vector<16xf32>
      %mul3A_859 = arith.mulf %add3A_858, %exp3A_844 : vector<16xf32>
      %add3A_860 = arith.constant 0.999887883 : f32
      %add3A_861 = vector.broadcast %add3A_860 : f32 to vector<16xf32>
      %add3A_862 = arith.addf %mul3A_859, %add3A_861 : vector<16xf32>
      %max3A_863 = arith.constant 0.000000e+00 : f32
      %max3A_864 = vector.broadcast %max3A_863 : f32 to vector<16xf32>
      %max3A_865 = arith.maximumf %gather3A_839, %max3A_864 : vector<16xf32>
      %mul3A_866 = arith.mulf %add3A_862, %exp3A_844 : vector<16xf32>
      %add3A_867 = arith.addf %max3A_865, %mul3A_866 : vector<16xf32>
      %bitcast3A_868 = vector.bitcast %add3A_867 : vector<16xf32> to vector<16xi32>
      %shift_right_logical3A_869 = arith.constant 1 : i32
      %shift_right_logical3A_870 = vector.broadcast %shift_right_logical3A_869 : i32 to vector<16xi32>
      %shift_right_logical3A_871 = arith.shrui %bitcast3A_868, %shift_right_logical3A_870 : vector<16xi32>
      %sub3A_872 = arith.constant 1597463007 : i32
      %sub3A_873 = vector.broadcast %sub3A_872 : i32 to vector<16xi32>
      %sub3A_874 = arith.subi %sub3A_873, %shift_right_logical3A_871 : vector<16xi32>
      %bitcast3A_875 = vector.bitcast %sub3A_874 : vector<16xi32> to vector<16xf32>
      %mul3A_876 = arith.constant 5.000000e-01 : f32
      %mul3A_877 = vector.broadcast %mul3A_876 : f32 to vector<16xf32>
      %mul3A_878 = arith.mulf %mul3A_877, %add3A_867 : vector<16xf32>
      %mul3A_879 = arith.mulf %mul3A_878, %bitcast3A_875 : vector<16xf32>
      %mul3A_880 = arith.mulf %mul3A_879, %bitcast3A_875 : vector<16xf32>
      %sub3A_881 = arith.constant 1.500000e+00 : f32
      %sub3A_882 = vector.broadcast %sub3A_881 : f32 to vector<16xf32>
      %sub3A_883 = arith.subf %sub3A_882, %mul3A_880 : vector<16xf32>
      %mul3A_884 = arith.mulf %bitcast3A_875, %sub3A_883 : vector<16xf32>
      %mul3A_885 = arith.constant 5.000000e-01 : f32
      %mul3A_886 = vector.broadcast %mul3A_885 : f32 to vector<16xf32>
      %mul3A_887 = arith.mulf %mul3A_886, %add3A_867 : vector<16xf32>
      %mul3A_888 = arith.mulf %mul3A_887, %mul3A_884 : vector<16xf32>
      %mul3A_889 = arith.mulf %mul3A_888, %mul3A_884 : vector<16xf32>
      %sub3A_890 = arith.constant 1.500000e+00 : f32
      %sub3A_891 = vector.broadcast %sub3A_890 : f32 to vector<16xf32>
      %sub3A_892 = arith.subf %sub3A_891, %mul3A_889 : vector<16xf32>
      %mul3A_893 = arith.mulf %mul3A_884, %sub3A_892 : vector<16xf32>
      %mul3A_894 = arith.mulf %add3A_867, %mul3A_893 : vector<16xf32>
      %mul3A_895 = arith.constant 16 : i32
      %mul3A_896 = arith.muli %scan3A_768, %mul3A_895 : i32
      %get3A_897 = arith.constant 2 : i32
      %get3A_898 = arith.constant 1 : i32
      %get3A_899 = arith.index_cast %get3A_897 : i32 to index
      %get3A_900 = arith.index_cast %get3A_898 : i32 to index
      %get3A_901 = arith.index_cast %mul3A_896 : i32 to index
      %get3A_902 = tpu.vector_load %arg9[%get3A_899, %get3A_900, %get3A_901] {strides = array<i32>} : memref<7x4x128xi32, #tpu.memory_space<vmem>>, vector<16xi32>,
      %gather3A_903 = tpu.vector_load_idx %arg10[%get3A_902, %add3A_775] : memref<64x512xf32, #tpu.memory_space<vmem>>[vector<16xi32>, vector<16xi32>], vector<16xf32>,
      %abs3A_904 = math.absf %gather3A_903 : vector<16xf32>
      %neg3A_905 = arith.constant 0.000000e+00 : f32
      %neg3A_906 = vector.broadcast %neg3A_905 : f32 to vector<16xf32>
      %neg3A_907 = arith.subf %neg3A_906, %abs3A_904 : vector<16xf32>
      %exp3A_908 = math.exp %neg3A_907 : vector<16xf32>
      %broadcast_in_dim3A_909 = arith.constant 0.0410640724 : f32
      %broadcast_in_dim3A_910 = vector.broadcast %broadcast_in_dim3A_909 : f32 to vector<16xf32>
      %mul3A_911 = arith.mulf %broadcast_in_dim3A_910, %exp3A_908 : vector<16xf32>
      %add3A_912 = arith.constant -0.156026945 : f32
      %add3A_913 = vector.broadcast %add3A_912 : f32 to vector<16xf32>
      %add3A_914 = arith.addf %mul3A_911, %add3A_913 : vector<16xf32>
      %mul3A_915 = arith.mulf %add3A_914, %exp3A_908 : vector<16xf32>
      %add3A_916 = arith.constant 0.30467087 : f32
      %add3A_917 = vector.broadcast %add3A_916 : f32 to vector<16xf32>
      %add3A_918 = arith.addf %mul3A_915, %add3A_917 : vector<16xf32>
      %mul3A_919 = arith.mulf %add3A_918, %exp3A_908 : vector<16xf32>
      %add3A_920 = arith.constant -0.496367753 : f32
      %add3A_921 = vector.broadcast %add3A_920 : f32 to vector<16xf32>
      %add3A_922 = arith.addf %mul3A_919, %add3A_921 : vector<16xf32>
      %mul3A_923 = arith.mulf %add3A_922, %exp3A_908 : vector<16xf32>
      %add3A_924 = arith.constant 0.999887883 : f32
      %add3A_925 = vector.broadcast %add3A_924 : f32 to vector<16xf32>
      %add3A_926 = arith.addf %mul3A_923, %add3A_925 : vector<16xf32>
      %max3A_927 = arith.constant 0.000000e+00 : f32
      %max3A_928 = vector.broadcast %max3A_927 : f32 to vector<16xf32>
      %max3A_929 = arith.maximumf %gather3A_903, %max3A_928 : vector<16xf32>
      %mul3A_930 = arith.mulf %add3A_926, %exp3A_908 : vector<16xf32>
      %add3A_931 = arith.addf %max3A_929, %mul3A_930 : vector<16xf32>
      %bitcast3A_932 = vector.bitcast %add3A_931 : vector<16xf32> to vector<16xi32>
      %shift_right_logical3A_933 = arith.constant 1 : i32
      %shift_right_logical3A_934 = vector.broadcast %shift_right_logical3A_933 : i32 to vector<16xi32>
      %shift_right_logical3A_935 = arith.shrui %bitcast3A_932, %shift_right_logical3A_934 : vector<16xi32>
      %sub3A_936 = arith.constant 1597463007 : i32
      %sub3A_937 = vector.broadcast %sub3A_936 : i32 to vector<16xi32>
      %sub3A_938 = arith.subi %sub3A_937, %shift_right_logical3A_935 : vector<16xi32>
      %bitcast3A_939 = vector.bitcast %sub3A_938 : vector<16xi32> to vector<16xf32>
      %mul3A_940 = arith.constant 5.000000e-01 : f32
      %mul3A_941 = vector.broadcast %mul3A_940 : f32 to vector<16xf32>
      %mul3A_942 = arith.mulf %mul3A_941, %add3A_931 : vector<16xf32>
      %mul3A_943 = arith.mulf %mul3A_942, %bitcast3A_939 : vector<16xf32>
      %mul3A_944 = arith.mulf %mul3A_943, %bitcast3A_939 : vector<16xf32>
      %sub3A_945 = arith.constant 1.500000e+00 : f32
      %sub3A_946 = vector.broadcast %sub3A_945 : f32 to vector<16xf32>
      %sub3A_947 = arith.subf %sub3A_946, %mul3A_944 : vector<16xf32>
      %mul3A_948 = arith.mulf %bitcast3A_939, %sub3A_947 : vector<16xf32>
      %mul3A_949 = arith.constant 5.000000e-01 : f32
      %mul3A_950 = vector.broadcast %mul3A_949 : f32 to vector<16xf32>
      %mul3A_951 = arith.mulf %mul3A_950, %add3A_931 : vector<16xf32>
      %mul3A_952 = arith.mulf %mul3A_951, %mul3A_948 : vector<16xf32>
      %mul3A_953 = arith.mulf %mul3A_952, %mul3A_948 : vector<16xf32>
      %sub3A_954 = arith.constant 1.500000e+00 : f32
      %sub3A_955 = vector.broadcast %sub3A_954 : f32 to vector<16xf32>
      %sub3A_956 = arith.subf %sub3A_955, %mul3A_953 : vector<16xf32>
      %mul3A_957 = arith.mulf %mul3A_948, %sub3A_956 : vector<16xf32>
      %mul3A_958 = arith.mulf %add3A_931, %mul3A_957 : vector<16xf32>
      %mul3A_959 = arith.constant 16 : i32
      %mul3A_960 = arith.muli %scan3A_768, %mul3A_959 : i32
      %get3A_961 = arith.constant 3 : i32
      %get3A_962 = arith.constant 1 : i32
      %get3A_963 = arith.index_cast %get3A_961 : i32 to index
      %get3A_964 = arith.index_cast %get3A_962 : i32 to index
      %get3A_965 = arith.index_cast %mul3A_960 : i32 to index
      %get3A_966 = tpu.vector_load %arg9[%get3A_963, %get3A_964, %get3A_965] {strides = array<i32>} : memref<7x4x128xi32, #tpu.memory_space<vmem>>, vector<16xi32>,
      %gather3A_967 = tpu.vector_load_idx %arg10[%get3A_966, %add3A_775] : memref<64x512xf32, #tpu.memory_space<vmem>>[vector<16xi32>, vector<16xi32>], vector<16xf32>,
      %abs3A_968 = math.absf %gather3A_967 : vector<16xf32>
      %neg3A_969 = arith.constant 0.000000e+00 : f32
      %neg3A_970 = vector.broadcast %neg3A_969 : f32 to vector<16xf32>
      %neg3A_971 = arith.subf %neg3A_970, %abs3A_968 : vector<16xf32>
      %exp3A_972 = math.exp %neg3A_971 : vector<16xf32>
      %broadcast_in_dim3A_973 = arith.constant 0.0410640724 : f32
      %broadcast_in_dim3A_974 = vector.broadcast %broadcast_in_dim3A_973 : f32 to vector<16xf32>
      %mul3A_975 = arith.mulf %broadcast_in_dim3A_974, %exp3A_972 : vector<16xf32>
      %add3A_976 = arith.constant -0.156026945 : f32
      %add3A_977 = vector.broadcast %add3A_976 : f32 to vector<16xf32>
      %add3A_978 = arith.addf %mul3A_975, %add3A_977 : vector<16xf32>
      %mul3A_979 = arith.mulf %add3A_978, %exp3A_972 : vector<16xf32>
      %add3A_980 = arith.constant 0.30467087 : f32
      %add3A_981 = vector.broadcast %add3A_980 : f32 to vector<16xf32>
      %add3A_982 = arith.addf %mul3A_979, %add3A_981 : vector<16xf32>
      %mul3A_983 = arith.mulf %add3A_982, %exp3A_972 : vector<16xf32>
      %add3A_984 = arith.constant -0.496367753 : f32
      %add3A_985 = vector.broadcast %add3A_984 : f32 to vector<16xf32>
      %add3A_986 = arith.addf %mul3A_983, %add3A_985 : vector<16xf32>
      %mul3A_987 = arith.mulf %add3A_986, %exp3A_972 : vector<16xf32>
      %add3A_988 = arith.constant 0.999887883 : f32
      %add3A_989 = vector.broadcast %add3A_988 : f32 to vector<16xf32>
      %add3A_990 = arith.addf %mul3A_987, %add3A_989 : vector<16xf32>
      %max3A_991 = arith.constant 0.000000e+00 : f32
      %max3A_992 = vector.broadcast %max3A_991 : f32 to vector<16xf32>
      %max3A_993 = arith.maximumf %gather3A_967, %max3A_992 : vector<16xf32>
      %mul3A_994 = arith.mulf %add3A_990, %exp3A_972 : vector<16xf32>
      %add3A_995 = arith.addf %max3A_993, %mul3A_994 : vector<16xf32>
      %bitcast3A_996 = vector.bitcast %add3A_995 : vector<16xf32> to vector<16xi32>
      %shift_right_logical3A_997 = arith.constant 1 : i32
      %shift_right_logical3A_998 = vector.broadcast %shift_right_logical3A_997 : i32 to vector<16xi32>
      %shift_right_logical3A_999 = arith.shrui %bitcast3A_996, %shift_right_logical3A_998 : vector<16xi32>
      %sub3A_1000 = arith.constant 1597463007 : i32
      %sub3A_1001 = vector.broadcast %sub3A_1000 : i32 to vector<16xi32>
      %sub3A_1002 = arith.subi %sub3A_1001, %shift_right_logical3A_999 : vector<16xi32>
      %bitcast3A_1003 = vector.bitcast %sub3A_1002 : vector<16xi32> to vector<16xf32>
      %mul3A_1004 = arith.constant 5.000000e-01 : f32
      %mul3A_1005 = vector.broadcast %mul3A_1004 : f32 to vector<16xf32>
      %mul3A_1006 = arith.mulf %mul3A_1005, %add3A_995 : vector<16xf32>
      %mul3A_1007 = arith.mulf %mul3A_1006, %bitcast3A_1003 : vector<16xf32>
      %mul3A_1008 = arith.mulf %mul3A_1007, %bitcast3A_1003 : vector<16xf32>
      %sub3A_1009 = arith.constant 1.500000e+00 : f32
      %sub3A_1010 = vector.broadcast %sub3A_1009 : f32 to vector<16xf32>
      %sub3A_1011 = arith.subf %sub3A_1010, %mul3A_1008 : vector<16xf32>
      %mul3A_1012 = arith.mulf %bitcast3A_1003, %sub3A_1011 : vector<16xf32>
      %mul3A_1013 = arith.constant 5.000000e-01 : f32
      %mul3A_1014 = vector.broadcast %mul3A_1013 : f32 to vector<16xf32>
      %mul3A_1015 = arith.mulf %mul3A_1014, %add3A_995 : vector<16xf32>
      %mul3A_1016 = arith.mulf %mul3A_1015, %mul3A_1012 : vector<16xf32>
      %mul3A_1017 = arith.mulf %mul3A_1016, %mul3A_1012 : vector<16xf32>
      %sub3A_1018 = arith.constant 1.500000e+00 : f32
      %sub3A_1019 = vector.broadcast %sub3A_1018 : f32 to vector<16xf32>
      %sub3A_1020 = arith.subf %sub3A_1019, %mul3A_1017 : vector<16xf32>
      %mul3A_1021 = arith.mulf %mul3A_1012, %sub3A_1020 : vector<16xf32>
      %mul3A_1022 = arith.mulf %add3A_995, %mul3A_1021 : vector<16xf32>
      %mul3A_1023 = arith.constant 16 : i32
      %mul3A_1024 = arith.muli %scan3A_768, %mul3A_1023 : i32
      %get3A_1025 = arith.constant 4 : i32
      %get3A_1026 = arith.constant 1 : i32
      %get3A_1027 = arith.index_cast %get3A_1025 : i32 to index
      %get3A_1028 = arith.index_cast %get3A_1026 : i32 to index
      %get3A_1029 = arith.index_cast %mul3A_1024 : i32 to index
      %get3A_1030 = tpu.vector_load %arg9[%get3A_1027, %get3A_1028, %get3A_1029] {strides = array<i32>} : memref<7x4x128xi32, #tpu.memory_space<vmem>>, vector<16xi32>,
      %gather3A_1031 = tpu.vector_load_idx %arg10[%get3A_1030, %add3A_775] : memref<64x512xf32, #tpu.memory_space<vmem>>[vector<16xi32>, vector<16xi32>], vector<16xf32>,
      %abs3A_1032 = math.absf %gather3A_1031 : vector<16xf32>
      %neg3A_1033 = arith.constant 0.000000e+00 : f32
      %neg3A_1034 = vector.broadcast %neg3A_1033 : f32 to vector<16xf32>
      %neg3A_1035 = arith.subf %neg3A_1034, %abs3A_1032 : vector<16xf32>
      %exp3A_1036 = math.exp %neg3A_1035 : vector<16xf32>
      %broadcast_in_dim3A_1037 = arith.constant 0.0410640724 : f32
      %broadcast_in_dim3A_1038 = vector.broadcast %broadcast_in_dim3A_1037 : f32 to vector<16xf32>
      %mul3A_1039 = arith.mulf %broadcast_in_dim3A_1038, %exp3A_1036 : vector<16xf32>
      %add3A_1040 = arith.constant -0.156026945 : f32
      %add3A_1041 = vector.broadcast %add3A_1040 : f32 to vector<16xf32>
      %add3A_1042 = arith.addf %mul3A_1039, %add3A_1041 : vector<16xf32>
      %mul3A_1043 = arith.mulf %add3A_1042, %exp3A_1036 : vector<16xf32>
      %add3A_1044 = arith.constant 0.30467087 : f32
      %add3A_1045 = vector.broadcast %add3A_1044 : f32 to vector<16xf32>
      %add3A_1046 = arith.addf %mul3A_1043, %add3A_1045 : vector<16xf32>
      %mul3A_1047 = arith.mulf %add3A_1046, %exp3A_1036 : vector<16xf32>
      %add3A_1048 = arith.constant -0.496367753 : f32
      %add3A_1049 = vector.broadcast %add3A_1048 : f32 to vector<16xf32>
      %add3A_1050 = arith.addf %mul3A_1047, %add3A_1049 : vector<16xf32>
      %mul3A_1051 = arith.mulf %add3A_1050, %exp3A_1036 : vector<16xf32>
      %add3A_1052 = arith.constant 0.999887883 : f32
      %add3A_1053 = vector.broadcast %add3A_1052 : f32 to vector<16xf32>
      %add3A_1054 = arith.addf %mul3A_1051, %add3A_1053 : vector<16xf32>
      %max3A_1055 = arith.constant 0.000000e+00 : f32
      %max3A_1056 = vector.broadcast %max3A_1055 : f32 to vector<16xf32>
      %max3A_1057 = arith.maximumf %gather3A_1031, %max3A_1056 : vector<16xf32>
      %mul3A_1058 = arith.mulf %add3A_1054, %exp3A_1036 : vector<16xf32>
      %add3A_1059 = arith.addf %max3A_1057, %mul3A_1058 : vector<16xf32>
      %bitcast3A_1060 = vector.bitcast %add3A_1059 : vector<16xf32> to vector<16xi32>
      %shift_right_logical3A_1061 = arith.constant 1 : i32
      %shift_right_logical3A_1062 = vector.broadcast %shift_right_logical3A_1061 : i32 to vector<16xi32>
      %shift_right_logical3A_1063 = arith.shrui %bitcast3A_1060, %shift_right_logical3A_1062 : vector<16xi32>
      %sub3A_1064 = arith.constant 1597463007 : i32
      %sub3A_1065 = vector.broadcast %sub3A_1064 : i32 to vector<16xi32>
      %sub3A_1066 = arith.subi %sub3A_1065, %shift_right_logical3A_1063 : vector<16xi32>
      %bitcast3A_1067 = vector.bitcast %sub3A_1066 : vector<16xi32> to vector<16xf32>
      %mul3A_1068 = arith.constant 5.000000e-01 : f32
      %mul3A_1069 = vector.broadcast %mul3A_1068 : f32 to vector<16xf32>
      %mul3A_1070 = arith.mulf %mul3A_1069, %add3A_1059 : vector<16xf32>
      %mul3A_1071 = arith.mulf %mul3A_1070, %bitcast3A_1067 : vector<16xf32>
      %mul3A_1072 = arith.mulf %mul3A_1071, %bitcast3A_1067 : vector<16xf32>
      %sub3A_1073 = arith.constant 1.500000e+00 : f32
      %sub3A_1074 = vector.broadcast %sub3A_1073 : f32 to vector<16xf32>
      %sub3A_1075 = arith.subf %sub3A_1074, %mul3A_1072 : vector<16xf32>
      %mul3A_1076 = arith.mulf %bitcast3A_1067, %sub3A_1075 : vector<16xf32>
      %mul3A_1077 = arith.constant 5.000000e-01 : f32
      %mul3A_1078 = vector.broadcast %mul3A_1077 : f32 to vector<16xf32>
      %mul3A_1079 = arith.mulf %mul3A_1078, %add3A_1059 : vector<16xf32>
      %mul3A_1080 = arith.mulf %mul3A_1079, %mul3A_1076 : vector<16xf32>
      %mul3A_1081 = arith.mulf %mul3A_1080, %mul3A_1076 : vector<16xf32>
      %sub3A_1082 = arith.constant 1.500000e+00 : f32
      %sub3A_1083 = vector.broadcast %sub3A_1082 : f32 to vector<16xf32>
      %sub3A_1084 = arith.subf %sub3A_1083, %mul3A_1081 : vector<16xf32>
      %mul3A_1085 = arith.mulf %mul3A_1076, %sub3A_1084 : vector<16xf32>
      %mul3A_1086 = arith.mulf %add3A_1059, %mul3A_1085 : vector<16xf32>
      %mul3A_1087 = arith.constant 16 : i32
      %mul3A_1088 = arith.muli %scan3A_768, %mul3A_1087 : i32
      %get3A_1089 = arith.constant 5 : i32
      %get3A_1090 = arith.constant 1 : i32
      %get3A_1091 = arith.index_cast %get3A_1089 : i32 to index
      %get3A_1092 = arith.index_cast %get3A_1090 : i32 to index
      %get3A_1093 = arith.index_cast %mul3A_1088 : i32 to index
      %get3A_1094 = tpu.vector_load %arg9[%get3A_1091, %get3A_1092, %get3A_1093] {strides = array<i32>} : memref<7x4x128xi32, #tpu.memory_space<vmem>>, vector<16xi32>,
      %gather3A_1095 = tpu.vector_load_idx %arg10[%get3A_1094, %add3A_775] : memref<64x512xf32, #tpu.memory_space<vmem>>[vector<16xi32>, vector<16xi32>], vector<16xf32>,
      %abs3A_1096 = math.absf %gather3A_1095 : vector<16xf32>
      %neg3A_1097 = arith.constant 0.000000e+00 : f32
      %neg3A_1098 = vector.broadcast %neg3A_1097 : f32 to vector<16xf32>
      %neg3A_1099 = arith.subf %neg3A_1098, %abs3A_1096 : vector<16xf32>
      %exp3A_1100 = math.exp %neg3A_1099 : vector<16xf32>
      %broadcast_in_dim3A_1101 = arith.constant 0.0410640724 : f32
      %broadcast_in_dim3A_1102 = vector.broadcast %broadcast_in_dim3A_1101 : f32 to vector<16xf32>
      %mul3A_1103 = arith.mulf %broadcast_in_dim3A_1102, %exp3A_1100 : vector<16xf32>
      %add3A_1104 = arith.constant -0.156026945 : f32
      %add3A_1105 = vector.broadcast %add3A_1104 : f32 to vector<16xf32>
      %add3A_1106 = arith.addf %mul3A_1103, %add3A_1105 : vector<16xf32>
      %mul3A_1107 = arith.mulf %add3A_1106, %exp3A_1100 : vector<16xf32>
      %add3A_1108 = arith.constant 0.30467087 : f32
      %add3A_1109 = vector.broadcast %add3A_1108 : f32 to vector<16xf32>
      %add3A_1110 = arith.addf %mul3A_1107, %add3A_1109 : vector<16xf32>
      %mul3A_1111 = arith.mulf %add3A_1110, %exp3A_1100 : vector<16xf32>
      %add3A_1112 = arith.constant -0.496367753 : f32
      %add3A_1113 = vector.broadcast %add3A_1112 : f32 to vector<16xf32>
      %add3A_1114 = arith.addf %mul3A_1111, %add3A_1113 : vector<16xf32>
      %mul3A_1115 = arith.mulf %add3A_1114, %exp3A_1100 : vector<16xf32>
      %add3A_1116 = arith.constant 0.999887883 : f32
      %add3A_1117 = vector.broadcast %add3A_1116 : f32 to vector<16xf32>
      %add3A_1118 = arith.addf %mul3A_1115, %add3A_1117 : vector<16xf32>
      %max3A_1119 = arith.constant 0.000000e+00 : f32
      %max3A_1120 = vector.broadcast %max3A_1119 : f32 to vector<16xf32>
      %max3A_1121 = arith.maximumf %gather3A_1095, %max3A_1120 : vector<16xf32>
      %mul3A_1122 = arith.mulf %add3A_1118, %exp3A_1100 : vector<16xf32>
      %add3A_1123 = arith.addf %max3A_1121, %mul3A_1122 : vector<16xf32>
      %bitcast3A_1124 = vector.bitcast %add3A_1123 : vector<16xf32> to vector<16xi32>
      %shift_right_logical3A_1125 = arith.constant 1 : i32
      %shift_right_logical3A_1126 = vector.broadcast %shift_right_logical3A_1125 : i32 to vector<16xi32>
      %shift_right_logical3A_1127 = arith.shrui %bitcast3A_1124, %shift_right_logical3A_1126 : vector<16xi32>
      %sub3A_1128 = arith.constant 1597463007 : i32
      %sub3A_1129 = vector.broadcast %sub3A_1128 : i32 to vector<16xi32>
      %sub3A_1130 = arith.subi %sub3A_1129, %shift_right_logical3A_1127 : vector<16xi32>
      %bitcast3A_1131 = vector.bitcast %sub3A_1130 : vector<16xi32> to vector<16xf32>
      %mul3A_1132 = arith.constant 5.000000e-01 : f32
      %mul3A_1133 = vector.broadcast %mul3A_1132 : f32 to vector<16xf32>
      %mul3A_1134 = arith.mulf %mul3A_1133, %add3A_1123 : vector<16xf32>
      %mul3A_1135 = arith.mulf %mul3A_1134, %bitcast3A_1131 : vector<16xf32>
      %mul3A_1136 = arith.mulf %mul3A_1135, %bitcast3A_1131 : vector<16xf32>
      %sub3A_1137 = arith.constant 1.500000e+00 : f32
      %sub3A_1138 = vector.broadcast %sub3A_1137 : f32 to vector<16xf32>
      %sub3A_1139 = arith.subf %sub3A_1138, %mul3A_1136 : vector<16xf32>
      %mul3A_1140 = arith.mulf %bitcast3A_1131, %sub3A_1139 : vector<16xf32>
      %mul3A_1141 = arith.constant 5.000000e-01 : f32
      %mul3A_1142 = vector.broadcast %mul3A_1141 : f32 to vector<16xf32>
      %mul3A_1143 = arith.mulf %mul3A_1142, %add3A_1123 : vector<16xf32>
      %mul3A_1144 = arith.mulf %mul3A_1143, %mul3A_1140 : vector<16xf32>
      %mul3A_1145 = arith.mulf %mul3A_1144, %mul3A_1140 : vector<16xf32>
      %sub3A_1146 = arith.constant 1.500000e+00 : f32
      %sub3A_1147 = vector.broadcast %sub3A_1146 : f32 to vector<16xf32>
      %sub3A_1148 = arith.subf %sub3A_1147, %mul3A_1145 : vector<16xf32>
      %mul3A_1149 = arith.mulf %mul3A_1140, %sub3A_1148 : vector<16xf32>
      %mul3A_1150 = arith.mulf %add3A_1123, %mul3A_1149 : vector<16xf32>
      %mul3A_1151 = arith.constant 16 : i32
      %mul3A_1152 = arith.muli %scan3A_768, %mul3A_1151 : i32
      %get3A_1153 = arith.constant 6 : i32
      %get3A_1154 = arith.constant 1 : i32
      %get3A_1155 = arith.index_cast %get3A_1153 : i32 to index
      %get3A_1156 = arith.index_cast %get3A_1154 : i32 to index
      %get3A_1157 = arith.index_cast %mul3A_1152 : i32 to index
      %get3A_1158 = tpu.vector_load %arg9[%get3A_1155, %get3A_1156, %get3A_1157] {strides = array<i32>} : memref<7x4x128xi32, #tpu.memory_space<vmem>>, vector<16xi32>,
      %gather3A_1159 = tpu.vector_load_idx %arg10[%get3A_1158, %add3A_775] : memref<64x512xf32, #tpu.memory_space<vmem>>[vector<16xi32>, vector<16xi32>], vector<16xf32>,
      %abs3A_1160 = math.absf %gather3A_1159 : vector<16xf32>
      %neg3A_1161 = arith.constant 0.000000e+00 : f32
      %neg3A_1162 = vector.broadcast %neg3A_1161 : f32 to vector<16xf32>
      %neg3A_1163 = arith.subf %neg3A_1162, %abs3A_1160 : vector<16xf32>
      %exp3A_1164 = math.exp %neg3A_1163 : vector<16xf32>
      %broadcast_in_dim3A_1165 = arith.constant 0.0410640724 : f32
      %broadcast_in_dim3A_1166 = vector.broadcast %broadcast_in_dim3A_1165 : f32 to vector<16xf32>
      %mul3A_1167 = arith.mulf %broadcast_in_dim3A_1166, %exp3A_1164 : vector<16xf32>
      %add3A_1168 = arith.constant -0.156026945 : f32
      %add3A_1169 = vector.broadcast %add3A_1168 : f32 to vector<16xf32>
      %add3A_1170 = arith.addf %mul3A_1167, %add3A_1169 : vector<16xf32>
      %mul3A_1171 = arith.mulf %add3A_1170, %exp3A_1164 : vector<16xf32>
      %add3A_1172 = arith.constant 0.30467087 : f32
      %add3A_1173 = vector.broadcast %add3A_1172 : f32 to vector<16xf32>
      %add3A_1174 = arith.addf %mul3A_1171, %add3A_1173 : vector<16xf32>
      %mul3A_1175 = arith.mulf %add3A_1174, %exp3A_1164 : vector<16xf32>
      %add3A_1176 = arith.constant -0.496367753 : f32
      %add3A_1177 = vector.broadcast %add3A_1176 : f32 to vector<16xf32>
      %add3A_1178 = arith.addf %mul3A_1175, %add3A_1177 : vector<16xf32>
      %mul3A_1179 = arith.mulf %add3A_1178, %exp3A_1164 : vector<16xf32>
      %add3A_1180 = arith.constant 0.999887883 : f32
      %add3A_1181 = vector.broadcast %add3A_1180 : f32 to vector<16xf32>
      %add3A_1182 = arith.addf %mul3A_1179, %add3A_1181 : vector<16xf32>
      %max3A_1183 = arith.constant 0.000000e+00 : f32
      %max3A_1184 = vector.broadcast %max3A_1183 : f32 to vector<16xf32>
      %max3A_1185 = arith.maximumf %gather3A_1159, %max3A_1184 : vector<16xf32>
      %mul3A_1186 = arith.mulf %add3A_1182, %exp3A_1164 : vector<16xf32>
      %add3A_1187 = arith.addf %max3A_1185, %mul3A_1186 : vector<16xf32>
      %bitcast3A_1188 = vector.bitcast %add3A_1187 : vector<16xf32> to vector<16xi32>
      %shift_right_logical3A_1189 = arith.constant 1 : i32
      %shift_right_logical3A_1190 = vector.broadcast %shift_right_logical3A_1189 : i32 to vector<16xi32>
      %shift_right_logical3A_1191 = arith.shrui %bitcast3A_1188, %shift_right_logical3A_1190 : vector<16xi32>
      %sub3A_1192 = arith.constant 1597463007 : i32
      %sub3A_1193 = vector.broadcast %sub3A_1192 : i32 to vector<16xi32>
      %sub3A_1194 = arith.subi %sub3A_1193, %shift_right_logical3A_1191 : vector<16xi32>
      %bitcast3A_1195 = vector.bitcast %sub3A_1194 : vector<16xi32> to vector<16xf32>
      %mul3A_1196 = arith.constant 5.000000e-01 : f32
      %mul3A_1197 = vector.broadcast %mul3A_1196 : f32 to vector<16xf32>
      %mul3A_1198 = arith.mulf %mul3A_1197, %add3A_1187 : vector<16xf32>
      %mul3A_1199 = arith.mulf %mul3A_1198, %bitcast3A_1195 : vector<16xf32>
      %mul3A_1200 = arith.mulf %mul3A_1199, %bitcast3A_1195 : vector<16xf32>
      %sub3A_1201 = arith.constant 1.500000e+00 : f32
      %sub3A_1202 = vector.broadcast %sub3A_1201 : f32 to vector<16xf32>
      %sub3A_1203 = arith.subf %sub3A_1202, %mul3A_1200 : vector<16xf32>
      %mul3A_1204 = arith.mulf %bitcast3A_1195, %sub3A_1203 : vector<16xf32>
      %mul3A_1205 = arith.constant 5.000000e-01 : f32
      %mul3A_1206 = vector.broadcast %mul3A_1205 : f32 to vector<16xf32>
      %mul3A_1207 = arith.mulf %mul3A_1206, %add3A_1187 : vector<16xf32>
      %mul3A_1208 = arith.mulf %mul3A_1207, %mul3A_1204 : vector<16xf32>
      %mul3A_1209 = arith.mulf %mul3A_1208, %mul3A_1204 : vector<16xf32>
      %sub3A_1210 = arith.constant 1.500000e+00 : f32
      %sub3A_1211 = vector.broadcast %sub3A_1210 : f32 to vector<16xf32>
      %sub3A_1212 = arith.subf %sub3A_1211, %mul3A_1209 : vector<16xf32>
      %mul3A_1213 = arith.mulf %mul3A_1204, %sub3A_1212 : vector<16xf32>
      %mul3A_1214 = arith.mulf %add3A_1187, %mul3A_1213 : vector<16xf32>
      %add3A_1215 = arith.addf %mul3A_830, %mul3A_894 : vector<16xf32>
      %add3A_1216 = arith.addf %add3A_1215, %mul3A_958 : vector<16xf32>
      %add3A_1217 = arith.addf %add3A_1216, %mul3A_1022 : vector<16xf32>
      %add3A_1218 = arith.addf %add3A_1217, %mul3A_1086 : vector<16xf32>
      %add3A_1219 = arith.addf %add3A_1218, %mul3A_1150 : vector<16xf32>
      %add3A_1220 = arith.addf %add3A_1219, %mul3A_1214 : vector<16xf32>
      %div3A_1221 = arith.constant 1.000000e+00 : f32
      %div3A_1222 = vector.broadcast %div3A_1221 : f32 to vector<16xf32>
      %div3A_1223 = arith.divf %div3A_1222, %add3A_1220 : vector<16xf32>
      %broadcast_in_dim3A_1224 = arith.constant 0.000000e+00 : f32
      %broadcast_in_dim3A_1225 = vector.broadcast %broadcast_in_dim3A_1224 : f32 to vector<16xf32>
      %mul3A_1226 = arith.mulf %mul3A_830, %div3A_1223 : vector<16xf32>
      %add3A_1227 = arith.addf %broadcast_in_dim3A_1225, %mul3A_1226 : vector<16xf32>
      %mul3A_1228 = arith.constant 16 : i32
      %mul3A_1229 = arith.muli %scan3A_768, %mul3A_1228 : i32
      %swap3A = arith.constant 1 : i32
      %swap3A_1230 = arith.constant 0 : i32
      %swap3A_1231 = arith.index_cast %swap3A : i32 to index
      %swap3A_1232 = arith.index_cast %swap3A_1230 : i32 to index
      %swap3A_1233 = arith.index_cast %mul3A_1229 : i32 to index
      %swap3A_1234 = tpu.vector_load %arg11[%swap3A_1231, %swap3A_1232, %swap3A_1233] {strides = array<i32>} : memref<4x8x128xf32, #tpu.memory_space<vmem>>, vector<16xf32>,
      tpu.vector_store %arg11[%swap3A_1231, %swap3A_1232, %swap3A_1233], %mul3A_1226 {strides = array<i32>} : memref<4x8x128xf32, #tpu.memory_space<vmem>>, vector<16xf32>,
      %mul3A_1235 = arith.constant 16 : i32
      %mul3A_1236 = arith.muli %scan3A_768, %mul3A_1235 : i32
      %swap3A_1237 = arith.constant 1 : i32
      %swap3A_1238 = arith.constant 0 : i32
      %swap3A_1239 = arith.index_cast %swap3A_1237 : i32 to index
      %swap3A_1240 = arith.index_cast %swap3A_1238 : i32 to index
      %swap3A_1241 = arith.index_cast %mul3A_1236 : i32 to index
      %swap3A_1242 = tpu.vector_load %arg12[%swap3A_1239, %swap3A_1240, %swap3A_1241] {strides = array<i32>} : memref<4x8x128xi32, #tpu.memory_space<vmem>>, vector<16xi32>,
      tpu.vector_store %arg12[%swap3A_1239, %swap3A_1240, %swap3A_1241], %get3A_782 {strides = array<i32>} : memref<4x8x128xi32, #tpu.memory_space<vmem>>, vector<16xi32>,
      %mul3A_1243 = arith.mulf %mul3A_894, %div3A_1223 : vector<16xf32>
      %add3A_1244 = arith.addf %add3A_1227, %mul3A_1243 : vector<16xf32>
      %mul3A_1245 = arith.constant 16 : i32
      %mul3A_1246 = arith.muli %scan3A_768, %mul3A_1245 : i32
      %swap3A_1247 = arith.constant 1 : i32
      %swap3A_1248 = arith.constant 1 : i32
      %swap3A_1249 = arith.index_cast %swap3A_1247 : i32 to index
      %swap3A_1250 = arith.index_cast %swap3A_1248 : i32 to index
      %swap3A_1251 = arith.index_cast %mul3A_1246 : i32 to index
      %swap3A_1252 = tpu.vector_load %arg11[%swap3A_1249, %swap3A_1250, %swap3A_1251] {strides = array<i32>} : memref<4x8x128xf32, #tpu.memory_space<vmem>>, vector<16xf32>,
      tpu.vector_store %arg11[%swap3A_1249, %swap3A_1250, %swap3A_1251], %mul3A_1243 {strides = array<i32>} : memref<4x8x128xf32, #tpu.memory_space<vmem>>, vector<16xf32>,
      %mul3A_1253 = arith.constant 16 : i32
      %mul3A_1254 = arith.muli %scan3A_768, %mul3A_1253 : i32
      %swap3A_1255 = arith.constant 1 : i32
      %swap3A_1256 = arith.constant 1 : i32
      %swap3A_1257 = arith.index_cast %swap3A_1255 : i32 to index
      %swap3A_1258 = arith.index_cast %swap3A_1256 : i32 to index
      %swap3A_1259 = arith.index_cast %mul3A_1254 : i32 to index
      %swap3A_1260 = tpu.vector_load %arg12[%swap3A_1257, %swap3A_1258, %swap3A_1259] {strides = array<i32>} : memref<4x8x128xi32, #tpu.memory_space<vmem>>, vector<16xi32>,
      tpu.vector_store %arg12[%swap3A_1257, %swap3A_1258, %swap3A_1259], %get3A_838 {strides = array<i32>} : memref<4x8x128xi32, #tpu.memory_space<vmem>>, vector<16xi32>,
      %mul3A_1261 = arith.mulf %mul3A_958, %div3A_1223 : vector<16xf32>
      %add3A_1262 = arith.addf %add3A_1244, %mul3A_1261 : vector<16xf32>
      %mul3A_1263 = arith.constant 16 : i32
      %mul3A_1264 = arith.muli %scan3A_768, %mul3A_1263 : i32
      %swap3A_1265 = arith.constant 1 : i32
      %swap3A_1266 = arith.constant 2 : i32
      %swap3A_1267 = arith.index_cast %swap3A_1265 : i32 to index
      %swap3A_1268 = arith.index_cast %swap3A_1266 : i32 to index
      %swap3A_1269 = arith.index_cast %mul3A_1264 : i32 to index
      %swap3A_1270 = tpu.vector_load %arg11[%swap3A_1267, %swap3A_1268, %swap3A_1269] {strides = array<i32>} : memref<4x8x128xf32, #tpu.memory_space<vmem>>, vector<16xf32>,
      tpu.vector_store %arg11[%swap3A_1267, %swap3A_1268, %swap3A_1269], %mul3A_1261 {strides = array<i32>} : memref<4x8x128xf32, #tpu.memory_space<vmem>>, vector<16xf32>,
      %mul3A_1271 = arith.constant 16 : i32
      %mul3A_1272 = arith.muli %scan3A_768, %mul3A_1271 : i32
      %swap3A_1273 = arith.constant 1 : i32
      %swap3A_1274 = arith.constant 2 : i32
      %swap3A_1275 = arith.index_cast %swap3A_1273 : i32 to index
      %swap3A_1276 = arith.index_cast %swap3A_1274 : i32 to index
      %swap3A_1277 = arith.index_cast %mul3A_1272 : i32 to index
      %swap3A_1278 = tpu.vector_load %arg12[%swap3A_1275, %swap3A_1276, %swap3A_1277] {strides = array<i32>} : memref<4x8x128xi32, #tpu.memory_space<vmem>>, vector<16xi32>,
      tpu.vector_store %arg12[%swap3A_1275, %swap3A_1276, %swap3A_1277], %get3A_902 {strides = array<i32>} : memref<4x8x128xi32, #tpu.memory_space<vmem>>, vector<16xi32>,
      %mul3A_1279 = arith.mulf %mul3A_1022, %div3A_1223 : vector<16xf32>
      %add3A_1280 = arith.addf %add3A_1262, %mul3A_1279 : vector<16xf32>
      %mul3A_1281 = arith.constant 16 : i32
      %mul3A_1282 = arith.muli %scan3A_768, %mul3A_1281 : i32
      %swap3A_1283 = arith.constant 1 : i32
      %swap3A_1284 = arith.constant 3 : i32
      %swap3A_1285 = arith.index_cast %swap3A_1283 : i32 to index
      %swap3A_1286 = arith.index_cast %swap3A_1284 : i32 to index
      %swap3A_1287 = arith.index_cast %mul3A_1282 : i32 to index
      %swap3A_1288 = tpu.vector_load %arg11[%swap3A_1285, %swap3A_1286, %swap3A_1287] {strides = array<i32>} : memref<4x8x128xf32, #tpu.memory_space<vmem>>, vector<16xf32>,
      tpu.vector_store %arg11[%swap3A_1285, %swap3A_1286, %swap3A_1287], %mul3A_1279 {strides = array<i32>} : memref<4x8x128xf32, #tpu.memory_space<vmem>>, vector<16xf32>,
      %mul3A_1289 = arith.constant 16 : i32
      %mul3A_1290 = arith.muli %scan3A_768, %mul3A_1289 : i32
      %swap3A_1291 = arith.constant 1 : i32
      %swap3A_1292 = arith.constant 3 : i32
      %swap3A_1293 = arith.index_cast %swap3A_1291 : i32 to index
      %swap3A_1294 = arith.index_cast %swap3A_1292 : i32 to index
      %swap3A_1295 = arith.index_cast %mul3A_1290 : i32 to index
      %swap3A_1296 = tpu.vector_load %arg12[%swap3A_1293, %swap3A_1294, %swap3A_1295] {strides = array<i32>} : memref<4x8x128xi32, #tpu.memory_space<vmem>>, vector<16xi32>,
      tpu.vector_store %arg12[%swap3A_1293, %swap3A_1294, %swap3A_1295], %get3A_966 {strides = array<i32>} : memref<4x8x128xi32, #tpu.memory_space<vmem>>, vector<16xi32>,
      %mul3A_1297 = arith.mulf %mul3A_1086, %div3A_1223 : vector<16xf32>
      %add3A_1298 = arith.addf %add3A_1280, %mul3A_1297 : vector<16xf32>
      %mul3A_1299 = arith.constant 16 : i32
      %mul3A_1300 = arith.muli %scan3A_768, %mul3A_1299 : i32
      %swap3A_1301 = arith.constant 1 : i32
      %swap3A_1302 = arith.constant 4 : i32
      %swap3A_1303 = arith.index_cast %swap3A_1301 : i32 to index
      %swap3A_1304 = arith.index_cast %swap3A_1302 : i32 to index
      %swap3A_1305 = arith.index_cast %mul3A_1300 : i32 to index
      %swap3A_1306 = tpu.vector_load %arg11[%swap3A_1303, %swap3A_1304, %swap3A_1305] {strides = array<i32>} : memref<4x8x128xf32, #tpu.memory_space<vmem>>, vector<16xf32>,
      tpu.vector_store %arg11[%swap3A_1303, %swap3A_1304, %swap3A_1305], %mul3A_1297 {strides = array<i32>} : memref<4x8x128xf32, #tpu.memory_space<vmem>>, vector<16xf32>,
      %mul3A_1307 = arith.constant 16 : i32
      %mul3A_1308 = arith.muli %scan3A_768, %mul3A_1307 : i32
      %swap3A_1309 = arith.constant 1 : i32
      %swap3A_1310 = arith.constant 4 : i32
      %swap3A_1311 = arith.index_cast %swap3A_1309 : i32 to index
      %swap3A_1312 = arith.index_cast %swap3A_1310 : i32 to index
      %swap3A_1313 = arith.index_cast %mul3A_1308 : i32 to index
      %swap3A_1314 = tpu.vector_load %arg12[%swap3A_1311, %swap3A_1312, %swap3A_1313] {strides = array<i32>} : memref<4x8x128xi32, #tpu.memory_space<vmem>>, vector<16xi32>,
      tpu.vector_store %arg12[%swap3A_1311, %swap3A_1312, %swap3A_1313], %get3A_1030 {strides = array<i32>} : memref<4x8x128xi32, #tpu.memory_space<vmem>>, vector<16xi32>,
      %mul3A_1315 = arith.mulf %mul3A_1150, %div3A_1223 : vector<16xf32>
      %add3A_1316 = arith.addf %add3A_1298, %mul3A_1315 : vector<16xf32>
      %mul3A_1317 = arith.constant 16 : i32
      %mul3A_1318 = arith.muli %scan3A_768, %mul3A_1317 : i32
      %swap3A_1319 = arith.constant 1 : i32
      %swap3A_1320 = arith.constant 5 : i32
      %swap3A_1321 = arith.index_cast %swap3A_1319 : i32 to index
      %swap3A_1322 = arith.index_cast %swap3A_1320 : i32 to index
      %swap3A_1323 = arith.index_cast %mul3A_1318 : i32 to index
      %swap3A_1324 = tpu.vector_load %arg11[%swap3A_1321, %swap3A_1322, %swap3A_1323] {strides = array<i32>} : memref<4x8x128xf32, #tpu.memory_space<vmem>>, vector<16xf32>,
      tpu.vector_store %arg11[%swap3A_1321, %swap3A_1322, %swap3A_1323], %mul3A_1315 {strides = array<i32>} : memref<4x8x128xf32, #tpu.memory_space<vmem>>, vector<16xf32>,
      %mul3A_1325 = arith.constant 16 : i32
      %mul3A_1326 = arith.muli %scan3A_768, %mul3A_1325 : i32
      %swap3A_1327 = arith.constant 1 : i32
      %swap3A_1328 = arith.constant 5 : i32
      %swap3A_1329 = arith.index_cast %swap3A_1327 : i32 to index
      %swap3A_1330 = arith.index_cast %swap3A_1328 : i32 to index
      %swap3A_1331 = arith.index_cast %mul3A_1326 : i32 to index
      %swap3A_1332 = tpu.vector_load %arg12[%swap3A_1329, %swap3A_1330, %swap3A_1331] {strides = array<i32>} : memref<4x8x128xi32, #tpu.memory_space<vmem>>, vector<16xi32>,
      tpu.vector_store %arg12[%swap3A_1329, %swap3A_1330, %swap3A_1331], %get3A_1094 {strides = array<i32>} : memref<4x8x128xi32, #tpu.memory_space<vmem>>, vector<16xi32>,
      %mul3A_1333 = arith.mulf %mul3A_1214, %div3A_1223 : vector<16xf32>
      %add3A_1334 = arith.addf %add3A_1316, %mul3A_1333 : vector<16xf32>
      %mul3A_1335 = arith.constant 16 : i32
      %mul3A_1336 = arith.muli %scan3A_768, %mul3A_1335 : i32
      %swap3A_1337 = arith.constant 1 : i32
      %swap3A_1338 = arith.constant 6 : i32
      %swap3A_1339 = arith.index_cast %swap3A_1337 : i32 to index
      %swap3A_1340 = arith.index_cast %swap3A_1338 : i32 to index
      %swap3A_1341 = arith.index_cast %mul3A_1336 : i32 to index
      %swap3A_1342 = tpu.vector_load %arg11[%swap3A_1339, %swap3A_1340, %swap3A_1341] {strides = array<i32>} : memref<4x8x128xf32, #tpu.memory_space<vmem>>, vector<16xf32>,
      tpu.vector_store %arg11[%swap3A_1339, %swap3A_1340, %swap3A_1341], %mul3A_1333 {strides = array<i32>} : memref<4x8x128xf32, #tpu.memory_space<vmem>>, vector<16xf32>,
      %mul3A_1343 = arith.constant 16 : i32
      %mul3A_1344 = arith.muli %scan3A_768, %mul3A_1343 : i32
      %swap3A_1345 = arith.constant 1 : i32
      %swap3A_1346 = arith.constant 6 : i32
      %swap3A_1347 = arith.index_cast %swap3A_1345 : i32 to index
      %swap3A_1348 = arith.index_cast %swap3A_1346 : i32 to index
      %swap3A_1349 = arith.index_cast %mul3A_1344 : i32 to index
      %swap3A_1350 = tpu.vector_load %arg12[%swap3A_1347, %swap3A_1348, %swap3A_1349] {strides = array<i32>} : memref<4x8x128xi32, #tpu.memory_space<vmem>>, vector<16xi32>,
      tpu.vector_store %arg12[%swap3A_1347, %swap3A_1348, %swap3A_1349], %get3A_1158 {strides = array<i32>} : memref<4x8x128xi32, #tpu.memory_space<vmem>>, vector<16xi32>,
      %mul3A_1351 = arith.constant 0.666666686 : f32
      %mul3A_1352 = vector.broadcast %mul3A_1351 : f32 to vector<16xf32>
      %mul3A_1353 = arith.mulf %add3A_1334, %mul3A_1352 : vector<16xf32>
      %mul3A_1354 = arith.constant 16 : i32
      %mul3A_1355 = arith.muli %scan3A_768, %mul3A_1354 : i32
      %swap3A_1356 = arith.constant 1 : i32
      %swap3A_1357 = arith.constant 7 : i32
      %swap3A_1358 = arith.index_cast %swap3A_1356 : i32 to index
      %swap3A_1359 = arith.index_cast %swap3A_1357 : i32 to index
      %swap3A_1360 = arith.index_cast %mul3A_1355 : i32 to index
      %swap3A_1361 = tpu.vector_load %arg11[%swap3A_1358, %swap3A_1359, %swap3A_1360] {strides = array<i32>} : memref<4x8x128xf32, #tpu.memory_space<vmem>>, vector<16xf32>,
      tpu.vector_store %arg11[%swap3A_1358, %swap3A_1359, %swap3A_1360], %mul3A_1353 {strides = array<i32>} : memref<4x8x128xf32, #tpu.memory_space<vmem>>, vector<16xf32>,
      %broadcast_in_dim3A_1362 = arith.constant 64 : i32
      %broadcast_in_dim3A_1363 = vector.broadcast %broadcast_in_dim3A_1362 : i32 to vector<16xi32>
      %mul3A_1364 = arith.constant 16 : i32
      %mul3A_1365 = arith.muli %scan3A_768, %mul3A_1364 : i32
      %swap3A_1366 = arith.constant 1 : i32
      %swap3A_1367 = arith.constant 7 : i32
      %swap3A_1368 = arith.index_cast %swap3A_1366 : i32 to index
      %swap3A_1369 = arith.index_cast %swap3A_1367 : i32 to index
      %swap3A_1370 = arith.index_cast %mul3A_1365 : i32 to index
      %swap3A_1371 = tpu.vector_load %arg12[%swap3A_1368, %swap3A_1369, %swap3A_1370] {strides = array<i32>} : memref<4x8x128xi32, #tpu.memory_space<vmem>>, vector<16xi32>,
      tpu.vector_store %arg12[%swap3A_1368, %swap3A_1369, %swap3A_1370], %broadcast_in_dim3A_1363 {strides = array<i32>} : memref<4x8x128xi32, #tpu.memory_space<vmem>>, vector<16xi32>,
    }
    %scan3A_547 = arith.constant 8 : i32
    %dma_wait3A_548 = arith.constant 0 : i32
    %dma_wait3A_549 = arith.constant 2 : i32
    %dma_wait3A_550 = arith.constant 0 : i32
    %dma_wait3A_551 = arith.constant 2 : i32
    %dma_wait3A_552 = arith.constant 0 : i32
    %dma_wait3A_553 = tpu.memref_slice %arg9[%dma_wait3A_550, %dma_wait3A_551, %dma_wait3A_552] : memref<7x4x128xi32, #tpu.memory_space<vmem>> -> memref<1x1x128xi32, #tpu.memory_space<vmem>>
    %dma_wait3A_554 = tpu.memref_squeeze %dma_wait3A_553 : memref<1x1x128xi32, #tpu.memory_space<vmem>> -> memref<128xi32, #tpu.memory_space<vmem>>
    %dma_wait3A_555 = arith.constant 0 : i32
    %dma_wait3A_556 = tpu.memref_slice %arg8[%dma_wait3A_548, %dma_wait3A_549, %dma_wait3A_555] : memref<7x4x128xi32, #tpu.memory_space<vmem>> -> memref<1x1x128xi32, #tpu.memory_space<vmem>>
    %dma_wait3A_557 = tpu.memref_squeeze %dma_wait3A_556 : memref<1x1x128xi32, #tpu.memory_space<vmem>> -> memref<128xi32, #tpu.memory_space<vmem>>
    %dma_wait3A_558 = arith.constant 0 : i32
    %dma_wait3A_559 = tpu.memref_slice %arg3[%dma_wait3A_558] : memref<700000xi32, #tpu.memory_space<hbm>> -> memref<700000xi32, #tpu.memory_space<hbm>>
    tpu.wait_indirect_dma semaphore(%arg13 : memref<!tpu.dma_semaphore, #tpu.memory_space<semaphore_mem>>) src(%dma_wait3A_559 : memref<700000xi32, #tpu.memory_space<hbm>>) dst(%dma_wait3A_554 : memref<128xi32, #tpu.memory_space<vmem>>)
    %dma_wait3A_560 = arith.constant 1 : i32
    %dma_wait3A_561 = arith.constant 2 : i32
    %dma_wait3A_562 = arith.constant 1 : i32
    %dma_wait3A_563 = arith.constant 2 : i32
    %dma_wait3A_564 = arith.constant 0 : i32
    %dma_wait3A_565 = tpu.memref_slice %arg9[%dma_wait3A_562, %dma_wait3A_563, %dma_wait3A_564] : memref<7x4x128xi32, #tpu.memory_space<vmem>> -> memref<1x1x128xi32, #tpu.memory_space<vmem>>
    %dma_wait3A_566 = tpu.memref_squeeze %dma_wait3A_565 : memref<1x1x128xi32, #tpu.memory_space<vmem>> -> memref<128xi32, #tpu.memory_space<vmem>>
    %dma_wait3A_567 = arith.constant 0 : i32
    %dma_wait3A_568 = tpu.memref_slice %arg8[%dma_wait3A_560, %dma_wait3A_561, %dma_wait3A_567] : memref<7x4x128xi32, #tpu.memory_space<vmem>> -> memref<1x1x128xi32, #tpu.memory_space<vmem>>
    %dma_wait3A_569 = tpu.memref_squeeze %dma_wait3A_568 : memref<1x1x128xi32, #tpu.memory_space<vmem>> -> memref<128xi32, #tpu.memory_space<vmem>>
    %dma_wait3A_570 = arith.constant 0 : i32
    %dma_wait3A_571 = tpu.memref_slice %arg3[%dma_wait3A_570] : memref<700000xi32, #tpu.memory_space<hbm>> -> memref<700000xi32, #tpu.memory_space<hbm>>
    tpu.wait_indirect_dma semaphore(%arg13 : memref<!tpu.dma_semaphore, #tpu.memory_space<semaphore_mem>>) src(%dma_wait3A_571 : memref<700000xi32, #tpu.memory_space<hbm>>) dst(%dma_wait3A_566 : memref<128xi32, #tpu.memory_space<vmem>>)
    %dma_wait3A_572 = arith.constant 2 : i32
    %dma_wait3A_573 = arith.constant 2 : i32
    %dma_wait3A_574 = arith.constant 2 : i32
    %dma_wait3A_575 = arith.constant 2 : i32
    %dma_wait3A_576 = arith.constant 0 : i32
    %dma_wait3A_577 = tpu.memref_slice %arg9[%dma_wait3A_574, %dma_wait3A_575, %dma_wait3A_576] : memref<7x4x128xi32, #tpu.memory_space<vmem>> -> memref<1x1x128xi32, #tpu.memory_space<vmem>>
    %dma_wait3A_578 = tpu.memref_squeeze %dma_wait3A_577 : memref<1x1x128xi32, #tpu.memory_space<vmem>> -> memref<128xi32, #tpu.memory_space<vmem>>
    %dma_wait3A_579 = arith.constant 0 : i32
    %dma_wait3A_580 = tpu.memref_slice %arg8[%dma_wait3A_572, %dma_wait3A_573, %dma_wait3A_579] : memref<7x4x128xi32, #tpu.memory_space<vmem>> -> memref<1x1x128xi32, #tpu.memory_space<vmem>>
    %dma_wait3A_581 = tpu.memref_squeeze %dma_wait3A_580 : memref<1x1x128xi32, #tpu.memory_space<vmem>> -> memref<128xi32, #tpu.memory_space<vmem>>
    %dma_wait3A_582 = arith.constant 0 : i32
    %dma_wait3A_583 = tpu.memref_slice %arg3[%dma_wait3A_582] : memref<700000xi32, #tpu.memory_space<hbm>> -> memref<700000xi32, #tpu.memory_space<hbm>>
    tpu.wait_indirect_dma semaphore(%arg13 : memref<!tpu.dma_semaphore, #tpu.memory_space<semaphore_mem>>) src(%dma_wait3A_583 : memref<700000xi32, #tpu.memory_space<hbm>>) dst(%dma_wait3A_578 : memref<128xi32, #tpu.memory_space<vmem>>)
    %dma_wait3A_584 = arith.constant 3 : i32
    %dma_wait3A_585 = arith.constant 2 : i32
    %dma_wait3A_586 = arith.constant 3 : i32
    %dma_wait3A_587 = arith.constant 2 : i32
    %dma_wait3A_588 = arith.constant 0 : i32
    %dma_wait3A_589 = tpu.memref_slice %arg9[%dma_wait3A_586, %dma_wait3A_587, %dma_wait3A_588] : memref<7x4x128xi32, #tpu.memory_space<vmem>> -> memref<1x1x128xi32, #tpu.memory_space<vmem>>
    %dma_wait3A_590 = tpu.memref_squeeze %dma_wait3A_589 : memref<1x1x128xi32, #tpu.memory_space<vmem>> -> memref<128xi32, #tpu.memory_space<vmem>>
    %dma_wait3A_591 = arith.constant 0 : i32
    %dma_wait3A_592 = tpu.memref_slice %arg8[%dma_wait3A_584, %dma_wait3A_585, %dma_wait3A_591] : memref<7x4x128xi32, #tpu.memory_space<vmem>> -> memref<1x1x128xi32, #tpu.memory_space<vmem>>
    %dma_wait3A_593 = tpu.memref_squeeze %dma_wait3A_592 : memref<1x1x128xi32, #tpu.memory_space<vmem>> -> memref<128xi32, #tpu.memory_space<vmem>>
    %dma_wait3A_594 = arith.constant 0 : i32
    %dma_wait3A_595 = tpu.memref_slice %arg3[%dma_wait3A_594] : memref<700000xi32, #tpu.memory_space<hbm>> -> memref<700000xi32, #tpu.memory_space<hbm>>
    tpu.wait_indirect_dma semaphore(%arg13 : memref<!tpu.dma_semaphore, #tpu.memory_space<semaphore_mem>>) src(%dma_wait3A_595 : memref<700000xi32, #tpu.memory_space<hbm>>) dst(%dma_wait3A_590 : memref<128xi32, #tpu.memory_space<vmem>>)
    %dma_wait3A_596 = arith.constant 4 : i32
    %dma_wait3A_597 = arith.constant 2 : i32
    %dma_wait3A_598 = arith.constant 4 : i32
    %dma_wait3A_599 = arith.constant 2 : i32
    %dma_wait3A_600 = arith.constant 0 : i32
    %dma_wait3A_601 = tpu.memref_slice %arg9[%dma_wait3A_598, %dma_wait3A_599, %dma_wait3A_600] : memref<7x4x128xi32, #tpu.memory_space<vmem>> -> memref<1x1x128xi32, #tpu.memory_space<vmem>>
    %dma_wait3A_602 = tpu.memref_squeeze %dma_wait3A_601 : memref<1x1x128xi32, #tpu.memory_space<vmem>> -> memref<128xi32, #tpu.memory_space<vmem>>
    %dma_wait3A_603 = arith.constant 0 : i32
    %dma_wait3A_604 = tpu.memref_slice %arg8[%dma_wait3A_596, %dma_wait3A_597, %dma_wait3A_603] : memref<7x4x128xi32, #tpu.memory_space<vmem>> -> memref<1x1x128xi32, #tpu.memory_space<vmem>>
    %dma_wait3A_605 = tpu.memref_squeeze %dma_wait3A_604 : memref<1x1x128xi32, #tpu.memory_space<vmem>> -> memref<128xi32, #tpu.memory_space<vmem>>
    %dma_wait3A_606 = arith.constant 0 : i32
    %dma_wait3A_607 = tpu.memref_slice %arg3[%dma_wait3A_606] : memref<700000xi32, #tpu.memory_space<hbm>> -> memref<700000xi32, #tpu.memory_space<hbm>>
    tpu.wait_indirect_dma semaphore(%arg13 : memref<!tpu.dma_semaphore, #tpu.memory_space<semaphore_mem>>) src(%dma_wait3A_607 : memref<700000xi32, #tpu.memory_space<hbm>>) dst(%dma_wait3A_602 : memref<128xi32, #tpu.memory_space<vmem>>)
    %dma_wait3A_608 = arith.constant 5 : i32
    %dma_wait3A_609 = arith.constant 2 : i32
    %dma_wait3A_610 = arith.constant 5 : i32
    %dma_wait3A_611 = arith.constant 2 : i32
    %dma_wait3A_612 = arith.constant 0 : i32
    %dma_wait3A_613 = tpu.memref_slice %arg9[%dma_wait3A_610, %dma_wait3A_611, %dma_wait3A_612] : memref<7x4x128xi32, #tpu.memory_space<vmem>> -> memref<1x1x128xi32, #tpu.memory_space<vmem>>
    %dma_wait3A_614 = tpu.memref_squeeze %dma_wait3A_613 : memref<1x1x128xi32, #tpu.memory_space<vmem>> -> memref<128xi32, #tpu.memory_space<vmem>>
    %dma_wait3A_615 = arith.constant 0 : i32
    %dma_wait3A_616 = tpu.memref_slice %arg8[%dma_wait3A_608, %dma_wait3A_609, %dma_wait3A_615] : memref<7x4x128xi32, #tpu.memory_space<vmem>> -> memref<1x1x128xi32, #tpu.memory_space<vmem>>
    %dma_wait3A_617 = tpu.memref_squeeze %dma_wait3A_616 : memref<1x1x128xi32, #tpu.memory_space<vmem>> -> memref<128xi32, #tpu.memory_space<vmem>>
    %dma_wait3A_618 = arith.constant 0 : i32
    %dma_wait3A_619 = tpu.memref_slice %arg3[%dma_wait3A_618] : memref<700000xi32, #tpu.memory_space<hbm>> -> memref<700000xi32, #tpu.memory_space<hbm>>
    tpu.wait_indirect_dma semaphore(%arg13 : memref<!tpu.dma_semaphore, #tpu.memory_space<semaphore_mem>>) src(%dma_wait3A_619 : memref<700000xi32, #tpu.memory_space<hbm>>) dst(%dma_wait3A_614 : memref<128xi32, #tpu.memory_space<vmem>>)
    %dma_wait3A_620 = arith.constant 6 : i32
    %dma_wait3A_621 = arith.constant 2 : i32
    %dma_wait3A_622 = arith.constant 6 : i32
    %dma_wait3A_623 = arith.constant 2 : i32
    %dma_wait3A_624 = arith.constant 0 : i32
    %dma_wait3A_625 = tpu.memref_slice %arg9[%dma_wait3A_622, %dma_wait3A_623, %dma_wait3A_624] : memref<7x4x128xi32, #tpu.memory_space<vmem>> -> memref<1x1x128xi32, #tpu.memory_space<vmem>>
    %dma_wait3A_626 = tpu.memref_squeeze %dma_wait3A_625 : memref<1x1x128xi32, #tpu.memory_space<vmem>> -> memref<128xi32, #tpu.memory_space<vmem>>
    %dma_wait3A_627 = arith.constant 0 : i32
    %dma_wait3A_628 = tpu.memref_slice %arg8[%dma_wait3A_620, %dma_wait3A_621, %dma_wait3A_627] : memref<7x4x128xi32, #tpu.memory_space<vmem>> -> memref<1x1x128xi32, #tpu.memory_space<vmem>>
    %dma_wait3A_629 = tpu.memref_squeeze %dma_wait3A_628 : memref<1x1x128xi32, #tpu.memory_space<vmem>> -> memref<128xi32, #tpu.memory_space<vmem>>
    %dma_wait3A_630 = arith.constant 0 : i32
    %dma_wait3A_631 = tpu.memref_slice %arg3[%dma_wait3A_630] : memref<700000xi32, #tpu.memory_space<hbm>> -> memref<700000xi32, #tpu.memory_space<hbm>>
    tpu.wait_indirect_dma semaphore(%arg13 : memref<!tpu.dma_semaphore, #tpu.memory_space<semaphore_mem>>) src(%dma_wait3A_631 : memref<700000xi32, #tpu.memory_space<hbm>>) dst(%dma_wait3A_626 : memref<128xi32, #tpu.memory_space<vmem>>)
    %scan3A_632 = arith.constant 0 : i32
    %scan3A_633 = arith.constant 0 : i32
    %scan3A_634 = arith.constant 8 : i32
    %scan3A_635 = arith.addi %scan3A_633, %scan3A_634 : i32
    %scan3A_636 = arith.constant 1 : i32
    scf.for %scan3A_768 = %scan3A_633 to %scan3A_635 step %scan3A_636  : i32 {
      %iota3A = tpu.iota {dimensions = array<i32: 0>} : vector<16xi32>
      %add3A_769 = arith.constant 256 : i32
      %add3A_770 = vector.broadcast %add3A_769 : i32 to vector<16xi32>
      %add3A_771 = arith.addi %iota3A, %add3A_770 : vector<16xi32>
      %mul3A_772 = arith.constant 16 : i32
      %mul3A_773 = arith.muli %scan3A_768, %mul3A_772 : i32
      %add3A_774 = vector.broadcast %mul3A_773 : i32 to vector<16xi32>
      %add3A_775 = arith.addi %add3A_771, %add3A_774 : vector<16xi32>
      %mul3A_776 = arith.constant 16 : i32
      %mul3A_777 = arith.muli %scan3A_768, %mul3A_776 : i32
      %get3A = arith.constant 0 : i32
      %get3A_778 = arith.constant 2 : i32
      %get3A_779 = arith.index_cast %get3A : i32 to index
      %get3A_780 = arith.index_cast %get3A_778 : i32 to index
      %get3A_781 = arith.index_cast %mul3A_777 : i32 to index
      %get3A_782 = tpu.vector_load %arg9[%get3A_779, %get3A_780, %get3A_781] {strides = array<i32>} : memref<7x4x128xi32, #tpu.memory_space<vmem>>, vector<16xi32>,
      %gather3A = tpu.vector_load_idx %arg10[%get3A_782, %add3A_775] : memref<64x512xf32, #tpu.memory_space<vmem>>[vector<16xi32>, vector<16xi32>], vector<16xf32>,
      %abs3A = math.absf %gather3A : vector<16xf32>
      %neg3A = arith.constant 0.000000e+00 : f32
      %neg3A_783 = vector.broadcast %neg3A : f32 to vector<16xf32>
      %neg3A_784 = arith.subf %neg3A_783, %abs3A : vector<16xf32>
      %exp3A = math.exp %neg3A_784 : vector<16xf32>
      %broadcast_in_dim3A = arith.constant 0.0410640724 : f32
      %broadcast_in_dim3A_785 = vector.broadcast %broadcast_in_dim3A : f32 to vector<16xf32>
      %mul3A_786 = arith.mulf %broadcast_in_dim3A_785, %exp3A : vector<16xf32>
      %add3A_787 = arith.constant -0.156026945 : f32
      %add3A_788 = vector.broadcast %add3A_787 : f32 to vector<16xf32>
      %add3A_789 = arith.addf %mul3A_786, %add3A_788 : vector<16xf32>
      %mul3A_790 = arith.mulf %add3A_789, %exp3A : vector<16xf32>
      %add3A_791 = arith.constant 0.30467087 : f32
      %add3A_792 = vector.broadcast %add3A_791 : f32 to vector<16xf32>
      %add3A_793 = arith.addf %mul3A_790, %add3A_792 : vector<16xf32>
      %mul3A_794 = arith.mulf %add3A_793, %exp3A : vector<16xf32>
      %add3A_795 = arith.constant -0.496367753 : f32
      %add3A_796 = vector.broadcast %add3A_795 : f32 to vector<16xf32>
      %add3A_797 = arith.addf %mul3A_794, %add3A_796 : vector<16xf32>
      %mul3A_798 = arith.mulf %add3A_797, %exp3A : vector<16xf32>
      %add3A_799 = arith.constant 0.999887883 : f32
      %add3A_800 = vector.broadcast %add3A_799 : f32 to vector<16xf32>
      %add3A_801 = arith.addf %mul3A_798, %add3A_800 : vector<16xf32>
      %max3A = arith.constant 0.000000e+00 : f32
      %max3A_802 = vector.broadcast %max3A : f32 to vector<16xf32>
      %max3A_803 = arith.maximumf %gather3A, %max3A_802 : vector<16xf32>
      %mul3A_804 = arith.mulf %add3A_801, %exp3A : vector<16xf32>
      %add3A_805 = arith.addf %max3A_803, %mul3A_804 : vector<16xf32>
      %bitcast3A = vector.bitcast %add3A_805 : vector<16xf32> to vector<16xi32>
      %shift_right_logical3A = arith.constant 1 : i32
      %shift_right_logical3A_806 = vector.broadcast %shift_right_logical3A : i32 to vector<16xi32>
      %shift_right_logical3A_807 = arith.shrui %bitcast3A, %shift_right_logical3A_806 : vector<16xi32>
      %sub3A_808 = arith.constant 1597463007 : i32
      %sub3A_809 = vector.broadcast %sub3A_808 : i32 to vector<16xi32>
      %sub3A_810 = arith.subi %sub3A_809, %shift_right_logical3A_807 : vector<16xi32>
      %bitcast3A_811 = vector.bitcast %sub3A_810 : vector<16xi32> to vector<16xf32>
      %mul3A_812 = arith.constant 5.000000e-01 : f32
      %mul3A_813 = vector.broadcast %mul3A_812 : f32 to vector<16xf32>
      %mul3A_814 = arith.mulf %mul3A_813, %add3A_805 : vector<16xf32>
      %mul3A_815 = arith.mulf %mul3A_814, %bitcast3A_811 : vector<16xf32>
      %mul3A_816 = arith.mulf %mul3A_815, %bitcast3A_811 : vector<16xf32>
      %sub3A_817 = arith.constant 1.500000e+00 : f32
      %sub3A_818 = vector.broadcast %sub3A_817 : f32 to vector<16xf32>
      %sub3A_819 = arith.subf %sub3A_818, %mul3A_816 : vector<16xf32>
      %mul3A_820 = arith.mulf %bitcast3A_811, %sub3A_819 : vector<16xf32>
      %mul3A_821 = arith.constant 5.000000e-01 : f32
      %mul3A_822 = vector.broadcast %mul3A_821 : f32 to vector<16xf32>
      %mul3A_823 = arith.mulf %mul3A_822, %add3A_805 : vector<16xf32>
      %mul3A_824 = arith.mulf %mul3A_823, %mul3A_820 : vector<16xf32>
      %mul3A_825 = arith.mulf %mul3A_824, %mul3A_820 : vector<16xf32>
      %sub3A_826 = arith.constant 1.500000e+00 : f32
      %sub3A_827 = vector.broadcast %sub3A_826 : f32 to vector<16xf32>
      %sub3A_828 = arith.subf %sub3A_827, %mul3A_825 : vector<16xf32>
      %mul3A_829 = arith.mulf %mul3A_820, %sub3A_828 : vector<16xf32>
      %mul3A_830 = arith.mulf %add3A_805, %mul3A_829 : vector<16xf32>
      %mul3A_831 = arith.constant 16 : i32
      %mul3A_832 = arith.muli %scan3A_768, %mul3A_831 : i32
      %get3A_833 = arith.constant 1 : i32
      %get3A_834 = arith.constant 2 : i32
      %get3A_835 = arith.index_cast %get3A_833 : i32 to index
      %get3A_836 = arith.index_cast %get3A_834 : i32 to index
      %get3A_837 = arith.index_cast %mul3A_832 : i32 to index
      %get3A_838 = tpu.vector_load %arg9[%get3A_835, %get3A_836, %get3A_837] {strides = array<i32>} : memref<7x4x128xi32, #tpu.memory_space<vmem>>, vector<16xi32>,
      %gather3A_839 = tpu.vector_load_idx %arg10[%get3A_838, %add3A_775] : memref<64x512xf32, #tpu.memory_space<vmem>>[vector<16xi32>, vector<16xi32>], vector<16xf32>,
      %abs3A_840 = math.absf %gather3A_839 : vector<16xf32>
      %neg3A_841 = arith.constant 0.000000e+00 : f32
      %neg3A_842 = vector.broadcast %neg3A_841 : f32 to vector<16xf32>
      %neg3A_843 = arith.subf %neg3A_842, %abs3A_840 : vector<16xf32>
      %exp3A_844 = math.exp %neg3A_843 : vector<16xf32>
      %broadcast_in_dim3A_845 = arith.constant 0.0410640724 : f32
      %broadcast_in_dim3A_846 = vector.broadcast %broadcast_in_dim3A_845 : f32 to vector<16xf32>
      %mul3A_847 = arith.mulf %broadcast_in_dim3A_846, %exp3A_844 : vector<16xf32>
      %add3A_848 = arith.constant -0.156026945 : f32
      %add3A_849 = vector.broadcast %add3A_848 : f32 to vector<16xf32>
      %add3A_850 = arith.addf %mul3A_847, %add3A_849 : vector<16xf32>
      %mul3A_851 = arith.mulf %add3A_850, %exp3A_844 : vector<16xf32>
      %add3A_852 = arith.constant 0.30467087 : f32
      %add3A_853 = vector.broadcast %add3A_852 : f32 to vector<16xf32>
      %add3A_854 = arith.addf %mul3A_851, %add3A_853 : vector<16xf32>
      %mul3A_855 = arith.mulf %add3A_854, %exp3A_844 : vector<16xf32>
      %add3A_856 = arith.constant -0.496367753 : f32
      %add3A_857 = vector.broadcast %add3A_856 : f32 to vector<16xf32>
      %add3A_858 = arith.addf %mul3A_855, %add3A_857 : vector<16xf32>
      %mul3A_859 = arith.mulf %add3A_858, %exp3A_844 : vector<16xf32>
      %add3A_860 = arith.constant 0.999887883 : f32
      %add3A_861 = vector.broadcast %add3A_860 : f32 to vector<16xf32>
      %add3A_862 = arith.addf %mul3A_859, %add3A_861 : vector<16xf32>
      %max3A_863 = arith.constant 0.000000e+00 : f32
      %max3A_864 = vector.broadcast %max3A_863 : f32 to vector<16xf32>
      %max3A_865 = arith.maximumf %gather3A_839, %max3A_864 : vector<16xf32>
      %mul3A_866 = arith.mulf %add3A_862, %exp3A_844 : vector<16xf32>
      %add3A_867 = arith.addf %max3A_865, %mul3A_866 : vector<16xf32>
      %bitcast3A_868 = vector.bitcast %add3A_867 : vector<16xf32> to vector<16xi32>
      %shift_right_logical3A_869 = arith.constant 1 : i32
      %shift_right_logical3A_870 = vector.broadcast %shift_right_logical3A_869 : i32 to vector<16xi32>
      %shift_right_logical3A_871 = arith.shrui %bitcast3A_868, %shift_right_logical3A_870 : vector<16xi32>
      %sub3A_872 = arith.constant 1597463007 : i32
      %sub3A_873 = vector.broadcast %sub3A_872 : i32 to vector<16xi32>
      %sub3A_874 = arith.subi %sub3A_873, %shift_right_logical3A_871 : vector<16xi32>
      %bitcast3A_875 = vector.bitcast %sub3A_874 : vector<16xi32> to vector<16xf32>
      %mul3A_876 = arith.constant 5.000000e-01 : f32
      %mul3A_877 = vector.broadcast %mul3A_876 : f32 to vector<16xf32>
      %mul3A_878 = arith.mulf %mul3A_877, %add3A_867 : vector<16xf32>
      %mul3A_879 = arith.mulf %mul3A_878, %bitcast3A_875 : vector<16xf32>
      %mul3A_880 = arith.mulf %mul3A_879, %bitcast3A_875 : vector<16xf32>
      %sub3A_881 = arith.constant 1.500000e+00 : f32
      %sub3A_882 = vector.broadcast %sub3A_881 : f32 to vector<16xf32>
      %sub3A_883 = arith.subf %sub3A_882, %mul3A_880 : vector<16xf32>
      %mul3A_884 = arith.mulf %bitcast3A_875, %sub3A_883 : vector<16xf32>
      %mul3A_885 = arith.constant 5.000000e-01 : f32
      %mul3A_886 = vector.broadcast %mul3A_885 : f32 to vector<16xf32>
      %mul3A_887 = arith.mulf %mul3A_886, %add3A_867 : vector<16xf32>
      %mul3A_888 = arith.mulf %mul3A_887, %mul3A_884 : vector<16xf32>
      %mul3A_889 = arith.mulf %mul3A_888, %mul3A_884 : vector<16xf32>
      %sub3A_890 = arith.constant 1.500000e+00 : f32
      %sub3A_891 = vector.broadcast %sub3A_890 : f32 to vector<16xf32>
      %sub3A_892 = arith.subf %sub3A_891, %mul3A_889 : vector<16xf32>
      %mul3A_893 = arith.mulf %mul3A_884, %sub3A_892 : vector<16xf32>
      %mul3A_894 = arith.mulf %add3A_867, %mul3A_893 : vector<16xf32>
      %mul3A_895 = arith.constant 16 : i32
      %mul3A_896 = arith.muli %scan3A_768, %mul3A_895 : i32
      %get3A_897 = arith.constant 2 : i32
      %get3A_898 = arith.constant 2 : i32
      %get3A_899 = arith.index_cast %get3A_897 : i32 to index
      %get3A_900 = arith.index_cast %get3A_898 : i32 to index
      %get3A_901 = arith.index_cast %mul3A_896 : i32 to index
      %get3A_902 = tpu.vector_load %arg9[%get3A_899, %get3A_900, %get3A_901] {strides = array<i32>} : memref<7x4x128xi32, #tpu.memory_space<vmem>>, vector<16xi32>,
      %gather3A_903 = tpu.vector_load_idx %arg10[%get3A_902, %add3A_775] : memref<64x512xf32, #tpu.memory_space<vmem>>[vector<16xi32>, vector<16xi32>], vector<16xf32>,
      %abs3A_904 = math.absf %gather3A_903 : vector<16xf32>
      %neg3A_905 = arith.constant 0.000000e+00 : f32
      %neg3A_906 = vector.broadcast %neg3A_905 : f32 to vector<16xf32>
      %neg3A_907 = arith.subf %neg3A_906, %abs3A_904 : vector<16xf32>
      %exp3A_908 = math.exp %neg3A_907 : vector<16xf32>
      %broadcast_in_dim3A_909 = arith.constant 0.0410640724 : f32
      %broadcast_in_dim3A_910 = vector.broadcast %broadcast_in_dim3A_909 : f32 to vector<16xf32>
      %mul3A_911 = arith.mulf %broadcast_in_dim3A_910, %exp3A_908 : vector<16xf32>
      %add3A_912 = arith.constant -0.156026945 : f32
      %add3A_913 = vector.broadcast %add3A_912 : f32 to vector<16xf32>
      %add3A_914 = arith.addf %mul3A_911, %add3A_913 : vector<16xf32>
      %mul3A_915 = arith.mulf %add3A_914, %exp3A_908 : vector<16xf32>
      %add3A_916 = arith.constant 0.30467087 : f32
      %add3A_917 = vector.broadcast %add3A_916 : f32 to vector<16xf32>
      %add3A_918 = arith.addf %mul3A_915, %add3A_917 : vector<16xf32>
      %mul3A_919 = arith.mulf %add3A_918, %exp3A_908 : vector<16xf32>
      %add3A_920 = arith.constant -0.496367753 : f32
      %add3A_921 = vector.broadcast %add3A_920 : f32 to vector<16xf32>
      %add3A_922 = arith.addf %mul3A_919, %add3A_921 : vector<16xf32>
      %mul3A_923 = arith.mulf %add3A_922, %exp3A_908 : vector<16xf32>
      %add3A_924 = arith.constant 0.999887883 : f32
      %add3A_925 = vector.broadcast %add3A_924 : f32 to vector<16xf32>
      %add3A_926 = arith.addf %mul3A_923, %add3A_925 : vector<16xf32>
      %max3A_927 = arith.constant 0.000000e+00 : f32
      %max3A_928 = vector.broadcast %max3A_927 : f32 to vector<16xf32>
      %max3A_929 = arith.maximumf %gather3A_903, %max3A_928 : vector<16xf32>
      %mul3A_930 = arith.mulf %add3A_926, %exp3A_908 : vector<16xf32>
      %add3A_931 = arith.addf %max3A_929, %mul3A_930 : vector<16xf32>
      %bitcast3A_932 = vector.bitcast %add3A_931 : vector<16xf32> to vector<16xi32>
      %shift_right_logical3A_933 = arith.constant 1 : i32
      %shift_right_logical3A_934 = vector.broadcast %shift_right_logical3A_933 : i32 to vector<16xi32>
      %shift_right_logical3A_935 = arith.shrui %bitcast3A_932, %shift_right_logical3A_934 : vector<16xi32>
      %sub3A_936 = arith.constant 1597463007 : i32
      %sub3A_937 = vector.broadcast %sub3A_936 : i32 to vector<16xi32>
      %sub3A_938 = arith.subi %sub3A_937, %shift_right_logical3A_935 : vector<16xi32>
      %bitcast3A_939 = vector.bitcast %sub3A_938 : vector<16xi32> to vector<16xf32>
      %mul3A_940 = arith.constant 5.000000e-01 : f32
      %mul3A_941 = vector.broadcast %mul3A_940 : f32 to vector<16xf32>
      %mul3A_942 = arith.mulf %mul3A_941, %add3A_931 : vector<16xf32>
      %mul3A_943 = arith.mulf %mul3A_942, %bitcast3A_939 : vector<16xf32>
      %mul3A_944 = arith.mulf %mul3A_943, %bitcast3A_939 : vector<16xf32>
      %sub3A_945 = arith.constant 1.500000e+00 : f32
      %sub3A_946 = vector.broadcast %sub3A_945 : f32 to vector<16xf32>
      %sub3A_947 = arith.subf %sub3A_946, %mul3A_944 : vector<16xf32>
      %mul3A_948 = arith.mulf %bitcast3A_939, %sub3A_947 : vector<16xf32>
      %mul3A_949 = arith.constant 5.000000e-01 : f32
      %mul3A_950 = vector.broadcast %mul3A_949 : f32 to vector<16xf32>
      %mul3A_951 = arith.mulf %mul3A_950, %add3A_931 : vector<16xf32>
      %mul3A_952 = arith.mulf %mul3A_951, %mul3A_948 : vector<16xf32>
      %mul3A_953 = arith.mulf %mul3A_952, %mul3A_948 : vector<16xf32>
      %sub3A_954 = arith.constant 1.500000e+00 : f32
      %sub3A_955 = vector.broadcast %sub3A_954 : f32 to vector<16xf32>
      %sub3A_956 = arith.subf %sub3A_955, %mul3A_953 : vector<16xf32>
      %mul3A_957 = arith.mulf %mul3A_948, %sub3A_956 : vector<16xf32>
      %mul3A_958 = arith.mulf %add3A_931, %mul3A_957 : vector<16xf32>
      %mul3A_959 = arith.constant 16 : i32
      %mul3A_960 = arith.muli %scan3A_768, %mul3A_959 : i32
      %get3A_961 = arith.constant 3 : i32
      %get3A_962 = arith.constant 2 : i32
      %get3A_963 = arith.index_cast %get3A_961 : i32 to index
      %get3A_964 = arith.index_cast %get3A_962 : i32 to index
      %get3A_965 = arith.index_cast %mul3A_960 : i32 to index
      %get3A_966 = tpu.vector_load %arg9[%get3A_963, %get3A_964, %get3A_965] {strides = array<i32>} : memref<7x4x128xi32, #tpu.memory_space<vmem>>, vector<16xi32>,
      %gather3A_967 = tpu.vector_load_idx %arg10[%get3A_966, %add3A_775] : memref<64x512xf32, #tpu.memory_space<vmem>>[vector<16xi32>, vector<16xi32>], vector<16xf32>,
      %abs3A_968 = math.absf %gather3A_967 : vector<16xf32>
      %neg3A_969 = arith.constant 0.000000e+00 : f32
      %neg3A_970 = vector.broadcast %neg3A_969 : f32 to vector<16xf32>
      %neg3A_971 = arith.subf %neg3A_970, %abs3A_968 : vector<16xf32>
      %exp3A_972 = math.exp %neg3A_971 : vector<16xf32>
      %broadcast_in_dim3A_973 = arith.constant 0.0410640724 : f32
      %broadcast_in_dim3A_974 = vector.broadcast %broadcast_in_dim3A_973 : f32 to vector<16xf32>
      %mul3A_975 = arith.mulf %broadcast_in_dim3A_974, %exp3A_972 : vector<16xf32>
      %add3A_976 = arith.constant -0.156026945 : f32
      %add3A_977 = vector.broadcast %add3A_976 : f32 to vector<16xf32>
      %add3A_978 = arith.addf %mul3A_975, %add3A_977 : vector<16xf32>
      %mul3A_979 = arith.mulf %add3A_978, %exp3A_972 : vector<16xf32>
      %add3A_980 = arith.constant 0.30467087 : f32
      %add3A_981 = vector.broadcast %add3A_980 : f32 to vector<16xf32>
      %add3A_982 = arith.addf %mul3A_979, %add3A_981 : vector<16xf32>
      %mul3A_983 = arith.mulf %add3A_982, %exp3A_972 : vector<16xf32>
      %add3A_984 = arith.constant -0.496367753 : f32
      %add3A_985 = vector.broadcast %add3A_984 : f32 to vector<16xf32>
      %add3A_986 = arith.addf %mul3A_983, %add3A_985 : vector<16xf32>
      %mul3A_987 = arith.mulf %add3A_986, %exp3A_972 : vector<16xf32>
      %add3A_988 = arith.constant 0.999887883 : f32
      %add3A_989 = vector.broadcast %add3A_988 : f32 to vector<16xf32>
      %add3A_990 = arith.addf %mul3A_987, %add3A_989 : vector<16xf32>
      %max3A_991 = arith.constant 0.000000e+00 : f32
      %max3A_992 = vector.broadcast %max3A_991 : f32 to vector<16xf32>
      %max3A_993 = arith.maximumf %gather3A_967, %max3A_992 : vector<16xf32>
      %mul3A_994 = arith.mulf %add3A_990, %exp3A_972 : vector<16xf32>
      %add3A_995 = arith.addf %max3A_993, %mul3A_994 : vector<16xf32>
      %bitcast3A_996 = vector.bitcast %add3A_995 : vector<16xf32> to vector<16xi32>
      %shift_right_logical3A_997 = arith.constant 1 : i32
      %shift_right_logical3A_998 = vector.broadcast %shift_right_logical3A_997 : i32 to vector<16xi32>
      %shift_right_logical3A_999 = arith.shrui %bitcast3A_996, %shift_right_logical3A_998 : vector<16xi32>
      %sub3A_1000 = arith.constant 1597463007 : i32
      %sub3A_1001 = vector.broadcast %sub3A_1000 : i32 to vector<16xi32>
      %sub3A_1002 = arith.subi %sub3A_1001, %shift_right_logical3A_999 : vector<16xi32>
      %bitcast3A_1003 = vector.bitcast %sub3A_1002 : vector<16xi32> to vector<16xf32>
      %mul3A_1004 = arith.constant 5.000000e-01 : f32
      %mul3A_1005 = vector.broadcast %mul3A_1004 : f32 to vector<16xf32>
      %mul3A_1006 = arith.mulf %mul3A_1005, %add3A_995 : vector<16xf32>
      %mul3A_1007 = arith.mulf %mul3A_1006, %bitcast3A_1003 : vector<16xf32>
      %mul3A_1008 = arith.mulf %mul3A_1007, %bitcast3A_1003 : vector<16xf32>
      %sub3A_1009 = arith.constant 1.500000e+00 : f32
      %sub3A_1010 = vector.broadcast %sub3A_1009 : f32 to vector<16xf32>
      %sub3A_1011 = arith.subf %sub3A_1010, %mul3A_1008 : vector<16xf32>
      %mul3A_1012 = arith.mulf %bitcast3A_1003, %sub3A_1011 : vector<16xf32>
      %mul3A_1013 = arith.constant 5.000000e-01 : f32
      %mul3A_1014 = vector.broadcast %mul3A_1013 : f32 to vector<16xf32>
      %mul3A_1015 = arith.mulf %mul3A_1014, %add3A_995 : vector<16xf32>
      %mul3A_1016 = arith.mulf %mul3A_1015, %mul3A_1012 : vector<16xf32>
      %mul3A_1017 = arith.mulf %mul3A_1016, %mul3A_1012 : vector<16xf32>
      %sub3A_1018 = arith.constant 1.500000e+00 : f32
      %sub3A_1019 = vector.broadcast %sub3A_1018 : f32 to vector<16xf32>
      %sub3A_1020 = arith.subf %sub3A_1019, %mul3A_1017 : vector<16xf32>
      %mul3A_1021 = arith.mulf %mul3A_1012, %sub3A_1020 : vector<16xf32>
      %mul3A_1022 = arith.mulf %add3A_995, %mul3A_1021 : vector<16xf32>
      %mul3A_1023 = arith.constant 16 : i32
      %mul3A_1024 = arith.muli %scan3A_768, %mul3A_1023 : i32
      %get3A_1025 = arith.constant 4 : i32
      %get3A_1026 = arith.constant 2 : i32
      %get3A_1027 = arith.index_cast %get3A_1025 : i32 to index
      %get3A_1028 = arith.index_cast %get3A_1026 : i32 to index
      %get3A_1029 = arith.index_cast %mul3A_1024 : i32 to index
      %get3A_1030 = tpu.vector_load %arg9[%get3A_1027, %get3A_1028, %get3A_1029] {strides = array<i32>} : memref<7x4x128xi32, #tpu.memory_space<vmem>>, vector<16xi32>,
      %gather3A_1031 = tpu.vector_load_idx %arg10[%get3A_1030, %add3A_775] : memref<64x512xf32, #tpu.memory_space<vmem>>[vector<16xi32>, vector<16xi32>], vector<16xf32>,
      %abs3A_1032 = math.absf %gather3A_1031 : vector<16xf32>
      %neg3A_1033 = arith.constant 0.000000e+00 : f32
      %neg3A_1034 = vector.broadcast %neg3A_1033 : f32 to vector<16xf32>
      %neg3A_1035 = arith.subf %neg3A_1034, %abs3A_1032 : vector<16xf32>
      %exp3A_1036 = math.exp %neg3A_1035 : vector<16xf32>
      %broadcast_in_dim3A_1037 = arith.constant 0.0410640724 : f32
      %broadcast_in_dim3A_1038 = vector.broadcast %broadcast_in_dim3A_1037 : f32 to vector<16xf32>
      %mul3A_1039 = arith.mulf %broadcast_in_dim3A_1038, %exp3A_1036 : vector<16xf32>
      %add3A_1040 = arith.constant -0.156026945 : f32
      %add3A_1041 = vector.broadcast %add3A_1040 : f32 to vector<16xf32>
      %add3A_1042 = arith.addf %mul3A_1039, %add3A_1041 : vector<16xf32>
      %mul3A_1043 = arith.mulf %add3A_1042, %exp3A_1036 : vector<16xf32>
      %add3A_1044 = arith.constant 0.30467087 : f32
      %add3A_1045 = vector.broadcast %add3A_1044 : f32 to vector<16xf32>
      %add3A_1046 = arith.addf %mul3A_1043, %add3A_1045 : vector<16xf32>
      %mul3A_1047 = arith.mulf %add3A_1046, %exp3A_1036 : vector<16xf32>
      %add3A_1048 = arith.constant -0.496367753 : f32
      %add3A_1049 = vector.broadcast %add3A_1048 : f32 to vector<16xf32>
      %add3A_1050 = arith.addf %mul3A_1047, %add3A_1049 : vector<16xf32>
      %mul3A_1051 = arith.mulf %add3A_1050, %exp3A_1036 : vector<16xf32>
      %add3A_1052 = arith.constant 0.999887883 : f32
      %add3A_1053 = vector.broadcast %add3A_1052 : f32 to vector<16xf32>
      %add3A_1054 = arith.addf %mul3A_1051, %add3A_1053 : vector<16xf32>
      %max3A_1055 = arith.constant 0.000000e+00 : f32
      %max3A_1056 = vector.broadcast %max3A_1055 : f32 to vector<16xf32>
      %max3A_1057 = arith.maximumf %gather3A_1031, %max3A_1056 : vector<16xf32>
      %mul3A_1058 = arith.mulf %add3A_1054, %exp3A_1036 : vector<16xf32>
      %add3A_1059 = arith.addf %max3A_1057, %mul3A_1058 : vector<16xf32>
      %bitcast3A_1060 = vector.bitcast %add3A_1059 : vector<16xf32> to vector<16xi32>
      %shift_right_logical3A_1061 = arith.constant 1 : i32
      %shift_right_logical3A_1062 = vector.broadcast %shift_right_logical3A_1061 : i32 to vector<16xi32>
      %shift_right_logical3A_1063 = arith.shrui %bitcast3A_1060, %shift_right_logical3A_1062 : vector<16xi32>
      %sub3A_1064 = arith.constant 1597463007 : i32
      %sub3A_1065 = vector.broadcast %sub3A_1064 : i32 to vector<16xi32>
      %sub3A_1066 = arith.subi %sub3A_1065, %shift_right_logical3A_1063 : vector<16xi32>
      %bitcast3A_1067 = vector.bitcast %sub3A_1066 : vector<16xi32> to vector<16xf32>
      %mul3A_1068 = arith.constant 5.000000e-01 : f32
      %mul3A_1069 = vector.broadcast %mul3A_1068 : f32 to vector<16xf32>
      %mul3A_1070 = arith.mulf %mul3A_1069, %add3A_1059 : vector<16xf32>
      %mul3A_1071 = arith.mulf %mul3A_1070, %bitcast3A_1067 : vector<16xf32>
      %mul3A_1072 = arith.mulf %mul3A_1071, %bitcast3A_1067 : vector<16xf32>
      %sub3A_1073 = arith.constant 1.500000e+00 : f32
      %sub3A_1074 = vector.broadcast %sub3A_1073 : f32 to vector<16xf32>
      %sub3A_1075 = arith.subf %sub3A_1074, %mul3A_1072 : vector<16xf32>
      %mul3A_1076 = arith.mulf %bitcast3A_1067, %sub3A_1075 : vector<16xf32>
      %mul3A_1077 = arith.constant 5.000000e-01 : f32
      %mul3A_1078 = vector.broadcast %mul3A_1077 : f32 to vector<16xf32>
      %mul3A_1079 = arith.mulf %mul3A_1078, %add3A_1059 : vector<16xf32>
      %mul3A_1080 = arith.mulf %mul3A_1079, %mul3A_1076 : vector<16xf32>
      %mul3A_1081 = arith.mulf %mul3A_1080, %mul3A_1076 : vector<16xf32>
      %sub3A_1082 = arith.constant 1.500000e+00 : f32
      %sub3A_1083 = vector.broadcast %sub3A_1082 : f32 to vector<16xf32>
      %sub3A_1084 = arith.subf %sub3A_1083, %mul3A_1081 : vector<16xf32>
      %mul3A_1085 = arith.mulf %mul3A_1076, %sub3A_1084 : vector<16xf32>
      %mul3A_1086 = arith.mulf %add3A_1059, %mul3A_1085 : vector<16xf32>
      %mul3A_1087 = arith.constant 16 : i32
      %mul3A_1088 = arith.muli %scan3A_768, %mul3A_1087 : i32
      %get3A_1089 = arith.constant 5 : i32
      %get3A_1090 = arith.constant 2 : i32
      %get3A_1091 = arith.index_cast %get3A_1089 : i32 to index
      %get3A_1092 = arith.index_cast %get3A_1090 : i32 to index
      %get3A_1093 = arith.index_cast %mul3A_1088 : i32 to index
      %get3A_1094 = tpu.vector_load %arg9[%get3A_1091, %get3A_1092, %get3A_1093] {strides = array<i32>} : memref<7x4x128xi32, #tpu.memory_space<vmem>>, vector<16xi32>,
      %gather3A_1095 = tpu.vector_load_idx %arg10[%get3A_1094, %add3A_775] : memref<64x512xf32, #tpu.memory_space<vmem>>[vector<16xi32>, vector<16xi32>], vector<16xf32>,
      %abs3A_1096 = math.absf %gather3A_1095 : vector<16xf32>
      %neg3A_1097 = arith.constant 0.000000e+00 : f32
      %neg3A_1098 = vector.broadcast %neg3A_1097 : f32 to vector<16xf32>
      %neg3A_1099 = arith.subf %neg3A_1098, %abs3A_1096 : vector<16xf32>
      %exp3A_1100 = math.exp %neg3A_1099 : vector<16xf32>
      %broadcast_in_dim3A_1101 = arith.constant 0.0410640724 : f32
      %broadcast_in_dim3A_1102 = vector.broadcast %broadcast_in_dim3A_1101 : f32 to vector<16xf32>
      %mul3A_1103 = arith.mulf %broadcast_in_dim3A_1102, %exp3A_1100 : vector<16xf32>
      %add3A_1104 = arith.constant -0.156026945 : f32
      %add3A_1105 = vector.broadcast %add3A_1104 : f32 to vector<16xf32>
      %add3A_1106 = arith.addf %mul3A_1103, %add3A_1105 : vector<16xf32>
      %mul3A_1107 = arith.mulf %add3A_1106, %exp3A_1100 : vector<16xf32>
      %add3A_1108 = arith.constant 0.30467087 : f32
      %add3A_1109 = vector.broadcast %add3A_1108 : f32 to vector<16xf32>
      %add3A_1110 = arith.addf %mul3A_1107, %add3A_1109 : vector<16xf32>
      %mul3A_1111 = arith.mulf %add3A_1110, %exp3A_1100 : vector<16xf32>
      %add3A_1112 = arith.constant -0.496367753 : f32
      %add3A_1113 = vector.broadcast %add3A_1112 : f32 to vector<16xf32>
      %add3A_1114 = arith.addf %mul3A_1111, %add3A_1113 : vector<16xf32>
      %mul3A_1115 = arith.mulf %add3A_1114, %exp3A_1100 : vector<16xf32>
      %add3A_1116 = arith.constant 0.999887883 : f32
      %add3A_1117 = vector.broadcast %add3A_1116 : f32 to vector<16xf32>
      %add3A_1118 = arith.addf %mul3A_1115, %add3A_1117 : vector<16xf32>
      %max3A_1119 = arith.constant 0.000000e+00 : f32
      %max3A_1120 = vector.broadcast %max3A_1119 : f32 to vector<16xf32>
      %max3A_1121 = arith.maximumf %gather3A_1095, %max3A_1120 : vector<16xf32>
      %mul3A_1122 = arith.mulf %add3A_1118, %exp3A_1100 : vector<16xf32>
      %add3A_1123 = arith.addf %max3A_1121, %mul3A_1122 : vector<16xf32>
      %bitcast3A_1124 = vector.bitcast %add3A_1123 : vector<16xf32> to vector<16xi32>
      %shift_right_logical3A_1125 = arith.constant 1 : i32
      %shift_right_logical3A_1126 = vector.broadcast %shift_right_logical3A_1125 : i32 to vector<16xi32>
      %shift_right_logical3A_1127 = arith.shrui %bitcast3A_1124, %shift_right_logical3A_1126 : vector<16xi32>
      %sub3A_1128 = arith.constant 1597463007 : i32
      %sub3A_1129 = vector.broadcast %sub3A_1128 : i32 to vector<16xi32>
      %sub3A_1130 = arith.subi %sub3A_1129, %shift_right_logical3A_1127 : vector<16xi32>
      %bitcast3A_1131 = vector.bitcast %sub3A_1130 : vector<16xi32> to vector<16xf32>
      %mul3A_1132 = arith.constant 5.000000e-01 : f32
      %mul3A_1133 = vector.broadcast %mul3A_1132 : f32 to vector<16xf32>
      %mul3A_1134 = arith.mulf %mul3A_1133, %add3A_1123 : vector<16xf32>
      %mul3A_1135 = arith.mulf %mul3A_1134, %bitcast3A_1131 : vector<16xf32>
      %mul3A_1136 = arith.mulf %mul3A_1135, %bitcast3A_1131 : vector<16xf32>
      %sub3A_1137 = arith.constant 1.500000e+00 : f32
      %sub3A_1138 = vector.broadcast %sub3A_1137 : f32 to vector<16xf32>
      %sub3A_1139 = arith.subf %sub3A_1138, %mul3A_1136 : vector<16xf32>
      %mul3A_1140 = arith.mulf %bitcast3A_1131, %sub3A_1139 : vector<16xf32>
      %mul3A_1141 = arith.constant 5.000000e-01 : f32
      %mul3A_1142 = vector.broadcast %mul3A_1141 : f32 to vector<16xf32>
      %mul3A_1143 = arith.mulf %mul3A_1142, %add3A_1123 : vector<16xf32>
      %mul3A_1144 = arith.mulf %mul3A_1143, %mul3A_1140 : vector<16xf32>
      %mul3A_1145 = arith.mulf %mul3A_1144, %mul3A_1140 : vector<16xf32>
      %sub3A_1146 = arith.constant 1.500000e+00 : f32
      %sub3A_1147 = vector.broadcast %sub3A_1146 : f32 to vector<16xf32>
      %sub3A_1148 = arith.subf %sub3A_1147, %mul3A_1145 : vector<16xf32>
      %mul3A_1149 = arith.mulf %mul3A_1140, %sub3A_1148 : vector<16xf32>
      %mul3A_1150 = arith.mulf %add3A_1123, %mul3A_1149 : vector<16xf32>
      %mul3A_1151 = arith.constant 16 : i32
      %mul3A_1152 = arith.muli %scan3A_768, %mul3A_1151 : i32
      %get3A_1153 = arith.constant 6 : i32
      %get3A_1154 = arith.constant 2 : i32
      %get3A_1155 = arith.index_cast %get3A_1153 : i32 to index
      %get3A_1156 = arith.index_cast %get3A_1154 : i32 to index
      %get3A_1157 = arith.index_cast %mul3A_1152 : i32 to index
      %get3A_1158 = tpu.vector_load %arg9[%get3A_1155, %get3A_1156, %get3A_1157] {strides = array<i32>} : memref<7x4x128xi32, #tpu.memory_space<vmem>>, vector<16xi32>,
      %gather3A_1159 = tpu.vector_load_idx %arg10[%get3A_1158, %add3A_775] : memref<64x512xf32, #tpu.memory_space<vmem>>[vector<16xi32>, vector<16xi32>], vector<16xf32>,
      %abs3A_1160 = math.absf %gather3A_1159 : vector<16xf32>
      %neg3A_1161 = arith.constant 0.000000e+00 : f32
      %neg3A_1162 = vector.broadcast %neg3A_1161 : f32 to vector<16xf32>
      %neg3A_1163 = arith.subf %neg3A_1162, %abs3A_1160 : vector<16xf32>
      %exp3A_1164 = math.exp %neg3A_1163 : vector<16xf32>
      %broadcast_in_dim3A_1165 = arith.constant 0.0410640724 : f32
      %broadcast_in_dim3A_1166 = vector.broadcast %broadcast_in_dim3A_1165 : f32 to vector<16xf32>
      %mul3A_1167 = arith.mulf %broadcast_in_dim3A_1166, %exp3A_1164 : vector<16xf32>
      %add3A_1168 = arith.constant -0.156026945 : f32
      %add3A_1169 = vector.broadcast %add3A_1168 : f32 to vector<16xf32>
      %add3A_1170 = arith.addf %mul3A_1167, %add3A_1169 : vector<16xf32>
      %mul3A_1171 = arith.mulf %add3A_1170, %exp3A_1164 : vector<16xf32>
      %add3A_1172 = arith.constant 0.30467087 : f32
      %add3A_1173 = vector.broadcast %add3A_1172 : f32 to vector<16xf32>
      %add3A_1174 = arith.addf %mul3A_1171, %add3A_1173 : vector<16xf32>
      %mul3A_1175 = arith.mulf %add3A_1174, %exp3A_1164 : vector<16xf32>
      %add3A_1176 = arith.constant -0.496367753 : f32
      %add3A_1177 = vector.broadcast %add3A_1176 : f32 to vector<16xf32>
      %add3A_1178 = arith.addf %mul3A_1175, %add3A_1177 : vector<16xf32>
      %mul3A_1179 = arith.mulf %add3A_1178, %exp3A_1164 : vector<16xf32>
      %add3A_1180 = arith.constant 0.999887883 : f32
      %add3A_1181 = vector.broadcast %add3A_1180 : f32 to vector<16xf32>
      %add3A_1182 = arith.addf %mul3A_1179, %add3A_1181 : vector<16xf32>
      %max3A_1183 = arith.constant 0.000000e+00 : f32
      %max3A_1184 = vector.broadcast %max3A_1183 : f32 to vector<16xf32>
      %max3A_1185 = arith.maximumf %gather3A_1159, %max3A_1184 : vector<16xf32>
      %mul3A_1186 = arith.mulf %add3A_1182, %exp3A_1164 : vector<16xf32>
      %add3A_1187 = arith.addf %max3A_1185, %mul3A_1186 : vector<16xf32>
      %bitcast3A_1188 = vector.bitcast %add3A_1187 : vector<16xf32> to vector<16xi32>
      %shift_right_logical3A_1189 = arith.constant 1 : i32
      %shift_right_logical3A_1190 = vector.broadcast %shift_right_logical3A_1189 : i32 to vector<16xi32>
      %shift_right_logical3A_1191 = arith.shrui %bitcast3A_1188, %shift_right_logical3A_1190 : vector<16xi32>
      %sub3A_1192 = arith.constant 1597463007 : i32
      %sub3A_1193 = vector.broadcast %sub3A_1192 : i32 to vector<16xi32>
      %sub3A_1194 = arith.subi %sub3A_1193, %shift_right_logical3A_1191 : vector<16xi32>
      %bitcast3A_1195 = vector.bitcast %sub3A_1194 : vector<16xi32> to vector<16xf32>
      %mul3A_1196 = arith.constant 5.000000e-01 : f32
      %mul3A_1197 = vector.broadcast %mul3A_1196 : f32 to vector<16xf32>
      %mul3A_1198 = arith.mulf %mul3A_1197, %add3A_1187 : vector<16xf32>
      %mul3A_1199 = arith.mulf %mul3A_1198, %bitcast3A_1195 : vector<16xf32>
      %mul3A_1200 = arith.mulf %mul3A_1199, %bitcast3A_1195 : vector<16xf32>
      %sub3A_1201 = arith.constant 1.500000e+00 : f32
      %sub3A_1202 = vector.broadcast %sub3A_1201 : f32 to vector<16xf32>
      %sub3A_1203 = arith.subf %sub3A_1202, %mul3A_1200 : vector<16xf32>
      %mul3A_1204 = arith.mulf %bitcast3A_1195, %sub3A_1203 : vector<16xf32>
      %mul3A_1205 = arith.constant 5.000000e-01 : f32
      %mul3A_1206 = vector.broadcast %mul3A_1205 : f32 to vector<16xf32>
      %mul3A_1207 = arith.mulf %mul3A_1206, %add3A_1187 : vector<16xf32>
      %mul3A_1208 = arith.mulf %mul3A_1207, %mul3A_1204 : vector<16xf32>
      %mul3A_1209 = arith.mulf %mul3A_1208, %mul3A_1204 : vector<16xf32>
      %sub3A_1210 = arith.constant 1.500000e+00 : f32
      %sub3A_1211 = vector.broadcast %sub3A_1210 : f32 to vector<16xf32>
      %sub3A_1212 = arith.subf %sub3A_1211, %mul3A_1209 : vector<16xf32>
      %mul3A_1213 = arith.mulf %mul3A_1204, %sub3A_1212 : vector<16xf32>
      %mul3A_1214 = arith.mulf %add3A_1187, %mul3A_1213 : vector<16xf32>
      %add3A_1215 = arith.addf %mul3A_830, %mul3A_894 : vector<16xf32>
      %add3A_1216 = arith.addf %add3A_1215, %mul3A_958 : vector<16xf32>
      %add3A_1217 = arith.addf %add3A_1216, %mul3A_1022 : vector<16xf32>
      %add3A_1218 = arith.addf %add3A_1217, %mul3A_1086 : vector<16xf32>
      %add3A_1219 = arith.addf %add3A_1218, %mul3A_1150 : vector<16xf32>
      %add3A_1220 = arith.addf %add3A_1219, %mul3A_1214 : vector<16xf32>
      %div3A_1221 = arith.constant 1.000000e+00 : f32
      %div3A_1222 = vector.broadcast %div3A_1221 : f32 to vector<16xf32>
      %div3A_1223 = arith.divf %div3A_1222, %add3A_1220 : vector<16xf32>
      %broadcast_in_dim3A_1224 = arith.constant 0.000000e+00 : f32
      %broadcast_in_dim3A_1225 = vector.broadcast %broadcast_in_dim3A_1224 : f32 to vector<16xf32>
      %mul3A_1226 = arith.mulf %mul3A_830, %div3A_1223 : vector<16xf32>
      %add3A_1227 = arith.addf %broadcast_in_dim3A_1225, %mul3A_1226 : vector<16xf32>
      %mul3A_1228 = arith.constant 16 : i32
      %mul3A_1229 = arith.muli %scan3A_768, %mul3A_1228 : i32
      %swap3A = arith.constant 2 : i32
      %swap3A_1230 = arith.constant 0 : i32
      %swap3A_1231 = arith.index_cast %swap3A : i32 to index
      %swap3A_1232 = arith.index_cast %swap3A_1230 : i32 to index
      %swap3A_1233 = arith.index_cast %mul3A_1229 : i32 to index
      %swap3A_1234 = tpu.vector_load %arg11[%swap3A_1231, %swap3A_1232, %swap3A_1233] {strides = array<i32>} : memref<4x8x128xf32, #tpu.memory_space<vmem>>, vector<16xf32>,
      tpu.vector_store %arg11[%swap3A_1231, %swap3A_1232, %swap3A_1233], %mul3A_1226 {strides = array<i32>} : memref<4x8x128xf32, #tpu.memory_space<vmem>>, vector<16xf32>,
      %mul3A_1235 = arith.constant 16 : i32
      %mul3A_1236 = arith.muli %scan3A_768, %mul3A_1235 : i32
      %swap3A_1237 = arith.constant 2 : i32
      %swap3A_1238 = arith.constant 0 : i32
      %swap3A_1239 = arith.index_cast %swap3A_1237 : i32 to index
      %swap3A_1240 = arith.index_cast %swap3A_1238 : i32 to index
      %swap3A_1241 = arith.index_cast %mul3A_1236 : i32 to index
      %swap3A_1242 = tpu.vector_load %arg12[%swap3A_1239, %swap3A_1240, %swap3A_1241] {strides = array<i32>} : memref<4x8x128xi32, #tpu.memory_space<vmem>>, vector<16xi32>,
      tpu.vector_store %arg12[%swap3A_1239, %swap3A_1240, %swap3A_1241], %get3A_782 {strides = array<i32>} : memref<4x8x128xi32, #tpu.memory_space<vmem>>, vector<16xi32>,
      %mul3A_1243 = arith.mulf %mul3A_894, %div3A_1223 : vector<16xf32>
      %add3A_1244 = arith.addf %add3A_1227, %mul3A_1243 : vector<16xf32>
      %mul3A_1245 = arith.constant 16 : i32
      %mul3A_1246 = arith.muli %scan3A_768, %mul3A_1245 : i32
      %swap3A_1247 = arith.constant 2 : i32
      %swap3A_1248 = arith.constant 1 : i32
      %swap3A_1249 = arith.index_cast %swap3A_1247 : i32 to index
      %swap3A_1250 = arith.index_cast %swap3A_1248 : i32 to index
      %swap3A_1251 = arith.index_cast %mul3A_1246 : i32 to index
      %swap3A_1252 = tpu.vector_load %arg11[%swap3A_1249, %swap3A_1250, %swap3A_1251] {strides = array<i32>} : memref<4x8x128xf32, #tpu.memory_space<vmem>>, vector<16xf32>,
      tpu.vector_store %arg11[%swap3A_1249, %swap3A_1250, %swap3A_1251], %mul3A_1243 {strides = array<i32>} : memref<4x8x128xf32, #tpu.memory_space<vmem>>, vector<16xf32>,
      %mul3A_1253 = arith.constant 16 : i32
      %mul3A_1254 = arith.muli %scan3A_768, %mul3A_1253 : i32
      %swap3A_1255 = arith.constant 2 : i32
      %swap3A_1256 = arith.constant 1 : i32
      %swap3A_1257 = arith.index_cast %swap3A_1255 : i32 to index
      %swap3A_1258 = arith.index_cast %swap3A_1256 : i32 to index
      %swap3A_1259 = arith.index_cast %mul3A_1254 : i32 to index
      %swap3A_1260 = tpu.vector_load %arg12[%swap3A_1257, %swap3A_1258, %swap3A_1259] {strides = array<i32>} : memref<4x8x128xi32, #tpu.memory_space<vmem>>, vector<16xi32>,
      tpu.vector_store %arg12[%swap3A_1257, %swap3A_1258, %swap3A_1259], %get3A_838 {strides = array<i32>} : memref<4x8x128xi32, #tpu.memory_space<vmem>>, vector<16xi32>,
      %mul3A_1261 = arith.mulf %mul3A_958, %div3A_1223 : vector<16xf32>
      %add3A_1262 = arith.addf %add3A_1244, %mul3A_1261 : vector<16xf32>
      %mul3A_1263 = arith.constant 16 : i32
      %mul3A_1264 = arith.muli %scan3A_768, %mul3A_1263 : i32
      %swap3A_1265 = arith.constant 2 : i32
      %swap3A_1266 = arith.constant 2 : i32
      %swap3A_1267 = arith.index_cast %swap3A_1265 : i32 to index
      %swap3A_1268 = arith.index_cast %swap3A_1266 : i32 to index
      %swap3A_1269 = arith.index_cast %mul3A_1264 : i32 to index
      %swap3A_1270 = tpu.vector_load %arg11[%swap3A_1267, %swap3A_1268, %swap3A_1269] {strides = array<i32>} : memref<4x8x128xf32, #tpu.memory_space<vmem>>, vector<16xf32>,
      tpu.vector_store %arg11[%swap3A_1267, %swap3A_1268, %swap3A_1269], %mul3A_1261 {strides = array<i32>} : memref<4x8x128xf32, #tpu.memory_space<vmem>>, vector<16xf32>,
      %mul3A_1271 = arith.constant 16 : i32
      %mul3A_1272 = arith.muli %scan3A_768, %mul3A_1271 : i32
      %swap3A_1273 = arith.constant 2 : i32
      %swap3A_1274 = arith.constant 2 : i32
      %swap3A_1275 = arith.index_cast %swap3A_1273 : i32 to index
      %swap3A_1276 = arith.index_cast %swap3A_1274 : i32 to index
      %swap3A_1277 = arith.index_cast %mul3A_1272 : i32 to index
      %swap3A_1278 = tpu.vector_load %arg12[%swap3A_1275, %swap3A_1276, %swap3A_1277] {strides = array<i32>} : memref<4x8x128xi32, #tpu.memory_space<vmem>>, vector<16xi32>,
      tpu.vector_store %arg12[%swap3A_1275, %swap3A_1276, %swap3A_1277], %get3A_902 {strides = array<i32>} : memref<4x8x128xi32, #tpu.memory_space<vmem>>, vector<16xi32>,
      %mul3A_1279 = arith.mulf %mul3A_1022, %div3A_1223 : vector<16xf32>
      %add3A_1280 = arith.addf %add3A_1262, %mul3A_1279 : vector<16xf32>
      %mul3A_1281 = arith.constant 16 : i32
      %mul3A_1282 = arith.muli %scan3A_768, %mul3A_1281 : i32
      %swap3A_1283 = arith.constant 2 : i32
      %swap3A_1284 = arith.constant 3 : i32
      %swap3A_1285 = arith.index_cast %swap3A_1283 : i32 to index
      %swap3A_1286 = arith.index_cast %swap3A_1284 : i32 to index
      %swap3A_1287 = arith.index_cast %mul3A_1282 : i32 to index
      %swap3A_1288 = tpu.vector_load %arg11[%swap3A_1285, %swap3A_1286, %swap3A_1287] {strides = array<i32>} : memref<4x8x128xf32, #tpu.memory_space<vmem>>, vector<16xf32>,
      tpu.vector_store %arg11[%swap3A_1285, %swap3A_1286, %swap3A_1287], %mul3A_1279 {strides = array<i32>} : memref<4x8x128xf32, #tpu.memory_space<vmem>>, vector<16xf32>,
      %mul3A_1289 = arith.constant 16 : i32
      %mul3A_1290 = arith.muli %scan3A_768, %mul3A_1289 : i32
      %swap3A_1291 = arith.constant 2 : i32
      %swap3A_1292 = arith.constant 3 : i32
      %swap3A_1293 = arith.index_cast %swap3A_1291 : i32 to index
      %swap3A_1294 = arith.index_cast %swap3A_1292 : i32 to index
      %swap3A_1295 = arith.index_cast %mul3A_1290 : i32 to index
      %swap3A_1296 = tpu.vector_load %arg12[%swap3A_1293, %swap3A_1294, %swap3A_1295] {strides = array<i32>} : memref<4x8x128xi32, #tpu.memory_space<vmem>>, vector<16xi32>,
      tpu.vector_store %arg12[%swap3A_1293, %swap3A_1294, %swap3A_1295], %get3A_966 {strides = array<i32>} : memref<4x8x128xi32, #tpu.memory_space<vmem>>, vector<16xi32>,
      %mul3A_1297 = arith.mulf %mul3A_1086, %div3A_1223 : vector<16xf32>
      %add3A_1298 = arith.addf %add3A_1280, %mul3A_1297 : vector<16xf32>
      %mul3A_1299 = arith.constant 16 : i32
      %mul3A_1300 = arith.muli %scan3A_768, %mul3A_1299 : i32
      %swap3A_1301 = arith.constant 2 : i32
      %swap3A_1302 = arith.constant 4 : i32
      %swap3A_1303 = arith.index_cast %swap3A_1301 : i32 to index
      %swap3A_1304 = arith.index_cast %swap3A_1302 : i32 to index
      %swap3A_1305 = arith.index_cast %mul3A_1300 : i32 to index
      %swap3A_1306 = tpu.vector_load %arg11[%swap3A_1303, %swap3A_1304, %swap3A_1305] {strides = array<i32>} : memref<4x8x128xf32, #tpu.memory_space<vmem>>, vector<16xf32>,
      tpu.vector_store %arg11[%swap3A_1303, %swap3A_1304, %swap3A_1305], %mul3A_1297 {strides = array<i32>} : memref<4x8x128xf32, #tpu.memory_space<vmem>>, vector<16xf32>,
      %mul3A_1307 = arith.constant 16 : i32
      %mul3A_1308 = arith.muli %scan3A_768, %mul3A_1307 : i32
      %swap3A_1309 = arith.constant 2 : i32
      %swap3A_1310 = arith.constant 4 : i32
      %swap3A_1311 = arith.index_cast %swap3A_1309 : i32 to index
      %swap3A_1312 = arith.index_cast %swap3A_1310 : i32 to index
      %swap3A_1313 = arith.index_cast %mul3A_1308 : i32 to index
      %swap3A_1314 = tpu.vector_load %arg12[%swap3A_1311, %swap3A_1312, %swap3A_1313] {strides = array<i32>} : memref<4x8x128xi32, #tpu.memory_space<vmem>>, vector<16xi32>,
      tpu.vector_store %arg12[%swap3A_1311, %swap3A_1312, %swap3A_1313], %get3A_1030 {strides = array<i32>} : memref<4x8x128xi32, #tpu.memory_space<vmem>>, vector<16xi32>,
      %mul3A_1315 = arith.mulf %mul3A_1150, %div3A_1223 : vector<16xf32>
      %add3A_1316 = arith.addf %add3A_1298, %mul3A_1315 : vector<16xf32>
      %mul3A_1317 = arith.constant 16 : i32
      %mul3A_1318 = arith.muli %scan3A_768, %mul3A_1317 : i32
      %swap3A_1319 = arith.constant 2 : i32
      %swap3A_1320 = arith.constant 5 : i32
      %swap3A_1321 = arith.index_cast %swap3A_1319 : i32 to index
      %swap3A_1322 = arith.index_cast %swap3A_1320 : i32 to index
      %swap3A_1323 = arith.index_cast %mul3A_1318 : i32 to index
      %swap3A_1324 = tpu.vector_load %arg11[%swap3A_1321, %swap3A_1322, %swap3A_1323] {strides = array<i32>} : memref<4x8x128xf32, #tpu.memory_space<vmem>>, vector<16xf32>,
      tpu.vector_store %arg11[%swap3A_1321, %swap3A_1322, %swap3A_1323], %mul3A_1315 {strides = array<i32>} : memref<4x8x128xf32, #tpu.memory_space<vmem>>, vector<16xf32>,
      %mul3A_1325 = arith.constant 16 : i32
      %mul3A_1326 = arith.muli %scan3A_768, %mul3A_1325 : i32
      %swap3A_1327 = arith.constant 2 : i32
      %swap3A_1328 = arith.constant 5 : i32
      %swap3A_1329 = arith.index_cast %swap3A_1327 : i32 to index
      %swap3A_1330 = arith.index_cast %swap3A_1328 : i32 to index
      %swap3A_1331 = arith.index_cast %mul3A_1326 : i32 to index
      %swap3A_1332 = tpu.vector_load %arg12[%swap3A_1329, %swap3A_1330, %swap3A_1331] {strides = array<i32>} : memref<4x8x128xi32, #tpu.memory_space<vmem>>, vector<16xi32>,
      tpu.vector_store %arg12[%swap3A_1329, %swap3A_1330, %swap3A_1331], %get3A_1094 {strides = array<i32>} : memref<4x8x128xi32, #tpu.memory_space<vmem>>, vector<16xi32>,
      %mul3A_1333 = arith.mulf %mul3A_1214, %div3A_1223 : vector<16xf32>
      %add3A_1334 = arith.addf %add3A_1316, %mul3A_1333 : vector<16xf32>
      %mul3A_1335 = arith.constant 16 : i32
      %mul3A_1336 = arith.muli %scan3A_768, %mul3A_1335 : i32
      %swap3A_1337 = arith.constant 2 : i32
      %swap3A_1338 = arith.constant 6 : i32
      %swap3A_1339 = arith.index_cast %swap3A_1337 : i32 to index
      %swap3A_1340 = arith.index_cast %swap3A_1338 : i32 to index
      %swap3A_1341 = arith.index_cast %mul3A_1336 : i32 to index
      %swap3A_1342 = tpu.vector_load %arg11[%swap3A_1339, %swap3A_1340, %swap3A_1341] {strides = array<i32>} : memref<4x8x128xf32, #tpu.memory_space<vmem>>, vector<16xf32>,
      tpu.vector_store %arg11[%swap3A_1339, %swap3A_1340, %swap3A_1341], %mul3A_1333 {strides = array<i32>} : memref<4x8x128xf32, #tpu.memory_space<vmem>>, vector<16xf32>,
      %mul3A_1343 = arith.constant 16 : i32
      %mul3A_1344 = arith.muli %scan3A_768, %mul3A_1343 : i32
      %swap3A_1345 = arith.constant 2 : i32
      %swap3A_1346 = arith.constant 6 : i32
      %swap3A_1347 = arith.index_cast %swap3A_1345 : i32 to index
      %swap3A_1348 = arith.index_cast %swap3A_1346 : i32 to index
      %swap3A_1349 = arith.index_cast %mul3A_1344 : i32 to index
      %swap3A_1350 = tpu.vector_load %arg12[%swap3A_1347, %swap3A_1348, %swap3A_1349] {strides = array<i32>} : memref<4x8x128xi32, #tpu.memory_space<vmem>>, vector<16xi32>,
      tpu.vector_store %arg12[%swap3A_1347, %swap3A_1348, %swap3A_1349], %get3A_1158 {strides = array<i32>} : memref<4x8x128xi32, #tpu.memory_space<vmem>>, vector<16xi32>,
      %mul3A_1351 = arith.constant 0.666666686 : f32
      %mul3A_1352 = vector.broadcast %mul3A_1351 : f32 to vector<16xf32>
      %mul3A_1353 = arith.mulf %add3A_1334, %mul3A_1352 : vector<16xf32>
      %mul3A_1354 = arith.constant 16 : i32
      %mul3A_1355 = arith.muli %scan3A_768, %mul3A_1354 : i32
      %swap3A_1356 = arith.constant 2 : i32
      %swap3A_1357 = arith.constant 7 : i32
      %swap3A_1358 = arith.index_cast %swap3A_1356 : i32 to index
      %swap3A_1359 = arith.index_cast %swap3A_1357 : i32 to index
      %swap3A_1360 = arith.index_cast %mul3A_1355 : i32 to index
      %swap3A_1361 = tpu.vector_load %arg11[%swap3A_1358, %swap3A_1359, %swap3A_1360] {strides = array<i32>} : memref<4x8x128xf32, #tpu.memory_space<vmem>>, vector<16xf32>,
      tpu.vector_store %arg11[%swap3A_1358, %swap3A_1359, %swap3A_1360], %mul3A_1353 {strides = array<i32>} : memref<4x8x128xf32, #tpu.memory_space<vmem>>, vector<16xf32>,
      %broadcast_in_dim3A_1362 = arith.constant 64 : i32
      %broadcast_in_dim3A_1363 = vector.broadcast %broadcast_in_dim3A_1362 : i32 to vector<16xi32>
      %mul3A_1364 = arith.constant 16 : i32
      %mul3A_1365 = arith.muli %scan3A_768, %mul3A_1364 : i32
      %swap3A_1366 = arith.constant 2 : i32
      %swap3A_1367 = arith.constant 7 : i32
      %swap3A_1368 = arith.index_cast %swap3A_1366 : i32 to index
      %swap3A_1369 = arith.index_cast %swap3A_1367 : i32 to index
      %swap3A_1370 = arith.index_cast %mul3A_1365 : i32 to index
      %swap3A_1371 = tpu.vector_load %arg12[%swap3A_1368, %swap3A_1369, %swap3A_1370] {strides = array<i32>} : memref<4x8x128xi32, #tpu.memory_space<vmem>>, vector<16xi32>,
      tpu.vector_store %arg12[%swap3A_1368, %swap3A_1369, %swap3A_1370], %broadcast_in_dim3A_1363 {strides = array<i32>} : memref<4x8x128xi32, #tpu.memory_space<vmem>>, vector<16xi32>,
    }
    %scan3A_637 = arith.constant 8 : i32
    %dma_wait3A_638 = arith.constant 0 : i32
    %dma_wait3A_639 = arith.constant 3 : i32
    %dma_wait3A_640 = arith.constant 0 : i32
    %dma_wait3A_641 = arith.constant 3 : i32
    %dma_wait3A_642 = arith.constant 0 : i32
    %dma_wait3A_643 = tpu.memref_slice %arg9[%dma_wait3A_640, %dma_wait3A_641, %dma_wait3A_642] : memref<7x4x128xi32, #tpu.memory_space<vmem>> -> memref<1x1x128xi32, #tpu.memory_space<vmem>>
    %dma_wait3A_644 = tpu.memref_squeeze %dma_wait3A_643 : memref<1x1x128xi32, #tpu.memory_space<vmem>> -> memref<128xi32, #tpu.memory_space<vmem>>
    %dma_wait3A_645 = arith.constant 0 : i32
    %dma_wait3A_646 = tpu.memref_slice %arg8[%dma_wait3A_638, %dma_wait3A_639, %dma_wait3A_645] : memref<7x4x128xi32, #tpu.memory_space<vmem>> -> memref<1x1x128xi32, #tpu.memory_space<vmem>>
    %dma_wait3A_647 = tpu.memref_squeeze %dma_wait3A_646 : memref<1x1x128xi32, #tpu.memory_space<vmem>> -> memref<128xi32, #tpu.memory_space<vmem>>
    %dma_wait3A_648 = arith.constant 0 : i32
    %dma_wait3A_649 = tpu.memref_slice %arg3[%dma_wait3A_648] : memref<700000xi32, #tpu.memory_space<hbm>> -> memref<700000xi32, #tpu.memory_space<hbm>>
    tpu.wait_indirect_dma semaphore(%arg13 : memref<!tpu.dma_semaphore, #tpu.memory_space<semaphore_mem>>) src(%dma_wait3A_649 : memref<700000xi32, #tpu.memory_space<hbm>>) dst(%dma_wait3A_644 : memref<128xi32, #tpu.memory_space<vmem>>)
    %dma_wait3A_650 = arith.constant 1 : i32
    %dma_wait3A_651 = arith.constant 3 : i32
    %dma_wait3A_652 = arith.constant 1 : i32
    %dma_wait3A_653 = arith.constant 3 : i32
    %dma_wait3A_654 = arith.constant 0 : i32
    %dma_wait3A_655 = tpu.memref_slice %arg9[%dma_wait3A_652, %dma_wait3A_653, %dma_wait3A_654] : memref<7x4x128xi32, #tpu.memory_space<vmem>> -> memref<1x1x128xi32, #tpu.memory_space<vmem>>
    %dma_wait3A_656 = tpu.memref_squeeze %dma_wait3A_655 : memref<1x1x128xi32, #tpu.memory_space<vmem>> -> memref<128xi32, #tpu.memory_space<vmem>>
    %dma_wait3A_657 = arith.constant 0 : i32
    %dma_wait3A_658 = tpu.memref_slice %arg8[%dma_wait3A_650, %dma_wait3A_651, %dma_wait3A_657] : memref<7x4x128xi32, #tpu.memory_space<vmem>> -> memref<1x1x128xi32, #tpu.memory_space<vmem>>
    %dma_wait3A_659 = tpu.memref_squeeze %dma_wait3A_658 : memref<1x1x128xi32, #tpu.memory_space<vmem>> -> memref<128xi32, #tpu.memory_space<vmem>>
    %dma_wait3A_660 = arith.constant 0 : i32
    %dma_wait3A_661 = tpu.memref_slice %arg3[%dma_wait3A_660] : memref<700000xi32, #tpu.memory_space<hbm>> -> memref<700000xi32, #tpu.memory_space<hbm>>
    tpu.wait_indirect_dma semaphore(%arg13 : memref<!tpu.dma_semaphore, #tpu.memory_space<semaphore_mem>>) src(%dma_wait3A_661 : memref<700000xi32, #tpu.memory_space<hbm>>) dst(%dma_wait3A_656 : memref<128xi32, #tpu.memory_space<vmem>>)
    %dma_wait3A_662 = arith.constant 2 : i32
    %dma_wait3A_663 = arith.constant 3 : i32
    %dma_wait3A_664 = arith.constant 2 : i32
    %dma_wait3A_665 = arith.constant 3 : i32
    %dma_wait3A_666 = arith.constant 0 : i32
    %dma_wait3A_667 = tpu.memref_slice %arg9[%dma_wait3A_664, %dma_wait3A_665, %dma_wait3A_666] : memref<7x4x128xi32, #tpu.memory_space<vmem>> -> memref<1x1x128xi32, #tpu.memory_space<vmem>>
    %dma_wait3A_668 = tpu.memref_squeeze %dma_wait3A_667 : memref<1x1x128xi32, #tpu.memory_space<vmem>> -> memref<128xi32, #tpu.memory_space<vmem>>
    %dma_wait3A_669 = arith.constant 0 : i32
    %dma_wait3A_670 = tpu.memref_slice %arg8[%dma_wait3A_662, %dma_wait3A_663, %dma_wait3A_669] : memref<7x4x128xi32, #tpu.memory_space<vmem>> -> memref<1x1x128xi32, #tpu.memory_space<vmem>>
    %dma_wait3A_671 = tpu.memref_squeeze %dma_wait3A_670 : memref<1x1x128xi32, #tpu.memory_space<vmem>> -> memref<128xi32, #tpu.memory_space<vmem>>
    %dma_wait3A_672 = arith.constant 0 : i32
    %dma_wait3A_673 = tpu.memref_slice %arg3[%dma_wait3A_672] : memref<700000xi32, #tpu.memory_space<hbm>> -> memref<700000xi32, #tpu.memory_space<hbm>>
    tpu.wait_indirect_dma semaphore(%arg13 : memref<!tpu.dma_semaphore, #tpu.memory_space<semaphore_mem>>) src(%dma_wait3A_673 : memref<700000xi32, #tpu.memory_space<hbm>>) dst(%dma_wait3A_668 : memref<128xi32, #tpu.memory_space<vmem>>)
    %dma_wait3A_674 = arith.constant 3 : i32
    %dma_wait3A_675 = arith.constant 3 : i32
    %dma_wait3A_676 = arith.constant 3 : i32
    %dma_wait3A_677 = arith.constant 3 : i32
    %dma_wait3A_678 = arith.constant 0 : i32
    %dma_wait3A_679 = tpu.memref_slice %arg9[%dma_wait3A_676, %dma_wait3A_677, %dma_wait3A_678] : memref<7x4x128xi32, #tpu.memory_space<vmem>> -> memref<1x1x128xi32, #tpu.memory_space<vmem>>
    %dma_wait3A_680 = tpu.memref_squeeze %dma_wait3A_679 : memref<1x1x128xi32, #tpu.memory_space<vmem>> -> memref<128xi32, #tpu.memory_space<vmem>>
    %dma_wait3A_681 = arith.constant 0 : i32
    %dma_wait3A_682 = tpu.memref_slice %arg8[%dma_wait3A_674, %dma_wait3A_675, %dma_wait3A_681] : memref<7x4x128xi32, #tpu.memory_space<vmem>> -> memref<1x1x128xi32, #tpu.memory_space<vmem>>
    %dma_wait3A_683 = tpu.memref_squeeze %dma_wait3A_682 : memref<1x1x128xi32, #tpu.memory_space<vmem>> -> memref<128xi32, #tpu.memory_space<vmem>>
    %dma_wait3A_684 = arith.constant 0 : i32
    %dma_wait3A_685 = tpu.memref_slice %arg3[%dma_wait3A_684] : memref<700000xi32, #tpu.memory_space<hbm>> -> memref<700000xi32, #tpu.memory_space<hbm>>
    tpu.wait_indirect_dma semaphore(%arg13 : memref<!tpu.dma_semaphore, #tpu.memory_space<semaphore_mem>>) src(%dma_wait3A_685 : memref<700000xi32, #tpu.memory_space<hbm>>) dst(%dma_wait3A_680 : memref<128xi32, #tpu.memory_space<vmem>>)
    %dma_wait3A_686 = arith.constant 4 : i32
    %dma_wait3A_687 = arith.constant 3 : i32
    %dma_wait3A_688 = arith.constant 4 : i32
    %dma_wait3A_689 = arith.constant 3 : i32
    %dma_wait3A_690 = arith.constant 0 : i32
    %dma_wait3A_691 = tpu.memref_slice %arg9[%dma_wait3A_688, %dma_wait3A_689, %dma_wait3A_690] : memref<7x4x128xi32, #tpu.memory_space<vmem>> -> memref<1x1x128xi32, #tpu.memory_space<vmem>>
    %dma_wait3A_692 = tpu.memref_squeeze %dma_wait3A_691 : memref<1x1x128xi32, #tpu.memory_space<vmem>> -> memref<128xi32, #tpu.memory_space<vmem>>
    %dma_wait3A_693 = arith.constant 0 : i32
    %dma_wait3A_694 = tpu.memref_slice %arg8[%dma_wait3A_686, %dma_wait3A_687, %dma_wait3A_693] : memref<7x4x128xi32, #tpu.memory_space<vmem>> -> memref<1x1x128xi32, #tpu.memory_space<vmem>>
    %dma_wait3A_695 = tpu.memref_squeeze %dma_wait3A_694 : memref<1x1x128xi32, #tpu.memory_space<vmem>> -> memref<128xi32, #tpu.memory_space<vmem>>
    %dma_wait3A_696 = arith.constant 0 : i32
    %dma_wait3A_697 = tpu.memref_slice %arg3[%dma_wait3A_696] : memref<700000xi32, #tpu.memory_space<hbm>> -> memref<700000xi32, #tpu.memory_space<hbm>>
    tpu.wait_indirect_dma semaphore(%arg13 : memref<!tpu.dma_semaphore, #tpu.memory_space<semaphore_mem>>) src(%dma_wait3A_697 : memref<700000xi32, #tpu.memory_space<hbm>>) dst(%dma_wait3A_692 : memref<128xi32, #tpu.memory_space<vmem>>)
    %dma_wait3A_698 = arith.constant 5 : i32
    %dma_wait3A_699 = arith.constant 3 : i32
    %dma_wait3A_700 = arith.constant 5 : i32
    %dma_wait3A_701 = arith.constant 3 : i32
    %dma_wait3A_702 = arith.constant 0 : i32
    %dma_wait3A_703 = tpu.memref_slice %arg9[%dma_wait3A_700, %dma_wait3A_701, %dma_wait3A_702] : memref<7x4x128xi32, #tpu.memory_space<vmem>> -> memref<1x1x128xi32, #tpu.memory_space<vmem>>
    %dma_wait3A_704 = tpu.memref_squeeze %dma_wait3A_703 : memref<1x1x128xi32, #tpu.memory_space<vmem>> -> memref<128xi32, #tpu.memory_space<vmem>>
    %dma_wait3A_705 = arith.constant 0 : i32
    %dma_wait3A_706 = tpu.memref_slice %arg8[%dma_wait3A_698, %dma_wait3A_699, %dma_wait3A_705] : memref<7x4x128xi32, #tpu.memory_space<vmem>> -> memref<1x1x128xi32, #tpu.memory_space<vmem>>
    %dma_wait3A_707 = tpu.memref_squeeze %dma_wait3A_706 : memref<1x1x128xi32, #tpu.memory_space<vmem>> -> memref<128xi32, #tpu.memory_space<vmem>>
    %dma_wait3A_708 = arith.constant 0 : i32
    %dma_wait3A_709 = tpu.memref_slice %arg3[%dma_wait3A_708] : memref<700000xi32, #tpu.memory_space<hbm>> -> memref<700000xi32, #tpu.memory_space<hbm>>
    tpu.wait_indirect_dma semaphore(%arg13 : memref<!tpu.dma_semaphore, #tpu.memory_space<semaphore_mem>>) src(%dma_wait3A_709 : memref<700000xi32, #tpu.memory_space<hbm>>) dst(%dma_wait3A_704 : memref<128xi32, #tpu.memory_space<vmem>>)
    %dma_wait3A_710 = arith.constant 6 : i32
    %dma_wait3A_711 = arith.constant 3 : i32
    %dma_wait3A_712 = arith.constant 6 : i32
    %dma_wait3A_713 = arith.constant 3 : i32
    %dma_wait3A_714 = arith.constant 0 : i32
    %dma_wait3A_715 = tpu.memref_slice %arg9[%dma_wait3A_712, %dma_wait3A_713, %dma_wait3A_714] : memref<7x4x128xi32, #tpu.memory_space<vmem>> -> memref<1x1x128xi32, #tpu.memory_space<vmem>>
    %dma_wait3A_716 = tpu.memref_squeeze %dma_wait3A_715 : memref<1x1x128xi32, #tpu.memory_space<vmem>> -> memref<128xi32, #tpu.memory_space<vmem>>
    %dma_wait3A_717 = arith.constant 0 : i32
    %dma_wait3A_718 = tpu.memref_slice %arg8[%dma_wait3A_710, %dma_wait3A_711, %dma_wait3A_717] : memref<7x4x128xi32, #tpu.memory_space<vmem>> -> memref<1x1x128xi32, #tpu.memory_space<vmem>>
    %dma_wait3A_719 = tpu.memref_squeeze %dma_wait3A_718 : memref<1x1x128xi32, #tpu.memory_space<vmem>> -> memref<128xi32, #tpu.memory_space<vmem>>
    %dma_wait3A_720 = arith.constant 0 : i32
    %dma_wait3A_721 = tpu.memref_slice %arg3[%dma_wait3A_720] : memref<700000xi32, #tpu.memory_space<hbm>> -> memref<700000xi32, #tpu.memory_space<hbm>>
    tpu.wait_indirect_dma semaphore(%arg13 : memref<!tpu.dma_semaphore, #tpu.memory_space<semaphore_mem>>) src(%dma_wait3A_721 : memref<700000xi32, #tpu.memory_space<hbm>>) dst(%dma_wait3A_716 : memref<128xi32, #tpu.memory_space<vmem>>)
    %scan3A_722 = arith.constant 0 : i32
    %scan3A_723 = arith.constant 0 : i32
    %scan3A_724 = arith.constant 8 : i32
    %scan3A_725 = arith.addi %scan3A_723, %scan3A_724 : i32
    %scan3A_726 = arith.constant 1 : i32
    scf.for %scan3A_768 = %scan3A_723 to %scan3A_725 step %scan3A_726  : i32 {
      %iota3A = tpu.iota {dimensions = array<i32: 0>} : vector<16xi32>
      %add3A_769 = arith.constant 384 : i32
      %add3A_770 = vector.broadcast %add3A_769 : i32 to vector<16xi32>
      %add3A_771 = arith.addi %iota3A, %add3A_770 : vector<16xi32>
      %mul3A_772 = arith.constant 16 : i32
      %mul3A_773 = arith.muli %scan3A_768, %mul3A_772 : i32
      %add3A_774 = vector.broadcast %mul3A_773 : i32 to vector<16xi32>
      %add3A_775 = arith.addi %add3A_771, %add3A_774 : vector<16xi32>
      %mul3A_776 = arith.constant 16 : i32
      %mul3A_777 = arith.muli %scan3A_768, %mul3A_776 : i32
      %get3A = arith.constant 0 : i32
      %get3A_778 = arith.constant 3 : i32
      %get3A_779 = arith.index_cast %get3A : i32 to index
      %get3A_780 = arith.index_cast %get3A_778 : i32 to index
      %get3A_781 = arith.index_cast %mul3A_777 : i32 to index
      %get3A_782 = tpu.vector_load %arg9[%get3A_779, %get3A_780, %get3A_781] {strides = array<i32>} : memref<7x4x128xi32, #tpu.memory_space<vmem>>, vector<16xi32>,
      %gather3A = tpu.vector_load_idx %arg10[%get3A_782, %add3A_775] : memref<64x512xf32, #tpu.memory_space<vmem>>[vector<16xi32>, vector<16xi32>], vector<16xf32>,
      %abs3A = math.absf %gather3A : vector<16xf32>
      %neg3A = arith.constant 0.000000e+00 : f32
      %neg3A_783 = vector.broadcast %neg3A : f32 to vector<16xf32>
      %neg3A_784 = arith.subf %neg3A_783, %abs3A : vector<16xf32>
      %exp3A = math.exp %neg3A_784 : vector<16xf32>
      %broadcast_in_dim3A = arith.constant 0.0410640724 : f32
      %broadcast_in_dim3A_785 = vector.broadcast %broadcast_in_dim3A : f32 to vector<16xf32>
      %mul3A_786 = arith.mulf %broadcast_in_dim3A_785, %exp3A : vector<16xf32>
      %add3A_787 = arith.constant -0.156026945 : f32
      %add3A_788 = vector.broadcast %add3A_787 : f32 to vector<16xf32>
      %add3A_789 = arith.addf %mul3A_786, %add3A_788 : vector<16xf32>
      %mul3A_790 = arith.mulf %add3A_789, %exp3A : vector<16xf32>
      %add3A_791 = arith.constant 0.30467087 : f32
      %add3A_792 = vector.broadcast %add3A_791 : f32 to vector<16xf32>
      %add3A_793 = arith.addf %mul3A_790, %add3A_792 : vector<16xf32>
      %mul3A_794 = arith.mulf %add3A_793, %exp3A : vector<16xf32>
      %add3A_795 = arith.constant -0.496367753 : f32
      %add3A_796 = vector.broadcast %add3A_795 : f32 to vector<16xf32>
      %add3A_797 = arith.addf %mul3A_794, %add3A_796 : vector<16xf32>
      %mul3A_798 = arith.mulf %add3A_797, %exp3A : vector<16xf32>
      %add3A_799 = arith.constant 0.999887883 : f32
      %add3A_800 = vector.broadcast %add3A_799 : f32 to vector<16xf32>
      %add3A_801 = arith.addf %mul3A_798, %add3A_800 : vector<16xf32>
      %max3A = arith.constant 0.000000e+00 : f32
      %max3A_802 = vector.broadcast %max3A : f32 to vector<16xf32>
      %max3A_803 = arith.maximumf %gather3A, %max3A_802 : vector<16xf32>
      %mul3A_804 = arith.mulf %add3A_801, %exp3A : vector<16xf32>
      %add3A_805 = arith.addf %max3A_803, %mul3A_804 : vector<16xf32>
      %bitcast3A = vector.bitcast %add3A_805 : vector<16xf32> to vector<16xi32>
      %shift_right_logical3A = arith.constant 1 : i32
      %shift_right_logical3A_806 = vector.broadcast %shift_right_logical3A : i32 to vector<16xi32>
      %shift_right_logical3A_807 = arith.shrui %bitcast3A, %shift_right_logical3A_806 : vector<16xi32>
      %sub3A_808 = arith.constant 1597463007 : i32
      %sub3A_809 = vector.broadcast %sub3A_808 : i32 to vector<16xi32>
      %sub3A_810 = arith.subi %sub3A_809, %shift_right_logical3A_807 : vector<16xi32>
      %bitcast3A_811 = vector.bitcast %sub3A_810 : vector<16xi32> to vector<16xf32>
      %mul3A_812 = arith.constant 5.000000e-01 : f32
      %mul3A_813 = vector.broadcast %mul3A_812 : f32 to vector<16xf32>
      %mul3A_814 = arith.mulf %mul3A_813, %add3A_805 : vector<16xf32>
      %mul3A_815 = arith.mulf %mul3A_814, %bitcast3A_811 : vector<16xf32>
      %mul3A_816 = arith.mulf %mul3A_815, %bitcast3A_811 : vector<16xf32>
      %sub3A_817 = arith.constant 1.500000e+00 : f32
      %sub3A_818 = vector.broadcast %sub3A_817 : f32 to vector<16xf32>
      %sub3A_819 = arith.subf %sub3A_818, %mul3A_816 : vector<16xf32>
      %mul3A_820 = arith.mulf %bitcast3A_811, %sub3A_819 : vector<16xf32>
      %mul3A_821 = arith.constant 5.000000e-01 : f32
      %mul3A_822 = vector.broadcast %mul3A_821 : f32 to vector<16xf32>
      %mul3A_823 = arith.mulf %mul3A_822, %add3A_805 : vector<16xf32>
      %mul3A_824 = arith.mulf %mul3A_823, %mul3A_820 : vector<16xf32>
      %mul3A_825 = arith.mulf %mul3A_824, %mul3A_820 : vector<16xf32>
      %sub3A_826 = arith.constant 1.500000e+00 : f32
      %sub3A_827 = vector.broadcast %sub3A_826 : f32 to vector<16xf32>
      %sub3A_828 = arith.subf %sub3A_827, %mul3A_825 : vector<16xf32>
      %mul3A_829 = arith.mulf %mul3A_820, %sub3A_828 : vector<16xf32>
      %mul3A_830 = arith.mulf %add3A_805, %mul3A_829 : vector<16xf32>
      %mul3A_831 = arith.constant 16 : i32
      %mul3A_832 = arith.muli %scan3A_768, %mul3A_831 : i32
      %get3A_833 = arith.constant 1 : i32
      %get3A_834 = arith.constant 3 : i32
      %get3A_835 = arith.index_cast %get3A_833 : i32 to index
      %get3A_836 = arith.index_cast %get3A_834 : i32 to index
      %get3A_837 = arith.index_cast %mul3A_832 : i32 to index
      %get3A_838 = tpu.vector_load %arg9[%get3A_835, %get3A_836, %get3A_837] {strides = array<i32>} : memref<7x4x128xi32, #tpu.memory_space<vmem>>, vector<16xi32>,
      %gather3A_839 = tpu.vector_load_idx %arg10[%get3A_838, %add3A_775] : memref<64x512xf32, #tpu.memory_space<vmem>>[vector<16xi32>, vector<16xi32>], vector<16xf32>,
      %abs3A_840 = math.absf %gather3A_839 : vector<16xf32>
      %neg3A_841 = arith.constant 0.000000e+00 : f32
      %neg3A_842 = vector.broadcast %neg3A_841 : f32 to vector<16xf32>
      %neg3A_843 = arith.subf %neg3A_842, %abs3A_840 : vector<16xf32>
      %exp3A_844 = math.exp %neg3A_843 : vector<16xf32>
      %broadcast_in_dim3A_845 = arith.constant 0.0410640724 : f32
      %broadcast_in_dim3A_846 = vector.broadcast %broadcast_in_dim3A_845 : f32 to vector<16xf32>
      %mul3A_847 = arith.mulf %broadcast_in_dim3A_846, %exp3A_844 : vector<16xf32>
      %add3A_848 = arith.constant -0.156026945 : f32
      %add3A_849 = vector.broadcast %add3A_848 : f32 to vector<16xf32>
      %add3A_850 = arith.addf %mul3A_847, %add3A_849 : vector<16xf32>
      %mul3A_851 = arith.mulf %add3A_850, %exp3A_844 : vector<16xf32>
      %add3A_852 = arith.constant 0.30467087 : f32
      %add3A_853 = vector.broadcast %add3A_852 : f32 to vector<16xf32>
      %add3A_854 = arith.addf %mul3A_851, %add3A_853 : vector<16xf32>
      %mul3A_855 = arith.mulf %add3A_854, %exp3A_844 : vector<16xf32>
      %add3A_856 = arith.constant -0.496367753 : f32
      %add3A_857 = vector.broadcast %add3A_856 : f32 to vector<16xf32>
      %add3A_858 = arith.addf %mul3A_855, %add3A_857 : vector<16xf32>
      %mul3A_859 = arith.mulf %add3A_858, %exp3A_844 : vector<16xf32>
      %add3A_860 = arith.constant 0.999887883 : f32
      %add3A_861 = vector.broadcast %add3A_860 : f32 to vector<16xf32>
      %add3A_862 = arith.addf %mul3A_859, %add3A_861 : vector<16xf32>
      %max3A_863 = arith.constant 0.000000e+00 : f32
      %max3A_864 = vector.broadcast %max3A_863 : f32 to vector<16xf32>
      %max3A_865 = arith.maximumf %gather3A_839, %max3A_864 : vector<16xf32>
      %mul3A_866 = arith.mulf %add3A_862, %exp3A_844 : vector<16xf32>
      %add3A_867 = arith.addf %max3A_865, %mul3A_866 : vector<16xf32>
      %bitcast3A_868 = vector.bitcast %add3A_867 : vector<16xf32> to vector<16xi32>
      %shift_right_logical3A_869 = arith.constant 1 : i32
      %shift_right_logical3A_870 = vector.broadcast %shift_right_logical3A_869 : i32 to vector<16xi32>
      %shift_right_logical3A_871 = arith.shrui %bitcast3A_868, %shift_right_logical3A_870 : vector<16xi32>
      %sub3A_872 = arith.constant 1597463007 : i32
      %sub3A_873 = vector.broadcast %sub3A_872 : i32 to vector<16xi32>
      %sub3A_874 = arith.subi %sub3A_873, %shift_right_logical3A_871 : vector<16xi32>
      %bitcast3A_875 = vector.bitcast %sub3A_874 : vector<16xi32> to vector<16xf32>
      %mul3A_876 = arith.constant 5.000000e-01 : f32
      %mul3A_877 = vector.broadcast %mul3A_876 : f32 to vector<16xf32>
      %mul3A_878 = arith.mulf %mul3A_877, %add3A_867 : vector<16xf32>
      %mul3A_879 = arith.mulf %mul3A_878, %bitcast3A_875 : vector<16xf32>
      %mul3A_880 = arith.mulf %mul3A_879, %bitcast3A_875 : vector<16xf32>
      %sub3A_881 = arith.constant 1.500000e+00 : f32
      %sub3A_882 = vector.broadcast %sub3A_881 : f32 to vector<16xf32>
      %sub3A_883 = arith.subf %sub3A_882, %mul3A_880 : vector<16xf32>
      %mul3A_884 = arith.mulf %bitcast3A_875, %sub3A_883 : vector<16xf32>
      %mul3A_885 = arith.constant 5.000000e-01 : f32
      %mul3A_886 = vector.broadcast %mul3A_885 : f32 to vector<16xf32>
      %mul3A_887 = arith.mulf %mul3A_886, %add3A_867 : vector<16xf32>
      %mul3A_888 = arith.mulf %mul3A_887, %mul3A_884 : vector<16xf32>
      %mul3A_889 = arith.mulf %mul3A_888, %mul3A_884 : vector<16xf32>
      %sub3A_890 = arith.constant 1.500000e+00 : f32
      %sub3A_891 = vector.broadcast %sub3A_890 : f32 to vector<16xf32>
      %sub3A_892 = arith.subf %sub3A_891, %mul3A_889 : vector<16xf32>
      %mul3A_893 = arith.mulf %mul3A_884, %sub3A_892 : vector<16xf32>
      %mul3A_894 = arith.mulf %add3A_867, %mul3A_893 : vector<16xf32>
      %mul3A_895 = arith.constant 16 : i32
      %mul3A_896 = arith.muli %scan3A_768, %mul3A_895 : i32
      %get3A_897 = arith.constant 2 : i32
      %get3A_898 = arith.constant 3 : i32
      %get3A_899 = arith.index_cast %get3A_897 : i32 to index
      %get3A_900 = arith.index_cast %get3A_898 : i32 to index
      %get3A_901 = arith.index_cast %mul3A_896 : i32 to index
      %get3A_902 = tpu.vector_load %arg9[%get3A_899, %get3A_900, %get3A_901] {strides = array<i32>} : memref<7x4x128xi32, #tpu.memory_space<vmem>>, vector<16xi32>,
      %gather3A_903 = tpu.vector_load_idx %arg10[%get3A_902, %add3A_775] : memref<64x512xf32, #tpu.memory_space<vmem>>[vector<16xi32>, vector<16xi32>], vector<16xf32>,
      %abs3A_904 = math.absf %gather3A_903 : vector<16xf32>
      %neg3A_905 = arith.constant 0.000000e+00 : f32
      %neg3A_906 = vector.broadcast %neg3A_905 : f32 to vector<16xf32>
      %neg3A_907 = arith.subf %neg3A_906, %abs3A_904 : vector<16xf32>
      %exp3A_908 = math.exp %neg3A_907 : vector<16xf32>
      %broadcast_in_dim3A_909 = arith.constant 0.0410640724 : f32
      %broadcast_in_dim3A_910 = vector.broadcast %broadcast_in_dim3A_909 : f32 to vector<16xf32>
      %mul3A_911 = arith.mulf %broadcast_in_dim3A_910, %exp3A_908 : vector<16xf32>
      %add3A_912 = arith.constant -0.156026945 : f32
      %add3A_913 = vector.broadcast %add3A_912 : f32 to vector<16xf32>
      %add3A_914 = arith.addf %mul3A_911, %add3A_913 : vector<16xf32>
      %mul3A_915 = arith.mulf %add3A_914, %exp3A_908 : vector<16xf32>
      %add3A_916 = arith.constant 0.30467087 : f32
      %add3A_917 = vector.broadcast %add3A_916 : f32 to vector<16xf32>
      %add3A_918 = arith.addf %mul3A_915, %add3A_917 : vector<16xf32>
      %mul3A_919 = arith.mulf %add3A_918, %exp3A_908 : vector<16xf32>
      %add3A_920 = arith.constant -0.496367753 : f32
      %add3A_921 = vector.broadcast %add3A_920 : f32 to vector<16xf32>
      %add3A_922 = arith.addf %mul3A_919, %add3A_921 : vector<16xf32>
      %mul3A_923 = arith.mulf %add3A_922, %exp3A_908 : vector<16xf32>
      %add3A_924 = arith.constant 0.999887883 : f32
      %add3A_925 = vector.broadcast %add3A_924 : f32 to vector<16xf32>
      %add3A_926 = arith.addf %mul3A_923, %add3A_925 : vector<16xf32>
      %max3A_927 = arith.constant 0.000000e+00 : f32
      %max3A_928 = vector.broadcast %max3A_927 : f32 to vector<16xf32>
      %max3A_929 = arith.maximumf %gather3A_903, %max3A_928 : vector<16xf32>
      %mul3A_930 = arith.mulf %add3A_926, %exp3A_908 : vector<16xf32>
      %add3A_931 = arith.addf %max3A_929, %mul3A_930 : vector<16xf32>
      %bitcast3A_932 = vector.bitcast %add3A_931 : vector<16xf32> to vector<16xi32>
      %shift_right_logical3A_933 = arith.constant 1 : i32
      %shift_right_logical3A_934 = vector.broadcast %shift_right_logical3A_933 : i32 to vector<16xi32>
      %shift_right_logical3A_935 = arith.shrui %bitcast3A_932, %shift_right_logical3A_934 : vector<16xi32>
      %sub3A_936 = arith.constant 1597463007 : i32
      %sub3A_937 = vector.broadcast %sub3A_936 : i32 to vector<16xi32>
      %sub3A_938 = arith.subi %sub3A_937, %shift_right_logical3A_935 : vector<16xi32>
      %bitcast3A_939 = vector.bitcast %sub3A_938 : vector<16xi32> to vector<16xf32>
      %mul3A_940 = arith.constant 5.000000e-01 : f32
      %mul3A_941 = vector.broadcast %mul3A_940 : f32 to vector<16xf32>
      %mul3A_942 = arith.mulf %mul3A_941, %add3A_931 : vector<16xf32>
      %mul3A_943 = arith.mulf %mul3A_942, %bitcast3A_939 : vector<16xf32>
      %mul3A_944 = arith.mulf %mul3A_943, %bitcast3A_939 : vector<16xf32>
      %sub3A_945 = arith.constant 1.500000e+00 : f32
      %sub3A_946 = vector.broadcast %sub3A_945 : f32 to vector<16xf32>
      %sub3A_947 = arith.subf %sub3A_946, %mul3A_944 : vector<16xf32>
      %mul3A_948 = arith.mulf %bitcast3A_939, %sub3A_947 : vector<16xf32>
      %mul3A_949 = arith.constant 5.000000e-01 : f32
      %mul3A_950 = vector.broadcast %mul3A_949 : f32 to vector<16xf32>
      %mul3A_951 = arith.mulf %mul3A_950, %add3A_931 : vector<16xf32>
      %mul3A_952 = arith.mulf %mul3A_951, %mul3A_948 : vector<16xf32>
      %mul3A_953 = arith.mulf %mul3A_952, %mul3A_948 : vector<16xf32>
      %sub3A_954 = arith.constant 1.500000e+00 : f32
      %sub3A_955 = vector.broadcast %sub3A_954 : f32 to vector<16xf32>
      %sub3A_956 = arith.subf %sub3A_955, %mul3A_953 : vector<16xf32>
      %mul3A_957 = arith.mulf %mul3A_948, %sub3A_956 : vector<16xf32>
      %mul3A_958 = arith.mulf %add3A_931, %mul3A_957 : vector<16xf32>
      %mul3A_959 = arith.constant 16 : i32
      %mul3A_960 = arith.muli %scan3A_768, %mul3A_959 : i32
      %get3A_961 = arith.constant 3 : i32
      %get3A_962 = arith.constant 3 : i32
      %get3A_963 = arith.index_cast %get3A_961 : i32 to index
      %get3A_964 = arith.index_cast %get3A_962 : i32 to index
      %get3A_965 = arith.index_cast %mul3A_960 : i32 to index
      %get3A_966 = tpu.vector_load %arg9[%get3A_963, %get3A_964, %get3A_965] {strides = array<i32>} : memref<7x4x128xi32, #tpu.memory_space<vmem>>, vector<16xi32>,
      %gather3A_967 = tpu.vector_load_idx %arg10[%get3A_966, %add3A_775] : memref<64x512xf32, #tpu.memory_space<vmem>>[vector<16xi32>, vector<16xi32>], vector<16xf32>,
      %abs3A_968 = math.absf %gather3A_967 : vector<16xf32>
      %neg3A_969 = arith.constant 0.000000e+00 : f32
      %neg3A_970 = vector.broadcast %neg3A_969 : f32 to vector<16xf32>
      %neg3A_971 = arith.subf %neg3A_970, %abs3A_968 : vector<16xf32>
      %exp3A_972 = math.exp %neg3A_971 : vector<16xf32>
      %broadcast_in_dim3A_973 = arith.constant 0.0410640724 : f32
      %broadcast_in_dim3A_974 = vector.broadcast %broadcast_in_dim3A_973 : f32 to vector<16xf32>
      %mul3A_975 = arith.mulf %broadcast_in_dim3A_974, %exp3A_972 : vector<16xf32>
      %add3A_976 = arith.constant -0.156026945 : f32
      %add3A_977 = vector.broadcast %add3A_976 : f32 to vector<16xf32>
      %add3A_978 = arith.addf %mul3A_975, %add3A_977 : vector<16xf32>
      %mul3A_979 = arith.mulf %add3A_978, %exp3A_972 : vector<16xf32>
      %add3A_980 = arith.constant 0.30467087 : f32
      %add3A_981 = vector.broadcast %add3A_980 : f32 to vector<16xf32>
      %add3A_982 = arith.addf %mul3A_979, %add3A_981 : vector<16xf32>
      %mul3A_983 = arith.mulf %add3A_982, %exp3A_972 : vector<16xf32>
      %add3A_984 = arith.constant -0.496367753 : f32
      %add3A_985 = vector.broadcast %add3A_984 : f32 to vector<16xf32>
      %add3A_986 = arith.addf %mul3A_983, %add3A_985 : vector<16xf32>
      %mul3A_987 = arith.mulf %add3A_986, %exp3A_972 : vector<16xf32>
      %add3A_988 = arith.constant 0.999887883 : f32
      %add3A_989 = vector.broadcast %add3A_988 : f32 to vector<16xf32>
      %add3A_990 = arith.addf %mul3A_987, %add3A_989 : vector<16xf32>
      %max3A_991 = arith.constant 0.000000e+00 : f32
      %max3A_992 = vector.broadcast %max3A_991 : f32 to vector<16xf32>
      %max3A_993 = arith.maximumf %gather3A_967, %max3A_992 : vector<16xf32>
      %mul3A_994 = arith.mulf %add3A_990, %exp3A_972 : vector<16xf32>
      %add3A_995 = arith.addf %max3A_993, %mul3A_994 : vector<16xf32>
      %bitcast3A_996 = vector.bitcast %add3A_995 : vector<16xf32> to vector<16xi32>
      %shift_right_logical3A_997 = arith.constant 1 : i32
      %shift_right_logical3A_998 = vector.broadcast %shift_right_logical3A_997 : i32 to vector<16xi32>
      %shift_right_logical3A_999 = arith.shrui %bitcast3A_996, %shift_right_logical3A_998 : vector<16xi32>
      %sub3A_1000 = arith.constant 1597463007 : i32
      %sub3A_1001 = vector.broadcast %sub3A_1000 : i32 to vector<16xi32>
      %sub3A_1002 = arith.subi %sub3A_1001, %shift_right_logical3A_999 : vector<16xi32>
      %bitcast3A_1003 = vector.bitcast %sub3A_1002 : vector<16xi32> to vector<16xf32>
      %mul3A_1004 = arith.constant 5.000000e-01 : f32
      %mul3A_1005 = vector.broadcast %mul3A_1004 : f32 to vector<16xf32>
      %mul3A_1006 = arith.mulf %mul3A_1005, %add3A_995 : vector<16xf32>
      %mul3A_1007 = arith.mulf %mul3A_1006, %bitcast3A_1003 : vector<16xf32>
      %mul3A_1008 = arith.mulf %mul3A_1007, %bitcast3A_1003 : vector<16xf32>
      %sub3A_1009 = arith.constant 1.500000e+00 : f32
      %sub3A_1010 = vector.broadcast %sub3A_1009 : f32 to vector<16xf32>
      %sub3A_1011 = arith.subf %sub3A_1010, %mul3A_1008 : vector<16xf32>
      %mul3A_1012 = arith.mulf %bitcast3A_1003, %sub3A_1011 : vector<16xf32>
      %mul3A_1013 = arith.constant 5.000000e-01 : f32
      %mul3A_1014 = vector.broadcast %mul3A_1013 : f32 to vector<16xf32>
      %mul3A_1015 = arith.mulf %mul3A_1014, %add3A_995 : vector<16xf32>
      %mul3A_1016 = arith.mulf %mul3A_1015, %mul3A_1012 : vector<16xf32>
      %mul3A_1017 = arith.mulf %mul3A_1016, %mul3A_1012 : vector<16xf32>
      %sub3A_1018 = arith.constant 1.500000e+00 : f32
      %sub3A_1019 = vector.broadcast %sub3A_1018 : f32 to vector<16xf32>
      %sub3A_1020 = arith.subf %sub3A_1019, %mul3A_1017 : vector<16xf32>
      %mul3A_1021 = arith.mulf %mul3A_1012, %sub3A_1020 : vector<16xf32>
      %mul3A_1022 = arith.mulf %add3A_995, %mul3A_1021 : vector<16xf32>
      %mul3A_1023 = arith.constant 16 : i32
      %mul3A_1024 = arith.muli %scan3A_768, %mul3A_1023 : i32
      %get3A_1025 = arith.constant 4 : i32
      %get3A_1026 = arith.constant 3 : i32
      %get3A_1027 = arith.index_cast %get3A_1025 : i32 to index
      %get3A_1028 = arith.index_cast %get3A_1026 : i32 to index
      %get3A_1029 = arith.index_cast %mul3A_1024 : i32 to index
      %get3A_1030 = tpu.vector_load %arg9[%get3A_1027, %get3A_1028, %get3A_1029] {strides = array<i32>} : memref<7x4x128xi32, #tpu.memory_space<vmem>>, vector<16xi32>,
      %gather3A_1031 = tpu.vector_load_idx %arg10[%get3A_1030, %add3A_775] : memref<64x512xf32, #tpu.memory_space<vmem>>[vector<16xi32>, vector<16xi32>], vector<16xf32>,
      %abs3A_1032 = math.absf %gather3A_1031 : vector<16xf32>
      %neg3A_1033 = arith.constant 0.000000e+00 : f32
      %neg3A_1034 = vector.broadcast %neg3A_1033 : f32 to vector<16xf32>
      %neg3A_1035 = arith.subf %neg3A_1034, %abs3A_1032 : vector<16xf32>
      %exp3A_1036 = math.exp %neg3A_1035 : vector<16xf32>
      %broadcast_in_dim3A_1037 = arith.constant 0.0410640724 : f32
      %broadcast_in_dim3A_1038 = vector.broadcast %broadcast_in_dim3A_1037 : f32 to vector<16xf32>
      %mul3A_1039 = arith.mulf %broadcast_in_dim3A_1038, %exp3A_1036 : vector<16xf32>
      %add3A_1040 = arith.constant -0.156026945 : f32
      %add3A_1041 = vector.broadcast %add3A_1040 : f32 to vector<16xf32>
      %add3A_1042 = arith.addf %mul3A_1039, %add3A_1041 : vector<16xf32>
      %mul3A_1043 = arith.mulf %add3A_1042, %exp3A_1036 : vector<16xf32>
      %add3A_1044 = arith.constant 0.30467087 : f32
      %add3A_1045 = vector.broadcast %add3A_1044 : f32 to vector<16xf32>
      %add3A_1046 = arith.addf %mul3A_1043, %add3A_1045 : vector<16xf32>
      %mul3A_1047 = arith.mulf %add3A_1046, %exp3A_1036 : vector<16xf32>
      %add3A_1048 = arith.constant -0.496367753 : f32
      %add3A_1049 = vector.broadcast %add3A_1048 : f32 to vector<16xf32>
      %add3A_1050 = arith.addf %mul3A_1047, %add3A_1049 : vector<16xf32>
      %mul3A_1051 = arith.mulf %add3A_1050, %exp3A_1036 : vector<16xf32>
      %add3A_1052 = arith.constant 0.999887883 : f32
      %add3A_1053 = vector.broadcast %add3A_1052 : f32 to vector<16xf32>
      %add3A_1054 = arith.addf %mul3A_1051, %add3A_1053 : vector<16xf32>
      %max3A_1055 = arith.constant 0.000000e+00 : f32
      %max3A_1056 = vector.broadcast %max3A_1055 : f32 to vector<16xf32>
      %max3A_1057 = arith.maximumf %gather3A_1031, %max3A_1056 : vector<16xf32>
      %mul3A_1058 = arith.mulf %add3A_1054, %exp3A_1036 : vector<16xf32>
      %add3A_1059 = arith.addf %max3A_1057, %mul3A_1058 : vector<16xf32>
      %bitcast3A_1060 = vector.bitcast %add3A_1059 : vector<16xf32> to vector<16xi32>
      %shift_right_logical3A_1061 = arith.constant 1 : i32
      %shift_right_logical3A_1062 = vector.broadcast %shift_right_logical3A_1061 : i32 to vector<16xi32>
      %shift_right_logical3A_1063 = arith.shrui %bitcast3A_1060, %shift_right_logical3A_1062 : vector<16xi32>
      %sub3A_1064 = arith.constant 1597463007 : i32
      %sub3A_1065 = vector.broadcast %sub3A_1064 : i32 to vector<16xi32>
      %sub3A_1066 = arith.subi %sub3A_1065, %shift_right_logical3A_1063 : vector<16xi32>
      %bitcast3A_1067 = vector.bitcast %sub3A_1066 : vector<16xi32> to vector<16xf32>
      %mul3A_1068 = arith.constant 5.000000e-01 : f32
      %mul3A_1069 = vector.broadcast %mul3A_1068 : f32 to vector<16xf32>
      %mul3A_1070 = arith.mulf %mul3A_1069, %add3A_1059 : vector<16xf32>
      %mul3A_1071 = arith.mulf %mul3A_1070, %bitcast3A_1067 : vector<16xf32>
      %mul3A_1072 = arith.mulf %mul3A_1071, %bitcast3A_1067 : vector<16xf32>
      %sub3A_1073 = arith.constant 1.500000e+00 : f32
      %sub3A_1074 = vector.broadcast %sub3A_1073 : f32 to vector<16xf32>
      %sub3A_1075 = arith.subf %sub3A_1074, %mul3A_1072 : vector<16xf32>
      %mul3A_1076 = arith.mulf %bitcast3A_1067, %sub3A_1075 : vector<16xf32>
      %mul3A_1077 = arith.constant 5.000000e-01 : f32
      %mul3A_1078 = vector.broadcast %mul3A_1077 : f32 to vector<16xf32>
      %mul3A_1079 = arith.mulf %mul3A_1078, %add3A_1059 : vector<16xf32>
      %mul3A_1080 = arith.mulf %mul3A_1079, %mul3A_1076 : vector<16xf32>
      %mul3A_1081 = arith.mulf %mul3A_1080, %mul3A_1076 : vector<16xf32>
      %sub3A_1082 = arith.constant 1.500000e+00 : f32
      %sub3A_1083 = vector.broadcast %sub3A_1082 : f32 to vector<16xf32>
      %sub3A_1084 = arith.subf %sub3A_1083, %mul3A_1081 : vector<16xf32>
      %mul3A_1085 = arith.mulf %mul3A_1076, %sub3A_1084 : vector<16xf32>
      %mul3A_1086 = arith.mulf %add3A_1059, %mul3A_1085 : vector<16xf32>
      %mul3A_1087 = arith.constant 16 : i32
      %mul3A_1088 = arith.muli %scan3A_768, %mul3A_1087 : i32
      %get3A_1089 = arith.constant 5 : i32
      %get3A_1090 = arith.constant 3 : i32
      %get3A_1091 = arith.index_cast %get3A_1089 : i32 to index
      %get3A_1092 = arith.index_cast %get3A_1090 : i32 to index
      %get3A_1093 = arith.index_cast %mul3A_1088 : i32 to index
      %get3A_1094 = tpu.vector_load %arg9[%get3A_1091, %get3A_1092, %get3A_1093] {strides = array<i32>} : memref<7x4x128xi32, #tpu.memory_space<vmem>>, vector<16xi32>,
      %gather3A_1095 = tpu.vector_load_idx %arg10[%get3A_1094, %add3A_775] : memref<64x512xf32, #tpu.memory_space<vmem>>[vector<16xi32>, vector<16xi32>], vector<16xf32>,
      %abs3A_1096 = math.absf %gather3A_1095 : vector<16xf32>
      %neg3A_1097 = arith.constant 0.000000e+00 : f32
      %neg3A_1098 = vector.broadcast %neg3A_1097 : f32 to vector<16xf32>
      %neg3A_1099 = arith.subf %neg3A_1098, %abs3A_1096 : vector<16xf32>
      %exp3A_1100 = math.exp %neg3A_1099 : vector<16xf32>
      %broadcast_in_dim3A_1101 = arith.constant 0.0410640724 : f32
      %broadcast_in_dim3A_1102 = vector.broadcast %broadcast_in_dim3A_1101 : f32 to vector<16xf32>
      %mul3A_1103 = arith.mulf %broadcast_in_dim3A_1102, %exp3A_1100 : vector<16xf32>
      %add3A_1104 = arith.constant -0.156026945 : f32
      %add3A_1105 = vector.broadcast %add3A_1104 : f32 to vector<16xf32>
      %add3A_1106 = arith.addf %mul3A_1103, %add3A_1105 : vector<16xf32>
      %mul3A_1107 = arith.mulf %add3A_1106, %exp3A_1100 : vector<16xf32>
      %add3A_1108 = arith.constant 0.30467087 : f32
      %add3A_1109 = vector.broadcast %add3A_1108 : f32 to vector<16xf32>
      %add3A_1110 = arith.addf %mul3A_1107, %add3A_1109 : vector<16xf32>
      %mul3A_1111 = arith.mulf %add3A_1110, %exp3A_1100 : vector<16xf32>
      %add3A_1112 = arith.constant -0.496367753 : f32
      %add3A_1113 = vector.broadcast %add3A_1112 : f32 to vector<16xf32>
      %add3A_1114 = arith.addf %mul3A_1111, %add3A_1113 : vector<16xf32>
      %mul3A_1115 = arith.mulf %add3A_1114, %exp3A_1100 : vector<16xf32>
      %add3A_1116 = arith.constant 0.999887883 : f32
      %add3A_1117 = vector.broadcast %add3A_1116 : f32 to vector<16xf32>
      %add3A_1118 = arith.addf %mul3A_1115, %add3A_1117 : vector<16xf32>
      %max3A_1119 = arith.constant 0.000000e+00 : f32
      %max3A_1120 = vector.broadcast %max3A_1119 : f32 to vector<16xf32>
      %max3A_1121 = arith.maximumf %gather3A_1095, %max3A_1120 : vector<16xf32>
      %mul3A_1122 = arith.mulf %add3A_1118, %exp3A_1100 : vector<16xf32>
      %add3A_1123 = arith.addf %max3A_1121, %mul3A_1122 : vector<16xf32>
      %bitcast3A_1124 = vector.bitcast %add3A_1123 : vector<16xf32> to vector<16xi32>
      %shift_right_logical3A_1125 = arith.constant 1 : i32
      %shift_right_logical3A_1126 = vector.broadcast %shift_right_logical3A_1125 : i32 to vector<16xi32>
      %shift_right_logical3A_1127 = arith.shrui %bitcast3A_1124, %shift_right_logical3A_1126 : vector<16xi32>
      %sub3A_1128 = arith.constant 1597463007 : i32
      %sub3A_1129 = vector.broadcast %sub3A_1128 : i32 to vector<16xi32>
      %sub3A_1130 = arith.subi %sub3A_1129, %shift_right_logical3A_1127 : vector<16xi32>
      %bitcast3A_1131 = vector.bitcast %sub3A_1130 : vector<16xi32> to vector<16xf32>
      %mul3A_1132 = arith.constant 5.000000e-01 : f32
      %mul3A_1133 = vector.broadcast %mul3A_1132 : f32 to vector<16xf32>
      %mul3A_1134 = arith.mulf %mul3A_1133, %add3A_1123 : vector<16xf32>
      %mul3A_1135 = arith.mulf %mul3A_1134, %bitcast3A_1131 : vector<16xf32>
      %mul3A_1136 = arith.mulf %mul3A_1135, %bitcast3A_1131 : vector<16xf32>
      %sub3A_1137 = arith.constant 1.500000e+00 : f32
      %sub3A_1138 = vector.broadcast %sub3A_1137 : f32 to vector<16xf32>
      %sub3A_1139 = arith.subf %sub3A_1138, %mul3A_1136 : vector<16xf32>
      %mul3A_1140 = arith.mulf %bitcast3A_1131, %sub3A_1139 : vector<16xf32>
      %mul3A_1141 = arith.constant 5.000000e-01 : f32
      %mul3A_1142 = vector.broadcast %mul3A_1141 : f32 to vector<16xf32>
      %mul3A_1143 = arith.mulf %mul3A_1142, %add3A_1123 : vector<16xf32>
      %mul3A_1144 = arith.mulf %mul3A_1143, %mul3A_1140 : vector<16xf32>
      %mul3A_1145 = arith.mulf %mul3A_1144, %mul3A_1140 : vector<16xf32>
      %sub3A_1146 = arith.constant 1.500000e+00 : f32
      %sub3A_1147 = vector.broadcast %sub3A_1146 : f32 to vector<16xf32>
      %sub3A_1148 = arith.subf %sub3A_1147, %mul3A_1145 : vector<16xf32>
      %mul3A_1149 = arith.mulf %mul3A_1140, %sub3A_1148 : vector<16xf32>
      %mul3A_1150 = arith.mulf %add3A_1123, %mul3A_1149 : vector<16xf32>
      %mul3A_1151 = arith.constant 16 : i32
      %mul3A_1152 = arith.muli %scan3A_768, %mul3A_1151 : i32
      %get3A_1153 = arith.constant 6 : i32
      %get3A_1154 = arith.constant 3 : i32
      %get3A_1155 = arith.index_cast %get3A_1153 : i32 to index
      %get3A_1156 = arith.index_cast %get3A_1154 : i32 to index
      %get3A_1157 = arith.index_cast %mul3A_1152 : i32 to index
      %get3A_1158 = tpu.vector_load %arg9[%get3A_1155, %get3A_1156, %get3A_1157] {strides = array<i32>} : memref<7x4x128xi32, #tpu.memory_space<vmem>>, vector<16xi32>,
      %gather3A_1159 = tpu.vector_load_idx %arg10[%get3A_1158, %add3A_775] : memref<64x512xf32, #tpu.memory_space<vmem>>[vector<16xi32>, vector<16xi32>], vector<16xf32>,
      %abs3A_1160 = math.absf %gather3A_1159 : vector<16xf32>
      %neg3A_1161 = arith.constant 0.000000e+00 : f32
      %neg3A_1162 = vector.broadcast %neg3A_1161 : f32 to vector<16xf32>
      %neg3A_1163 = arith.subf %neg3A_1162, %abs3A_1160 : vector<16xf32>
      %exp3A_1164 = math.exp %neg3A_1163 : vector<16xf32>
      %broadcast_in_dim3A_1165 = arith.constant 0.0410640724 : f32
      %broadcast_in_dim3A_1166 = vector.broadcast %broadcast_in_dim3A_1165 : f32 to vector<16xf32>
      %mul3A_1167 = arith.mulf %broadcast_in_dim3A_1166, %exp3A_1164 : vector<16xf32>
      %add3A_1168 = arith.constant -0.156026945 : f32
      %add3A_1169 = vector.broadcast %add3A_1168 : f32 to vector<16xf32>
      %add3A_1170 = arith.addf %mul3A_1167, %add3A_1169 : vector<16xf32>
      %mul3A_1171 = arith.mulf %add3A_1170, %exp3A_1164 : vector<16xf32>
      %add3A_1172 = arith.constant 0.30467087 : f32
      %add3A_1173 = vector.broadcast %add3A_1172 : f32 to vector<16xf32>
      %add3A_1174 = arith.addf %mul3A_1171, %add3A_1173 : vector<16xf32>
      %mul3A_1175 = arith.mulf %add3A_1174, %exp3A_1164 : vector<16xf32>
      %add3A_1176 = arith.constant -0.496367753 : f32
      %add3A_1177 = vector.broadcast %add3A_1176 : f32 to vector<16xf32>
      %add3A_1178 = arith.addf %mul3A_1175, %add3A_1177 : vector<16xf32>
      %mul3A_1179 = arith.mulf %add3A_1178, %exp3A_1164 : vector<16xf32>
      %add3A_1180 = arith.constant 0.999887883 : f32
      %add3A_1181 = vector.broadcast %add3A_1180 : f32 to vector<16xf32>
      %add3A_1182 = arith.addf %mul3A_1179, %add3A_1181 : vector<16xf32>
      %max3A_1183 = arith.constant 0.000000e+00 : f32
      %max3A_1184 = vector.broadcast %max3A_1183 : f32 to vector<16xf32>
      %max3A_1185 = arith.maximumf %gather3A_1159, %max3A_1184 : vector<16xf32>
      %mul3A_1186 = arith.mulf %add3A_1182, %exp3A_1164 : vector<16xf32>
      %add3A_1187 = arith.addf %max3A_1185, %mul3A_1186 : vector<16xf32>
      %bitcast3A_1188 = vector.bitcast %add3A_1187 : vector<16xf32> to vector<16xi32>
      %shift_right_logical3A_1189 = arith.constant 1 : i32
      %shift_right_logical3A_1190 = vector.broadcast %shift_right_logical3A_1189 : i32 to vector<16xi32>
      %shift_right_logical3A_1191 = arith.shrui %bitcast3A_1188, %shift_right_logical3A_1190 : vector<16xi32>
      %sub3A_1192 = arith.constant 1597463007 : i32
      %sub3A_1193 = vector.broadcast %sub3A_1192 : i32 to vector<16xi32>
      %sub3A_1194 = arith.subi %sub3A_1193, %shift_right_logical3A_1191 : vector<16xi32>
      %bitcast3A_1195 = vector.bitcast %sub3A_1194 : vector<16xi32> to vector<16xf32>
      %mul3A_1196 = arith.constant 5.000000e-01 : f32
      %mul3A_1197 = vector.broadcast %mul3A_1196 : f32 to vector<16xf32>
      %mul3A_1198 = arith.mulf %mul3A_1197, %add3A_1187 : vector<16xf32>
      %mul3A_1199 = arith.mulf %mul3A_1198, %bitcast3A_1195 : vector<16xf32>
      %mul3A_1200 = arith.mulf %mul3A_1199, %bitcast3A_1195 : vector<16xf32>
      %sub3A_1201 = arith.constant 1.500000e+00 : f32
      %sub3A_1202 = vector.broadcast %sub3A_1201 : f32 to vector<16xf32>
      %sub3A_1203 = arith.subf %sub3A_1202, %mul3A_1200 : vector<16xf32>
      %mul3A_1204 = arith.mulf %bitcast3A_1195, %sub3A_1203 : vector<16xf32>
      %mul3A_1205 = arith.constant 5.000000e-01 : f32
      %mul3A_1206 = vector.broadcast %mul3A_1205 : f32 to vector<16xf32>
      %mul3A_1207 = arith.mulf %mul3A_1206, %add3A_1187 : vector<16xf32>
      %mul3A_1208 = arith.mulf %mul3A_1207, %mul3A_1204 : vector<16xf32>
      %mul3A_1209 = arith.mulf %mul3A_1208, %mul3A_1204 : vector<16xf32>
      %sub3A_1210 = arith.constant 1.500000e+00 : f32
      %sub3A_1211 = vector.broadcast %sub3A_1210 : f32 to vector<16xf32>
      %sub3A_1212 = arith.subf %sub3A_1211, %mul3A_1209 : vector<16xf32>
      %mul3A_1213 = arith.mulf %mul3A_1204, %sub3A_1212 : vector<16xf32>
      %mul3A_1214 = arith.mulf %add3A_1187, %mul3A_1213 : vector<16xf32>
      %add3A_1215 = arith.addf %mul3A_830, %mul3A_894 : vector<16xf32>
      %add3A_1216 = arith.addf %add3A_1215, %mul3A_958 : vector<16xf32>
      %add3A_1217 = arith.addf %add3A_1216, %mul3A_1022 : vector<16xf32>
      %add3A_1218 = arith.addf %add3A_1217, %mul3A_1086 : vector<16xf32>
      %add3A_1219 = arith.addf %add3A_1218, %mul3A_1150 : vector<16xf32>
      %add3A_1220 = arith.addf %add3A_1219, %mul3A_1214 : vector<16xf32>
      %div3A_1221 = arith.constant 1.000000e+00 : f32
      %div3A_1222 = vector.broadcast %div3A_1221 : f32 to vector<16xf32>
      %div3A_1223 = arith.divf %div3A_1222, %add3A_1220 : vector<16xf32>
      %broadcast_in_dim3A_1224 = arith.constant 0.000000e+00 : f32
      %broadcast_in_dim3A_1225 = vector.broadcast %broadcast_in_dim3A_1224 : f32 to vector<16xf32>
      %mul3A_1226 = arith.mulf %mul3A_830, %div3A_1223 : vector<16xf32>
      %add3A_1227 = arith.addf %broadcast_in_dim3A_1225, %mul3A_1226 : vector<16xf32>
      %mul3A_1228 = arith.constant 16 : i32
      %mul3A_1229 = arith.muli %scan3A_768, %mul3A_1228 : i32
      %swap3A = arith.constant 3 : i32
      %swap3A_1230 = arith.constant 0 : i32
      %swap3A_1231 = arith.index_cast %swap3A : i32 to index
      %swap3A_1232 = arith.index_cast %swap3A_1230 : i32 to index
      %swap3A_1233 = arith.index_cast %mul3A_1229 : i32 to index
      %swap3A_1234 = tpu.vector_load %arg11[%swap3A_1231, %swap3A_1232, %swap3A_1233] {strides = array<i32>} : memref<4x8x128xf32, #tpu.memory_space<vmem>>, vector<16xf32>,
      tpu.vector_store %arg11[%swap3A_1231, %swap3A_1232, %swap3A_1233], %mul3A_1226 {strides = array<i32>} : memref<4x8x128xf32, #tpu.memory_space<vmem>>, vector<16xf32>,
      %mul3A_1235 = arith.constant 16 : i32
      %mul3A_1236 = arith.muli %scan3A_768, %mul3A_1235 : i32
      %swap3A_1237 = arith.constant 3 : i32
      %swap3A_1238 = arith.constant 0 : i32
      %swap3A_1239 = arith.index_cast %swap3A_1237 : i32 to index
      %swap3A_1240 = arith.index_cast %swap3A_1238 : i32 to index
      %swap3A_1241 = arith.index_cast %mul3A_1236 : i32 to index
      %swap3A_1242 = tpu.vector_load %arg12[%swap3A_1239, %swap3A_1240, %swap3A_1241] {strides = array<i32>} : memref<4x8x128xi32, #tpu.memory_space<vmem>>, vector<16xi32>,
      tpu.vector_store %arg12[%swap3A_1239, %swap3A_1240, %swap3A_1241], %get3A_782 {strides = array<i32>} : memref<4x8x128xi32, #tpu.memory_space<vmem>>, vector<16xi32>,
      %mul3A_1243 = arith.mulf %mul3A_894, %div3A_1223 : vector<16xf32>
      %add3A_1244 = arith.addf %add3A_1227, %mul3A_1243 : vector<16xf32>
      %mul3A_1245 = arith.constant 16 : i32
      %mul3A_1246 = arith.muli %scan3A_768, %mul3A_1245 : i32
      %swap3A_1247 = arith.constant 3 : i32
      %swap3A_1248 = arith.constant 1 : i32
      %swap3A_1249 = arith.index_cast %swap3A_1247 : i32 to index
      %swap3A_1250 = arith.index_cast %swap3A_1248 : i32 to index
      %swap3A_1251 = arith.index_cast %mul3A_1246 : i32 to index
      %swap3A_1252 = tpu.vector_load %arg11[%swap3A_1249, %swap3A_1250, %swap3A_1251] {strides = array<i32>} : memref<4x8x128xf32, #tpu.memory_space<vmem>>, vector<16xf32>,
      tpu.vector_store %arg11[%swap3A_1249, %swap3A_1250, %swap3A_1251], %mul3A_1243 {strides = array<i32>} : memref<4x8x128xf32, #tpu.memory_space<vmem>>, vector<16xf32>,
      %mul3A_1253 = arith.constant 16 : i32
      %mul3A_1254 = arith.muli %scan3A_768, %mul3A_1253 : i32
      %swap3A_1255 = arith.constant 3 : i32
      %swap3A_1256 = arith.constant 1 : i32
      %swap3A_1257 = arith.index_cast %swap3A_1255 : i32 to index
      %swap3A_1258 = arith.index_cast %swap3A_1256 : i32 to index
      %swap3A_1259 = arith.index_cast %mul3A_1254 : i32 to index
      %swap3A_1260 = tpu.vector_load %arg12[%swap3A_1257, %swap3A_1258, %swap3A_1259] {strides = array<i32>} : memref<4x8x128xi32, #tpu.memory_space<vmem>>, vector<16xi32>,
      tpu.vector_store %arg12[%swap3A_1257, %swap3A_1258, %swap3A_1259], %get3A_838 {strides = array<i32>} : memref<4x8x128xi32, #tpu.memory_space<vmem>>, vector<16xi32>,
      %mul3A_1261 = arith.mulf %mul3A_958, %div3A_1223 : vector<16xf32>
      %add3A_1262 = arith.addf %add3A_1244, %mul3A_1261 : vector<16xf32>
      %mul3A_1263 = arith.constant 16 : i32
      %mul3A_1264 = arith.muli %scan3A_768, %mul3A_1263 : i32
      %swap3A_1265 = arith.constant 3 : i32
      %swap3A_1266 = arith.constant 2 : i32
      %swap3A_1267 = arith.index_cast %swap3A_1265 : i32 to index
      %swap3A_1268 = arith.index_cast %swap3A_1266 : i32 to index
      %swap3A_1269 = arith.index_cast %mul3A_1264 : i32 to index
      %swap3A_1270 = tpu.vector_load %arg11[%swap3A_1267, %swap3A_1268, %swap3A_1269] {strides = array<i32>} : memref<4x8x128xf32, #tpu.memory_space<vmem>>, vector<16xf32>,
      tpu.vector_store %arg11[%swap3A_1267, %swap3A_1268, %swap3A_1269], %mul3A_1261 {strides = array<i32>} : memref<4x8x128xf32, #tpu.memory_space<vmem>>, vector<16xf32>,
      %mul3A_1271 = arith.constant 16 : i32
      %mul3A_1272 = arith.muli %scan3A_768, %mul3A_1271 : i32
      %swap3A_1273 = arith.constant 3 : i32
      %swap3A_1274 = arith.constant 2 : i32
      %swap3A_1275 = arith.index_cast %swap3A_1273 : i32 to index
      %swap3A_1276 = arith.index_cast %swap3A_1274 : i32 to index
      %swap3A_1277 = arith.index_cast %mul3A_1272 : i32 to index
      %swap3A_1278 = tpu.vector_load %arg12[%swap3A_1275, %swap3A_1276, %swap3A_1277] {strides = array<i32>} : memref<4x8x128xi32, #tpu.memory_space<vmem>>, vector<16xi32>,
      tpu.vector_store %arg12[%swap3A_1275, %swap3A_1276, %swap3A_1277], %get3A_902 {strides = array<i32>} : memref<4x8x128xi32, #tpu.memory_space<vmem>>, vector<16xi32>,
      %mul3A_1279 = arith.mulf %mul3A_1022, %div3A_1223 : vector<16xf32>
      %add3A_1280 = arith.addf %add3A_1262, %mul3A_1279 : vector<16xf32>
      %mul3A_1281 = arith.constant 16 : i32
      %mul3A_1282 = arith.muli %scan3A_768, %mul3A_1281 : i32
      %swap3A_1283 = arith.constant 3 : i32
      %swap3A_1284 = arith.constant 3 : i32
      %swap3A_1285 = arith.index_cast %swap3A_1283 : i32 to index
      %swap3A_1286 = arith.index_cast %swap3A_1284 : i32 to index
      %swap3A_1287 = arith.index_cast %mul3A_1282 : i32 to index
      %swap3A_1288 = tpu.vector_load %arg11[%swap3A_1285, %swap3A_1286, %swap3A_1287] {strides = array<i32>} : memref<4x8x128xf32, #tpu.memory_space<vmem>>, vector<16xf32>,
      tpu.vector_store %arg11[%swap3A_1285, %swap3A_1286, %swap3A_1287], %mul3A_1279 {strides = array<i32>} : memref<4x8x128xf32, #tpu.memory_space<vmem>>, vector<16xf32>,
      %mul3A_1289 = arith.constant 16 : i32
      %mul3A_1290 = arith.muli %scan3A_768, %mul3A_1289 : i32
      %swap3A_1291 = arith.constant 3 : i32
      %swap3A_1292 = arith.constant 3 : i32
      %swap3A_1293 = arith.index_cast %swap3A_1291 : i32 to index
      %swap3A_1294 = arith.index_cast %swap3A_1292 : i32 to index
      %swap3A_1295 = arith.index_cast %mul3A_1290 : i32 to index
      %swap3A_1296 = tpu.vector_load %arg12[%swap3A_1293, %swap3A_1294, %swap3A_1295] {strides = array<i32>} : memref<4x8x128xi32, #tpu.memory_space<vmem>>, vector<16xi32>,
      tpu.vector_store %arg12[%swap3A_1293, %swap3A_1294, %swap3A_1295], %get3A_966 {strides = array<i32>} : memref<4x8x128xi32, #tpu.memory_space<vmem>>, vector<16xi32>,
      %mul3A_1297 = arith.mulf %mul3A_1086, %div3A_1223 : vector<16xf32>
      %add3A_1298 = arith.addf %add3A_1280, %mul3A_1297 : vector<16xf32>
      %mul3A_1299 = arith.constant 16 : i32
      %mul3A_1300 = arith.muli %scan3A_768, %mul3A_1299 : i32
      %swap3A_1301 = arith.constant 3 : i32
      %swap3A_1302 = arith.constant 4 : i32
      %swap3A_1303 = arith.index_cast %swap3A_1301 : i32 to index
      %swap3A_1304 = arith.index_cast %swap3A_1302 : i32 to index
      %swap3A_1305 = arith.index_cast %mul3A_1300 : i32 to index
      %swap3A_1306 = tpu.vector_load %arg11[%swap3A_1303, %swap3A_1304, %swap3A_1305] {strides = array<i32>} : memref<4x8x128xf32, #tpu.memory_space<vmem>>, vector<16xf32>,
      tpu.vector_store %arg11[%swap3A_1303, %swap3A_1304, %swap3A_1305], %mul3A_1297 {strides = array<i32>} : memref<4x8x128xf32, #tpu.memory_space<vmem>>, vector<16xf32>,
      %mul3A_1307 = arith.constant 16 : i32
      %mul3A_1308 = arith.muli %scan3A_768, %mul3A_1307 : i32
      %swap3A_1309 = arith.constant 3 : i32
      %swap3A_1310 = arith.constant 4 : i32
      %swap3A_1311 = arith.index_cast %swap3A_1309 : i32 to index
      %swap3A_1312 = arith.index_cast %swap3A_1310 : i32 to index
      %swap3A_1313 = arith.index_cast %mul3A_1308 : i32 to index
      %swap3A_1314 = tpu.vector_load %arg12[%swap3A_1311, %swap3A_1312, %swap3A_1313] {strides = array<i32>} : memref<4x8x128xi32, #tpu.memory_space<vmem>>, vector<16xi32>,
      tpu.vector_store %arg12[%swap3A_1311, %swap3A_1312, %swap3A_1313], %get3A_1030 {strides = array<i32>} : memref<4x8x128xi32, #tpu.memory_space<vmem>>, vector<16xi32>,
      %mul3A_1315 = arith.mulf %mul3A_1150, %div3A_1223 : vector<16xf32>
      %add3A_1316 = arith.addf %add3A_1298, %mul3A_1315 : vector<16xf32>
      %mul3A_1317 = arith.constant 16 : i32
      %mul3A_1318 = arith.muli %scan3A_768, %mul3A_1317 : i32
      %swap3A_1319 = arith.constant 3 : i32
      %swap3A_1320 = arith.constant 5 : i32
      %swap3A_1321 = arith.index_cast %swap3A_1319 : i32 to index
      %swap3A_1322 = arith.index_cast %swap3A_1320 : i32 to index
      %swap3A_1323 = arith.index_cast %mul3A_1318 : i32 to index
      %swap3A_1324 = tpu.vector_load %arg11[%swap3A_1321, %swap3A_1322, %swap3A_1323] {strides = array<i32>} : memref<4x8x128xf32, #tpu.memory_space<vmem>>, vector<16xf32>,
      tpu.vector_store %arg11[%swap3A_1321, %swap3A_1322, %swap3A_1323], %mul3A_1315 {strides = array<i32>} : memref<4x8x128xf32, #tpu.memory_space<vmem>>, vector<16xf32>,
      %mul3A_1325 = arith.constant 16 : i32
      %mul3A_1326 = arith.muli %scan3A_768, %mul3A_1325 : i32
      %swap3A_1327 = arith.constant 3 : i32
      %swap3A_1328 = arith.constant 5 : i32
      %swap3A_1329 = arith.index_cast %swap3A_1327 : i32 to index
      %swap3A_1330 = arith.index_cast %swap3A_1328 : i32 to index
      %swap3A_1331 = arith.index_cast %mul3A_1326 : i32 to index
      %swap3A_1332 = tpu.vector_load %arg12[%swap3A_1329, %swap3A_1330, %swap3A_1331] {strides = array<i32>} : memref<4x8x128xi32, #tpu.memory_space<vmem>>, vector<16xi32>,
      tpu.vector_store %arg12[%swap3A_1329, %swap3A_1330, %swap3A_1331], %get3A_1094 {strides = array<i32>} : memref<4x8x128xi32, #tpu.memory_space<vmem>>, vector<16xi32>,
      %mul3A_1333 = arith.mulf %mul3A_1214, %div3A_1223 : vector<16xf32>
      %add3A_1334 = arith.addf %add3A_1316, %mul3A_1333 : vector<16xf32>
      %mul3A_1335 = arith.constant 16 : i32
      %mul3A_1336 = arith.muli %scan3A_768, %mul3A_1335 : i32
      %swap3A_1337 = arith.constant 3 : i32
      %swap3A_1338 = arith.constant 6 : i32
      %swap3A_1339 = arith.index_cast %swap3A_1337 : i32 to index
      %swap3A_1340 = arith.index_cast %swap3A_1338 : i32 to index
      %swap3A_1341 = arith.index_cast %mul3A_1336 : i32 to index
      %swap3A_1342 = tpu.vector_load %arg11[%swap3A_1339, %swap3A_1340, %swap3A_1341] {strides = array<i32>} : memref<4x8x128xf32, #tpu.memory_space<vmem>>, vector<16xf32>,
      tpu.vector_store %arg11[%swap3A_1339, %swap3A_1340, %swap3A_1341], %mul3A_1333 {strides = array<i32>} : memref<4x8x128xf32, #tpu.memory_space<vmem>>, vector<16xf32>,
      %mul3A_1343 = arith.constant 16 : i32
      %mul3A_1344 = arith.muli %scan3A_768, %mul3A_1343 : i32
      %swap3A_1345 = arith.constant 3 : i32
      %swap3A_1346 = arith.constant 6 : i32
      %swap3A_1347 = arith.index_cast %swap3A_1345 : i32 to index
      %swap3A_1348 = arith.index_cast %swap3A_1346 : i32 to index
      %swap3A_1349 = arith.index_cast %mul3A_1344 : i32 to index
      %swap3A_1350 = tpu.vector_load %arg12[%swap3A_1347, %swap3A_1348, %swap3A_1349] {strides = array<i32>} : memref<4x8x128xi32, #tpu.memory_space<vmem>>, vector<16xi32>,
      tpu.vector_store %arg12[%swap3A_1347, %swap3A_1348, %swap3A_1349], %get3A_1158 {strides = array<i32>} : memref<4x8x128xi32, #tpu.memory_space<vmem>>, vector<16xi32>,
      %mul3A_1351 = arith.constant 0.666666686 : f32
      %mul3A_1352 = vector.broadcast %mul3A_1351 : f32 to vector<16xf32>
      %mul3A_1353 = arith.mulf %add3A_1334, %mul3A_1352 : vector<16xf32>
      %mul3A_1354 = arith.constant 16 : i32
      %mul3A_1355 = arith.muli %scan3A_768, %mul3A_1354 : i32
      %swap3A_1356 = arith.constant 3 : i32
      %swap3A_1357 = arith.constant 7 : i32
      %swap3A_1358 = arith.index_cast %swap3A_1356 : i32 to index
      %swap3A_1359 = arith.index_cast %swap3A_1357 : i32 to index
      %swap3A_1360 = arith.index_cast %mul3A_1355 : i32 to index
      %swap3A_1361 = tpu.vector_load %arg11[%swap3A_1358, %swap3A_1359, %swap3A_1360] {strides = array<i32>} : memref<4x8x128xf32, #tpu.memory_space<vmem>>, vector<16xf32>,
      tpu.vector_store %arg11[%swap3A_1358, %swap3A_1359, %swap3A_1360], %mul3A_1353 {strides = array<i32>} : memref<4x8x128xf32, #tpu.memory_space<vmem>>, vector<16xf32>,
      %broadcast_in_dim3A_1362 = arith.constant 64 : i32
      %broadcast_in_dim3A_1363 = vector.broadcast %broadcast_in_dim3A_1362 : i32 to vector<16xi32>
      %mul3A_1364 = arith.constant 16 : i32
      %mul3A_1365 = arith.muli %scan3A_768, %mul3A_1364 : i32
      %swap3A_1366 = arith.constant 3 : i32
      %swap3A_1367 = arith.constant 7 : i32
      %swap3A_1368 = arith.index_cast %swap3A_1366 : i32 to index
      %swap3A_1369 = arith.index_cast %swap3A_1367 : i32 to index
      %swap3A_1370 = arith.index_cast %mul3A_1365 : i32 to index
      %swap3A_1371 = tpu.vector_load %arg12[%swap3A_1368, %swap3A_1369, %swap3A_1370] {strides = array<i32>} : memref<4x8x128xi32, #tpu.memory_space<vmem>>, vector<16xi32>,
      tpu.vector_store %arg12[%swap3A_1368, %swap3A_1369, %swap3A_1370], %broadcast_in_dim3A_1363 {strides = array<i32>} : memref<4x8x128xi32, #tpu.memory_space<vmem>>, vector<16xi32>,
    }
    %scan3A_727 = arith.constant 8 : i32
    %jit3A = arith.constant 128 : i32
    %div3A = arith.divsi %mul3A_2, %jit3A : i32
    %sign3A = arith.constant 0 : i32
    %sign3A_728 = arith.cmpi sgt, %mul3A_2, %sign3A : i32
    %sign3A_729 = arith.extui %sign3A_728 : i1 to i32
    %sign3A_730 = arith.constant 0 : i32
    %sign3A_731 = arith.cmpi slt, %mul3A_2, %sign3A_730 : i32
    %sign3A_732 = arith.extui %sign3A_731 : i1 to i32
    %sign3A_733 = arith.subi %sign3A_729, %sign3A_732 : i32
    %sign3A_734 = arith.constant 0 : i32
    %sign3A_735 = arith.cmpi sgt, %jit3A, %sign3A_734 : i32
    %sign3A_736 = arith.extui %sign3A_735 : i1 to i32
    %sign3A_737 = arith.constant 0 : i32
    %sign3A_738 = arith.cmpi slt, %jit3A, %sign3A_737 : i32
    %sign3A_739 = arith.extui %sign3A_738 : i1 to i32
    %sign3A_740 = arith.subi %sign3A_736, %sign3A_739 : i32
    %ne3A = arith.cmpi ne, %sign3A_733, %sign3A_740 : i32
    %rem3A = arith.remsi %mul3A_2, %jit3A : i32
    %ne3A_741 = arith.constant 0 : i32
    %ne3A_742 = arith.cmpi ne, %rem3A, %ne3A_741 : i32
    %and3A = arith.andi %ne3A, %ne3A_742 : i1
    %sub3A = arith.constant 1 : i32
    %sub3A_743 = arith.subi %div3A, %sub3A : i32
    %select_n3A = arith.select %and3A, %sub3A_743, %div3A : i32
    "tpu.region"() ({
      %run_scoped3A = tpu.sem_alloc : memref<!tpu.dma_semaphore, #tpu.memory_space<semaphore_mem>>
      %dma_start3A_768 = arith.constant 0 : i32
      %dma_start3A_769 = arith.constant 0 : i32
      %dma_start3A_770 = tpu.memref_slice %arg5[%select_n3A, %dma_start3A_768, %dma_start3A_769] : memref<128x8x128xf32, #tpu.memory_space<hbm>> -> memref<4x8x128xf32, #tpu.memory_space<hbm>>
      %dma_start3A_771 = arith.constant 0 : i32
      %dma_start3A_772 = arith.constant 0 : i32
      %dma_start3A_773 = tpu.memref_slice %arg5[%select_n3A, %dma_start3A_771, %dma_start3A_772] : memref<128x8x128xf32, #tpu.memory_space<hbm>> -> memref<4x8x128xf32, #tpu.memory_space<hbm>>
      tpu.enqueue_dma source(%arg11 : memref<4x8x128xf32, #tpu.memory_space<vmem>>) target(%dma_start3A_773 : memref<4x8x128xf32, #tpu.memory_space<hbm>>) target_semaphore(%run_scoped3A : memref<!tpu.dma_semaphore, #tpu.memory_space<semaphore_mem>>)
      %dma_wait3A_774 = arith.constant 0 : i32
      %dma_wait3A_775 = arith.constant 0 : i32
      %dma_wait3A_776 = tpu.memref_slice %arg5[%select_n3A, %dma_wait3A_774, %dma_wait3A_775] : memref<128x8x128xf32, #tpu.memory_space<hbm>> -> memref<4x8x128xf32, #tpu.memory_space<hbm>>
      %dma_wait3A_777 = arith.constant 0 : i32
      %dma_wait3A_778 = arith.constant 0 : i32
      %dma_wait3A_779 = tpu.memref_slice %arg5[%select_n3A, %dma_wait3A_777, %dma_wait3A_778] : memref<128x8x128xf32, #tpu.memory_space<hbm>> -> memref<4x8x128xf32, #tpu.memory_space<hbm>>
      tpu.wait_dma2 semaphore(%run_scoped3A : memref<!tpu.dma_semaphore, #tpu.memory_space<semaphore_mem>>) src(%arg11 : memref<4x8x128xf32, #tpu.memory_space<vmem>>) dst(%dma_wait3A_779 : memref<4x8x128xf32, #tpu.memory_space<hbm>>)
      tpu.yield
    }) : () -> ()
    %jit3A_744 = arith.constant 128 : i32
    %div3A_745 = arith.divsi %mul3A_2, %jit3A_744 : i32
    %sign3A_746 = arith.constant 0 : i32
    %sign3A_747 = arith.cmpi sgt, %mul3A_2, %sign3A_746 : i32
    %sign3A_748 = arith.extui %sign3A_747 : i1 to i32
    %sign3A_749 = arith.constant 0 : i32
    %sign3A_750 = arith.cmpi slt, %mul3A_2, %sign3A_749 : i32
    %sign3A_751 = arith.extui %sign3A_750 : i1 to i32
    %sign3A_752 = arith.subi %sign3A_748, %sign3A_751 : i32
    %sign3A_753 = arith.constant 0 : i32
    %sign3A_754 = arith.cmpi sgt, %jit3A_744, %sign3A_753 : i32
    %sign3A_755 = arith.extui %sign3A_754 : i1 to i32
    %sign3A_756 = arith.constant 0 : i32
    %sign3A_757 = arith.cmpi slt, %jit3A_744, %sign3A_756 : i32
    %sign3A_758 = arith.extui %sign3A_757 : i1 to i32
    %sign3A_759 = arith.subi %sign3A_755, %sign3A_758 : i32
    %ne3A_760 = arith.cmpi ne, %sign3A_752, %sign3A_759 : i32
    %rem3A_761 = arith.remsi %mul3A_2, %jit3A_744 : i32
    %ne3A_762 = arith.constant 0 : i32
    %ne3A_763 = arith.cmpi ne, %rem3A_761, %ne3A_762 : i32
    %and3A_764 = arith.andi %ne3A_760, %ne3A_763 : i1
    %sub3A_765 = arith.constant 1 : i32
    %sub3A_766 = arith.subi %div3A_745, %sub3A_765 : i32
    %select_n3A_767 = arith.select %and3A_764, %sub3A_766, %div3A_745 : i32
    "tpu.region"() ({
      %run_scoped3A = tpu.sem_alloc : memref<!tpu.dma_semaphore, #tpu.memory_space<semaphore_mem>>
      %dma_start3A_768 = arith.constant 0 : i32
      %dma_start3A_769 = arith.constant 0 : i32
      %dma_start3A_770 = tpu.memref_slice %arg6[%select_n3A_767, %dma_start3A_768, %dma_start3A_769] : memref<128x8x128xi32, #tpu.memory_space<hbm>> -> memref<4x8x128xi32, #tpu.memory_space<hbm>>
      %dma_start3A_771 = arith.constant 0 : i32
      %dma_start3A_772 = arith.constant 0 : i32
      %dma_start3A_773 = tpu.memref_slice %arg6[%select_n3A_767, %dma_start3A_771, %dma_start3A_772] : memref<128x8x128xi32, #tpu.memory_space<hbm>> -> memref<4x8x128xi32, #tpu.memory_space<hbm>>
      tpu.enqueue_dma source(%arg12 : memref<4x8x128xi32, #tpu.memory_space<vmem>>) target(%dma_start3A_773 : memref<4x8x128xi32, #tpu.memory_space<hbm>>) target_semaphore(%run_scoped3A : memref<!tpu.dma_semaphore, #tpu.memory_space<semaphore_mem>>)
      %dma_wait3A_774 = arith.constant 0 : i32
      %dma_wait3A_775 = arith.constant 0 : i32
      %dma_wait3A_776 = tpu.memref_slice %arg6[%select_n3A_767, %dma_wait3A_774, %dma_wait3A_775] : memref<128x8x128xi32, #tpu.memory_space<hbm>> -> memref<4x8x128xi32, #tpu.memory_space<hbm>>
      %dma_wait3A_777 = arith.constant 0 : i32
      %dma_wait3A_778 = arith.constant 0 : i32
      %dma_wait3A_779 = tpu.memref_slice %arg6[%select_n3A_767, %dma_wait3A_777, %dma_wait3A_778] : memref<128x8x128xi32, #tpu.memory_space<hbm>> -> memref<4x8x128xi32, #tpu.memory_space<hbm>>
      tpu.wait_dma2 semaphore(%run_scoped3A : memref<!tpu.dma_semaphore, #tpu.memory_space<semaphore_mem>>) src(%arg12 : memref<4x8x128xi32, #tpu.memory_space<vmem>>) dst(%dma_wait3A_779 : memref<4x8x128xi32, #tpu.memory_space<hbm>>)
      tpu.yield
    }) : () -> ()
    return
  }
}

</mosaic_0001>

<sc_bundles>
// kernel: kernel.3.cloned.1.call-start
scs
__scs_entry_jumppad:
0x0: {  	(pc) =	sbr.rel $0x88, $3  }
0x1: {  	(tag) =	ssettag $0x0;
	lr =	simm.s32 $0x1  }
0x2: {  	[smem:$0x3F9E] =	sst lr;
	_ =	strace $0xD0000000  }
0x3: {  	_ = 	snop  }
0x4: {  	_ = 	snop  }
0x5: {  	_ = 	snop  }
0x6: {  	_ = 	snop  }
0x7: {  	_ = 	snop  }
__scs_overlays_trampoline_lowered:
0x8: {  	[smem:$0x3FAD] =	sst s0  }
0x9: {  	[smem:$0x3FAE] =	sst s1  }
0xa: {  	[smem:$0x3FAF] =	sst s2  }
0xb: {  	[smem:$0x3FB0] =	sst s3  }
0xc: {  	[smem:$0x3FB1] =	sst s4  }
0xd: {  	[smem:$0x3FB2] =	sst s5  }
0xe: {  	[smem:$0x3FB3] =	sst s6  }
0xf: {  	[smem:$0x3FB4] =	sst s7  }
0x10: {  	[smem:$0x3FB5] =	sst s8  }
0x11: {  	[smem:$0x3FB6] =	sst s9;
	s0 =	simm.s32 @!p0 $0x0  }
0x12: {  	s1 =	sld [smem:$0x3F9C];
	s0 =	simm.s32 @p0 $0x1  }
0x13: {  	[smem:$0x3FB7] =	sst s0;
	s0 =	simm.s32 @!p1 $0x0  }
0x14: {  	s2 =	sld [smem:$0x3F9B];
	s0 =	simm.s32 @p1 $0x1  }
0x15: {  	[smem:$0x3FB8] =	sst s0;
	s0 =	simm.s32 @!p2 $0x0  }
0x16: {  	s3 =	sld [smem:$0x3FDB];
	s0 =	simm.s32 @p2 $0x1  }
0x17: {  	s4 =	simm.s32 $0x1BF5;
	[smem:$0x3FBA] =	sst s0  }
0x18: {  	s0 =	sld [smem:$0x3F9D];
	_ =	swait.ge [sflag:s4], $0x0  }
0x19: {  	s7 =	sld [smem:$0x3F9E]  }
0x1a: {  	s8 =	sadd.s32 $0xFFFFE003, lr  }
0x1b: {  	s9 =	sadd.s32 $0xFFFFFEF7, lr;
	s5 =	simm.s32 $0xFFFFFFFF;
	p2 =	slt.u32 s8, $0xFFFFF086  }
0x1c: {  	p1 =	slt.u32 s9, $0xF7A;
	s5 =	simm.s32 @!p2 $0x0  }
0x1d: {  	s5 =	simm.s32 @p1 $0x1;
	p0 =	seq.s32 s7, s2  }
0x1e: {  	s7 =	smul.u32 @!p0 $0xF7A, s2;
	p2 =	seq.s32 @!p0 s5, $0x0  }
0x1f: {  	s9 =	smul.u32 $0xF7A, s1;
	s8 =	simm.s32 @!p0 $0x1BF5;
	p2 =	por !p2, p0  }
0x20: {  	[sflag:s8] =	ssyncset.s32 @!p0 $0xFFFFF086;
	s6 =	sadd.s32 @!p0 s3, s7;
	s7 =	simm.s32 @!p0 $0x108  }
0x21: {  	s3 =	sadd.s32 s3, s9;
	s6 =	sadd.s32 @!p0 $0x88, s6;
	s7 =	simm.s32 @p2 $0x1082  }
0x22: {  	[simem:s7], [sflag:s8] =	dma.local @!p0 [hbm:s6], $0xF7A  }
0x23: {  	s9 =	sor.u32 $0xD0000000, s2;
	s6 =	simm.s32 $0x108;
	_ =	swait.ge @!p0 [sflag:s8], $0x0  }
0x24: {  	s3 =	sadd.s32 $0x88, s3;
	s6 =	simm.s32 @!p1 $0x1082;
	[sflag:s4] =	ssyncset.s32 $0xFFFFF086  }
0x25: {  	[simem:s6], [sflag:s4] =	dma.local [hbm:s3], $0xF7A  }
0x26: {  	[smem:$0x3F9E] =	sst s1;
	(tag) =	ssettag s2;
	_ =	strace s9  }
0x27: {  	s1 =	sld [smem:$0x3FAE]  }
0x28: {  	s2 =	sld [smem:$0x3FAF]  }
0x29: {  	s4 =	sld [smem:$0x3FB1]  }
0x2a: {  	p0 =	seq.s32 s5, $0x0;
	s5 =	sld [smem:$0x3FB2]  }
0x2b: {  	s6 =	sld [smem:$0x3FB3]  }
0x2c: {  	s7 =	sld [smem:$0x3FB4]  }
0x2d: {  	s3 =	simm.s32 $0x108;
	s8 =	sld [smem:$0x3FB5]  }
0x2e: {  	s3 =	simm.s32 @!p0 $0x1082;
	s9 =	sld [smem:$0x3FB6]  }
0x2f: {  	lr =	sadd.s32 s0, s3;
	s0 =	sld [smem:$0x3FAD]  }
0x30: {  	s3 =	sld [smem:$0x3FB0]  }
0x31: {  	[smem:$0x3FB9] =	sst s10  }
0x32: {  	s10 =	sld [smem:$0x3FB7];
	_ =	sdelay $0x3  }
0x33: {  	p0 =	seq.s32 s10, $0x1;
	s10 =	sld [smem:$0x3FB9];
	_ =	sdelay $0x3  }
0x34: {  	[smem:$0x3FB9] =	sst s10  }
0x35: {  	s10 =	sld [smem:$0x3FB8];
	_ =	sdelay $0x3  }
0x36: {  	p1 =	seq.s32 s10, $0x1;
	s10 =	sld [smem:$0x3FB9];
	_ =	sdelay $0x3  }
0x37: {  	[smem:$0x3FB9] =	sst s10  }
0x38: {  	s10 =	sld [smem:$0x3FBA]  }
0x39: {  	_ = 	snop;
	(pc) =	sbr.ind lr, $3  }
0x3a: {  	_ = 	snop  }
0x3b: {  	_ = 	snop  }
0x3c: {  	p2 =	seq.s32 s10, $0x1;
	s10 =	sld [smem:$0x3FB9]  }
0x3d: {  	_ =	shalt  }
0x3e: {  	_ =	shalt  }
0x3f: {  	_ =	shalt  }
0x40: {  	_ =	shalt  }
0x41: {  	_ =	shalt  }
0x42: {  	_ =	shalt  }
0x43: {  	_ =	shalt  }
0x44: {  	_ =	shalt  }
0x45: {  	_ =	shalt  }
0x46: {  	_ =	shalt  }
0x47: {  	_ =	shalt  }
0x48: {  	_ =	shalt  }
0x49: {  	_ =	shalt  }
0x4a: {  	_ =	shalt  }
0x4b: {  	_ =	shalt  }
0x4c: {  	_ =	shalt  }
0x4d: {  	_ =	shalt  }
0x4e: {  	_ =	shalt  }
0x4f: {  	_ =	shalt  }
0x50: {  	_ =	shalt  }
0x51: {  	_ =	shalt  }
0x52: {  	_ =	shalt  }
0x53: {  	_ =	shalt  }
0x54: {  	_ =	shalt  }
0x55: {  	_ =	shalt  }
0x56: {  	_ =	shalt  }
0x57: {  	_ =	shalt  }
0x58: {  	_ =	shalt  }
0x59: {  	_ =	shalt  }
0x5a: {  	_ =	shalt  }
0x5b: {  	_ =	shalt  }
0x5c: {  	_ =	shalt  }
0x5d: {  	_ =	shalt  }
0x5e: {  	_ =	shalt  }
0x5f: {  	_ =	shalt  }
0x60: {  	_ =	shalt  }
0x61: {  	_ =	shalt  }
0x62: {  	_ =	shalt  }
0x63: {  	_ =	shalt  }
0x64: {  	_ =	shalt  }
0x65: {  	_ =	shalt  }
0x66: {  	_ =	shalt  }
0x67: {  	_ =	shalt  }
0x68: {  	_ =	shalt  }
0x69: {  	_ =	shalt  }
0x6a: {  	_ =	shalt  }
0x6b: {  	_ =	shalt  }
0x6c: {  	_ =	shalt  }
0x6d: {  	_ =	shalt  }
0x6e: {  	_ =	shalt  }
0x6f: {  	_ =	shalt  }
0x70: {  	_ =	shalt  }
0x71: {  	_ =	shalt  }
0x72: {  	_ =	shalt  }
0x73: {  	_ =	shalt  }
0x74: {  	_ =	shalt  }
0x75: {  	_ =	shalt  }
0x76: {  	_ =	shalt  }
0x77: {  	_ =	shalt  }
0x78: {  	_ =	shalt  }
0x79: {  	_ =	shalt  }
0x7a: {  	_ =	shalt  }
0x7b: {  	_ =	shalt  }
0x7c: {  	_ =	shalt  }
0x7d: {  	_ =	shalt  }
0x7e: {  	_ =	shalt  }
0x7f: {  	_ =	shalt  }
0x80: {  	_ =	shalt  }
0x81: {  	_ =	shalt  }
0x82: {  	_ =	shalt  }
0x83: {  	_ =	shalt  }
0x84: {  	_ =	shalt  }
0x85: {  	_ =	shalt  }
0x86: {  	_ =	shalt  }
0x87: {  	_ =	shalt  }
.Lfunc_end0:
.L_simem_size_0:
called_computation_lowered:
.L_overlay_start_0:
0x88: {  	s2 =	sld [smem:$0x3FD9]  }
0x89: {  	s3 =	sld [smem:$0x3FFE];
	_ =	sdelay $0x1  }
0x8a: {  	s1 =	srdreg.scid  }
0x8b: {  	s0 =	sand.u32 $0x1, s1  }
0x8c: {  	s14 =	sshll.u32 s0, $0xA;
	s2 =	sadd.s32 s3, s2  }
0x8d: {  	s2 =	sadd.s32 s2, s14  }
0x8e: {  	[smem:$0x3FC5] =	sst s2  }
0x8f: {  	_ = 	snop  }
0x90: {  	s2 =	sld [smem:$0x3FD0];
	_ =	sdelay $0x2  }
0x91: {  	s4 =	simm.s32 $0xA;
	s5 =	simm.s32 $0x10;
	s15 =	sld [smem:$0x3FC8]  }
0x92: {  	[smem:s5], [sflag:s4] =	dma.local [hbm:s2], $0x1  }
0x93: {  	_ =	swait.eq [sflag:s4], $0x1  }
0x94: {  	s16 =	sld [smem:$0x10];
	[sflag:s4] =	ssyncset.done $0x0  }
0x95: {  	s17 =	sld [smem:$0x11];
	[sflag:s4] =	ssyncadd.s32 $0xFFFFFFFF  }
0x96: {  	s18 =	sld [smem:$0x12];
	(tm) =	ssettm $0x1  }
0x97: {  	s6 =	sld [smem:$0x3FFB];
	_ =	sdelay $0x3  }
0x98: {  	_ =	strace s6  }
0x99: {  	s6 =	sld [smem:$0x3FFC];
	_ =	sdelay $0x3  }
0x9a: {  	_ =	strace s6  }
0x9b: {  	s6 =	sld [smem:$0x3FFD];
	_ =	sdelay $0x3  }
0x9c: {  	_ =	strace s6  }
0x9d: {  	_ =	strace $0x8FFFFFFF  }
0x9e: {  	s19 =	sld [smem:$0x3FDB];
	_ =	sdelay $0x1  }
0x9f: {  	s7 =	simm.s32 $_scs_section_size  }
0xa0: {  	s8 =	simm.s32 $_size__tile_overlayer_lowered;
	s9 =	simm.s32 $_tile_overlayer_lowered  }
0xa1: {  	s22 =	simm.s32 $0x1BFF;
	s21 =	sshll.u32 s9, $0x1;
	s6 =	sadd.s32 s7, s19  }
0xa2: {  	s10 =	simm.s32 $0x0;
	s20 =	sshll.u32 s8, $0x1;
	s8 =	sadd.s32 s21, s6  }
0xa3: {  	[timem:s10], [sflag:s22] =	dma.local [hbm:s8], s20  }
0xa4: {  	_ =	swait.ge [sflag:s22], s20  }
0xa5: {  	s7 =	ssub.s32 $0x0, s20;
	[sflag:s22] =	ssyncset.done $0x0  }
0xa6: {  	[sflag:s22] =	ssyncadd.s32 s7;
	_ =	sdelay $0x1  }
0xa7: {  	s23 =	simm.s32 $0x1B8B  }
0xa8: {  	_ =	swait.ge [sflag:s23], $0x1  }
0xa9: {  	[sflag:s23] =	ssyncset.done $0x0  }
0xaa: {  	s25 =	simm.s32 $0x1B8E;
	s24 =	sld [smem:$0x3FFE];
	[sflag:s23] =	ssyncadd.s32 $0xFFFFFFFF  }
0xab: {  	s26 =	simm.s32 $execute0_lowered;
	[smem:$0x3FD2] =	sst s25  }
0xac: {  	s8 =	sshll.u32 s26, $0x1;
	_ =	strace $0x80000046;
	[dreg:$0x1] =	wrdreg $0xFFFFFFFF  }
0xad: {  	s28 =	simm.s32 $_size_execute0_lowered;
	s6 =	sadd.s32 s6, s8;
	[dreg:$0x0] =	wrdreg $0x0  }
0xae: {  	s8 =	sshll.u32 s28, $0x1;
	[dreg:$0x2] =	wrdreg s6  }
0xaf: {  	[dreg:$0x3] =	wrdreg s8  }
0xb0: {  	[dreg:$0x4] =	wrdreg $0xC0  }
0xb1: {  	_ =	task [dreg:s10], $0x5FFFF  }
0xb2: {  	[dreg:$0x1] =	wrdreg $0xFFFFFFFF  }
0xb3: {  	[dreg:$0x0] =	wrdreg $0x60  }
0xb4: {  	[dreg:$0x2] =	wrdreg s15  }
0xb5: {  	[dreg:$0x3] =	wrdreg s24  }
0xb6: {  	[dreg:$0x4] =	wrdreg s18  }
0xb7: {  	[dreg:$0x5] =	wrdreg s16  }
0xb8: {  	[dreg:$0x6] =	wrdreg s17  }
0xb9: {  	[dreg:$0x7] =	wrdreg $0x9  }
0xba: {  	_ =	task.clear_ibuf [dreg:s10], $0x8FFFF;
	_ =	strace $0x90000046  }
0xbb: {  	s29 =	simm.s32 $0x9;
	_ =	strace $0x80000048  }
0xbc: {  	_ =	swait.ge [sflag:s29], $0x1  }
0xbd: {  	[sflag:s29] =	ssyncadd.s32 $0xFFFFFFFF  }
0xbe: {  	_ =	strace $0x90000048  }
0xbf: {  	_ =	sfence  }
0xc0: {  	s30 =	sld [smem:$0x0];
	_ =	sdelay $0x2  }
0xc1: {  	s31 =	sshll.u32 s1, $0xD;
	s1 =	sshrl.u32 s1, $0x2  }
0xc2: {  	s3 =	sand.u32 $0x4000, s31;
	s1 =	sadd.s32 s1, s30  }
0xc3: {  	s0 =	sor.u32 s3, s0;
	s1 =	sshll.u32 s1, $0x11  }
0xc4: {  	s0 =	sor.u32 s1, s0  }
0xc5: {  	s0 =	sadd.s32 $0x8F2B, s0  }
0xc6: {  	[sflag:s0] =	ssyncadd.remote.s32 $0x1  }
0xc7: {  	_ =	sfence.sel $0xFFFF  }
0xc8: {  	[dreg:$0x0] =	wrdreg $0xFFFFFFFF;
	(pc) =	sbr.abs _section_cstart, $3  }
0xc9: {  	[dreg:$0x1] =	wrdreg $0xFFFFFFFF  }
0xca: {  	_ =	task.clear_ibuf [dreg:s10], $0x2FFFF;
	_ =	strace $0x9FFFFFFF  }
0xcb: {  	(tm) =	ssettm $0x7FFFFFFF  }
tec
execute0_lowered:
.L_overlay_start_1:
0x0: {  	(tag) =	ssettag $0x1  }
0x1: {  	s0 =	rddreg [dreg:$0x0]  }
0x2: {  	s1 =	rddreg [dreg:$0x1]  }
0x3: {  	s4 =	rddreg [dreg:$0x2]  }
0x4: {  	s6 =	rddreg [dreg:$0x3]  }
0x5: {  	s7 =	rddreg [dreg:$0x4]  }
0x6: {  	s2 =	simm.s32 $0x0;
	s3 =	srdreg.scid;
	s8 =	stileid.u32  }
0x7: {  	s11 =	simm.s32 $0x1E00;
	s12 =	simm.s32 $0x3;
	s13 =	simm.s32 $0x80  }
0x8: {  	s17 =	simm.s32 $0x1380;
	s18 =	simm.s32 $0x780;
	s19 =	simm.s32 $0x1580  }
0x9: {  	s20 =	simm.s32 $0x980;
	s21 =	simm.s32 $0x1780;
	s22 =	simm.s32 $0xB80  }
0xa: {  	s23 =	simm.s32 $0x1980;
	s24 =	simm.s32 $0xD80;
	s28 =	simm.s32 $0x1D80  }
0xb: {  	s29 =	simm.s32 $0x2;
	s30 =	simm.s32 $0x1;
	s31 =	simm.s32 $0x9E00  }
0xc: {  	[smem:$0x7FF] =	sst s2;
	s3 =	sand.u32 $0x1, s3;
	s8 =	sshll.u32 s8, $0xA  }
0xd: {  	s5 =	ssub.s32 $0x2, s3;
	s3 =	sshll.u32 s3, $0x9;
	_ =	strace $0x80000047  }
0xe: {  	s9 =	sshrl.u32 s5, $0x1;
	s8 =	sor.u32 s3, s8;
	s3 =	sadd.s32 $0xA00, s1  }
0xf: {  	s1 =	simm.s32 $0x0;
	s25 =	ssub.s32 s5, s9;
	s26 =	sshrl.u32 s8, $0x3  }
0x10: {  	v1 =	vlaneseq.u32;
	s6 =	sadd.s32 s6, s8;
	s7 =	sadd.s32 s7, s8;
	s9 =	simm.s32 $0x200  }
0x11: {  	v0 =	vshrl.u32 v1, $0x3;
	s4 =	sadd.s32 s4, s26;
	s5 =	sadd.s32 s0, s26;
	s8 =	smax.u32 s25, $0x1  }
0x12: {  	v2 =	vimm.s32 $0x40;
	v1 =	vand.u32 $0x7, v1;
	v0 =	vmul.u32 $0x8, v0;
	s25 =	simm.s32 $0x1B80;
	s26 =	simm.s32 $0xF80;
	s0 =	simm.s32 $0xAE00  }
.LBB2_1:
0x13: {  	s10 =	simm.s32 $0x4000  }
0x14: {  	[tilespmem:s11], [sflag:$0x2] =	stream.strided.gather [hbm4b:s4+s9], $0x8000, s10, s9, $0x38;
	[tilespmem:$0xBE00] =	vst v63  }
0x15: {  	_ = 	snop  }
0x16: {  	[tilespmem:s2], [sflag:$0x3] =	stream.linear.gather [hbm4b:s5+s2], $0x200, $0x38;
	[tilespmem:$0xBE00] =	vst v63  }
0x17: {  	_ =	swait.ge [sflag:s12], $0x200  }
0x18: {  	[sflag:s12] =	ssyncset.done $0x0  }
0x19: {  	[sflag:s12] =	ssyncadd.s32 $0xFFFFFE00  }
0x1a: {  	v3 =	vld [tilespmem:$0x0]  }
0x1b: {  	v5 =	vld [tilespmem:$0x10]  }
0x1c: {  	v34 =	vld [tilespmem:$0x20]  }
0x1d: {  	v35 =	vld [tilespmem:$0x30]  }
0x1e: {  	v36 =	vld [tilespmem:$0x40]  }
0x1f: {  	v37 =	vld [tilespmem:$0x50];
	[tilespmem:$0x200] =	vst v3  }
0x20: {  	v38 =	vld [tilespmem:$0x60];
	[tilespmem:$0x210] =	vst v5  }
0x21: {  	v39 =	vld [tilespmem:$0x70];
	[tilespmem:$0x220] =	vst v34  }
0x22: {  	v40 =	vld [tilespmem:$0x80];
	[tilespmem:$0x230] =	vst v35  }
0x23: {  	v41 =	vld [tilespmem:$0x90];
	[tilespmem:$0x240] =	vst v36  }
0x24: {  	v42 =	vld [tilespmem:$0xA0];
	[tilespmem:$0x250] =	vst v37  }
0x25: {  	v43 =	vld [tilespmem:$0xB0];
	[tilespmem:$0x260] =	vst v38  }
0x26: {  	v44 =	vld [tilespmem:$0xC0];
	[tilespmem:$0x270] =	vst v39  }
0x27: {  	v45 =	vld [tilespmem:$0xD0];
	[tilespmem:$0x280] =	vst v40  }
0x28: {  	v46 =	vld [tilespmem:$0xE0];
	[tilespmem:$0x290] =	vst v41  }
0x29: {  	v47 =	vld [tilespmem:$0xF0];
	[tilespmem:$0x2A0] =	vst v42  }
0x2a: {  	v48 =	vld [tilespmem:$0x100];
	[tilespmem:$0x2B0] =	vst v43  }
0x2b: {  	v49 =	vld [tilespmem:$0x110];
	[tilespmem:$0x2C0] =	vst v44  }
0x2c: {  	v50 =	vld [tilespmem:$0x120];
	[tilespmem:$0x2D0] =	vst v45  }
0x2d: {  	v51 =	vld [tilespmem:$0x130];
	[tilespmem:$0x2E0] =	vst v46  }
0x2e: {  	v52 =	vld [tilespmem:$0x140];
	[tilespmem:$0x2F0] =	vst v47  }
0x2f: {  	v53 =	vld [tilespmem:$0x150];
	[tilespmem:$0x300] =	vst v48  }
0x30: {  	v54 =	vld [tilespmem:$0x160];
	[tilespmem:$0x310] =	vst v49  }
0x31: {  	v55 =	vld [tilespmem:$0x170];
	[tilespmem:$0x320] =	vst v50  }
0x32: {  	v56 =	vld [tilespmem:$0x180];
	[tilespmem:$0x330] =	vst v51  }
0x33: {  	v57 =	vld [tilespmem:$0x190];
	[tilespmem:$0x340] =	vst v52  }
0x34: {  	v58 =	vld [tilespmem:$0x1A0];
	[tilespmem:$0x350] =	vst v53  }
0x35: {  	v59 =	vld [tilespmem:$0x1B0];
	[tilespmem:$0x360] =	vst v54  }
0x36: {  	v60 =	vld [tilespmem:$0x1C0];
	[tilespmem:$0x370] =	vst v55  }
0x37: {  	v61 =	vld [tilespmem:$0x1D0];
	[tilespmem:$0x380] =	vst v56  }
0x38: {  	v62 =	vld [tilespmem:$0x1E0];
	[tilespmem:$0x390] =	vst v57  }
0x39: {  	v63 =	vld [tilespmem:$0x1F0];
	[tilespmem:$0x3A0] =	vst v58  }
0x3a: {  	[tilespmem:$0x3B0] =	vst v59  }
0x3b: {  	[tilespmem:$0x3C0] =	vst v60  }
0x3c: {  	[tilespmem:$0x3D0] =	vst v61  }
0x3d: {  	[tilespmem:$0x3E0] =	vst v62  }
0x3e: {  	v4 =	vadd.s32 $0x186A0, v3;
	[tilespmem:$0x3F0] =	vst v63  }
0x3f: {  	v30 =	vadd.s32 $0x30D40, v3;
	[tilespmem:$0x400] =	vst v4  }
0x40: {  	v31 =	vadd.s32 $0x493E0, v3;
	[tilespmem:$0x600] =	vst v30  }
0x41: {  	v32 =	vadd.s32 $0x61A80, v3;
	[tilespmem:$0x800] =	vst v31  }
0x42: {  	v33 =	vadd.s32 $0x7A120, v3;
	[tilespmem:$0xA00] =	vst v32  }
0x43: {  	v3 =	vadd.s32 $0x927C0, v3;
	[tilespmem:$0xC00] =	vst v33  }
0x44: {  	[tilespmem:$0xE00] =	vst v3;
	v3 =	vadd.s32 $0x186A0, v5  }
0x45: {  	[tilespmem:$0x410] =	vst v3;
	v3 =	vadd.s32 $0x30D40, v5  }
0x46: {  	[tilespmem:$0x610] =	vst v3;
	v3 =	vadd.s32 $0x493E0, v5  }
0x47: {  	[tilespmem:$0x810] =	vst v3;
	v3 =	vadd.s32 $0x61A80, v5  }
0x48: {  	[tilespmem:$0xA10] =	vst v3;
	v3 =	vadd.s32 $0x7A120, v5  }
0x49: {  	[tilespmem:$0xC10] =	vst v3;
	v3 =	vadd.s32 $0x927C0, v5  }
0x4a: {  	[tilespmem:$0xE10] =	vst v3;
	v3 =	vadd.s32 $0x186A0, v34  }
0x4b: {  	[tilespmem:$0x420] =	vst v3;
	v3 =	vadd.s32 $0x30D40, v34  }
0x4c: {  	[tilespmem:$0x620] =	vst v3;
	v3 =	vadd.s32 $0x493E0, v34  }
0x4d: {  	[tilespmem:$0x820] =	vst v3;
	v3 =	vadd.s32 $0x61A80, v34  }
0x4e: {  	[tilespmem:$0xA20] =	vst v3;
	v3 =	vadd.s32 $0x7A120, v34  }
0x4f: {  	[tilespmem:$0xC20] =	vst v3;
	v3 =	vadd.s32 $0x927C0, v34  }
0x50: {  	[tilespmem:$0xE20] =	vst v3;
	v3 =	vadd.s32 $0x186A0, v35  }
0x51: {  	[tilespmem:$0x430] =	vst v3;
	v3 =	vadd.s32 $0x30D40, v35  }
0x52: {  	[tilespmem:$0x630] =	vst v3;
	v3 =	vadd.s32 $0x493E0, v35  }
0x53: {  	[tilespmem:$0x830] =	vst v3;
	v3 =	vadd.s32 $0x61A80, v35  }
0x54: {  	[tilespmem:$0xA30] =	vst v3;
	v3 =	vadd.s32 $0x7A120, v35  }
0x55: {  	[tilespmem:$0xC30] =	vst v3;
	v3 =	vadd.s32 $0x927C0, v35  }
0x56: {  	[tilespmem:$0xE30] =	vst v3;
	v3 =	vadd.s32 $0x186A0, v36  }
0x57: {  	[tilespmem:$0x440] =	vst v3;
	v3 =	vadd.s32 $0x30D40, v36  }
0x58: {  	[tilespmem:$0x640] =	vst v3;
	v3 =	vadd.s32 $0x493E0, v36  }
0x59: {  	[tilespmem:$0x840] =	vst v3;
	v3 =	vadd.s32 $0x61A80, v36  }
0x5a: {  	[tilespmem:$0xA40] =	vst v3;
	v3 =	vadd.s32 $0x7A120, v36  }
0x5b: {  	[tilespmem:$0xC40] =	vst v3;
	v3 =	vadd.s32 $0x927C0, v36  }
0x5c: {  	[tilespmem:$0xE40] =	vst v3;
	v3 =	vadd.s32 $0x186A0, v37  }
0x5d: {  	[tilespmem:$0x450] =	vst v3;
	v3 =	vadd.s32 $0x30D40, v37  }
0x5e: {  	[tilespmem:$0x650] =	vst v3;
	v3 =	vadd.s32 $0x493E0, v37  }
0x5f: {  	[tilespmem:$0x850] =	vst v3;
	v3 =	vadd.s32 $0x61A80, v37  }
0x60: {  	[tilespmem:$0xA50] =	vst v3;
	v3 =	vadd.s32 $0x7A120, v37  }
0x61: {  	[tilespmem:$0xC50] =	vst v3;
	v3 =	vadd.s32 $0x927C0, v37  }
0x62: {  	[tilespmem:$0xE50] =	vst v3;
	v3 =	vadd.s32 $0x186A0, v38  }
0x63: {  	[tilespmem:$0x460] =	vst v3;
	v3 =	vadd.s32 $0x30D40, v38  }
0x64: {  	[tilespmem:$0x660] =	vst v3;
	v3 =	vadd.s32 $0x493E0, v38  }
0x65: {  	[tilespmem:$0x860] =	vst v3;
	v3 =	vadd.s32 $0x61A80, v38  }
0x66: {  	[tilespmem:$0xA60] =	vst v3;
	v3 =	vadd.s32 $0x7A120, v38  }
0x67: {  	[tilespmem:$0xC60] =	vst v3;
	v3 =	vadd.s32 $0x927C0, v38  }
0x68: {  	[tilespmem:$0xE60] =	vst v3;
	v3 =	vadd.s32 $0x186A0, v39  }
0x69: {  	[tilespmem:$0x470] =	vst v3;
	v3 =	vadd.s32 $0x30D40, v39  }
0x6a: {  	[tilespmem:$0x670] =	vst v3;
	v3 =	vadd.s32 $0x493E0, v39  }
0x6b: {  	[tilespmem:$0x870] =	vst v3;
	v3 =	vadd.s32 $0x61A80, v39  }
0x6c: {  	[tilespmem:$0xA70] =	vst v3;
	v3 =	vadd.s32 $0x7A120, v39  }
0x6d: {  	[tilespmem:$0xC70] =	vst v3;
	v3 =	vadd.s32 $0x927C0, v39  }
0x6e: {  	[tilespmem:$0xE70] =	vst v3;
	v3 =	vadd.s32 $0x186A0, v40  }
0x6f: {  	[tilespmem:$0x480] =	vst v3;
	v3 =	vadd.s32 $0x30D40, v40  }
0x70: {  	[tilespmem:$0x680] =	vst v3;
	v3 =	vadd.s32 $0x493E0, v40  }
0x71: {  	[tilespmem:$0x880] =	vst v3;
	v3 =	vadd.s32 $0x61A80, v40  }
0x72: {  	[tilespmem:$0xA80] =	vst v3;
	v3 =	vadd.s32 $0x7A120, v40  }
0x73: {  	[tilespmem:$0xC80] =	vst v3;
	v3 =	vadd.s32 $0x927C0, v40  }
0x74: {  	[tilespmem:$0xE80] =	vst v3;
	v3 =	vadd.s32 $0x186A0, v41  }
0x75: {  	[tilespmem:$0x490] =	vst v3;
	v3 =	vadd.s32 $0x30D40, v41  }
0x76: {  	[tilespmem:$0x690] =	vst v3;
	v3 =	vadd.s32 $0x493E0, v41  }
0x77: {  	[tilespmem:$0x890] =	vst v3;
	v3 =	vadd.s32 $0x61A80, v41  }
0x78: {  	[tilespmem:$0xA90] =	vst v3;
	v3 =	vadd.s32 $0x7A120, v41  }
0x79: {  	[tilespmem:$0xC90] =	vst v3;
	v3 =	vadd.s32 $0x927C0, v41  }
0x7a: {  	[tilespmem:$0xE90] =	vst v3;
	v3 =	vadd.s32 $0x186A0, v42  }
0x7b: {  	[tilespmem:$0x4A0] =	vst v3;
	v3 =	vadd.s32 $0x30D40, v42  }
0x7c: {  	[tilespmem:$0x6A0] =	vst v3;
	v3 =	vadd.s32 $0x493E0, v42  }
0x7d: {  	[tilespmem:$0x8A0] =	vst v3;
	v3 =	vadd.s32 $0x61A80, v42  }
0x7e: {  	[tilespmem:$0xAA0] =	vst v3;
	v3 =	vadd.s32 $0x7A120, v42  }
0x7f: {  	[tilespmem:$0xCA0] =	vst v3;
	v3 =	vadd.s32 $0x927C0, v42  }
0x80: {  	[tilespmem:$0xEA0] =	vst v3;
	v3 =	vadd.s32 $0x186A0, v43  }
0x81: {  	[tilespmem:$0x4B0] =	vst v3;
	v3 =	vadd.s32 $0x30D40, v43  }
0x82: {  	[tilespmem:$0x6B0] =	vst v3;
	v3 =	vadd.s32 $0x493E0, v43  }
0x83: {  	[tilespmem:$0x8B0] =	vst v3;
	v3 =	vadd.s32 $0x61A80, v43  }
0x84: {  	[tilespmem:$0xAB0] =	vst v3;
	v3 =	vadd.s32 $0x7A120, v43  }
0x85: {  	[tilespmem:$0xCB0] =	vst v3;
	v3 =	vadd.s32 $0x927C0, v43  }
0x86: {  	[tilespmem:$0xEB0] =	vst v3;
	v3 =	vadd.s32 $0x186A0, v44  }
0x87: {  	[tilespmem:$0x4C0] =	vst v3;
	v3 =	vadd.s32 $0x30D40, v44  }
0x88: {  	[tilespmem:$0x6C0] =	vst v3;
	v3 =	vadd.s32 $0x493E0, v44  }
0x89: {  	[tilespmem:$0x8C0] =	vst v3;
	v3 =	vadd.s32 $0x61A80, v44  }
0x8a: {  	[tilespmem:$0xAC0] =	vst v3;
	v3 =	vadd.s32 $0x7A120, v44  }
0x8b: {  	[tilespmem:$0xCC0] =	vst v3;
	v3 =	vadd.s32 $0x927C0, v44  }
0x8c: {  	[tilespmem:$0xEC0] =	vst v3;
	v3 =	vadd.s32 $0x186A0, v45  }
0x8d: {  	[tilespmem:$0x4D0] =	vst v3;
	v3 =	vadd.s32 $0x30D40, v45  }
0x8e: {  	[tilespmem:$0x6D0] =	vst v3;
	v3 =	vadd.s32 $0x493E0, v45  }
0x8f: {  	[tilespmem:$0x8D0] =	vst v3;
	v3 =	vadd.s32 $0x61A80, v45  }
0x90: {  	[tilespmem:$0xAD0] =	vst v3;
	v3 =	vadd.s32 $0x7A120, v45  }
0x91: {  	[tilespmem:$0xCD0] =	vst v3;
	v3 =	vadd.s32 $0x927C0, v45  }
0x92: {  	[tilespmem:$0xED0] =	vst v3;
	v3 =	vadd.s32 $0x186A0, v46  }
0x93: {  	[tilespmem:$0x4E0] =	vst v3;
	v3 =	vadd.s32 $0x30D40, v46  }
0x94: {  	[tilespmem:$0x6E0] =	vst v3;
	v3 =	vadd.s32 $0x493E0, v46  }
0x95: {  	[tilespmem:$0x8E0] =	vst v3;
	v3 =	vadd.s32 $0x61A80, v46  }
0x96: {  	[tilespmem:$0xAE0] =	vst v3;
	v3 =	vadd.s32 $0x7A120, v46  }
0x97: {  	[tilespmem:$0xCE0] =	vst v3;
	v3 =	vadd.s32 $0x927C0, v46  }
0x98: {  	[tilespmem:$0xEE0] =	vst v3;
	v3 =	vadd.s32 $0x186A0, v47  }
0x99: {  	[tilespmem:$0x4F0] =	vst v3;
	v3 =	vadd.s32 $0x30D40, v47  }
0x9a: {  	[tilespmem:$0x6F0] =	vst v3;
	v3 =	vadd.s32 $0x493E0, v47  }
0x9b: {  	[tilespmem:$0x8F0] =	vst v3;
	v3 =	vadd.s32 $0x61A80, v47  }
0x9c: {  	[tilespmem:$0xAF0] =	vst v3;
	v3 =	vadd.s32 $0x7A120, v47  }
0x9d: {  	[tilespmem:$0xCF0] =	vst v3;
	v3 =	vadd.s32 $0x927C0, v47  }
0x9e: {  	[tilespmem:$0xEF0] =	vst v3;
	v3 =	vadd.s32 $0x186A0, v48  }
0x9f: {  	[tilespmem:$0x500] =	vst v3;
	v3 =	vadd.s32 $0x30D40, v48  }
0xa0: {  	[tilespmem:$0x700] =	vst v3;
	v3 =	vadd.s32 $0x493E0, v48  }
0xa1: {  	[tilespmem:$0x900] =	vst v3;
	v3 =	vadd.s32 $0x61A80, v48  }
0xa2: {  	[tilespmem:$0xB00] =	vst v3;
	v3 =	vadd.s32 $0x7A120, v48  }
0xa3: {  	[tilespmem:$0xD00] =	vst v3;
	v3 =	vadd.s32 $0x927C0, v48  }
0xa4: {  	[tilespmem:$0xF00] =	vst v3;
	v3 =	vadd.s32 $0x186A0, v49  }
0xa5: {  	[tilespmem:$0x510] =	vst v3;
	v3 =	vadd.s32 $0x30D40, v49  }
0xa6: {  	[tilespmem:$0x710] =	vst v3;
	v3 =	vadd.s32 $0x493E0, v49  }
0xa7: {  	[tilespmem:$0x910] =	vst v3;
	v3 =	vadd.s32 $0x61A80, v49  }
0xa8: {  	[tilespmem:$0xB10] =	vst v3;
	v3 =	vadd.s32 $0x7A120, v49  }
0xa9: {  	[tilespmem:$0xD10] =	vst v3;
	v3 =	vadd.s32 $0x927C0, v49  }
0xaa: {  	[tilespmem:$0xF10] =	vst v3;
	v3 =	vadd.s32 $0x186A0, v50  }
0xab: {  	[tilespmem:$0x520] =	vst v3;
	v3 =	vadd.s32 $0x30D40, v50  }
0xac: {  	[tilespmem:$0x720] =	vst v3;
	v3 =	vadd.s32 $0x493E0, v50  }
0xad: {  	[tilespmem:$0x920] =	vst v3;
	v3 =	vadd.s32 $0x61A80, v50  }
0xae: {  	[tilespmem:$0xB20] =	vst v3;
	v3 =	vadd.s32 $0x7A120, v50  }
0xaf: {  	[tilespmem:$0xD20] =	vst v3;
	v3 =	vadd.s32 $0x927C0, v50  }
0xb0: {  	[tilespmem:$0xF20] =	vst v3;
	v3 =	vadd.s32 $0x186A0, v51  }
0xb1: {  	[tilespmem:$0x530] =	vst v3;
	v3 =	vadd.s32 $0x30D40, v51  }
0xb2: {  	[tilespmem:$0x730] =	vst v3;
	v3 =	vadd.s32 $0x493E0, v51  }
0xb3: {  	[tilespmem:$0x930] =	vst v3;
	v3 =	vadd.s32 $0x61A80, v51  }
0xb4: {  	[tilespmem:$0xB30] =	vst v3;
	v3 =	vadd.s32 $0x7A120, v51  }
0xb5: {  	[tilespmem:$0xD30] =	vst v3;
	v3 =	vadd.s32 $0x927C0, v51  }
0xb6: {  	[tilespmem:$0xF30] =	vst v3;
	v3 =	vadd.s32 $0x186A0, v52  }
0xb7: {  	[tilespmem:$0x540] =	vst v3;
	v3 =	vadd.s32 $0x30D40, v52  }
0xb8: {  	[tilespmem:$0x740] =	vst v3;
	v3 =	vadd.s32 $0x493E0, v52  }
0xb9: {  	[tilespmem:$0x940] =	vst v3;
	v3 =	vadd.s32 $0x61A80, v52  }
0xba: {  	[tilespmem:$0xB40] =	vst v3;
	v3 =	vadd.s32 $0x7A120, v52  }
0xbb: {  	[tilespmem:$0xD40] =	vst v3;
	v3 =	vadd.s32 $0x927C0, v52  }
0xbc: {  	[tilespmem:$0xF40] =	vst v3;
	v3 =	vadd.s32 $0x186A0, v53  }
0xbd: {  	[tilespmem:$0x550] =	vst v3;
	v3 =	vadd.s32 $0x30D40, v53  }
0xbe: {  	[tilespmem:$0x750] =	vst v3;
	v3 =	vadd.s32 $0x493E0, v53  }
0xbf: {  	[tilespmem:$0x950] =	vst v3;
	v3 =	vadd.s32 $0x61A80, v53  }
0xc0: {  	[tilespmem:$0xB50] =	vst v3;
	v3 =	vadd.s32 $0x7A120, v53  }
0xc1: {  	[tilespmem:$0xD50] =	vst v3;
	v3 =	vadd.s32 $0x927C0, v53  }
0xc2: {  	[tilespmem:$0xF50] =	vst v3;
	v3 =	vadd.s32 $0x186A0, v54  }
0xc3: {  	[tilespmem:$0x560] =	vst v3;
	v3 =	vadd.s32 $0x30D40, v54  }
0xc4: {  	[tilespmem:$0x760] =	vst v3;
	v3 =	vadd.s32 $0x493E0, v54  }
0xc5: {  	[tilespmem:$0x960] =	vst v3;
	v3 =	vadd.s32 $0x61A80, v54  }
0xc6: {  	[tilespmem:$0xB60] =	vst v3;
	v3 =	vadd.s32 $0x7A120, v54  }
0xc7: {  	[tilespmem:$0xD60] =	vst v3;
	v3 =	vadd.s32 $0x927C0, v54  }
0xc8: {  	[tilespmem:$0xF60] =	vst v3;
	v3 =	vadd.s32 $0x186A0, v55  }
0xc9: {  	[tilespmem:$0x570] =	vst v3;
	v3 =	vadd.s32 $0x30D40, v55  }
0xca: {  	[tilespmem:$0x770] =	vst v3;
	v3 =	vadd.s32 $0x493E0, v55  }
0xcb: {  	[tilespmem:$0x970] =	vst v3;
	v3 =	vadd.s32 $0x61A80, v55  }
0xcc: {  	[tilespmem:$0xB70] =	vst v3;
	v3 =	vadd.s32 $0x7A120, v55  }
0xcd: {  	[tilespmem:$0xD70] =	vst v3;
	v3 =	vadd.s32 $0x927C0, v55  }
0xce: {  	[tilespmem:$0xF70] =	vst v3;
	v3 =	vadd.s32 $0x186A0, v56  }
0xcf: {  	[tilespmem:$0x580] =	vst v3;
	v3 =	vadd.s32 $0x30D40, v56  }
0xd0: {  	[tilespmem:$0x780] =	vst v3;
	v3 =	vadd.s32 $0x493E0, v56  }
0xd1: {  	[tilespmem:$0x980] =	vst v3;
	v3 =	vadd.s32 $0x61A80, v56  }
0xd2: {  	[tilespmem:$0xB80] =	vst v3;
	v3 =	vadd.s32 $0x7A120, v56  }
0xd3: {  	[tilespmem:$0xD80] =	vst v3;
	v3 =	vadd.s32 $0x927C0, v56  }
0xd4: {  	[tilespmem:$0xF80] =	vst v3;
	v3 =	vadd.s32 $0x186A0, v57  }
0xd5: {  	[tilespmem:$0x590] =	vst v3;
	v3 =	vadd.s32 $0x30D40, v57  }
0xd6: {  	[tilespmem:$0x790] =	vst v3;
	v3 =	vadd.s32 $0x493E0, v57  }
0xd7: {  	[tilespmem:$0x990] =	vst v3;
	v3 =	vadd.s32 $0x61A80, v57  }
0xd8: {  	[tilespmem:$0xB90] =	vst v3;
	v3 =	vadd.s32 $0x7A120, v57  }
0xd9: {  	[tilespmem:$0xD90] =	vst v3;
	v3 =	vadd.s32 $0x927C0, v57  }
0xda: {  	[tilespmem:$0xF90] =	vst v3;
	v3 =	vadd.s32 $0x186A0, v58  }
0xdb: {  	[tilespmem:$0x5A0] =	vst v3;
	v3 =	vadd.s32 $0x30D40, v58  }
0xdc: {  	[tilespmem:$0x7A0] =	vst v3;
	v3 =	vadd.s32 $0x493E0, v58  }
0xdd: {  	[tilespmem:$0x9A0] =	vst v3;
	v3 =	vadd.s32 $0x61A80, v58  }
0xde: {  	[tilespmem:$0xBA0] =	vst v3;
	v3 =	vadd.s32 $0x7A120, v58  }
0xdf: {  	[tilespmem:$0xDA0] =	vst v3;
	v3 =	vadd.s32 $0x927C0, v58  }
0xe0: {  	[tilespmem:$0xFA0] =	vst v3;
	v3 =	vadd.s32 $0x186A0, v59  }
0xe1: {  	[tilespmem:$0x5B0] =	vst v3;
	v3 =	vadd.s32 $0x30D40, v59  }
0xe2: {  	[tilespmem:$0x7B0] =	vst v3;
	v3 =	vadd.s32 $0x493E0, v59  }
0xe3: {  	[tilespmem:$0x9B0] =	vst v3;
	v3 =	vadd.s32 $0x61A80, v59  }
0xe4: {  	[tilespmem:$0xBB0] =	vst v3;
	v3 =	vadd.s32 $0x7A120, v59  }
0xe5: {  	[tilespmem:$0xDB0] =	vst v3;
	v3 =	vadd.s32 $0x927C0, v59  }
0xe6: {  	[tilespmem:$0xFB0] =	vst v3;
	v3 =	vadd.s32 $0x186A0, v60  }
0xe7: {  	[tilespmem:$0x5C0] =	vst v3;
	v3 =	vadd.s32 $0x30D40, v60  }
0xe8: {  	[tilespmem:$0x7C0] =	vst v3;
	v3 =	vadd.s32 $0x493E0, v60  }
0xe9: {  	[tilespmem:$0x9C0] =	vst v3;
	v3 =	vadd.s32 $0x61A80, v60  }
0xea: {  	[tilespmem:$0xBC0] =	vst v3;
	v3 =	vadd.s32 $0x7A120, v60  }
0xeb: {  	[tilespmem:$0xDC0] =	vst v3;
	v3 =	vadd.s32 $0x927C0, v60  }
0xec: {  	[tilespmem:$0xFC0] =	vst v3;
	v3 =	vadd.s32 $0x186A0, v61  }
0xed: {  	[tilespmem:$0x5D0] =	vst v3;
	v3 =	vadd.s32 $0x30D40, v61  }
0xee: {  	[tilespmem:$0x7D0] =	vst v3;
	v3 =	vadd.s32 $0x493E0, v61  }
0xef: {  	[tilespmem:$0x9D0] =	vst v3;
	v3 =	vadd.s32 $0x61A80, v61  }
0xf0: {  	[tilespmem:$0xBD0] =	vst v3;
	v3 =	vadd.s32 $0x7A120, v61  }
0xf1: {  	[tilespmem:$0xDD0] =	vst v3;
	v3 =	vadd.s32 $0x927C0, v61  }
0xf2: {  	[tilespmem:$0xFD0] =	vst v3;
	v3 =	vadd.s32 $0x186A0, v62  }
0xf3: {  	[tilespmem:$0x5E0] =	vst v3;
	v3 =	vadd.s32 $0x30D40, v62  }
0xf4: {  	[tilespmem:$0x7E0] =	vst v3;
	v3 =	vadd.s32 $0x493E0, v62  }
0xf5: {  	[tilespmem:$0x9E0] =	vst v3;
	v3 =	vadd.s32 $0x61A80, v62  }
0xf6: {  	[tilespmem:$0xBE0] =	vst v3;
	v3 =	vadd.s32 $0x7A120, v62  }
0xf7: {  	[tilespmem:$0xDE0] =	vst v3;
	v3 =	vadd.s32 $0x927C0, v62  }
0xf8: {  	[tilespmem:$0xFE0] =	vst v3;
	v3 =	vadd.s32 $0x186A0, v63  }
0xf9: {  	[tilespmem:$0x5F0] =	vst v3;
	v3 =	vadd.s32 $0x30D40, v63  }
0xfa: {  	[tilespmem:$0x7F0] =	vst v3;
	v3 =	vadd.s32 $0x493E0, v63  }
0xfb: {  	[tilespmem:$0x9F0] =	vst v3;
	v3 =	vadd.s32 $0x61A80, v63  }
0xfc: {  	[tilespmem:$0xBF0] =	vst v3;
	v3 =	vadd.s32 $0x7A120, v63  }
0xfd: {  	[tilespmem:$0xDF0] =	vst v3;
	v3 =	vadd.s32 $0x927C0, v63  }
0xfe: {  	s15 =	simm.s32 $0x1000;
	[tilespmem:$0xFF0] =	vst v3  }
0xff: {  	[tilespmem:s15], [sflag:$0x1] =	stream.indirect.gather [hbm4b:s3+s13], $0x1, s9, s13, $0xb8;
	[tilespmem:$0xBE00] =	vst v63  }
0x100: {  	s16 =	simm.s32 $0x400;
	s14 =	simm.s32 $0x1200  }
0x101: {  	[tilespmem:s14], [sflag:$0x1] =	stream.indirect.gather [hbm4b:s3+s13], $0x1, s16, s13, $0xb8;
	[tilespmem:$0xBE00] =	vst v63  }
0x102: {  	s15 =	simm.s32 $0x600;
	s16 =	simm.s32 $0x1400  }
0x103: {  	[tilespmem:s16], [sflag:$0x1] =	stream.indirect.gather [hbm4b:s3+s13], $0x1, s15, s13, $0xb8;
	[tilespmem:$0xBE00] =	vst v63  }
0x104: {  	s10 =	simm.s32 $0x1600;
	s15 =	simm.s32 $0x800  }
0x105: {  	[tilespmem:s10], [sflag:$0x1] =	stream.indirect.gather [hbm4b:s3+s13], $0x1, s15, s13, $0xb8;
	[tilespmem:$0xBE00] =	vst v63  }
0x106: {  	s16 =	simm.s32 $0xA00;
	s15 =	simm.s32 $0x1800  }
0x107: {  	[tilespmem:s15], [sflag:$0x1] =	stream.indirect.gather [hbm4b:s3+s13], $0x1, s16, s13, $0xb8;
	[tilespmem:$0xBE00] =	vst v63  }
0x108: {  	s15 =	simm.s32 $0xC00;
	s16 =	simm.s32 $0x1A00  }
0x109: {  	[tilespmem:s16], [sflag:$0x1] =	stream.indirect.gather [hbm4b:s3+s13], $0x1, s15, s13, $0xb8;
	[tilespmem:$0xBE00] =	vst v63  }
0x10a: {  	s15 =	simm.s32 $0xE00;
	s16 =	simm.s32 $0x1C00  }
0x10b: {  	[tilespmem:s16], [sflag:$0x1] =	stream.indirect.gather [hbm4b:s3+s13], $0x1, s15, s13, $0xb8;
	[tilespmem:$0xBE00] =	vst v63  }
0x10c: {  	s15 =	simm.s32 $0x280;
	s16 =	simm.s32 $0x1080  }
0x10d: {  	[tilespmem:s16], [sflag:$0x1] =	stream.indirect.gather [hbm4b:s3+s13], $0x1, s15, s13, $0xb8;
	[tilespmem:$0xBE00] =	vst v63  }
0x10e: {  	s15 =	simm.s32 $0x480;
	s16 =	simm.s32 $0x1280  }
0x10f: {  	[tilespmem:s16], [sflag:$0x1] =	stream.indirect.gather [hbm4b:s3+s13], $0x1, s15, s13, $0xb8;
	[tilespmem:$0xBE00] =	vst v63  }
0x110: {  	s15 =	simm.s32 $0x680;
	s16 =	simm.s32 $0x1480  }
0x111: {  	[tilespmem:s16], [sflag:$0x1] =	stream.indirect.gather [hbm4b:s3+s13], $0x1, s15, s13, $0xb8;
	[tilespmem:$0xBE00] =	vst v63  }
0x112: {  	s15 =	simm.s32 $0x880;
	s16 =	simm.s32 $0x1680  }
0x113: {  	[tilespmem:s16], [sflag:$0x1] =	stream.indirect.gather [hbm4b:s3+s13], $0x1, s15, s13, $0xb8;
	[tilespmem:$0xBE00] =	vst v63  }
0x114: {  	s15 =	simm.s32 $0xA80;
	s16 =	simm.s32 $0x1880  }
0x115: {  	[tilespmem:s16], [sflag:$0x1] =	stream.indirect.gather [hbm4b:s3+s13], $0x1, s15, s13, $0xb8;
	[tilespmem:$0xBE00] =	vst v63  }
0x116: {  	s15 =	simm.s32 $0xC80;
	s16 =	simm.s32 $0x1A80  }
0x117: {  	[tilespmem:s16], [sflag:$0x1] =	stream.indirect.gather [hbm4b:s3+s13], $0x1, s15, s13, $0xb8;
	[tilespmem:$0xBE00] =	vst v63  }
0x118: {  	s15 =	simm.s32 $0xE80;
	s16 =	simm.s32 $0x1C80  }
0x119: {  	[tilespmem:s16], [sflag:$0x1] =	stream.indirect.gather [hbm4b:s3+s13], $0x1, s15, s13, $0xb8;
	[tilespmem:$0xBE00] =	vst v63  }
0x11a: {  	s15 =	simm.s32 $0x300;
	s16 =	simm.s32 $0x1100  }
0x11b: {  	[tilespmem:s16], [sflag:$0x1] =	stream.indirect.gather [hbm4b:s3+s13], $0x1, s15, s13, $0xb8;
	[tilespmem:$0xBE00] =	vst v63  }
0x11c: {  	s15 =	simm.s32 $0x500;
	s16 =	simm.s32 $0x1300  }
0x11d: {  	[tilespmem:s16], [sflag:$0x1] =	stream.indirect.gather [hbm4b:s3+s13], $0x1, s15, s13, $0xb8;
	[tilespmem:$0xBE00] =	vst v63  }
0x11e: {  	s15 =	simm.s32 $0x700;
	s16 =	simm.s32 $0x1500  }
0x11f: {  	[tilespmem:s16], [sflag:$0x1] =	stream.indirect.gather [hbm4b:s3+s13], $0x1, s15, s13, $0xb8;
	[tilespmem:$0xBE00] =	vst v63  }
0x120: {  	s15 =	simm.s32 $0x900;
	s16 =	simm.s32 $0x1700  }
0x121: {  	[tilespmem:s16], [sflag:$0x1] =	stream.indirect.gather [hbm4b:s3+s13], $0x1, s15, s13, $0xb8;
	[tilespmem:$0xBE00] =	vst v63  }
0x122: {  	s15 =	simm.s32 $0xB00;
	s16 =	simm.s32 $0x1900  }
0x123: {  	[tilespmem:s16], [sflag:$0x1] =	stream.indirect.gather [hbm4b:s3+s13], $0x1, s15, s13, $0xb8;
	[tilespmem:$0xBE00] =	vst v63  }
0x124: {  	s15 =	simm.s32 $0xD00;
	s16 =	simm.s32 $0x1B00  }
0x125: {  	[tilespmem:s16], [sflag:$0x1] =	stream.indirect.gather [hbm4b:s3+s13], $0x1, s15, s13, $0xb8;
	[tilespmem:$0xBE00] =	vst v63  }
0x126: {  	s15 =	simm.s32 $0xF00;
	s16 =	simm.s32 $0x1D00  }
0x127: {  	[tilespmem:s16], [sflag:$0x1] =	stream.indirect.gather [hbm4b:s3+s13], $0x1, s15, s13, $0xb8;
	[tilespmem:$0xBE00] =	vst v63  }
0x128: {  	s15 =	simm.s32 $0x380;
	s16 =	simm.s32 $0x1180  }
0x129: {  	[tilespmem:s16], [sflag:$0x1] =	stream.indirect.gather [hbm4b:s3+s13], $0x1, s15, s13, $0xb8;
	[tilespmem:$0xBE00] =	vst v63  }
0x12a: {  	s16 =	simm.s32 $0x580  }
0x12b: {  	[tilespmem:s17], [sflag:$0x1] =	stream.indirect.gather [hbm4b:s3+s13], $0x1, s16, s13, $0xb8;
	[tilespmem:$0xBE00] =	vst v63  }
0x12c: {  	_ = 	snop  }
0x12d: {  	[tilespmem:s19], [sflag:$0x1] =	stream.indirect.gather [hbm4b:s3+s13], $0x1, s18, s13, $0xb8;
	[tilespmem:$0xBE00] =	vst v63  }
0x12e: {  	_ = 	snop  }
0x12f: {  	[tilespmem:s21], [sflag:$0x1] =	stream.indirect.gather [hbm4b:s3+s13], $0x1, s20, s13, $0xb8;
	[tilespmem:$0xBE00] =	vst v63  }
0x130: {  	_ = 	snop  }
0x131: {  	[tilespmem:s23], [sflag:$0x1] =	stream.indirect.gather [hbm4b:s3+s13], $0x1, s22, s13, $0xb8;
	[tilespmem:$0xBE00] =	vst v63  }
0x132: {  	_ = 	snop  }
0x133: {  	[tilespmem:s25], [sflag:$0x1] =	stream.indirect.gather [hbm4b:s3+s13], $0x1, s24, s13, $0xb8;
	[tilespmem:$0xBE00] =	vst v63  }
0x134: {  	_ = 	snop  }
0x135: {  	[tilespmem:s28], [sflag:$0x1] =	stream.indirect.gather [hbm4b:s3+s13], $0x1, s26, s13, $0xb8;
	[tilespmem:$0xBE00] =	vst v63  }
0x136: {  	_ =	swait.ge [sflag:s29], $0x8000  }
0x137: {  	[sflag:s29] =	ssyncset.done $0x0  }
0x138: {  	[sflag:s29] =	ssyncadd.s32 $0xFFFF8000  }
0x139: {  	_ =	swait.ge [sflag:s30], $0x80  }
0x13a: {  	[sflag:s30] =	ssyncset.done $0x0  }
0x13b: {  	[sflag:s30] =	ssyncadd.s32 $0xFFFFFF80  }
0x13c: {  	_ =	swait.ge [sflag:s30], $0x80  }
0x13d: {  	[sflag:s30] =	ssyncset.done $0x0  }
0x13e: {  	[sflag:s30] =	ssyncadd.s32 $0xFFFFFF80  }
0x13f: {  	_ =	swait.ge [sflag:s30], $0x80  }
0x140: {  	[sflag:s30] =	ssyncset.done $0x0  }
0x141: {  	[sflag:s30] =	ssyncadd.s32 $0xFFFFFF80  }
0x142: {  	_ =	swait.ge [sflag:s30], $0x80  }
0x143: {  	[sflag:s30] =	ssyncset.done $0x0  }
0x144: {  	[sflag:s30] =	ssyncadd.s32 $0xFFFFFF80  }
0x145: {  	_ =	swait.ge [sflag:s30], $0x80  }
0x146: {  	[sflag:s30] =	ssyncset.done $0x0  }
0x147: {  	[sflag:s30] =	ssyncadd.s32 $0xFFFFFF80  }
0x148: {  	_ =	swait.ge [sflag:s30], $0x80  }
0x149: {  	[sflag:s30] =	ssyncset.done $0x0  }
0x14a: {  	[sflag:s30] =	ssyncadd.s32 $0xFFFFFF80  }
0x14b: {  	_ =	swait.ge [sflag:s30], $0x80  }
0x14c: {  	s14 =	simm.s32 $0xA000;
	[sflag:s30] =	ssyncset.done $0x0  }
0x14d: {  	s15 =	simm.s32 $0xB000;
	s16 =	simm.s32 $0x0;
	[sflag:s30] =	ssyncadd.s32 $0xFFFFFF80  }
.LBB2_2:
0x14e: {  	v3 =	vld [tilespmem:s10+$0xFFFFFA00];
	_ =	sdelay $0x4  }
0x14f: {  	v10 =	vor.u32 s16, v0;
	v4 =	vshll.u32 v3, $0x9  }
0x150: {  	v4 =	vadd.s32 v10, v4  }
0x151: {  	v4 =	vor.u32 v1, v4;
	_ =	sdelay $0x4  }
0x152: {  	v11 =	vld.idx.msk [tilespmem:v4+s11+$0x0], $0xffff  }
0x153: {  	v4 =	vld [tilespmem:s10+$0xFFFFFC00];
	_ =	sdelay $0x3  }
0x154: {  	v5 =	vand.u32 $0x7FFFFFFF, v11  }
0x155: {  	v6 =	vshll.u32 v4, $0x9;
	v5 =	vsub.f32 $0.0e+00, v5  }
0x156: {  	v6 =	vadd.s32 v10, v6  }
0x157: {  	v6 =	vor.u32 v1, v6;
	v5 =	vmul.f32 $1.442695020e+00, v5;
	_ =	sdelay $0x1  }
0x158: {  	(erf) = vpow2.f32 v5;
	_ =	sdelay $0x1  }
0x159: {  	v5 =	vld [tilespmem:s10+$0xFFFFFE00]  }
0x15a: {  	v12 =	vld.idx.msk [tilespmem:v6+s11+$0x0], $0xffff;
	_ =	sdelay $0x4  }
0x15b: {  	v8 =	vshll.u32 v5, $0x9;
	v6 =	vand.u32 $0x7FFFFFFF, v12  }
0x15c: {  	v8 =	vadd.s32 v10, v8;
	v6 =	vsub.f32 $0.0e+00, v6;
	v13 =	vpop (erf)  }
0x15d: {  	v8 =	vor.u32 v1, v8;
	v7 =	vmul.f32 $4.106407240e-02, v13  }
0x15e: {  	v6 =	vmul.f32 $1.442695020e+00, v6  }
0x15f: {  	v7 =	vadd.f32 $-1.560269450e-01, v7  }
0x160: {  	(erf) = vpow2.f32 v6;
	v6 =	vld [tilespmem:s10+$0x200]  }
0x161: {  	v53 =	vmul.f32 v7, v13;
	v7 =	vld [tilespmem:s10+$0x0]  }
0x162: {  	v14 =	vld.idx.msk [tilespmem:v8+s11+$0x0], $0xffff;
	_ =	sdelay $0x1  }
0x163: {  	v9 =	vadd.f32 $3.046708700e-01, v53  }
0x164: {  	v57 =	vshll.u32 v6, $0x9  }
0x165: {  	v54 =	vmul.f32 v9, v13;
	v9 =	vadd.s32 v10, v57;
	v55 =	vshll.u32 v7, $0x9  }
0x166: {  	v18 =	vand.u32 $0x7FFFFFFF, v14;
	v20 =	vor.u32 v1, v9;
	v56 =	vadd.s32 v10, v55  }
0x167: {  	v8 =	vld [tilespmem:s10+$0x400];
	v18 =	vsub.f32 $0.0e+00, v18;
	v16 =	vor.u32 v1, v56  }
0x168: {  	v15 =	vadd.f32 $-4.963677530e-01, v54  }
0x169: {  	v9 =	vld [tilespmem:s10+$0x600];
	v18 =	vmul.f32 $1.442695020e+00, v18  }
0x16a: {  	v17 =	vpop (erf);
	v15 =	vmul.f32 v15, v13  }
0x16b: {  	v19 =	vmul.f32 $4.106407240e-02, v17;
	(erf) = vpow2.f32 v18;
	v60 =	vld.idx.msk [tilespmem:v20+s11+$0x0], $0xffff  }
0x16c: {  	v59 =	vshll.u32 v8, $0x9;
	v15 =	vadd.f32 $9.998878830e-01, v15;
	v58 =	vld.idx.msk [tilespmem:v16+s11+$0x0], $0xffff  }
0x16d: {  	v19 =	vadd.f32 $-1.560269450e-01, v19;
	v16 =	vadd.s32 v10, v59  }
0x16e: {  	v61 =	vshll.u32 v9, $0x9;
	v13 =	vmul.f32 v15, v13;
	v16 =	vor.u32 v1, v16  }
0x16f: {  	v11 =	vmax.f32 v11, $0.0e+00;
	v19 =	vmul.f32 v19, v17;
	v10 =	vadd.s32 v10, v61  }
0x170: {  	v10 =	vor.u32 v1, v10;
	v11 =	vadd.f32 v13, v11  }
0x171: {  	v19 =	vadd.f32 $3.046708700e-01, v19;
	v23 =	vand.u32 $0x7FFFFFFF, v60;
	v21 =	vand.u32 $0x7FFFFFFF, v58  }
0x172: {  	v62 =	vshrl.u32 v11, $0x1;
	v63 =	vmul.f32 $5.000000000e-01, v11;
	v21 =	vsub.f32 $0.0e+00, v21  }
0x173: {  	v19 =	vmul.f32 v19, v17;
	v23 =	vsub.f32 $0.0e+00, v23;
	v18 =	vsub.s32 $0x5F3759DF, v62;
	v16 =	vld.idx.msk [tilespmem:v16+s11+$0x0], $0xffff  }
0x174: {  	v24 =	vpop (erf);
	v22 =	vmul.f32 v18, v63;
	v21 =	vmul.f32 $1.442695020e+00, v21  }
0x175: {  	v19 =	vadd.f32 $-4.963677530e-01, v19;
	v10 =	vld.idx.msk [tilespmem:v10+s11+$0x0], $0xffff;
	v26 =	vmul.f32 $1.442695020e+00, v23;
	v27 =	vmul.f32 $4.106407240e-02, v24  }
0x176: {  	v22 =	vmul.f32 v18, v22;
	(erf) = vpow2.f32 v21  }
0x177: {  	v19 =	vmul.f32 v19, v17;
	v29 =	vadd.f32 $-1.560269450e-01, v27  }
0x178: {  	v22 =	vsub.f32 $1.500000000e+00, v22;
	(erf) = vpow2.f32 v26;
	v28 =	vand.u32 $0x7FFFFFFF, v16  }
0x179: {  	v19 =	vadd.f32 $9.998878830e-01, v19;
	v21 =	vsub.f32 $0.0e+00, v28  }
0x17a: {  	v30 =	vand.u32 $0x7FFFFFFF, v10;
	v18 =	vmul.f32 v18, v22;
	v22 =	vmul.f32 v29, v24  }
0x17b: {  	v17 =	vmul.f32 v19, v17;
	v19 =	vsub.f32 $0.0e+00, v30;
	v21 =	vmul.f32 $1.442695020e+00, v21  }
0x17c: {  	v12 =	vmax.f32 v12, $0.0e+00;
	v31 =	vadd.f32 $3.046708700e-01, v22  }
0x17d: {  	v12 =	vadd.f32 v17, v12;
	v19 =	vmul.f32 $1.442695020e+00, v19;
	(erf) = vpow2.f32 v21  }
0x17e: {  	v17 =	vmul.f32 v31, v24  }
0x17f: {  	v32 =	vshrl.u32 v12, $0x1;
	v33 =	vmul.f32 $5.000000000e-01, v12;
	v34 =	vpop (erf);
	(erf) = vpow2.f32 v19  }
0x180: {  	v20 =	vmul.f32 v18, v63;
	v21 =	vsub.s32 $0x5F3759DF, v32;
	v17 =	vadd.f32 $-4.963677530e-01, v17  }
0x181: {  	v35 =	vmul.f32 v21, v33;
	v25 =	vmul.f32 $4.106407240e-02, v34;
	v26 =	vpop (erf)  }
0x182: {  	v17 =	vmul.f32 v17, v24;
	v27 =	vmul.f32 $4.106407240e-02, v26  }
0x183: {  	v14 =	vmax.f32 v14, $0.0e+00;
	v20 =	vmul.f32 v20, v18;
	v25 =	vadd.f32 $-1.560269450e-01, v25  }
0x184: {  	v19 =	vmul.f32 v21, v35;
	v17 =	vadd.f32 $9.998878830e-01, v17;
	v37 =	vadd.f32 $-1.560269450e-01, v27  }
0x185: {  	v13 =	vmax.f32 v60, $0.0e+00;
	v20 =	vsub.f32 $1.500000000e+00, v20;
	v36 =	vmul.f32 v25, v34  }
0x186: {  	v19 =	vsub.f32 $1.500000000e+00, v19;
	v17 =	vmul.f32 v17, v24;
	v38 =	vpop (erf);
	v39 =	vmul.f32 v37, v26  }
0x187: {  	v18 =	vmul.f32 v20, v18;
	v20 =	vadd.f32 $3.046708700e-01, v36;
	v40 =	vmul.f32 $4.106407240e-02, v38  }
0x188: {  	v19 =	vmul.f32 v21, v19;
	v14 =	vadd.f32 v17, v14;
	v21 =	vadd.f32 $3.046708700e-01, v39;
	v41 =	vpop (erf)  }
0x189: {  	v20 =	vmul.f32 v20, v34;
	v42 =	vadd.f32 $-1.560269450e-01, v40;
	v43 =	vmul.f32 $4.106407240e-02, v41  }
0x18a: {  	v15 =	vmax.f32 v58, $0.0e+00;
	v44 =	vshrl.u32 v14, $0x1;
	v21 =	vmul.f32 v21, v26  }
0x18b: {  	v20 =	vadd.f32 $-4.963677530e-01, v20;
	v17 =	vmul.f32 v42, v38;
	v24 =	vadd.f32 $-1.560269450e-01, v43  }
0x18c: {  	v28 =	vmul.f32 $5.000000000e-01, v14;
	v27 =	vsub.s32 $0x5F3759DF, v44;
	v21 =	vadd.f32 $-4.963677530e-01, v21  }
0x18d: {  	v20 =	vmul.f32 v20, v34;
	v17 =	vadd.f32 $3.046708700e-01, v17;
	v24 =	vmul.f32 v24, v41  }
0x18e: {  	v16 =	vmax.f32 v16, $0.0e+00;
	v29 =	vmul.f32 v27, v28;
	v21 =	vmul.f32 v21, v26  }
0x18f: {  	v20 =	vadd.f32 $9.998878830e-01, v20;
	v17 =	vmul.f32 v17, v38;
	v24 =	vadd.f32 $3.046708700e-01, v24  }
0x190: {  	v11 =	vmul.f32 v18, v11;
	v29 =	vmul.f32 v27, v29;
	v21 =	vadd.f32 $9.998878830e-01, v21  }
0x191: {  	v20 =	vmul.f32 v20, v34;
	v17 =	vadd.f32 $-4.963677530e-01, v17;
	v45 =	vmul.f32 v24, v41  }
0x192: {  	v22 =	vmul.f32 v19, v33;
	v46 =	vsub.f32 $1.500000000e+00, v29;
	v47 =	vmul.f32 v21, v26  }
0x193: {  	v15 =	vadd.f32 v20, v15;
	v17 =	vmul.f32 v17, v38;
	v48 =	vadd.f32 $-4.963677530e-01, v45  }
0x194: {  	v22 =	vmul.f32 v22, v19;
	v24 =	vmul.f32 v27, v46;
	v13 =	vadd.f32 v47, v13  }
0x195: {  	v49 =	vshrl.u32 v15, $0x1;
	v17 =	vadd.f32 $9.998878830e-01, v17;
	v21 =	vmul.f32 v48, v41  }
0x196: {  	v28 =	vmul.f32 v24, v28;
	v50 =	vmul.f32 $5.000000000e-01, v15;
	v51 =	vsub.s32 $0x5F3759DF, v49  }
0x197: {  	v30 =	vmul.f32 $5.000000000e-01, v13;
	v17 =	vmul.f32 v17, v38;
	v53 =	vadd.f32 $9.998878830e-01, v21  }
0x198: {  	v52 =	vshrl.u32 v13, $0x1;
	v28 =	vmul.f32 v28, v24;
	v23 =	vmul.f32 v51, v50  }
0x199: {  	v29 =	vsub.s32 $0x5F3759DF, v52;
	v16 =	vadd.f32 v17, v16;
	v56 =	vmul.f32 v53, v41  }
0x19a: {  	v10 =	vmax.f32 v10, $0.0e+00;
	v55 =	vmul.f32 v29, v30;
	v54 =	vmul.f32 v51, v23  }
0x19b: {  	v59 =	vshrl.u32 v16, $0x1;
	v60 =	vmul.f32 $5.000000000e-01, v16;
	v10 =	vadd.f32 v56, v10  }
0x19c: {  	v58 =	vmul.f32 v29, v55;
	v57 =	vsub.f32 $1.500000000e+00, v54;
	v63 =	vsub.s32 $0x5F3759DF, v59  }
0x19d: {  	v32 =	vmul.f32 v63, v60;
	v33 =	vshrl.u32 v10, $0x1;
	v34 =	vmul.f32 $5.000000000e-01, v10  }
0x19e: {  	v62 =	vsub.f32 $1.500000000e+00, v58;
	v61 =	vmul.f32 v51, v57;
	v23 =	vsub.s32 $0x5F3759DF, v33  }
0x19f: {  	v22 =	vsub.f32 $1.500000000e+00, v22;
	v21 =	vmul.f32 v63, v32;
	v35 =	vmul.f32 v23, v34  }
0x1a0: {  	v18 =	vmul.f32 v29, v62;
	v26 =	vmul.f32 v61, v50  }
0x1a1: {  	v19 =	vmul.f32 v22, v19;
	v21 =	vsub.f32 $1.500000000e+00, v21;
	v36 =	vmul.f32 v23, v35  }
0x1a2: {  	v28 =	vsub.f32 $1.500000000e+00, v28;
	v37 =	vmul.f32 v18, v30;
	v26 =	vmul.f32 v26, v61  }
0x1a3: {  	v12 =	vmul.f32 v19, v12;
	v38 =	vmul.f32 v63, v21;
	v39 =	vsub.f32 $1.500000000e+00, v36  }
0x1a4: {  	v40 =	vmul.f32 v28, v24;
	v42 =	vmul.f32 v37, v18;
	v41 =	vsub.f32 $1.500000000e+00, v26  }
0x1a5: {  	v47 =	vadd.f32 v12, v11;
	v43 =	vmul.f32 v38, v60;
	v20 =	vmul.f32 v23, v39  }
0x1a6: {  	v14 =	vmul.f32 v40, v14;
	v44 =	vsub.f32 $1.500000000e+00, v42;
	v17 =	vmul.f32 v41, v61  }
0x1a7: {  	v45 =	vmul.f32 v43, v38;
	v46 =	vmul.f32 v20, v34  }
0x1a8: {  	v51 =	vadd.f32 v14, v47;
	v48 =	vmul.f32 v44, v18  }
0x1a9: {  	v15 =	vmul.f32 v17, v15;
	v49 =	vsub.f32 $1.500000000e+00, v45;
	v50 =	vmul.f32 v46, v20  }
0x1aa: {  	v13 =	vmul.f32 v48, v13  }
0x1ab: {  	v54 =	vadd.f32 v15, v51;
	v52 =	vmul.f32 v49, v38;
	v53 =	vsub.f32 $1.500000000e+00, v50;
	_ =	sdelay $0x1  }
0x1ac: {  	v56 =	vadd.f32 v13, v54;
	v16 =	vmul.f32 v52, v16;
	v55 =	vmul.f32 v53, v20;
	_ =	sdelay $0x1  }
0x1ad: {  	v57 =	vadd.f32 v16, v56;
	v10 =	vmul.f32 v55, v10;
	_ =	sdelay $0x1  }
0x1ae: {  	v17 =	vadd.f32 v10, v57;
	_ =	sdelay $0x1  }
0x1af: {  	(erf) = vrcp.f32 v17;
	_ =	sdelay $0x8  }
0x1b0: {  	v17 =	vpop (erf)  }
0x1b1: {  	v11 =	vmul.f32 v17, v11;
	_ =	sdelay $0x1  }
0x1b2: {  	v12 =	vmul.f32 v17, v12;
	v58 =	vadd.f32 $0.0e+00, v11;
	_ =	sdelay $0x1  }
0x1b3: {  	v14 =	vmul.f32 v17, v14;
	[tilespmem:s14+$0xFFFFFE00] =	vst v11;
	v59 =	vadd.f32 v58, v12  }
0x1b4: {  	[tilespmem:s15+$0xFFFFFE00] =	vst v3  }
0x1b5: {  	v60 =	vmul.f32 v17, v15;
	[tilespmem:s14+$0xFFFFFE80] =	vst v12;
	v3 =	vadd.f32 v59, v14  }
0x1b6: {  	[tilespmem:s15+$0xFFFFFE80] =	vst v4  }
0x1b7: {  	v61 =	vmul.f32 v17, v13;
	[tilespmem:s14+$0xFFFFFF00] =	vst v14;
	v3 =	vadd.f32 v3, v60  }
0x1b8: {  	[tilespmem:s15+$0xFFFFFF00] =	vst v5  }
0x1b9: {  	v62 =	vmul.f32 v17, v16;
	[tilespmem:s14+$0xFFFFFF80] =	vst v60;
	v3 =	vadd.f32 v3, v61  }
0x1ba: {  	[tilespmem:s15+$0xFFFFFF80] =	vst v7  }
0x1bb: {  	v63 =	vmul.f32 v17, v10;
	[tilespmem:s14+$0x0] =	vst v61;
	v3 =	vadd.f32 v3, v62  }
0x1bc: {  	[tilespmem:s15+$0x0] =	vst v6  }
0x1bd: {  	p0 =	sne.s32 s16, $0x70;
	[tilespmem:s14+$0x80] =	vst v62;
	v3 =	vadd.f32 v3, v63  }
.Ltmp0:
0x1be: {  	[tilespmem:s15+$0x80] =	vst v8;
	(pc) =	sbr.rel @p0 .LBB2_2-.Ltmp0, $4  }
0x1bf: {  	[tilespmem:s14+$0x100] =	vst v63;
	v3 =	vmul.f32 $6.666666860e-01, v3  }
0x1c0: {  	[tilespmem:s15+$0x100] =	vst v9  }
0x1c1: {  	s16 =	sadd.s32 $0x10, s16;
	[tilespmem:s14+$0x180] =	vst v3  }
0x1c2: {  	s10 =	sadd.s32 $0x10, s10;
	s14 =	sadd.s32 $0x10, s14;
	[tilespmem:s15+$0x180] =	vst v2;
	s15 =	sadd.s32 $0x10, s15  }
0x1c3: {  	_ =	swait.ge [sflag:s30], $0x80  }
0x1c4: {  	[sflag:s30] =	ssyncset.done $0x0  }
0x1c5: {  	[sflag:s30] =	ssyncadd.s32 $0xFFFFFF80  }
0x1c6: {  	_ =	swait.ge [sflag:s30], $0x80  }
0x1c7: {  	[sflag:s30] =	ssyncset.done $0x0  }
0x1c8: {  	[sflag:s30] =	ssyncadd.s32 $0xFFFFFF80  }
0x1c9: {  	_ =	swait.ge [sflag:s30], $0x80  }
0x1ca: {  	[sflag:s30] =	ssyncset.done $0x0  }
0x1cb: {  	[sflag:s30] =	ssyncadd.s32 $0xFFFFFF80  }
0x1cc: {  	_ =	swait.ge [sflag:s30], $0x80  }
0x1cd: {  	[sflag:s30] =	ssyncset.done $0x0  }
0x1ce: {  	[sflag:s30] =	ssyncadd.s32 $0xFFFFFF80  }
0x1cf: {  	_ =	swait.ge [sflag:s30], $0x80  }
0x1d0: {  	[sflag:s30] =	ssyncset.done $0x0  }
0x1d1: {  	[sflag:s30] =	ssyncadd.s32 $0xFFFFFF80  }
0x1d2: {  	_ =	swait.ge [sflag:s30], $0x80  }
0x1d3: {  	[sflag:s30] =	ssyncset.done $0x0  }
0x1d4: {  	[sflag:s30] =	ssyncadd.s32 $0xFFFFFF80  }
0x1d5: {  	_ =	swait.ge [sflag:s30], $0x80  }
0x1d6: {  	s10 =	simm.s32 $0x0;
	s14 =	simm.s32 $0x1680;
	[sflag:s30] =	ssyncset.done $0x0  }
0x1d7: {  	s15 =	simm.s32 $0xA580;
	s16 =	simm.s32 $0xB580;
	[sflag:s30] =	ssyncadd.s32 $0xFFFFFF80  }
.LBB2_4:
0x1d8: {  	v3 =	vld [tilespmem:s14+$0xFFFFFA00];
	_ =	sdelay $0x3  }
0x1d9: {  	v4 =	vor.u32 $0x80, v0  }
0x1da: {  	v10 =	vor.u32 s10, v4;
	v52 =	vshll.u32 v3, $0x9  }
0x1db: {  	v4 =	vadd.s32 v10, v52  }
0x1dc: {  	v4 =	vor.u32 v1, v4;
	_ =	sdelay $0x4  }
0x1dd: {  	v11 =	vld.idx.msk [tilespmem:v4+s11+$0x0], $0xffff  }
0x1de: {  	v4 =	vld [tilespmem:s14+$0xFFFFFC00];
	_ =	sdelay $0x3  }
0x1df: {  	v5 =	vand.u32 $0x7FFFFFFF, v11  }
0x1e0: {  	v6 =	vshll.u32 v4, $0x9;
	v5 =	vsub.f32 $0.0e+00, v5  }
0x1e1: {  	v6 =	vadd.s32 v10, v6  }
0x1e2: {  	v6 =	vor.u32 v1, v6;
	v5 =	vmul.f32 $1.442695020e+00, v5;
	_ =	sdelay $0x1  }
0x1e3: {  	(erf) = vpow2.f32 v5;
	_ =	sdelay $0x1  }
0x1e4: {  	v5 =	vld [tilespmem:s14+$0xFFFFFE00]  }
0x1e5: {  	v12 =	vld.idx.msk [tilespmem:v6+s11+$0x0], $0xffff;
	_ =	sdelay $0x4  }
0x1e6: {  	v8 =	vshll.u32 v5, $0x9;
	v6 =	vand.u32 $0x7FFFFFFF, v12  }
0x1e7: {  	v8 =	vadd.s32 v10, v8;
	v6 =	vsub.f32 $0.0e+00, v6;
	v13 =	vpop (erf)  }
0x1e8: {  	v8 =	vor.u32 v1, v8;
	v7 =	vmul.f32 $4.106407240e-02, v13  }
0x1e9: {  	v6 =	vmul.f32 $1.442695020e+00, v6  }
0x1ea: {  	v7 =	vadd.f32 $-1.560269450e-01, v7  }
0x1eb: {  	(erf) = vpow2.f32 v6;
	v6 =	vld [tilespmem:s14+$0x200]  }
0x1ec: {  	v53 =	vmul.f32 v7, v13;
	v7 =	vld [tilespmem:s14+$0x0]  }
0x1ed: {  	v14 =	vld.idx.msk [tilespmem:v8+s11+$0x0], $0xffff;
	_ =	sdelay $0x1  }
0x1ee: {  	v9 =	vadd.f32 $3.046708700e-01, v53  }
0x1ef: {  	v57 =	vshll.u32 v6, $0x9  }
0x1f0: {  	v54 =	vmul.f32 v9, v13;
	v9 =	vadd.s32 v10, v57;
	v55 =	vshll.u32 v7, $0x9  }
0x1f1: {  	v18 =	vand.u32 $0x7FFFFFFF, v14;
	v20 =	vor.u32 v1, v9;
	v56 =	vadd.s32 v10, v55  }
0x1f2: {  	v8 =	vld [tilespmem:s14+$0x400];
	v18 =	vsub.f32 $0.0e+00, v18;
	v16 =	vor.u32 v1, v56  }
0x1f3: {  	v15 =	vadd.f32 $-4.963677530e-01, v54  }
0x1f4: {  	v9 =	vld [tilespmem:s14+$0x600];
	v18 =	vmul.f32 $1.442695020e+00, v18  }
0x1f5: {  	v17 =	vpop (erf);
	v15 =	vmul.f32 v15, v13  }
0x1f6: {  	v19 =	vmul.f32 $4.106407240e-02, v17;
	(erf) = vpow2.f32 v18;
	v60 =	vld.idx.msk [tilespmem:v20+s11+$0x0], $0xffff  }
0x1f7: {  	v59 =	vshll.u32 v8, $0x9;
	v15 =	vadd.f32 $9.998878830e-01, v15;
	v58 =	vld.idx.msk [tilespmem:v16+s11+$0x0], $0xffff  }
0x1f8: {  	v19 =	vadd.f32 $-1.560269450e-01, v19;
	v16 =	vadd.s32 v10, v59  }
0x1f9: {  	v61 =	vshll.u32 v9, $0x9;
	v13 =	vmul.f32 v15, v13;
	v16 =	vor.u32 v1, v16  }
0x1fa: {  	v11 =	vmax.f32 v11, $0.0e+00;
	v19 =	vmul.f32 v19, v17;
	v10 =	vadd.s32 v10, v61  }
0x1fb: {  	v10 =	vor.u32 v1, v10;
	v11 =	vadd.f32 v13, v11  }
0x1fc: {  	v19 =	vadd.f32 $3.046708700e-01, v19;
	v23 =	vand.u32 $0x7FFFFFFF, v60;
	v21 =	vand.u32 $0x7FFFFFFF, v58  }
0x1fd: {  	v62 =	vshrl.u32 v11, $0x1;
	v63 =	vmul.f32 $5.000000000e-01, v11;
	v21 =	vsub.f32 $0.0e+00, v21  }
0x1fe: {  	v19 =	vmul.f32 v19, v17;
	v23 =	vsub.f32 $0.0e+00, v23;
	v18 =	vsub.s32 $0x5F3759DF, v62;
	v16 =	vld.idx.msk [tilespmem:v16+s11+$0x0], $0xffff  }
0x1ff: {  	v24 =	vpop (erf);
	v22 =	vmul.f32 v18, v63;
	v21 =	vmul.f32 $1.442695020e+00, v21  }
0x200: {  	v19 =	vadd.f32 $-4.963677530e-01, v19;
	v10 =	vld.idx.msk [tilespmem:v10+s11+$0x0], $0xffff;
	v26 =	vmul.f32 $1.442695020e+00, v23;
	v27 =	vmul.f32 $4.106407240e-02, v24  }
0x201: {  	v22 =	vmul.f32 v18, v22;
	(erf) = vpow2.f32 v21  }
0x202: {  	v19 =	vmul.f32 v19, v17;
	v29 =	vadd.f32 $-1.560269450e-01, v27  }
0x203: {  	v22 =	vsub.f32 $1.500000000e+00, v22;
	(erf) = vpow2.f32 v26;
	v28 =	vand.u32 $0x7FFFFFFF, v16  }
0x204: {  	v19 =	vadd.f32 $9.998878830e-01, v19;
	v21 =	vsub.f32 $0.0e+00, v28  }
0x205: {  	v30 =	vand.u32 $0x7FFFFFFF, v10;
	v18 =	vmul.f32 v18, v22;
	v22 =	vmul.f32 v29, v24  }
0x206: {  	v17 =	vmul.f32 v19, v17;
	v19 =	vsub.f32 $0.0e+00, v30;
	v21 =	vmul.f32 $1.442695020e+00, v21  }
0x207: {  	v12 =	vmax.f32 v12, $0.0e+00;
	v31 =	vadd.f32 $3.046708700e-01, v22  }
0x208: {  	v12 =	vadd.f32 v17, v12;
	v19 =	vmul.f32 $1.442695020e+00, v19;
	(erf) = vpow2.f32 v21  }
0x209: {  	v17 =	vmul.f32 v31, v24  }
0x20a: {  	v32 =	vshrl.u32 v12, $0x1;
	v33 =	vmul.f32 $5.000000000e-01, v12;
	v34 =	vpop (erf);
	(erf) = vpow2.f32 v19  }
0x20b: {  	v20 =	vmul.f32 v18, v63;
	v21 =	vsub.s32 $0x5F3759DF, v32;
	v17 =	vadd.f32 $-4.963677530e-01, v17  }
0x20c: {  	v35 =	vmul.f32 v21, v33;
	v25 =	vmul.f32 $4.106407240e-02, v34;
	v26 =	vpop (erf)  }
0x20d: {  	v17 =	vmul.f32 v17, v24;
	v27 =	vmul.f32 $4.106407240e-02, v26  }
0x20e: {  	v14 =	vmax.f32 v14, $0.0e+00;
	v20 =	vmul.f32 v20, v18;
	v25 =	vadd.f32 $-1.560269450e-01, v25  }
0x20f: {  	v19 =	vmul.f32 v21, v35;
	v17 =	vadd.f32 $9.998878830e-01, v17;
	v37 =	vadd.f32 $-1.560269450e-01, v27  }
0x210: {  	v13 =	vmax.f32 v60, $0.0e+00;
	v20 =	vsub.f32 $1.500000000e+00, v20;
	v36 =	vmul.f32 v25, v34  }
0x211: {  	v19 =	vsub.f32 $1.500000000e+00, v19;
	v17 =	vmul.f32 v17, v24;
	v38 =	vpop (erf);
	v39 =	vmul.f32 v37, v26  }
0x212: {  	v18 =	vmul.f32 v20, v18;
	v20 =	vadd.f32 $3.046708700e-01, v36;
	v40 =	vmul.f32 $4.106407240e-02, v38  }
0x213: {  	v19 =	vmul.f32 v21, v19;
	v14 =	vadd.f32 v17, v14;
	v21 =	vadd.f32 $3.046708700e-01, v39;
	v41 =	vpop (erf)  }
0x214: {  	v20 =	vmul.f32 v20, v34;
	v42 =	vadd.f32 $-1.560269450e-01, v40;
	v43 =	vmul.f32 $4.106407240e-02, v41  }
0x215: {  	v15 =	vmax.f32 v58, $0.0e+00;
	v44 =	vshrl.u32 v14, $0x1;
	v21 =	vmul.f32 v21, v26  }
0x216: {  	v20 =	vadd.f32 $-4.963677530e-01, v20;
	v17 =	vmul.f32 v42, v38;
	v24 =	vadd.f32 $-1.560269450e-01, v43  }
0x217: {  	v28 =	vmul.f32 $5.000000000e-01, v14;
	v27 =	vsub.s32 $0x5F3759DF, v44;
	v21 =	vadd.f32 $-4.963677530e-01, v21  }
0x218: {  	v20 =	vmul.f32 v20, v34;
	v17 =	vadd.f32 $3.046708700e-01, v17;
	v24 =	vmul.f32 v24, v41  }
0x219: {  	v16 =	vmax.f32 v16, $0.0e+00;
	v29 =	vmul.f32 v27, v28;
	v21 =	vmul.f32 v21, v26  }
0x21a: {  	v20 =	vadd.f32 $9.998878830e-01, v20;
	v17 =	vmul.f32 v17, v38;
	v24 =	vadd.f32 $3.046708700e-01, v24  }
0x21b: {  	v11 =	vmul.f32 v18, v11;
	v29 =	vmul.f32 v27, v29;
	v21 =	vadd.f32 $9.998878830e-01, v21  }
0x21c: {  	v20 =	vmul.f32 v20, v34;
	v17 =	vadd.f32 $-4.963677530e-01, v17;
	v45 =	vmul.f32 v24, v41  }
0x21d: {  	v22 =	vmul.f32 v19, v33;
	v46 =	vsub.f32 $1.500000000e+00, v29;
	v47 =	vmul.f32 v21, v26  }
0x21e: {  	v15 =	vadd.f32 v20, v15;
	v17 =	vmul.f32 v17, v38;
	v48 =	vadd.f32 $-4.963677530e-01, v45  }
0x21f: {  	v22 =	vmul.f32 v22, v19;
	v24 =	vmul.f32 v27, v46;
	v13 =	vadd.f32 v47, v13  }
0x220: {  	v49 =	vshrl.u32 v15, $0x1;
	v17 =	vadd.f32 $9.998878830e-01, v17;
	v21 =	vmul.f32 v48, v41  }
0x221: {  	v28 =	vmul.f32 v24, v28;
	v50 =	vmul.f32 $5.000000000e-01, v15;
	v51 =	vsub.s32 $0x5F3759DF, v49  }
0x222: {  	v30 =	vmul.f32 $5.000000000e-01, v13;
	v17 =	vmul.f32 v17, v38;
	v53 =	vadd.f32 $9.998878830e-01, v21  }
0x223: {  	v52 =	vshrl.u32 v13, $0x1;
	v28 =	vmul.f32 v28, v24;
	v23 =	vmul.f32 v51, v50  }
0x224: {  	v29 =	vsub.s32 $0x5F3759DF, v52;
	v16 =	vadd.f32 v17, v16;
	v56 =	vmul.f32 v53, v41  }
0x225: {  	v10 =	vmax.f32 v10, $0.0e+00;
	v55 =	vmul.f32 v29, v30;
	v54 =	vmul.f32 v51, v23  }
0x226: {  	v59 =	vshrl.u32 v16, $0x1;
	v60 =	vmul.f32 $5.000000000e-01, v16;
	v10 =	vadd.f32 v56, v10  }
0x227: {  	v58 =	vmul.f32 v29, v55;
	v57 =	vsub.f32 $1.500000000e+00, v54;
	v63 =	vsub.s32 $0x5F3759DF, v59  }
0x228: {  	v32 =	vmul.f32 v63, v60;
	v33 =	vshrl.u32 v10, $0x1;
	v34 =	vmul.f32 $5.000000000e-01, v10  }
0x229: {  	v62 =	vsub.f32 $1.500000000e+00, v58;
	v61 =	vmul.f32 v51, v57;
	v23 =	vsub.s32 $0x5F3759DF, v33  }
0x22a: {  	v22 =	vsub.f32 $1.500000000e+00, v22;
	v21 =	vmul.f32 v63, v32;
	v35 =	vmul.f32 v23, v34  }
0x22b: {  	v18 =	vmul.f32 v29, v62;
	v26 =	vmul.f32 v61, v50  }
0x22c: {  	v19 =	vmul.f32 v22, v19;
	v21 =	vsub.f32 $1.500000000e+00, v21;
	v36 =	vmul.f32 v23, v35  }
0x22d: {  	v28 =	vsub.f32 $1.500000000e+00, v28;
	v37 =	vmul.f32 v18, v30;
	v26 =	vmul.f32 v26, v61  }
0x22e: {  	v12 =	vmul.f32 v19, v12;
	v38 =	vmul.f32 v63, v21;
	v39 =	vsub.f32 $1.500000000e+00, v36  }
0x22f: {  	v40 =	vmul.f32 v28, v24;
	v42 =	vmul.f32 v37, v18;
	v41 =	vsub.f32 $1.500000000e+00, v26  }
0x230: {  	v47 =	vadd.f32 v12, v11;
	v43 =	vmul.f32 v38, v60;
	v20 =	vmul.f32 v23, v39  }
0x231: {  	v14 =	vmul.f32 v40, v14;
	v44 =	vsub.f32 $1.500000000e+00, v42;
	v17 =	vmul.f32 v41, v61  }
0x232: {  	v45 =	vmul.f32 v43, v38;
	v46 =	vmul.f32 v20, v34  }
0x233: {  	v51 =	vadd.f32 v14, v47;
	v48 =	vmul.f32 v44, v18  }
0x234: {  	v15 =	vmul.f32 v17, v15;
	v49 =	vsub.f32 $1.500000000e+00, v45;
	v50 =	vmul.f32 v46, v20  }
0x235: {  	v13 =	vmul.f32 v48, v13  }
0x236: {  	v54 =	vadd.f32 v15, v51;
	v52 =	vmul.f32 v49, v38;
	v53 =	vsub.f32 $1.500000000e+00, v50;
	_ =	sdelay $0x1  }
0x237: {  	v56 =	vadd.f32 v13, v54;
	v16 =	vmul.f32 v52, v16;
	v55 =	vmul.f32 v53, v20;
	_ =	sdelay $0x1  }
0x238: {  	v57 =	vadd.f32 v16, v56;
	v10 =	vmul.f32 v55, v10;
	_ =	sdelay $0x1  }
0x239: {  	v17 =	vadd.f32 v10, v57;
	_ =	sdelay $0x1  }
0x23a: {  	(erf) = vrcp.f32 v17;
	_ =	sdelay $0x8  }
0x23b: {  	v17 =	vpop (erf)  }
0x23c: {  	v11 =	vmul.f32 v17, v11;
	_ =	sdelay $0x1  }
0x23d: {  	v12 =	vmul.f32 v17, v12;
	v58 =	vadd.f32 $0.0e+00, v11;
	_ =	sdelay $0x1  }
0x23e: {  	v14 =	vmul.f32 v17, v14;
	[tilespmem:s15+$0xFFFFFC80] =	vst v11;
	v59 =	vadd.f32 v58, v12  }
0x23f: {  	[tilespmem:s16+$0xFFFFFC80] =	vst v3  }
0x240: {  	v60 =	vmul.f32 v17, v15;
	[tilespmem:s15+$0xFFFFFD00] =	vst v12;
	v3 =	vadd.f32 v59, v14  }
0x241: {  	[tilespmem:s16+$0xFFFFFD00] =	vst v4  }
0x242: {  	v61 =	vmul.f32 v17, v13;
	[tilespmem:s15+$0xFFFFFD80] =	vst v14;
	v3 =	vadd.f32 v3, v60  }
0x243: {  	[tilespmem:s16+$0xFFFFFD80] =	vst v5  }
0x244: {  	v62 =	vmul.f32 v17, v16;
	[tilespmem:s15+$0xFFFFFE00] =	vst v60;
	v3 =	vadd.f32 v3, v61  }
0x245: {  	[tilespmem:s16+$0xFFFFFE00] =	vst v7  }
0x246: {  	v63 =	vmul.f32 v17, v10;
	[tilespmem:s15+$0xFFFFFE80] =	vst v61;
	v3 =	vadd.f32 v3, v62  }
0x247: {  	[tilespmem:s16+$0xFFFFFE80] =	vst v6  }
0x248: {  	p0 =	sne.s32 s10, $0x70;
	[tilespmem:s15+$0xFFFFFF00] =	vst v62;
	v3 =	vadd.f32 v3, v63  }
.Ltmp1:
0x249: {  	[tilespmem:s16+$0xFFFFFF00] =	vst v8;
	(pc) =	sbr.rel @p0 .LBB2_4-.Ltmp1, $4  }
0x24a: {  	[tilespmem:s15+$0xFFFFFF80] =	vst v63;
	v3 =	vmul.f32 $6.666666860e-01, v3  }
0x24b: {  	[tilespmem:s16+$0xFFFFFF80] =	vst v9  }
0x24c: {  	s10 =	sadd.s32 $0x10, s10;
	[tilespmem:s15+$0x0] =	vst v3  }
0x24d: {  	s14 =	sadd.s32 $0x10, s14;
	s15 =	sadd.s32 $0x10, s15;
	[tilespmem:s16+$0x0] =	vst v2;
	s16 =	sadd.s32 $0x10, s16  }
0x24e: {  	_ =	swait.ge [sflag:s30], $0x80  }
0x24f: {  	[sflag:s30] =	ssyncset.done $0x0  }
0x250: {  	[sflag:s30] =	ssyncadd.s32 $0xFFFFFF80  }
0x251: {  	_ =	swait.ge [sflag:s30], $0x80  }
0x252: {  	[sflag:s30] =	ssyncset.done $0x0  }
0x253: {  	[sflag:s30] =	ssyncadd.s32 $0xFFFFFF80  }
0x254: {  	_ =	swait.ge [sflag:s30], $0x80  }
0x255: {  	[sflag:s30] =	ssyncset.done $0x0  }
0x256: {  	[sflag:s30] =	ssyncadd.s32 $0xFFFFFF80  }
0x257: {  	_ =	swait.ge [sflag:s30], $0x80  }
0x258: {  	[sflag:s30] =	ssyncset.done $0x0  }
0x259: {  	[sflag:s30] =	ssyncadd.s32 $0xFFFFFF80  }
0x25a: {  	_ =	swait.ge [sflag:s30], $0x80  }
0x25b: {  	[sflag:s30] =	ssyncset.done $0x0  }
0x25c: {  	[sflag:s30] =	ssyncadd.s32 $0xFFFFFF80  }
0x25d: {  	_ =	swait.ge [sflag:s30], $0x80  }
0x25e: {  	[sflag:s30] =	ssyncset.done $0x0  }
0x25f: {  	[sflag:s30] =	ssyncadd.s32 $0xFFFFFF80  }
0x260: {  	_ =	swait.ge [sflag:s30], $0x80  }
0x261: {  	s10 =	simm.s32 $0x0;
	s14 =	simm.s32 $0x1700;
	[sflag:s30] =	ssyncset.done $0x0  }
0x262: {  	s15 =	simm.s32 $0xA980;
	s16 =	simm.s32 $0xB980;
	[sflag:s30] =	ssyncadd.s32 $0xFFFFFF80  }
.LBB2_6:
0x263: {  	v3 =	vld [tilespmem:s14+$0xFFFFFA00];
	_ =	sdelay $0x3  }
0x264: {  	v4 =	vor.u32 $0x100, v0  }
0x265: {  	v10 =	vor.u32 s10, v4;
	v52 =	vshll.u32 v3, $0x9  }
0x266: {  	v4 =	vadd.s32 v10, v52  }
0x267: {  	v4 =	vor.u32 v1, v4;
	_ =	sdelay $0x4  }
0x268: {  	v11 =	vld.idx.msk [tilespmem:v4+s11+$0x0], $0xffff  }
0x269: {  	v4 =	vld [tilespmem:s14+$0xFFFFFC00];
	_ =	sdelay $0x3  }
0x26a: {  	v5 =	vand.u32 $0x7FFFFFFF, v11  }
0x26b: {  	v6 =	vshll.u32 v4, $0x9;
	v5 =	vsub.f32 $0.0e+00, v5  }
0x26c: {  	v6 =	vadd.s32 v10, v6  }
0x26d: {  	v6 =	vor.u32 v1, v6;
	v5 =	vmul.f32 $1.442695020e+00, v5;
	_ =	sdelay $0x1  }
0x26e: {  	(erf) = vpow2.f32 v5;
	_ =	sdelay $0x1  }
0x26f: {  	v5 =	vld [tilespmem:s14+$0xFFFFFE00]  }
0x270: {  	v12 =	vld.idx.msk [tilespmem:v6+s11+$0x0], $0xffff;
	_ =	sdelay $0x4  }
0x271: {  	v8 =	vshll.u32 v5, $0x9;
	v6 =	vand.u32 $0x7FFFFFFF, v12  }
0x272: {  	v8 =	vadd.s32 v10, v8;
	v6 =	vsub.f32 $0.0e+00, v6;
	v13 =	vpop (erf)  }
0x273: {  	v8 =	vor.u32 v1, v8;
	v7 =	vmul.f32 $4.106407240e-02, v13  }
0x274: {  	v6 =	vmul.f32 $1.442695020e+00, v6  }
0x275: {  	v7 =	vadd.f32 $-1.560269450e-01, v7  }
0x276: {  	(erf) = vpow2.f32 v6;
	v6 =	vld [tilespmem:s14+$0x200]  }
0x277: {  	v53 =	vmul.f32 v7, v13;
	v7 =	vld [tilespmem:s14+$0x0]  }
0x278: {  	v14 =	vld.idx.msk [tilespmem:v8+s11+$0x0], $0xffff;
	_ =	sdelay $0x1  }
0x279: {  	v9 =	vadd.f32 $3.046708700e-01, v53  }
0x27a: {  	v57 =	vshll.u32 v6, $0x9  }
0x27b: {  	v54 =	vmul.f32 v9, v13;
	v9 =	vadd.s32 v10, v57;
	v55 =	vshll.u32 v7, $0x9  }
0x27c: {  	v18 =	vand.u32 $0x7FFFFFFF, v14;
	v20 =	vor.u32 v1, v9;
	v56 =	vadd.s32 v10, v55  }
0x27d: {  	v8 =	vld [tilespmem:s14+$0x400];
	v18 =	vsub.f32 $0.0e+00, v18;
	v16 =	vor.u32 v1, v56  }
0x27e: {  	v15 =	vadd.f32 $-4.963677530e-01, v54  }
0x27f: {  	v9 =	vld [tilespmem:s14+$0x600];
	v18 =	vmul.f32 $1.442695020e+00, v18  }
0x280: {  	v17 =	vpop (erf);
	v15 =	vmul.f32 v15, v13  }
0x281: {  	v19 =	vmul.f32 $4.106407240e-02, v17;
	(erf) = vpow2.f32 v18;
	v60 =	vld.idx.msk [tilespmem:v20+s11+$0x0], $0xffff  }
0x282: {  	v59 =	vshll.u32 v8, $0x9;
	v15 =	vadd.f32 $9.998878830e-01, v15;
	v58 =	vld.idx.msk [tilespmem:v16+s11+$0x0], $0xffff  }
0x283: {  	v19 =	vadd.f32 $-1.560269450e-01, v19;
	v16 =	vadd.s32 v10, v59  }
0x284: {  	v61 =	vshll.u32 v9, $0x9;
	v13 =	vmul.f32 v15, v13;
	v16 =	vor.u32 v1, v16  }
0x285: {  	v11 =	vmax.f32 v11, $0.0e+00;
	v19 =	vmul.f32 v19, v17;
	v10 =	vadd.s32 v10, v61  }
0x286: {  	v10 =	vor.u32 v1, v10;
	v11 =	vadd.f32 v13, v11  }
0x287: {  	v19 =	vadd.f32 $3.046708700e-01, v19;
	v23 =	vand.u32 $0x7FFFFFFF, v60;
	v21 =	vand.u32 $0x7FFFFFFF, v58  }
0x288: {  	v62 =	vshrl.u32 v11, $0x1;
	v63 =	vmul.f32 $5.000000000e-01, v11;
	v21 =	vsub.f32 $0.0e+00, v21  }
0x289: {  	v19 =	vmul.f32 v19, v17;
	v23 =	vsub.f32 $0.0e+00, v23;
	v18 =	vsub.s32 $0x5F3759DF, v62;
	v16 =	vld.idx.msk [tilespmem:v16+s11+$0x0], $0xffff  }
0x28a: {  	v24 =	vpop (erf);
	v22 =	vmul.f32 v18, v63;
	v21 =	vmul.f32 $1.442695020e+00, v21  }
0x28b: {  	v19 =	vadd.f32 $-4.963677530e-01, v19;
	v10 =	vld.idx.msk [tilespmem:v10+s11+$0x0], $0xffff;
	v26 =	vmul.f32 $1.442695020e+00, v23;
	v27 =	vmul.f32 $4.106407240e-02, v24  }
0x28c: {  	v22 =	vmul.f32 v18, v22;
	(erf) = vpow2.f32 v21  }
0x28d: {  	v19 =	vmul.f32 v19, v17;
	v29 =	vadd.f32 $-1.560269450e-01, v27  }
0x28e: {  	v22 =	vsub.f32 $1.500000000e+00, v22;
	(erf) = vpow2.f32 v26;
	v28 =	vand.u32 $0x7FFFFFFF, v16  }
0x28f: {  	v19 =	vadd.f32 $9.998878830e-01, v19;
	v21 =	vsub.f32 $0.0e+00, v28  }
0x290: {  	v30 =	vand.u32 $0x7FFFFFFF, v10;
	v18 =	vmul.f32 v18, v22;
	v22 =	vmul.f32 v29, v24  }
0x291: {  	v17 =	vmul.f32 v19, v17;
	v19 =	vsub.f32 $0.0e+00, v30;
	v21 =	vmul.f32 $1.442695020e+00, v21  }
0x292: {  	v12 =	vmax.f32 v12, $0.0e+00;
	v31 =	vadd.f32 $3.046708700e-01, v22  }
0x293: {  	v12 =	vadd.f32 v17, v12;
	v19 =	vmul.f32 $1.442695020e+00, v19;
	(erf) = vpow2.f32 v21  }
0x294: {  	v17 =	vmul.f32 v31, v24  }
0x295: {  	v32 =	vshrl.u32 v12, $0x1;
	v33 =	vmul.f32 $5.000000000e-01, v12;
	v34 =	vpop (erf);
	(erf) = vpow2.f32 v19  }
0x296: {  	v20 =	vmul.f32 v18, v63;
	v21 =	vsub.s32 $0x5F3759DF, v32;
	v17 =	vadd.f32 $-4.963677530e-01, v17  }
0x297: {  	v35 =	vmul.f32 v21, v33;
	v25 =	vmul.f32 $4.106407240e-02, v34;
	v26 =	vpop (erf)  }
0x298: {  	v17 =	vmul.f32 v17, v24;
	v27 =	vmul.f32 $4.106407240e-02, v26  }
0x299: {  	v14 =	vmax.f32 v14, $0.0e+00;
	v20 =	vmul.f32 v20, v18;
	v25 =	vadd.f32 $-1.560269450e-01, v25  }
0x29a: {  	v19 =	vmul.f32 v21, v35;
	v17 =	vadd.f32 $9.998878830e-01, v17;
	v37 =	vadd.f32 $-1.560269450e-01, v27  }
0x29b: {  	v13 =	vmax.f32 v60, $0.0e+00;
	v20 =	vsub.f32 $1.500000000e+00, v20;
	v36 =	vmul.f32 v25, v34  }
0x29c: {  	v19 =	vsub.f32 $1.500000000e+00, v19;
	v17 =	vmul.f32 v17, v24;
	v38 =	vpop (erf);
	v39 =	vmul.f32 v37, v26  }
0x29d: {  	v18 =	vmul.f32 v20, v18;
	v20 =	vadd.f32 $3.046708700e-01, v36;
	v40 =	vmul.f32 $4.106407240e-02, v38  }
0x29e: {  	v19 =	vmul.f32 v21, v19;
	v14 =	vadd.f32 v17, v14;
	v21 =	vadd.f32 $3.046708700e-01, v39;
	v41 =	vpop (erf)  }
0x29f: {  	v20 =	vmul.f32 v20, v34;
	v42 =	vadd.f32 $-1.560269450e-01, v40;
	v43 =	vmul.f32 $4.106407240e-02, v41  }
0x2a0: {  	v15 =	vmax.f32 v58, $0.0e+00;
	v44 =	vshrl.u32 v14, $0x1;
	v21 =	vmul.f32 v21, v26  }
0x2a1: {  	v20 =	vadd.f32 $-4.963677530e-01, v20;
	v17 =	vmul.f32 v42, v38;
	v24 =	vadd.f32 $-1.560269450e-01, v43  }
0x2a2: {  	v28 =	vmul.f32 $5.000000000e-01, v14;
	v27 =	vsub.s32 $0x5F3759DF, v44;
	v21 =	vadd.f32 $-4.963677530e-01, v21  }
0x2a3: {  	v20 =	vmul.f32 v20, v34;
	v17 =	vadd.f32 $3.046708700e-01, v17;
	v24 =	vmul.f32 v24, v41  }
0x2a4: {  	v16 =	vmax.f32 v16, $0.0e+00;
	v29 =	vmul.f32 v27, v28;
	v21 =	vmul.f32 v21, v26  }
0x2a5: {  	v20 =	vadd.f32 $9.998878830e-01, v20;
	v17 =	vmul.f32 v17, v38;
	v24 =	vadd.f32 $3.046708700e-01, v24  }
0x2a6: {  	v11 =	vmul.f32 v18, v11;
	v29 =	vmul.f32 v27, v29;
	v21 =	vadd.f32 $9.998878830e-01, v21  }
0x2a7: {  	v20 =	vmul.f32 v20, v34;
	v17 =	vadd.f32 $-4.963677530e-01, v17;
	v45 =	vmul.f32 v24, v41  }
0x2a8: {  	v22 =	vmul.f32 v19, v33;
	v46 =	vsub.f32 $1.500000000e+00, v29;
	v47 =	vmul.f32 v21, v26  }
0x2a9: {  	v15 =	vadd.f32 v20, v15;
	v17 =	vmul.f32 v17, v38;
	v48 =	vadd.f32 $-4.963677530e-01, v45  }
0x2aa: {  	v22 =	vmul.f32 v22, v19;
	v24 =	vmul.f32 v27, v46;
	v13 =	vadd.f32 v47, v13  }
0x2ab: {  	v49 =	vshrl.u32 v15, $0x1;
	v17 =	vadd.f32 $9.998878830e-01, v17;
	v21 =	vmul.f32 v48, v41  }
0x2ac: {  	v28 =	vmul.f32 v24, v28;
	v50 =	vmul.f32 $5.000000000e-01, v15;
	v51 =	vsub.s32 $0x5F3759DF, v49  }
0x2ad: {  	v30 =	vmul.f32 $5.000000000e-01, v13;
	v17 =	vmul.f32 v17, v38;
	v53 =	vadd.f32 $9.998878830e-01, v21  }
0x2ae: {  	v52 =	vshrl.u32 v13, $0x1;
	v28 =	vmul.f32 v28, v24;
	v23 =	vmul.f32 v51, v50  }
0x2af: {  	v29 =	vsub.s32 $0x5F3759DF, v52;
	v16 =	vadd.f32 v17, v16;
	v56 =	vmul.f32 v53, v41  }
0x2b0: {  	v10 =	vmax.f32 v10, $0.0e+00;
	v55 =	vmul.f32 v29, v30;
	v54 =	vmul.f32 v51, v23  }
0x2b1: {  	v59 =	vshrl.u32 v16, $0x1;
	v60 =	vmul.f32 $5.000000000e-01, v16;
	v10 =	vadd.f32 v56, v10  }
0x2b2: {  	v58 =	vmul.f32 v29, v55;
	v57 =	vsub.f32 $1.500000000e+00, v54;
	v63 =	vsub.s32 $0x5F3759DF, v59  }
0x2b3: {  	v32 =	vmul.f32 v63, v60;
	v33 =	vshrl.u32 v10, $0x1;
	v34 =	vmul.f32 $5.000000000e-01, v10  }
0x2b4: {  	v62 =	vsub.f32 $1.500000000e+00, v58;
	v61 =	vmul.f32 v51, v57;
	v23 =	vsub.s32 $0x5F3759DF, v33  }
0x2b5: {  	v22 =	vsub.f32 $1.500000000e+00, v22;
	v21 =	vmul.f32 v63, v32;
	v35 =	vmul.f32 v23, v34  }
0x2b6: {  	v18 =	vmul.f32 v29, v62;
	v26 =	vmul.f32 v61, v50  }
0x2b7: {  	v19 =	vmul.f32 v22, v19;
	v21 =	vsub.f32 $1.500000000e+00, v21;
	v36 =	vmul.f32 v23, v35  }
0x2b8: {  	v28 =	vsub.f32 $1.500000000e+00, v28;
	v37 =	vmul.f32 v18, v30;
	v26 =	vmul.f32 v26, v61  }
0x2b9: {  	v12 =	vmul.f32 v19, v12;
	v38 =	vmul.f32 v63, v21;
	v39 =	vsub.f32 $1.500000000e+00, v36  }
0x2ba: {  	v40 =	vmul.f32 v28, v24;
	v42 =	vmul.f32 v37, v18;
	v41 =	vsub.f32 $1.500000000e+00, v26  }
0x2bb: {  	v47 =	vadd.f32 v12, v11;
	v43 =	vmul.f32 v38, v60;
	v20 =	vmul.f32 v23, v39  }
0x2bc: {  	v14 =	vmul.f32 v40, v14;
	v44 =	vsub.f32 $1.500000000e+00, v42;
	v17 =	vmul.f32 v41, v61  }
0x2bd: {  	v45 =	vmul.f32 v43, v38;
	v46 =	vmul.f32 v20, v34  }
0x2be: {  	v51 =	vadd.f32 v14, v47;
	v48 =	vmul.f32 v44, v18  }
0x2bf: {  	v15 =	vmul.f32 v17, v15;
	v49 =	vsub.f32 $1.500000000e+00, v45;
	v50 =	vmul.f32 v46, v20  }
0x2c0: {  	v13 =	vmul.f32 v48, v13  }
0x2c1: {  	v54 =	vadd.f32 v15, v51;
	v52 =	vmul.f32 v49, v38;
	v53 =	vsub.f32 $1.500000000e+00, v50;
	_ =	sdelay $0x1  }
0x2c2: {  	v56 =	vadd.f32 v13, v54;
	v16 =	vmul.f32 v52, v16;
	v55 =	vmul.f32 v53, v20;
	_ =	sdelay $0x1  }
0x2c3: {  	v57 =	vadd.f32 v16, v56;
	v10 =	vmul.f32 v55, v10;
	_ =	sdelay $0x1  }
0x2c4: {  	v17 =	vadd.f32 v10, v57;
	_ =	sdelay $0x1  }
0x2c5: {  	(erf) = vrcp.f32 v17;
	_ =	sdelay $0x8  }
0x2c6: {  	v17 =	vpop (erf)  }
0x2c7: {  	v11 =	vmul.f32 v17, v11;
	_ =	sdelay $0x1  }
0x2c8: {  	v12 =	vmul.f32 v17, v12;
	v58 =	vadd.f32 $0.0e+00, v11;
	_ =	sdelay $0x1  }
0x2c9: {  	v14 =	vmul.f32 v17, v14;
	[tilespmem:s15+$0xFFFFFC80] =	vst v11;
	v59 =	vadd.f32 v58, v12  }
0x2ca: {  	[tilespmem:s16+$0xFFFFFC80] =	vst v3  }
0x2cb: {  	v60 =	vmul.f32 v17, v15;
	[tilespmem:s15+$0xFFFFFD00] =	vst v12;
	v3 =	vadd.f32 v59, v14  }
0x2cc: {  	[tilespmem:s16+$0xFFFFFD00] =	vst v4  }
0x2cd: {  	v61 =	vmul.f32 v17, v13;
	[tilespmem:s15+$0xFFFFFD80] =	vst v14;
	v3 =	vadd.f32 v3, v60  }
0x2ce: {  	[tilespmem:s16+$0xFFFFFD80] =	vst v5  }
0x2cf: {  	v62 =	vmul.f32 v17, v16;
	[tilespmem:s15+$0xFFFFFE00] =	vst v60;
	v3 =	vadd.f32 v3, v61  }
0x2d0: {  	[tilespmem:s16+$0xFFFFFE00] =	vst v7  }
0x2d1: {  	v63 =	vmul.f32 v17, v10;
	[tilespmem:s15+$0xFFFFFE80] =	vst v61;
	v3 =	vadd.f32 v3, v62  }
0x2d2: {  	[tilespmem:s16+$0xFFFFFE80] =	vst v6  }
0x2d3: {  	p0 =	sne.s32 s10, $0x70;
	[tilespmem:s15+$0xFFFFFF00] =	vst v62;
	v3 =	vadd.f32 v3, v63  }
.Ltmp2:
0x2d4: {  	[tilespmem:s16+$0xFFFFFF00] =	vst v8;
	(pc) =	sbr.rel @p0 .LBB2_6-.Ltmp2, $4  }
0x2d5: {  	[tilespmem:s15+$0xFFFFFF80] =	vst v63;
	v3 =	vmul.f32 $6.666666860e-01, v3  }
0x2d6: {  	[tilespmem:s16+$0xFFFFFF80] =	vst v9  }
0x2d7: {  	s10 =	sadd.s32 $0x10, s10;
	[tilespmem:s15+$0x0] =	vst v3  }
0x2d8: {  	s14 =	sadd.s32 $0x10, s14;
	s15 =	sadd.s32 $0x10, s15;
	[tilespmem:s16+$0x0] =	vst v2;
	s16 =	sadd.s32 $0x10, s16  }
0x2d9: {  	_ =	swait.ge [sflag:s30], $0x80  }
0x2da: {  	[sflag:s30] =	ssyncset.done $0x0  }
0x2db: {  	[sflag:s30] =	ssyncadd.s32 $0xFFFFFF80  }
0x2dc: {  	_ =	swait.ge [sflag:s30], $0x80  }
0x2dd: {  	[sflag:s30] =	ssyncset.done $0x0  }
0x2de: {  	[sflag:s30] =	ssyncadd.s32 $0xFFFFFF80  }
0x2df: {  	_ =	swait.ge [sflag:s30], $0x80  }
0x2e0: {  	[sflag:s30] =	ssyncset.done $0x0  }
0x2e1: {  	[sflag:s30] =	ssyncadd.s32 $0xFFFFFF80  }
0x2e2: {  	_ =	swait.ge [sflag:s30], $0x80  }
0x2e3: {  	[sflag:s30] =	ssyncset.done $0x0  }
0x2e4: {  	[sflag:s30] =	ssyncadd.s32 $0xFFFFFF80  }
0x2e5: {  	_ =	swait.ge [sflag:s30], $0x80  }
0x2e6: {  	[sflag:s30] =	ssyncset.done $0x0  }
0x2e7: {  	[sflag:s30] =	ssyncadd.s32 $0xFFFFFF80  }
0x2e8: {  	_ =	swait.ge [sflag:s30], $0x80  }
0x2e9: {  	[sflag:s30] =	ssyncset.done $0x0  }
0x2ea: {  	[sflag:s30] =	ssyncadd.s32 $0xFFFFFF80  }
0x2eb: {  	_ =	swait.ge [sflag:s30], $0x80  }
0x2ec: {  	s10 =	simm.s32 $0x0;
	s14 =	simm.s32 $0x1780;
	[sflag:s30] =	ssyncset.done $0x0  }
0x2ed: {  	s15 =	simm.s32 $0xAD80;
	s16 =	simm.s32 $0xBD80;
	[sflag:s30] =	ssyncadd.s32 $0xFFFFFF80  }
.LBB2_8:
0x2ee: {  	v3 =	vld [tilespmem:s14+$0xFFFFFA00];
	_ =	sdelay $0x3  }
0x2ef: {  	v4 =	vor.u32 $0x180, v0  }
0x2f0: {  	v10 =	vor.u32 s10, v4;
	v52 =	vshll.u32 v3, $0x9  }
0x2f1: {  	v4 =	vadd.s32 v10, v52  }
0x2f2: {  	v4 =	vor.u32 v1, v4;
	_ =	sdelay $0x4  }
0x2f3: {  	v11 =	vld.idx.msk [tilespmem:v4+s11+$0x0], $0xffff  }
0x2f4: {  	v4 =	vld [tilespmem:s14+$0xFFFFFC00];
	_ =	sdelay $0x3  }
0x2f5: {  	v5 =	vand.u32 $0x7FFFFFFF, v11  }
0x2f6: {  	v6 =	vshll.u32 v4, $0x9;
	v5 =	vsub.f32 $0.0e+00, v5  }
0x2f7: {  	v6 =	vadd.s32 v10, v6  }
0x2f8: {  	v6 =	vor.u32 v1, v6;
	v5 =	vmul.f32 $1.442695020e+00, v5;
	_ =	sdelay $0x1  }
0x2f9: {  	(erf) = vpow2.f32 v5;
	_ =	sdelay $0x1  }
0x2fa: {  	v5 =	vld [tilespmem:s14+$0xFFFFFE00]  }
0x2fb: {  	v12 =	vld.idx.msk [tilespmem:v6+s11+$0x0], $0xffff;
	_ =	sdelay $0x4  }
0x2fc: {  	v8 =	vshll.u32 v5, $0x9;
	v6 =	vand.u32 $0x7FFFFFFF, v12  }
0x2fd: {  	v8 =	vadd.s32 v10, v8;
	v6 =	vsub.f32 $0.0e+00, v6;
	v13 =	vpop (erf)  }
0x2fe: {  	v8 =	vor.u32 v1, v8;
	v7 =	vmul.f32 $4.106407240e-02, v13  }
0x2ff: {  	v6 =	vmul.f32 $1.442695020e+00, v6  }
0x300: {  	v7 =	vadd.f32 $-1.560269450e-01, v7  }
0x301: {  	(erf) = vpow2.f32 v6;
	v6 =	vld [tilespmem:s14+$0x200]  }
0x302: {  	v53 =	vmul.f32 v7, v13;
	v7 =	vld [tilespmem:s14+$0x0]  }
0x303: {  	v14 =	vld.idx.msk [tilespmem:v8+s11+$0x0], $0xffff;
	_ =	sdelay $0x1  }
0x304: {  	v9 =	vadd.f32 $3.046708700e-01, v53  }
0x305: {  	v57 =	vshll.u32 v6, $0x9  }
0x306: {  	v54 =	vmul.f32 v9, v13;
	v9 =	vadd.s32 v10, v57;
	v55 =	vshll.u32 v7, $0x9  }
0x307: {  	v18 =	vand.u32 $0x7FFFFFFF, v14;
	v20 =	vor.u32 v1, v9;
	v56 =	vadd.s32 v10, v55  }
0x308: {  	v8 =	vld [tilespmem:s14+$0x400];
	v18 =	vsub.f32 $0.0e+00, v18;
	v16 =	vor.u32 v1, v56  }
0x309: {  	v15 =	vadd.f32 $-4.963677530e-01, v54  }
0x30a: {  	v9 =	vld [tilespmem:s14+$0x600];
	v18 =	vmul.f32 $1.442695020e+00, v18  }
0x30b: {  	v17 =	vpop (erf);
	v15 =	vmul.f32 v15, v13  }
0x30c: {  	v19 =	vmul.f32 $4.106407240e-02, v17;
	(erf) = vpow2.f32 v18;
	v60 =	vld.idx.msk [tilespmem:v20+s11+$0x0], $0xffff  }
0x30d: {  	v59 =	vshll.u32 v8, $0x9;
	v15 =	vadd.f32 $9.998878830e-01, v15;
	v58 =	vld.idx.msk [tilespmem:v16+s11+$0x0], $0xffff  }
0x30e: {  	v19 =	vadd.f32 $-1.560269450e-01, v19;
	v16 =	vadd.s32 v10, v59  }
0x30f: {  	v61 =	vshll.u32 v9, $0x9;
	v13 =	vmul.f32 v15, v13;
	v16 =	vor.u32 v1, v16  }
0x310: {  	v11 =	vmax.f32 v11, $0.0e+00;
	v19 =	vmul.f32 v19, v17;
	v10 =	vadd.s32 v10, v61  }
0x311: {  	v10 =	vor.u32 v1, v10;
	v11 =	vadd.f32 v13, v11  }
0x312: {  	v19 =	vadd.f32 $3.046708700e-01, v19;
	v23 =	vand.u32 $0x7FFFFFFF, v60;
	v21 =	vand.u32 $0x7FFFFFFF, v58  }
0x313: {  	v62 =	vshrl.u32 v11, $0x1;
	v63 =	vmul.f32 $5.000000000e-01, v11;
	v21 =	vsub.f32 $0.0e+00, v21  }
0x314: {  	v19 =	vmul.f32 v19, v17;
	v23 =	vsub.f32 $0.0e+00, v23;
	v18 =	vsub.s32 $0x5F3759DF, v62;
	v16 =	vld.idx.msk [tilespmem:v16+s11+$0x0], $0xffff  }
0x315: {  	v24 =	vpop (erf);
	v22 =	vmul.f32 v18, v63;
	v21 =	vmul.f32 $1.442695020e+00, v21  }
0x316: {  	v19 =	vadd.f32 $-4.963677530e-01, v19;
	v10 =	vld.idx.msk [tilespmem:v10+s11+$0x0], $0xffff;
	v26 =	vmul.f32 $1.442695020e+00, v23;
	v27 =	vmul.f32 $4.106407240e-02, v24  }
0x317: {  	v22 =	vmul.f32 v18, v22;
	(erf) = vpow2.f32 v21  }
0x318: {  	v19 =	vmul.f32 v19, v17;
	v29 =	vadd.f32 $-1.560269450e-01, v27  }
0x319: {  	v22 =	vsub.f32 $1.500000000e+00, v22;
	(erf) = vpow2.f32 v26;
	v28 =	vand.u32 $0x7FFFFFFF, v16  }
0x31a: {  	v19 =	vadd.f32 $9.998878830e-01, v19;
	v21 =	vsub.f32 $0.0e+00, v28  }
0x31b: {  	v30 =	vand.u32 $0x7FFFFFFF, v10;
	v18 =	vmul.f32 v18, v22;
	v22 =	vmul.f32 v29, v24  }
0x31c: {  	v17 =	vmul.f32 v19, v17;
	v19 =	vsub.f32 $0.0e+00, v30;
	v21 =	vmul.f32 $1.442695020e+00, v21  }
0x31d: {  	v12 =	vmax.f32 v12, $0.0e+00;
	v31 =	vadd.f32 $3.046708700e-01, v22  }
0x31e: {  	v12 =	vadd.f32 v17, v12;
	v19 =	vmul.f32 $1.442695020e+00, v19;
	(erf) = vpow2.f32 v21  }
0x31f: {  	v17 =	vmul.f32 v31, v24  }
0x320: {  	v32 =	vshrl.u32 v12, $0x1;
	v33 =	vmul.f32 $5.000000000e-01, v12;
	v34 =	vpop (erf);
	(erf) = vpow2.f32 v19  }
0x321: {  	v20 =	vmul.f32 v18, v63;
	v21 =	vsub.s32 $0x5F3759DF, v32;
	v17 =	vadd.f32 $-4.963677530e-01, v17  }
0x322: {  	v35 =	vmul.f32 v21, v33;
	v25 =	vmul.f32 $4.106407240e-02, v34;
	v26 =	vpop (erf)  }
0x323: {  	v17 =	vmul.f32 v17, v24;
	v27 =	vmul.f32 $4.106407240e-02, v26  }
0x324: {  	v14 =	vmax.f32 v14, $0.0e+00;
	v20 =	vmul.f32 v20, v18;
	v25 =	vadd.f32 $-1.560269450e-01, v25  }
0x325: {  	v19 =	vmul.f32 v21, v35;
	v17 =	vadd.f32 $9.998878830e-01, v17;
	v37 =	vadd.f32 $-1.560269450e-01, v27  }
0x326: {  	v13 =	vmax.f32 v60, $0.0e+00;
	v20 =	vsub.f32 $1.500000000e+00, v20;
	v36 =	vmul.f32 v25, v34  }
0x327: {  	v19 =	vsub.f32 $1.500000000e+00, v19;
	v17 =	vmul.f32 v17, v24;
	v38 =	vpop (erf);
	v39 =	vmul.f32 v37, v26  }
0x328: {  	v18 =	vmul.f32 v20, v18;
	v20 =	vadd.f32 $3.046708700e-01, v36;
	v40 =	vmul.f32 $4.106407240e-02, v38  }
0x329: {  	v19 =	vmul.f32 v21, v19;
	v14 =	vadd.f32 v17, v14;
	v21 =	vadd.f32 $3.046708700e-01, v39;
	v41 =	vpop (erf)  }
0x32a: {  	v20 =	vmul.f32 v20, v34;
	v42 =	vadd.f32 $-1.560269450e-01, v40;
	v43 =	vmul.f32 $4.106407240e-02, v41  }
0x32b: {  	v15 =	vmax.f32 v58, $0.0e+00;
	v44 =	vshrl.u32 v14, $0x1;
	v21 =	vmul.f32 v21, v26  }
0x32c: {  	v20 =	vadd.f32 $-4.963677530e-01, v20;
	v17 =	vmul.f32 v42, v38;
	v24 =	vadd.f32 $-1.560269450e-01, v43  }
0x32d: {  	v28 =	vmul.f32 $5.000000000e-01, v14;
	v27 =	vsub.s32 $0x5F3759DF, v44;
	v21 =	vadd.f32 $-4.963677530e-01, v21  }
0x32e: {  	v20 =	vmul.f32 v20, v34;
	v17 =	vadd.f32 $3.046708700e-01, v17;
	v24 =	vmul.f32 v24, v41  }
0x32f: {  	v16 =	vmax.f32 v16, $0.0e+00;
	v29 =	vmul.f32 v27, v28;
	v21 =	vmul.f32 v21, v26  }
0x330: {  	v20 =	vadd.f32 $9.998878830e-01, v20;
	v17 =	vmul.f32 v17, v38;
	v24 =	vadd.f32 $3.046708700e-01, v24  }
0x331: {  	v11 =	vmul.f32 v18, v11;
	v29 =	vmul.f32 v27, v29;
	v21 =	vadd.f32 $9.998878830e-01, v21  }
0x332: {  	v20 =	vmul.f32 v20, v34;
	v17 =	vadd.f32 $-4.963677530e-01, v17;
	v45 =	vmul.f32 v24, v41  }
0x333: {  	v22 =	vmul.f32 v19, v33;
	v46 =	vsub.f32 $1.500000000e+00, v29;
	v47 =	vmul.f32 v21, v26  }
0x334: {  	v15 =	vadd.f32 v20, v15;
	v17 =	vmul.f32 v17, v38;
	v48 =	vadd.f32 $-4.963677530e-01, v45  }
0x335: {  	v22 =	vmul.f32 v22, v19;
	v24 =	vmul.f32 v27, v46;
	v13 =	vadd.f32 v47, v13  }
0x336: {  	v49 =	vshrl.u32 v15, $0x1;
	v17 =	vadd.f32 $9.998878830e-01, v17;
	v21 =	vmul.f32 v48, v41  }
0x337: {  	v28 =	vmul.f32 v24, v28;
	v50 =	vmul.f32 $5.000000000e-01, v15;
	v51 =	vsub.s32 $0x5F3759DF, v49  }
0x338: {  	v30 =	vmul.f32 $5.000000000e-01, v13;
	v17 =	vmul.f32 v17, v38;
	v53 =	vadd.f32 $9.998878830e-01, v21  }
0x339: {  	v52 =	vshrl.u32 v13, $0x1;
	v28 =	vmul.f32 v28, v24;
	v23 =	vmul.f32 v51, v50  }
0x33a: {  	v29 =	vsub.s32 $0x5F3759DF, v52;
	v16 =	vadd.f32 v17, v16;
	v56 =	vmul.f32 v53, v41  }
0x33b: {  	v10 =	vmax.f32 v10, $0.0e+00;
	v55 =	vmul.f32 v29, v30;
	v54 =	vmul.f32 v51, v23  }
0x33c: {  	v59 =	vshrl.u32 v16, $0x1;
	v60 =	vmul.f32 $5.000000000e-01, v16;
	v10 =	vadd.f32 v56, v10  }
0x33d: {  	v58 =	vmul.f32 v29, v55;
	v57 =	vsub.f32 $1.500000000e+00, v54;
	v63 =	vsub.s32 $0x5F3759DF, v59  }
0x33e: {  	v32 =	vmul.f32 v63, v60;
	v33 =	vshrl.u32 v10, $0x1;
	v34 =	vmul.f32 $5.000000000e-01, v10  }
0x33f: {  	v62 =	vsub.f32 $1.500000000e+00, v58;
	v61 =	vmul.f32 v51, v57;
	v23 =	vsub.s32 $0x5F3759DF, v33  }
0x340: {  	v22 =	vsub.f32 $1.500000000e+00, v22;
	v21 =	vmul.f32 v63, v32;
	v35 =	vmul.f32 v23, v34  }
0x341: {  	v18 =	vmul.f32 v29, v62;
	v26 =	vmul.f32 v61, v50  }
0x342: {  	v19 =	vmul.f32 v22, v19;
	v21 =	vsub.f32 $1.500000000e+00, v21;
	v36 =	vmul.f32 v23, v35  }
0x343: {  	v28 =	vsub.f32 $1.500000000e+00, v28;
	v37 =	vmul.f32 v18, v30;
	v26 =	vmul.f32 v26, v61  }
0x344: {  	v12 =	vmul.f32 v19, v12;
	v38 =	vmul.f32 v63, v21;
	v39 =	vsub.f32 $1.500000000e+00, v36  }
0x345: {  	v40 =	vmul.f32 v28, v24;
	v42 =	vmul.f32 v37, v18;
	v41 =	vsub.f32 $1.500000000e+00, v26  }
0x346: {  	v47 =	vadd.f32 v12, v11;
	v43 =	vmul.f32 v38, v60;
	v20 =	vmul.f32 v23, v39  }
0x347: {  	v14 =	vmul.f32 v40, v14;
	v44 =	vsub.f32 $1.500000000e+00, v42;
	v17 =	vmul.f32 v41, v61  }
0x348: {  	v45 =	vmul.f32 v43, v38;
	v46 =	vmul.f32 v20, v34  }
0x349: {  	v51 =	vadd.f32 v14, v47;
	v48 =	vmul.f32 v44, v18  }
0x34a: {  	v15 =	vmul.f32 v17, v15;
	v49 =	vsub.f32 $1.500000000e+00, v45;
	v50 =	vmul.f32 v46, v20  }
0x34b: {  	v13 =	vmul.f32 v48, v13  }
0x34c: {  	v54 =	vadd.f32 v15, v51;
	v52 =	vmul.f32 v49, v38;
	v53 =	vsub.f32 $1.500000000e+00, v50;
	_ =	sdelay $0x1  }
0x34d: {  	v56 =	vadd.f32 v13, v54;
	v16 =	vmul.f32 v52, v16;
	v55 =	vmul.f32 v53, v20;
	_ =	sdelay $0x1  }
0x34e: {  	v57 =	vadd.f32 v16, v56;
	v10 =	vmul.f32 v55, v10;
	_ =	sdelay $0x1  }
0x34f: {  	v17 =	vadd.f32 v10, v57;
	_ =	sdelay $0x1  }
0x350: {  	(erf) = vrcp.f32 v17;
	_ =	sdelay $0x8  }
0x351: {  	v17 =	vpop (erf)  }
0x352: {  	v11 =	vmul.f32 v17, v11;
	_ =	sdelay $0x1  }
0x353: {  	v12 =	vmul.f32 v17, v12;
	v58 =	vadd.f32 $0.0e+00, v11;
	_ =	sdelay $0x1  }
0x354: {  	v14 =	vmul.f32 v17, v14;
	[tilespmem:s15+$0xFFFFFC80] =	vst v11;
	v59 =	vadd.f32 v58, v12  }
0x355: {  	[tilespmem:s16+$0xFFFFFC80] =	vst v3  }
0x356: {  	v60 =	vmul.f32 v17, v15;
	[tilespmem:s15+$0xFFFFFD00] =	vst v12;
	v3 =	vadd.f32 v59, v14  }
0x357: {  	[tilespmem:s16+$0xFFFFFD00] =	vst v4  }
0x358: {  	v61 =	vmul.f32 v17, v13;
	[tilespmem:s15+$0xFFFFFD80] =	vst v14;
	v3 =	vadd.f32 v3, v60  }
0x359: {  	[tilespmem:s16+$0xFFFFFD80] =	vst v5  }
0x35a: {  	v62 =	vmul.f32 v17, v16;
	[tilespmem:s15+$0xFFFFFE00] =	vst v60;
	v3 =	vadd.f32 v3, v61  }
0x35b: {  	[tilespmem:s16+$0xFFFFFE00] =	vst v7  }
0x35c: {  	v63 =	vmul.f32 v17, v10;
	[tilespmem:s15+$0xFFFFFE80] =	vst v61;
	v3 =	vadd.f32 v3, v62  }
0x35d: {  	[tilespmem:s16+$0xFFFFFE80] =	vst v6  }
0x35e: {  	p0 =	sne.s32 s10, $0x70;
	[tilespmem:s15+$0xFFFFFF00] =	vst v62;
	v3 =	vadd.f32 v3, v63  }
.Ltmp3:
0x35f: {  	[tilespmem:s16+$0xFFFFFF00] =	vst v8;
	(pc) =	sbr.rel @p0 .LBB2_8-.Ltmp3, $4  }
0x360: {  	[tilespmem:s15+$0xFFFFFF80] =	vst v63;
	v3 =	vmul.f32 $6.666666860e-01, v3  }
0x361: {  	[tilespmem:s16+$0xFFFFFF80] =	vst v9  }
0x362: {  	s10 =	sadd.s32 $0x10, s10;
	[tilespmem:s15+$0x0] =	vst v3  }
0x363: {  	s14 =	sadd.s32 $0x10, s14;
	s15 =	sadd.s32 $0x10, s15;
	[tilespmem:s16+$0x0] =	vst v2;
	s16 =	sadd.s32 $0x10, s16  }
0x364: {  	[hbm4b:s6+s2] =	stream.linear.scatter [tilespmem:s31], [sflag:$0x3], $0x1000, $0x38;
	[tilespmem:$0xBE00] =	vst v63  }
0x365: {  	s1 =	sadd.s32 $0x1, s1;
	_ =	swait.ge [sflag:s12], $0x1000  }
0x366: {  	p0 =	sne.s32 s1, s8;
	[sflag:s12] =	ssyncset.done $0x0  }
.Ltmp4:
0x367: {  	[sflag:s12] =	ssyncadd.s32 $0xFFFFF000;
	(pc) =	sbr.rel @p0 .LBB2_1-.Ltmp4, $4  }
0x368: {  	[hbm4b:s7+s2] =	stream.linear.scatter [tilespmem:s0], [sflag:$0x3], $0x1000, $0x38;
	[tilespmem:$0xBE00] =	vst v63  }
0x369: {  	_ =	swait.ge [sflag:s12], $0x1000  }
0x36a: {  	[sflag:s12] =	ssyncset.done $0x0  }
0x36b: {  	[sflag:s12] =	ssyncadd.s32 $0xFFFFF000  }
0x36c: {  	_ =	sfence.sel $0x180000  }
0x36d: {  	[bflag:$0x0] =	sbarrier.arrive $0xFFFF  }
0x36e: {  	_ =	strace $0x90000047  }
0x36f: {  	s0 =	stileid.u32;
	[bflag:$0x2] =	sbarrier.arrive $0xFFFF  }
0x370: {  	p0 =	sne.s32 s0, $0x0;
	s0 =	rddreg [dreg:$0x5]  }
0x371: {  	s0 =	sadd.s32 @!p0 $0x100000, s0  }
0x372: {  	[sflag:s0] =	ssyncadd.tile.s32 @!p0 $0x1;
	_ =	shalt  }
.Lfunc_end2:
_tile_overlayer_lowered:
.L_overlay_start_2:
0x373: {  	(tag) =	ssettag $0x2  }
0x374: {  	s0 =	rddreg [dreg:$0x0];
	s2 =	stileid.u32  }
0x375: {  	s1 =	rddreg [dreg:$0x1];
	p0 =	sne.s32 s2, $0x0  }
0x376: {  	s3 =	rddreg [dreg:$0x2];
	[bflag:$0x3] =	sbarrier.arrive $0xFFFF;
	s2 =	simm.s32 @!p0 $0x1C03  }
0x377: {  	[timem:s3], [sflag:s2] =	dma.local @!p0 [hbm:s0], s1  }
0x378: {  	s0 =	simm.s32 @!p0 $0x3  }
0x379: {  	_ =	swait.ge @!p0 [sflag:s0], s1  }
0x37a: {  	s1 =	ssub.s32 @!p0 $0x0, s1;
	[sflag:s0] =	ssyncset.done @!p0 $0x0  }
0x37b: {  	[sflag:s0] =	ssyncadd.s32 @!p0 s1  }
0x37c: {  	[bflag:$0x3] =	sbarrier.arrive $0xFFFF  }
0x37d: {  	_ =	shalt  }

</sc_bundles>
